<compile_context>
chip_gen: v7x
topology: tpu7x:2x2x1
jax: 0.10.2.dev20260603
libtpu: 0.0.44.dev20260713+nightly
codegen_flags: <defaults>
</compile_context>

<pallas_src>
import functools

import jax
import jax.numpy as jnp
from jax import lax
from jax.experimental import pallas as pl
from jax.experimental.pallas import tpu as pltpu
from jax.experimental.pallas import tpu_sc as plsc

N = 10000
E = 320000
D_H = 128
D_OUT = 16

NC = 2
NS = 16
NW = NC * NS
CHUNK = 128
NCHUNK = 80
IDXBUF = 8
NGROUP = NCHUNK // IDXBUF
E_PAD = NW * NCHUNK * CHUNK
N_PAD = 10240
ROWS = N_PAD // NS
DEG_W = 16
BR = 400


@functools.lru_cache(None)
def _seg_sum_kernel():
    mesh = plsc.VectorSubcoreMesh(core_axis_name="c", subcore_axis_name="s")

    def body(h_hbm, src_hbm, dst_hbm, zeros_hbm, agg_hbm,
             srcv, dstv, bufa, bufb, acc, sema, semb):
        c = lax.axis_index("c")
        hc_hbm = h_hbm.at[c]
        s = lax.axis_index("s")
        wid = s * NC + c
        r0 = s * ROWS
        pltpu.sync_copy(zeros_hbm.at[pl.ds(0, CHUNK)], bufa)
        for r in range(ROWS // CHUNK):
            pltpu.sync_copy(bufa, acc.at[pl.ds(r0 + r * CHUNK, CHUNK)])
        plsc.subcore_barrier()

        bufs = (bufa, bufb)
        sems = (sema, semb)

        @pl.loop(0, NGROUP)
        def _(g):
            g0 = pl.multiple_of(g * IDXBUF, IDXBUF)
            pltpu.sync_copy(src_hbm.at[wid, pl.ds(g0, IDXBUF)], srcv)
            pltpu.sync_copy(dst_hbm.at[wid, pl.ds(g0, IDXBUF)], dstv)
            cps = [pltpu.async_copy(hc_hbm.at[srcv.at[0]], bufs[0], sems[0])]
            for jj in range(IDXBUF):
                if jj + 1 < IDXBUF:
                    cps.append(pltpu.async_copy(
                        hc_hbm.at[srcv.at[jj + 1]],
                        bufs[(jj + 1) % 2], sems[(jj + 1) % 2]))
                cps[jj].wait()
                pltpu.sync_copy(bufs[jj % 2], acc.at[dstv.at[jj]], add=True)

        plsc.subcore_barrier()
        for r in range(ROWS // CHUNK):
            rr = r0 + r * CHUNK
            pltpu.sync_copy(acc.at[pl.ds(rr, CHUNK)], bufa)
            pltpu.sync_copy(bufa, agg_hbm.at[c, pl.ds(rr, CHUNK)])

    return pl.kernel(
        body, mesh=mesh,
        out_type=jax.ShapeDtypeStruct((NC, N_PAD, D_H), jnp.float32),
        scratch_types=[
            pltpu.VMEM((IDXBUF, CHUNK), jnp.int32),
            pltpu.VMEM((IDXBUF, CHUNK), jnp.int32),
            pltpu.VMEM((CHUNK, D_H), jnp.float32),
            pltpu.VMEM((CHUNK, D_H), jnp.float32),
            pltpu.VMEM_SHARED((N_PAD, D_H), jnp.float32),
            pltpu.SemaphoreType.DMA,
            pltpu.SemaphoreType.DMA,
        ])


@functools.lru_cache(None)
def _deg_kernel():
    mesh = plsc.VectorSubcoreMesh(core_axis_name="c", subcore_axis_name="s")

    def body(dst_hbm, zeros_hbm, ones_hbm, deg_hbm, dstv, buf, onesv, acc):
        c = lax.axis_index("c")
        s = lax.axis_index("s")
        wid = s * NC + c
        r0 = s * ROWS
        pltpu.sync_copy(zeros_hbm.at[pl.ds(0, CHUNK)], buf)
        for r in range(ROWS // CHUNK):
            pltpu.sync_copy(buf, acc.at[pl.ds(r0 + r * CHUNK, CHUNK)])
        pltpu.sync_copy(ones_hbm, onesv)
        plsc.subcore_barrier()

        for g in range(NGROUP):
            pltpu.sync_copy(dst_hbm.at[wid, pl.ds(g * IDXBUF, IDXBUF)], dstv)

            @pl.loop(0, IDXBUF)
            def _(j):
                pltpu.sync_copy(onesv, acc.at[dstv.at[j]], add=True)

        plsc.subcore_barrier()
        for r in range(ROWS // CHUNK):
            rr = r0 + r * CHUNK
            pltpu.sync_copy(acc.at[pl.ds(rr, CHUNK)], buf)
            pltpu.sync_copy(buf, deg_hbm.at[c, pl.ds(rr, CHUNK)])

    return pl.kernel(
        body, mesh=mesh,
        out_type=jax.ShapeDtypeStruct((NC, N_PAD, D_H), jnp.float32),
        scratch_types=[
            pltpu.VMEM((IDXBUF, CHUNK), jnp.int32),
            pltpu.VMEM((CHUNK, D_H), jnp.float32),
            pltpu.VMEM((CHUNK, D_H), jnp.float32),
            pltpu.VMEM_SHARED((N_PAD, D_H), jnp.float32),
        ])


def _mean(agg_blk, deg_blk):
    deg = deg_blk[0, :, 0:1] + deg_blk[1, :, 0:1]
    inv = 1.0 / jnp.maximum(deg, 1.0)
    return (agg_blk[0] + agg_blk[1]) * inv


def _layer_tc(h, agg, deg, Wself, Wneigh, b, Wnext=None):
    dn = 0 if Wnext is None else Wnext.shape[1]

    def kfn(h_ref, agg_ref, deg_ref, ws_ref, wn_ref, b_ref, *rest):
        if Wnext is None:
            o_ref, = rest
        else:
            wn2_ref, o_ref, o2_ref = rest
        mean = _mean(agg_ref[...], deg_ref[...])
        acc = jnp.dot(h_ref[...], ws_ref[...],
                      preferred_element_type=jnp.float32)
        acc = acc + jnp.dot(mean, wn_ref[...],
                            preferred_element_type=jnp.float32)
        hn = jnp.maximum(acc + b_ref[...], 0.0)
        o_ref[...] = hn
        if Wnext is not None:
            o2_ref[...] = jnp.dot(hn, wn2_ref[...],
                                  preferred_element_type=jnp.float32)

    in_specs = [
        pl.BlockSpec((BR, D_H), lambda i: (i, 0)),
        pl.BlockSpec((NC, BR, D_H), lambda i: (0, i, 0)),
        pl.BlockSpec((NC, BR, D_H), lambda i: (0, i, 0)),
        pl.BlockSpec((D_H, D_H), lambda i: (0, 0)),
        pl.BlockSpec((D_H, D_H), lambda i: (0, 0)),
        pl.BlockSpec((1, D_H), lambda i: (0, 0)),
    ]
    out_specs = [pl.BlockSpec((BR, D_H), lambda i: (i, 0))]
    out_shape = [jax.ShapeDtypeStruct((N, D_H), jnp.float32)]
    args = [h, agg, deg, Wself, Wneigh, b.reshape(1, D_H)]
    if Wnext is not None:
        in_specs.append(pl.BlockSpec((D_H, dn), lambda i: (0, 0)))
        out_specs.append(pl.BlockSpec((BR, dn), lambda i: (i, 0)))
        out_shape.append(jax.ShapeDtypeStruct((N, dn), jnp.float32))
        args.append(Wnext)
    res = pl.pallas_call(
        kfn, grid=(N // BR,), in_specs=in_specs, out_specs=out_specs,
        out_shape=out_shape)(*args)
    return res[0] if Wnext is None else (res[0], res[1])


def _final_tc(h, agg, deg, Wself, Wneigh, b):
    def kfn(h_ref, agg_ref, deg_ref, ws_ref, wn_ref, b_ref, o_ref):
        mean = _mean(agg_ref[...], deg_ref[...])
        o_ref[...] = jnp.dot(h_ref[...], ws_ref[...],
                             preferred_element_type=jnp.float32) \
            + jnp.dot(mean, wn_ref[...],
                      preferred_element_type=jnp.float32) \
            + b_ref[...]

    return pl.pallas_call(
        kfn, grid=(N // BR,),
        in_specs=[
            pl.BlockSpec((BR, D_H), lambda i: (i, 0)),
            pl.BlockSpec((NC, BR, D_H), lambda i: (0, i, 0)),
            pl.BlockSpec((NC, BR, D_H), lambda i: (0, i, 0)),
            pl.BlockSpec((D_H, D_OUT), lambda i: (0, 0)),
            pl.BlockSpec((D_H, D_OUT), lambda i: (0, 0)),
            pl.BlockSpec((1, D_OUT), lambda i: (0, 0)),
        ],
        out_specs=pl.BlockSpec((BR, D_OUT), lambda i: (i, 0)),
        out_shape=jax.ShapeDtypeStruct((N, D_OUT), jnp.float32),
    )(h, agg, deg, Wself, Wneigh, b.reshape(1, D_OUT))


def kernel(x, edge_index, Wself0, Wneigh0, b0, Wself1, Wneigh1, b1,
           Wself2, Wneigh2, b2):
    src = edge_index[0]
    dst = edge_index[1]
    pad = E_PAD - E
    src3 = jnp.concatenate(
        [src, jnp.zeros((pad,), jnp.int32)]).reshape(NW, NCHUNK, CHUNK)
    dst3 = jnp.concatenate(
        [dst, jnp.full((pad,), N, jnp.int32)]).reshape(NW, NCHUNK, CHUNK)
    zeros128 = jnp.zeros((N_PAD, D_H), jnp.float32)
    ones128 = jnp.ones((CHUNK, D_H), jnp.float32)

    deg = _deg_kernel()(dst3, zeros128, ones128)
    agg0 = _seg_sum_kernel()(jnp.stack([x, x]), src3, dst3, zeros128)
    h1 = _layer_tc(x, agg0, deg, Wself0, Wneigh0, b0)
    agg1 = _seg_sum_kernel()(jnp.stack([h1, h1]), src3, dst3, zeros128)
    h2 = _layer_tc(h1, agg1, deg, Wself1, Wneigh1, b1)
    agg2 = _seg_sum_kernel()(jnp.stack([h2, h2]), src3, dst3, zeros128)
    return _final_tc(h2, agg2, deg, Wself2, Wneigh2, b2)

# --- scband reference (transcript-rebuilt; emitter-appended) ---
"""Pipeline reference for scband-graph-sage-32341103739246 (READ-ONLY COPY).

The authoritative reference and input builder live on the scoring server;
editing this copy changes nothing except your own understanding.
"""

import jax, jax.numpy as jnp
import numpy as np

N = 10000
E = 320000
D_IN = 128
D_H = 128
D_OUT = 16


def _sage_layer(h, src, dst, Wself, Wneigh, b):
    # DGL SAGEConv with 'mean' aggregator: out = fc_self(h) + fc_neigh(mean_{u in N(v)} h_u) + b
    msgs = h[src]  # gather along edges
    agg = jax.ops.segment_sum(msgs, dst, num_segments=N)
    deg = jax.ops.segment_sum(jnp.ones((src.shape[0],), h.dtype), dst, num_segments=N)
    mean_neigh = agg / jnp.maximum(deg, 1.0)[:, None]
    return h @ Wself + mean_neigh @ Wneigh + b


def setup_inputs(seed: int = 0) -> dict:
    key = jax.random.key(seed)
    ks = jax.random.split(key, 12)
    x = jax.random.normal(ks[0], (N, D_IN), dtype=jnp.float32)
    edge_index = jax.random.randint(ks[1], (2, E), 0, N, dtype=jnp.int32)
    dims = [(D_IN, D_H), (D_H, D_H), (D_H, D_OUT)]
    inp = {"x": x, "edge_index": edge_index}
    for l, (din, dout) in enumerate(dims):
        inp[f"Wself{l}"] = jax.random.normal(ks[2 + 3 * l], (din, dout), dtype=jnp.float32) * (1.0 / np.sqrt(din))
        inp[f"Wneigh{l}"] = jax.random.normal(ks[3 + 3 * l], (din, dout), dtype=jnp.float32) * (1.0 / np.sqrt(din))
        inp[f"b{l}"] = jnp.zeros((dout,), dtype=jnp.float32)
    return inp


def reference(x, edge_index, Wself0, Wneigh0, b0, Wself1, Wneigh1, b1, Wself2, Wneigh2, b2):
    src = edge_index[0]
    dst = edge_index[1]
    # dropout p=0.0 -> identity (eval-equivalent)
    h = x
    h = _sage_layer(h, src, dst, Wself0, Wneigh0, b0)
    h = jax.nn.relu(h)
    h = _sage_layer(h, src, dst, Wself1, Wneigh1, b1)
    h = jax.nn.relu(h)
    h = _sage_layer(h, src, dst, Wself2, Wneigh2, b2)
    return h

if __name__ == "__main__":
    import jax
    _d = setup_inputs()
    print(jax.jit(kernel)(*tuple(_d.values())))

</pallas_src>

<mosaic_0001>
#map = affine_map<(d0, d1) -> (0, 0, 0)>
#map1 = affine_map<(d0, d1) -> (0, 0)>
module attributes {stable_mosaic.version = 14 : i64} {
  func.func @body(%arg0: i32, %arg1: i32, %arg2: memref<2x10000x128xf32, #tpu.memory_space<hbm>>, %arg3: memref<32x80x128xi32, #tpu.memory_space<hbm>>, %arg4: memref<32x80x128xi32, #tpu.memory_space<hbm>>, %arg5: memref<10240x128xf32, #tpu.memory_space<hbm>>, %arg6: memref<2x10240x128xf32, #tpu.memory_space<hbm>>, %arg7: memref<8x128xi32, #tpu.memory_space<vmem>>, %arg8: memref<8x128xi32, #tpu.memory_space<vmem>>, %arg9: memref<128x128xf32, #tpu.memory_space<vmem>>, %arg10: memref<128x128xf32, #tpu.memory_space<vmem>>, %arg11: memref<10240x128xf32, #tpu.memory_space<vmem_shared>>, %arg12: memref<!tpu.dma_semaphore, #tpu.memory_space<semaphore_mem>>, %arg13: memref<!tpu.dma_semaphore, #tpu.memory_space<semaphore_mem>>) attributes {dimension_semantics = [#tpu.dimension_semantics<core_parallel>, #tpu.dimension_semantics<subcore_parallel>], iteration_bounds = array<i64: 2, 16>, scalar_prefetch = 0 : i64, scratch_operands = 7 : i64, tpu.core_type = #tpu.core_type<sc_vector_subcore>, window_params = [{transform_indices = #map}, {transform_indices = #map}, {transform_indices = #map}, {transform_indices = #map1}, {transform_indices = #map}]} {
    %mul3A = arith.constant 2 : i32
    %mul3A_0 = arith.muli %arg1, %mul3A : i32
    %add3A = arith.addi %mul3A_0, %arg0 : i32
    %mul3A_1 = arith.constant 640 : i32
    %mul3A_2 = arith.muli %arg1, %mul3A_1 : i32
    "tpu.region"() ({
      %run_scoped3A = tpu.sem_alloc : memref<!tpu.dma_semaphore, #tpu.memory_space<semaphore_mem>>
      %dma_start3A = arith.constant 0 : i32
      %dma_start3A_28 = arith.constant 0 : i32
      %dma_start3A_29 = tpu.memref_slice %arg5[%dma_start3A, %dma_start3A_28] : memref<10240x128xf32, #tpu.memory_space<hbm>> -> memref<128x128xf32, #tpu.memory_space<hbm>>
      %dma_start3A_30 = arith.constant 0 : i32
      %dma_start3A_31 = arith.constant 0 : i32
      %dma_start3A_32 = tpu.memref_slice %arg5[%dma_start3A_30, %dma_start3A_31] : memref<10240x128xf32, #tpu.memory_space<hbm>> -> memref<128x128xf32, #tpu.memory_space<hbm>>
      tpu.enqueue_dma source(%dma_start3A_32 : memref<128x128xf32, #tpu.memory_space<hbm>>) target(%arg9 : memref<128x128xf32, #tpu.memory_space<vmem>>) target_semaphore(%run_scoped3A : memref<!tpu.dma_semaphore, #tpu.memory_space<semaphore_mem>>)
      %dma_wait3A = arith.constant 0 : i32
      %dma_wait3A_33 = arith.constant 0 : i32
      %dma_wait3A_34 = tpu.memref_slice %arg5[%dma_wait3A, %dma_wait3A_33] : memref<10240x128xf32, #tpu.memory_space<hbm>> -> memref<128x128xf32, #tpu.memory_space<hbm>>
      %dma_wait3A_35 = arith.constant 0 : i32
      %dma_wait3A_36 = arith.constant 0 : i32
      %dma_wait3A_37 = tpu.memref_slice %arg5[%dma_wait3A_35, %dma_wait3A_36] : memref<10240x128xf32, #tpu.memory_space<hbm>> -> memref<128x128xf32, #tpu.memory_space<hbm>>
      tpu.wait_dma2 semaphore(%run_scoped3A : memref<!tpu.dma_semaphore, #tpu.memory_space<semaphore_mem>>) src(%dma_wait3A_37 : memref<128x128xf32, #tpu.memory_space<hbm>>) dst(%arg9 : memref<128x128xf32, #tpu.memory_space<vmem>>)
      tpu.yield
    }) : () -> ()
    %add3A_3 = arith.constant 0 : i32
    %add3A_4 = arith.addi %mul3A_2, %add3A_3 : i32
    "tpu.region"() ({
      %run_scoped3A = tpu.sem_alloc : memref<!tpu.dma_semaphore, #tpu.memory_space<semaphore_mem>>
      %dma_start3A = arith.constant 0 : i32
      %dma_start3A_28 = tpu.memref_slice %arg11[%add3A_4, %dma_start3A] : memref<10240x128xf32, #tpu.memory_space<vmem_shared>> -> memref<128x128xf32, #tpu.memory_space<vmem_shared>>
      %dma_start3A_29 = arith.constant 0 : i32
      %dma_start3A_30 = tpu.memref_slice %arg11[%add3A_4, %dma_start3A_29] : memref<10240x128xf32, #tpu.memory_space<vmem_shared>> -> memref<128x128xf32, #tpu.memory_space<vmem_shared>>
      tpu.enqueue_dma source(%arg9 : memref<128x128xf32, #tpu.memory_space<vmem>>) target(%dma_start3A_30 : memref<128x128xf32, #tpu.memory_space<vmem_shared>>) target_semaphore(%run_scoped3A : memref<!tpu.dma_semaphore, #tpu.memory_space<semaphore_mem>>)
      %dma_wait3A = arith.constant 0 : i32
      %dma_wait3A_31 = tpu.memref_slice %arg11[%add3A_4, %dma_wait3A] : memref<10240x128xf32, #tpu.memory_space<vmem_shared>> -> memref<128x128xf32, #tpu.memory_space<vmem_shared>>
      %dma_wait3A_32 = arith.constant 0 : i32
      %dma_wait3A_33 = tpu.memref_slice %arg11[%add3A_4, %dma_wait3A_32] : memref<10240x128xf32, #tpu.memory_space<vmem_shared>> -> memref<128x128xf32, #tpu.memory_space<vmem_shared>>
      tpu.wait_dma2 semaphore(%run_scoped3A : memref<!tpu.dma_semaphore, #tpu.memory_space<semaphore_mem>>) src(%arg9 : memref<128x128xf32, #tpu.memory_space<vmem>>) dst(%dma_wait3A_33 : memref<128x128xf32, #tpu.memory_space<vmem_shared>>)
      tpu.yield
    }) : () -> ()
    %add3A_5 = arith.constant 128 : i32
    %add3A_6 = arith.addi %mul3A_2, %add3A_5 : i32
    "tpu.region"() ({
      %run_scoped3A = tpu.sem_alloc : memref<!tpu.dma_semaphore, #tpu.memory_space<semaphore_mem>>
      %dma_start3A = arith.constant 0 : i32
      %dma_start3A_28 = tpu.memref_slice %arg11[%add3A_6, %dma_start3A] : memref<10240x128xf32, #tpu.memory_space<vmem_shared>> -> memref<128x128xf32, #tpu.memory_space<vmem_shared>>
      %dma_start3A_29 = arith.constant 0 : i32
      %dma_start3A_30 = tpu.memref_slice %arg11[%add3A_6, %dma_start3A_29] : memref<10240x128xf32, #tpu.memory_space<vmem_shared>> -> memref<128x128xf32, #tpu.memory_space<vmem_shared>>
      tpu.enqueue_dma source(%arg9 : memref<128x128xf32, #tpu.memory_space<vmem>>) target(%dma_start3A_30 : memref<128x128xf32, #tpu.memory_space<vmem_shared>>) target_semaphore(%run_scoped3A : memref<!tpu.dma_semaphore, #tpu.memory_space<semaphore_mem>>)
      %dma_wait3A = arith.constant 0 : i32
      %dma_wait3A_31 = tpu.memref_slice %arg11[%add3A_6, %dma_wait3A] : memref<10240x128xf32, #tpu.memory_space<vmem_shared>> -> memref<128x128xf32, #tpu.memory_space<vmem_shared>>
      %dma_wait3A_32 = arith.constant 0 : i32
      %dma_wait3A_33 = tpu.memref_slice %arg11[%add3A_6, %dma_wait3A_32] : memref<10240x128xf32, #tpu.memory_space<vmem_shared>> -> memref<128x128xf32, #tpu.memory_space<vmem_shared>>
      tpu.wait_dma2 semaphore(%run_scoped3A : memref<!tpu.dma_semaphore, #tpu.memory_space<semaphore_mem>>) src(%arg9 : memref<128x128xf32, #tpu.memory_space<vmem>>) dst(%dma_wait3A_33 : memref<128x128xf32, #tpu.memory_space<vmem_shared>>)
      tpu.yield
    }) : () -> ()
    %add3A_7 = arith.constant 256 : i32
    %add3A_8 = arith.addi %mul3A_2, %add3A_7 : i32
    "tpu.region"() ({
      %run_scoped3A = tpu.sem_alloc : memref<!tpu.dma_semaphore, #tpu.memory_space<semaphore_mem>>
      %dma_start3A = arith.constant 0 : i32
      %dma_start3A_28 = tpu.memref_slice %arg11[%add3A_8, %dma_start3A] : memref<10240x128xf32, #tpu.memory_space<vmem_shared>> -> memref<128x128xf32, #tpu.memory_space<vmem_shared>>
      %dma_start3A_29 = arith.constant 0 : i32
      %dma_start3A_30 = tpu.memref_slice %arg11[%add3A_8, %dma_start3A_29] : memref<10240x128xf32, #tpu.memory_space<vmem_shared>> -> memref<128x128xf32, #tpu.memory_space<vmem_shared>>
      tpu.enqueue_dma source(%arg9 : memref<128x128xf32, #tpu.memory_space<vmem>>) target(%dma_start3A_30 : memref<128x128xf32, #tpu.memory_space<vmem_shared>>) target_semaphore(%run_scoped3A : memref<!tpu.dma_semaphore, #tpu.memory_space<semaphore_mem>>)
      %dma_wait3A = arith.constant 0 : i32
      %dma_wait3A_31 = tpu.memref_slice %arg11[%add3A_8, %dma_wait3A] : memref<10240x128xf32, #tpu.memory_space<vmem_shared>> -> memref<128x128xf32, #tpu.memory_space<vmem_shared>>
      %dma_wait3A_32 = arith.constant 0 : i32
      %dma_wait3A_33 = tpu.memref_slice %arg11[%add3A_8, %dma_wait3A_32] : memref<10240x128xf32, #tpu.memory_space<vmem_shared>> -> memref<128x128xf32, #tpu.memory_space<vmem_shared>>
      tpu.wait_dma2 semaphore(%run_scoped3A : memref<!tpu.dma_semaphore, #tpu.memory_space<semaphore_mem>>) src(%arg9 : memref<128x128xf32, #tpu.memory_space<vmem>>) dst(%dma_wait3A_33 : memref<128x128xf32, #tpu.memory_space<vmem_shared>>)
      tpu.yield
    }) : () -> ()
    %add3A_9 = arith.constant 384 : i32
    %add3A_10 = arith.addi %mul3A_2, %add3A_9 : i32
    "tpu.region"() ({
      %run_scoped3A = tpu.sem_alloc : memref<!tpu.dma_semaphore, #tpu.memory_space<semaphore_mem>>
      %dma_start3A = arith.constant 0 : i32
      %dma_start3A_28 = tpu.memref_slice %arg11[%add3A_10, %dma_start3A] : memref<10240x128xf32, #tpu.memory_space<vmem_shared>> -> memref<128x128xf32, #tpu.memory_space<vmem_shared>>
      %dma_start3A_29 = arith.constant 0 : i32
      %dma_start3A_30 = tpu.memref_slice %arg11[%add3A_10, %dma_start3A_29] : memref<10240x128xf32, #tpu.memory_space<vmem_shared>> -> memref<128x128xf32, #tpu.memory_space<vmem_shared>>
      tpu.enqueue_dma source(%arg9 : memref<128x128xf32, #tpu.memory_space<vmem>>) target(%dma_start3A_30 : memref<128x128xf32, #tpu.memory_space<vmem_shared>>) target_semaphore(%run_scoped3A : memref<!tpu.dma_semaphore, #tpu.memory_space<semaphore_mem>>)
      %dma_wait3A = arith.constant 0 : i32
      %dma_wait3A_31 = tpu.memref_slice %arg11[%add3A_10, %dma_wait3A] : memref<10240x128xf32, #tpu.memory_space<vmem_shared>> -> memref<128x128xf32, #tpu.memory_space<vmem_shared>>
      %dma_wait3A_32 = arith.constant 0 : i32
      %dma_wait3A_33 = tpu.memref_slice %arg11[%add3A_10, %dma_wait3A_32] : memref<10240x128xf32, #tpu.memory_space<vmem_shared>> -> memref<128x128xf32, #tpu.memory_space<vmem_shared>>
      tpu.wait_dma2 semaphore(%run_scoped3A : memref<!tpu.dma_semaphore, #tpu.memory_space<semaphore_mem>>) src(%arg9 : memref<128x128xf32, #tpu.memory_space<vmem>>) dst(%dma_wait3A_33 : memref<128x128xf32, #tpu.memory_space<vmem_shared>>)
      tpu.yield
    }) : () -> ()
    %add3A_11 = arith.constant 512 : i32
    %add3A_12 = arith.addi %mul3A_2, %add3A_11 : i32
    "tpu.region"() ({
      %run_scoped3A = tpu.sem_alloc : memref<!tpu.dma_semaphore, #tpu.memory_space<semaphore_mem>>
      %dma_start3A = arith.constant 0 : i32
      %dma_start3A_28 = tpu.memref_slice %arg11[%add3A_12, %dma_start3A] : memref<10240x128xf32, #tpu.memory_space<vmem_shared>> -> memref<128x128xf32, #tpu.memory_space<vmem_shared>>
      %dma_start3A_29 = arith.constant 0 : i32
      %dma_start3A_30 = tpu.memref_slice %arg11[%add3A_12, %dma_start3A_29] : memref<10240x128xf32, #tpu.memory_space<vmem_shared>> -> memref<128x128xf32, #tpu.memory_space<vmem_shared>>
      tpu.enqueue_dma source(%arg9 : memref<128x128xf32, #tpu.memory_space<vmem>>) target(%dma_start3A_30 : memref<128x128xf32, #tpu.memory_space<vmem_shared>>) target_semaphore(%run_scoped3A : memref<!tpu.dma_semaphore, #tpu.memory_space<semaphore_mem>>)
      %dma_wait3A = arith.constant 0 : i32
      %dma_wait3A_31 = tpu.memref_slice %arg11[%add3A_12, %dma_wait3A] : memref<10240x128xf32, #tpu.memory_space<vmem_shared>> -> memref<128x128xf32, #tpu.memory_space<vmem_shared>>
      %dma_wait3A_32 = arith.constant 0 : i32
      %dma_wait3A_33 = tpu.memref_slice %arg11[%add3A_12, %dma_wait3A_32] : memref<10240x128xf32, #tpu.memory_space<vmem_shared>> -> memref<128x128xf32, #tpu.memory_space<vmem_shared>>
      tpu.wait_dma2 semaphore(%run_scoped3A : memref<!tpu.dma_semaphore, #tpu.memory_space<semaphore_mem>>) src(%arg9 : memref<128x128xf32, #tpu.memory_space<vmem>>) dst(%dma_wait3A_33 : memref<128x128xf32, #tpu.memory_space<vmem_shared>>)
      tpu.yield
    }) : () -> ()
    %barrier3A = arith.constant 0 : index
    tpu.barrier barrier_id(%barrier3A)
    %scan3A = arith.constant 0 : i32
    %scan3A_13 = arith.constant 10 : i32
    %scan3A_14 = arith.addi %scan3A, %scan3A_13 : i32
    %scan3A_15 = arith.constant 1 : i32
    scf.for %scan3A_28 = %scan3A to %scan3A_14 step %scan3A_15  : i32 {
      %mul3A_29 = arith.constant 1 : i32
      %mul3A_30 = arith.muli %scan3A_28, %mul3A_29 : i32
      %add3A_31 = arith.constant 0 : i32
      %add3A_32 = arith.addi %add3A_31, %mul3A_30 : i32
      %mul3A_33 = arith.constant 8 : i32
      %mul3A_34 = arith.muli %add3A_32, %mul3A_33 : i32
      %multiple_of3A = tpu.assume_multiple %mul3A_34, 8 : i32
      "tpu.region"() ({
        %run_scoped3A_216 = tpu.sem_alloc : memref<!tpu.dma_semaphore, #tpu.memory_space<semaphore_mem>>
        %dma_start3A_217 = arith.constant 0 : i32
        %dma_start3A_218 = tpu.memref_slice %arg3[%add3A, %multiple_of3A, %dma_start3A_217] : memref<32x80x128xi32, #tpu.memory_space<hbm>> -> memref<1x8x128xi32, #tpu.memory_space<hbm>>
        %dma_start3A_219 = tpu.memref_squeeze %dma_start3A_218 : memref<1x8x128xi32, #tpu.memory_space<hbm>> -> memref<8x128xi32, #tpu.memory_space<hbm>>
        %dma_start3A_220 = arith.constant 0 : i32
        %dma_start3A_221 = tpu.memref_slice %arg3[%add3A, %multiple_of3A, %dma_start3A_220] : memref<32x80x128xi32, #tpu.memory_space<hbm>> -> memref<1x8x128xi32, #tpu.memory_space<hbm>>
        %dma_start3A_222 = tpu.memref_squeeze %dma_start3A_221 : memref<1x8x128xi32, #tpu.memory_space<hbm>> -> memref<8x128xi32, #tpu.memory_space<hbm>>
        tpu.enqueue_dma source(%dma_start3A_222 : memref<8x128xi32, #tpu.memory_space<hbm>>) target(%arg7 : memref<8x128xi32, #tpu.memory_space<vmem>>) target_semaphore(%run_scoped3A_216 : memref<!tpu.dma_semaphore, #tpu.memory_space<semaphore_mem>>)
        %dma_wait3A_223 = arith.constant 0 : i32
        %dma_wait3A_224 = tpu.memref_slice %arg3[%add3A, %multiple_of3A, %dma_wait3A_223] : memref<32x80x128xi32, #tpu.memory_space<hbm>> -> memref<1x8x128xi32, #tpu.memory_space<hbm>>
        %dma_wait3A_225 = tpu.memref_squeeze %dma_wait3A_224 : memref<1x8x128xi32, #tpu.memory_space<hbm>> -> memref<8x128xi32, #tpu.memory_space<hbm>>
        %dma_wait3A_226 = arith.constant 0 : i32
        %dma_wait3A_227 = tpu.memref_slice %arg3[%add3A, %multiple_of3A, %dma_wait3A_226] : memref<32x80x128xi32, #tpu.memory_space<hbm>> -> memref<1x8x128xi32, #tpu.memory_space<hbm>>
        %dma_wait3A_228 = tpu.memref_squeeze %dma_wait3A_227 : memref<1x8x128xi32, #tpu.memory_space<hbm>> -> memref<8x128xi32, #tpu.memory_space<hbm>>
        tpu.wait_dma2 semaphore(%run_scoped3A_216 : memref<!tpu.dma_semaphore, #tpu.memory_space<semaphore_mem>>) src(%dma_wait3A_228 : memref<8x128xi32, #tpu.memory_space<hbm>>) dst(%arg7 : memref<8x128xi32, #tpu.memory_space<vmem>>)
        tpu.yield
      }) : () -> ()
      "tpu.region"() ({
        %run_scoped3A_216 = tpu.sem_alloc : memref<!tpu.dma_semaphore, #tpu.memory_space<semaphore_mem>>
        %dma_start3A_217 = arith.constant 0 : i32
        %dma_start3A_218 = tpu.memref_slice %arg4[%add3A, %multiple_of3A, %dma_start3A_217] : memref<32x80x128xi32, #tpu.memory_space<hbm>> -> memref<1x8x128xi32, #tpu.memory_space<hbm>>
        %dma_start3A_219 = tpu.memref_squeeze %dma_start3A_218 : memref<1x8x128xi32, #tpu.memory_space<hbm>> -> memref<8x128xi32, #tpu.memory_space<hbm>>
        %dma_start3A_220 = arith.constant 0 : i32
        %dma_start3A_221 = tpu.memref_slice %arg4[%add3A, %multiple_of3A, %dma_start3A_220] : memref<32x80x128xi32, #tpu.memory_space<hbm>> -> memref<1x8x128xi32, #tpu.memory_space<hbm>>
        %dma_start3A_222 = tpu.memref_squeeze %dma_start3A_221 : memref<1x8x128xi32, #tpu.memory_space<hbm>> -> memref<8x128xi32, #tpu.memory_space<hbm>>
        tpu.enqueue_dma source(%dma_start3A_222 : memref<8x128xi32, #tpu.memory_space<hbm>>) target(%arg8 : memref<8x128xi32, #tpu.memory_space<vmem>>) target_semaphore(%run_scoped3A_216 : memref<!tpu.dma_semaphore, #tpu.memory_space<semaphore_mem>>)
        %dma_wait3A_223 = arith.constant 0 : i32
        %dma_wait3A_224 = tpu.memref_slice %arg4[%add3A, %multiple_of3A, %dma_wait3A_223] : memref<32x80x128xi32, #tpu.memory_space<hbm>> -> memref<1x8x128xi32, #tpu.memory_space<hbm>>
        %dma_wait3A_225 = tpu.memref_squeeze %dma_wait3A_224 : memref<1x8x128xi32, #tpu.memory_space<hbm>> -> memref<8x128xi32, #tpu.memory_space<hbm>>
        %dma_wait3A_226 = arith.constant 0 : i32
        %dma_wait3A_227 = tpu.memref_slice %arg4[%add3A, %multiple_of3A, %dma_wait3A_226] : memref<32x80x128xi32, #tpu.memory_space<hbm>> -> memref<1x8x128xi32, #tpu.memory_space<hbm>>
        %dma_wait3A_228 = tpu.memref_squeeze %dma_wait3A_227 : memref<1x8x128xi32, #tpu.memory_space<hbm>> -> memref<8x128xi32, #tpu.memory_space<hbm>>
        tpu.wait_dma2 semaphore(%run_scoped3A_216 : memref<!tpu.dma_semaphore, #tpu.memory_space<semaphore_mem>>) src(%dma_wait3A_228 : memref<8x128xi32, #tpu.memory_space<hbm>>) dst(%arg8 : memref<8x128xi32, #tpu.memory_space<vmem>>)
        tpu.yield
      }) : () -> ()
      %dma_start3A = arith.constant 0 : i32
      %dma_start3A_35 = arith.constant 0 : i32
      %dma_start3A_36 = tpu.memref_slice %arg7[%dma_start3A, %dma_start3A_35] : memref<8x128xi32, #tpu.memory_space<vmem>> -> memref<1x128xi32, #tpu.memory_space<vmem>>
      %dma_start3A_37 = tpu.memref_squeeze %dma_start3A_36 : memref<1x128xi32, #tpu.memory_space<vmem>> -> memref<128xi32, #tpu.memory_space<vmem>>
      %dma_start3A_38 = arith.constant 0 : i32
      %dma_start3A_39 = arith.constant 0 : i32
      %dma_start3A_40 = tpu.memref_slice %arg2[%arg0, %dma_start3A_38, %dma_start3A_39] : memref<2x10000x128xf32, #tpu.memory_space<hbm>> -> memref<1x10000x128xf32, #tpu.memory_space<hbm>>
      %dma_start3A_41 = tpu.memref_squeeze %dma_start3A_40 : memref<1x10000x128xf32, #tpu.memory_space<hbm>> -> memref<10000x128xf32, #tpu.memory_space<hbm>>
      %dma_start3A_42 = arith.constant 0 : i32
      %dma_start3A_43 = arith.constant 0 : i32
      %dma_start3A_44 = tpu.memref_slice %dma_start3A_41[%dma_start3A_42, %dma_start3A_43] : memref<10000x128xf32, #tpu.memory_space<hbm>> -> memref<10000x128xf32, #tpu.memory_space<hbm>>
      tpu.enqueue_indirect_dma source(%dma_start3A_44 : memref<10000x128xf32, #tpu.memory_space<hbm>>) target(%arg9 : memref<128x128xf32, #tpu.memory_space<vmem>>) offsets(%dma_start3A_37 : memref<128xi32, #tpu.memory_space<vmem>>) semaphore(%arg12 : memref<!tpu.dma_semaphore, #tpu.memory_space<semaphore_mem>>)
      %dma_start3A_45 = arith.constant 1 : i32
      %dma_start3A_46 = arith.constant 0 : i32
      %dma_start3A_47 = tpu.memref_slice %arg7[%dma_start3A_45, %dma_start3A_46] : memref<8x128xi32, #tpu.memory_space<vmem>> -> memref<1x128xi32, #tpu.memory_space<vmem>>
      %dma_start3A_48 = tpu.memref_squeeze %dma_start3A_47 : memref<1x128xi32, #tpu.memory_space<vmem>> -> memref<128xi32, #tpu.memory_space<vmem>>
      %dma_start3A_49 = arith.constant 0 : i32
      %dma_start3A_50 = arith.constant 0 : i32
      %dma_start3A_51 = tpu.memref_slice %arg2[%arg0, %dma_start3A_49, %dma_start3A_50] : memref<2x10000x128xf32, #tpu.memory_space<hbm>> -> memref<1x10000x128xf32, #tpu.memory_space<hbm>>
      %dma_start3A_52 = tpu.memref_squeeze %dma_start3A_51 : memref<1x10000x128xf32, #tpu.memory_space<hbm>> -> memref<10000x128xf32, #tpu.memory_space<hbm>>
      %dma_start3A_53 = arith.constant 0 : i32
      %dma_start3A_54 = arith.constant 0 : i32
      %dma_start3A_55 = tpu.memref_slice %dma_start3A_52[%dma_start3A_53, %dma_start3A_54] : memref<10000x128xf32, #tpu.memory_space<hbm>> -> memref<10000x128xf32, #tpu.memory_space<hbm>>
      tpu.enqueue_indirect_dma source(%dma_start3A_55 : memref<10000x128xf32, #tpu.memory_space<hbm>>) target(%arg10 : memref<128x128xf32, #tpu.memory_space<vmem>>) offsets(%dma_start3A_48 : memref<128xi32, #tpu.memory_space<vmem>>) semaphore(%arg13 : memref<!tpu.dma_semaphore, #tpu.memory_space<semaphore_mem>>)
      %dma_wait3A = arith.constant 0 : i32
      %dma_wait3A_56 = arith.constant 0 : i32
      %dma_wait3A_57 = tpu.memref_slice %arg7[%dma_wait3A, %dma_wait3A_56] : memref<8x128xi32, #tpu.memory_space<vmem>> -> memref<1x128xi32, #tpu.memory_space<vmem>>
      %dma_wait3A_58 = tpu.memref_squeeze %dma_wait3A_57 : memref<1x128xi32, #tpu.memory_space<vmem>> -> memref<128xi32, #tpu.memory_space<vmem>>
      %dma_wait3A_59 = arith.constant 0 : i32
      %dma_wait3A_60 = arith.constant 0 : i32
      %dma_wait3A_61 = tpu.memref_slice %arg2[%arg0, %dma_wait3A_59, %dma_wait3A_60] : memref<2x10000x128xf32, #tpu.memory_space<hbm>> -> memref<1x10000x128xf32, #tpu.memory_space<hbm>>
      %dma_wait3A_62 = tpu.memref_squeeze %dma_wait3A_61 : memref<1x10000x128xf32, #tpu.memory_space<hbm>> -> memref<10000x128xf32, #tpu.memory_space<hbm>>
      %dma_wait3A_63 = arith.constant 0 : i32
      %dma_wait3A_64 = arith.constant 0 : i32
      %dma_wait3A_65 = tpu.memref_slice %dma_wait3A_62[%dma_wait3A_63, %dma_wait3A_64] : memref<10000x128xf32, #tpu.memory_space<hbm>> -> memref<10000x128xf32, #tpu.memory_space<hbm>>
      tpu.wait_indirect_dma semaphore(%arg12 : memref<!tpu.dma_semaphore, #tpu.memory_space<semaphore_mem>>) src(%dma_wait3A_65 : memref<10000x128xf32, #tpu.memory_space<hbm>>) dst(%arg9 : memref<128x128xf32, #tpu.memory_space<vmem>>)
      %run_scoped3A = arith.constant 0 : i32
      "tpu.region"() ({
        %run_scoped3A_216 = tpu.sem_alloc : memref<!tpu.dma_semaphore, #tpu.memory_space<semaphore_mem>>
        %dma_start3A_217 = arith.constant 0 : i32
        %dma_start3A_218 = tpu.memref_slice %arg8[%run_scoped3A, %dma_start3A_217] : memref<8x128xi32, #tpu.memory_space<vmem>> -> memref<1x128xi32, #tpu.memory_space<vmem>>
        %dma_start3A_219 = tpu.memref_squeeze %dma_start3A_218 : memref<1x128xi32, #tpu.memory_space<vmem>> -> memref<128xi32, #tpu.memory_space<vmem>>
        %dma_start3A_220 = arith.constant 0 : i32
        %dma_start3A_221 = arith.constant 0 : i32
        %dma_start3A_222 = tpu.memref_slice %arg11[%dma_start3A_220, %dma_start3A_221] : memref<10240x128xf32, #tpu.memory_space<vmem_shared>> -> memref<10240x128xf32, #tpu.memory_space<vmem_shared>>
        tpu.enqueue_indirect_dma source(%arg9 : memref<128x128xf32, #tpu.memory_space<vmem>>) target(%dma_start3A_222 : memref<10240x128xf32, #tpu.memory_space<vmem_shared>>) offsets(%dma_start3A_219 : memref<128xi32, #tpu.memory_space<vmem>>) semaphore(%run_scoped3A_216 : memref<!tpu.dma_semaphore, #tpu.memory_space<semaphore_mem>>) {add = true}
        %dma_wait3A_223 = arith.constant 0 : i32
        %dma_wait3A_224 = tpu.memref_slice %arg8[%run_scoped3A, %dma_wait3A_223] : memref<8x128xi32, #tpu.memory_space<vmem>> -> memref<1x128xi32, #tpu.memory_space<vmem>>
        %dma_wait3A_225 = tpu.memref_squeeze %dma_wait3A_224 : memref<1x128xi32, #tpu.memory_space<vmem>> -> memref<128xi32, #tpu.memory_space<vmem>>
        %dma_wait3A_226 = arith.constant 0 : i32
        %dma_wait3A_227 = arith.constant 0 : i32
        %dma_wait3A_228 = tpu.memref_slice %arg11[%dma_wait3A_226, %dma_wait3A_227] : memref<10240x128xf32, #tpu.memory_space<vmem_shared>> -> memref<10240x128xf32, #tpu.memory_space<vmem_shared>>
        tpu.wait_indirect_dma semaphore(%run_scoped3A_216 : memref<!tpu.dma_semaphore, #tpu.memory_space<semaphore_mem>>) src(%arg9 : memref<128x128xf32, #tpu.memory_space<vmem>>) dst(%dma_wait3A_228 : memref<10240x128xf32, #tpu.memory_space<vmem_shared>>)
        tpu.yield
      }) : () -> ()
      %dma_start3A_66 = arith.constant 2 : i32
      %dma_start3A_67 = arith.constant 0 : i32
      %dma_start3A_68 = tpu.memref_slice %arg7[%dma_start3A_66, %dma_start3A_67] : memref<8x128xi32, #tpu.memory_space<vmem>> -> memref<1x128xi32, #tpu.memory_space<vmem>>
      %dma_start3A_69 = tpu.memref_squeeze %dma_start3A_68 : memref<1x128xi32, #tpu.memory_space<vmem>> -> memref<128xi32, #tpu.memory_space<vmem>>
      %dma_start3A_70 = arith.constant 0 : i32
      %dma_start3A_71 = arith.constant 0 : i32
      %dma_start3A_72 = tpu.memref_slice %arg2[%arg0, %dma_start3A_70, %dma_start3A_71] : memref<2x10000x128xf32, #tpu.memory_space<hbm>> -> memref<1x10000x128xf32, #tpu.memory_space<hbm>>
      %dma_start3A_73 = tpu.memref_squeeze %dma_start3A_72 : memref<1x10000x128xf32, #tpu.memory_space<hbm>> -> memref<10000x128xf32, #tpu.memory_space<hbm>>
      %dma_start3A_74 = arith.constant 0 : i32
      %dma_start3A_75 = arith.constant 0 : i32
      %dma_start3A_76 = tpu.memref_slice %dma_start3A_73[%dma_start3A_74, %dma_start3A_75] : memref<10000x128xf32, #tpu.memory_space<hbm>> -> memref<10000x128xf32, #tpu.memory_space<hbm>>
      tpu.enqueue_indirect_dma source(%dma_start3A_76 : memref<10000x128xf32, #tpu.memory_space<hbm>>) target(%arg9 : memref<128x128xf32, #tpu.memory_space<vmem>>) offsets(%dma_start3A_69 : memref<128xi32, #tpu.memory_space<vmem>>) semaphore(%arg12 : memref<!tpu.dma_semaphore, #tpu.memory_space<semaphore_mem>>)
      %dma_wait3A_77 = arith.constant 1 : i32
      %dma_wait3A_78 = arith.constant 0 : i32
      %dma_wait3A_79 = tpu.memref_slice %arg7[%dma_wait3A_77, %dma_wait3A_78] : memref<8x128xi32, #tpu.memory_space<vmem>> -> memref<1x128xi32, #tpu.memory_space<vmem>>
      %dma_wait3A_80 = tpu.memref_squeeze %dma_wait3A_79 : memref<1x128xi32, #tpu.memory_space<vmem>> -> memref<128xi32, #tpu.memory_space<vmem>>
      %dma_wait3A_81 = arith.constant 0 : i32
      %dma_wait3A_82 = arith.constant 0 : i32
      %dma_wait3A_83 = tpu.memref_slice %arg2[%arg0, %dma_wait3A_81, %dma_wait3A_82] : memref<2x10000x128xf32, #tpu.memory_space<hbm>> -> memref<1x10000x128xf32, #tpu.memory_space<hbm>>
      %dma_wait3A_84 = tpu.memref_squeeze %dma_wait3A_83 : memref<1x10000x128xf32, #tpu.memory_space<hbm>> -> memref<10000x128xf32, #tpu.memory_space<hbm>>
      %dma_wait3A_85 = arith.constant 0 : i32
      %dma_wait3A_86 = arith.constant 0 : i32
      %dma_wait3A_87 = tpu.memref_slice %dma_wait3A_84[%dma_wait3A_85, %dma_wait3A_86] : memref<10000x128xf32, #tpu.memory_space<hbm>> -> memref<10000x128xf32, #tpu.memory_space<hbm>>
      tpu.wait_indirect_dma semaphore(%arg13 : memref<!tpu.dma_semaphore, #tpu.memory_space<semaphore_mem>>) src(%dma_wait3A_87 : memref<10000x128xf32, #tpu.memory_space<hbm>>) dst(%arg10 : memref<128x128xf32, #tpu.memory_space<vmem>>)
      %run_scoped3A_88 = arith.constant 1 : i32
      "tpu.region"() ({
        %run_scoped3A_216 = tpu.sem_alloc : memref<!tpu.dma_semaphore, #tpu.memory_space<semaphore_mem>>
        %dma_start3A_217 = arith.constant 0 : i32
        %dma_start3A_218 = tpu.memref_slice %arg8[%run_scoped3A_88, %dma_start3A_217] : memref<8x128xi32, #tpu.memory_space<vmem>> -> memref<1x128xi32, #tpu.memory_space<vmem>>
        %dma_start3A_219 = tpu.memref_squeeze %dma_start3A_218 : memref<1x128xi32, #tpu.memory_space<vmem>> -> memref<128xi32, #tpu.memory_space<vmem>>
        %dma_start3A_220 = arith.constant 0 : i32
        %dma_start3A_221 = arith.constant 0 : i32
        %dma_start3A_222 = tpu.memref_slice %arg11[%dma_start3A_220, %dma_start3A_221] : memref<10240x128xf32, #tpu.memory_space<vmem_shared>> -> memref<10240x128xf32, #tpu.memory_space<vmem_shared>>
        tpu.enqueue_indirect_dma source(%arg10 : memref<128x128xf32, #tpu.memory_space<vmem>>) target(%dma_start3A_222 : memref<10240x128xf32, #tpu.memory_space<vmem_shared>>) offsets(%dma_start3A_219 : memref<128xi32, #tpu.memory_space<vmem>>) semaphore(%run_scoped3A_216 : memref<!tpu.dma_semaphore, #tpu.memory_space<semaphore_mem>>) {add = true}
        %dma_wait3A_223 = arith.constant 0 : i32
        %dma_wait3A_224 = tpu.memref_slice %arg8[%run_scoped3A_88, %dma_wait3A_223] : memref<8x128xi32, #tpu.memory_space<vmem>> -> memref<1x128xi32, #tpu.memory_space<vmem>>
        %dma_wait3A_225 = tpu.memref_squeeze %dma_wait3A_224 : memref<1x128xi32, #tpu.memory_space<vmem>> -> memref<128xi32, #tpu.memory_space<vmem>>
        %dma_wait3A_226 = arith.constant 0 : i32
        %dma_wait3A_227 = arith.constant 0 : i32
        %dma_wait3A_228 = tpu.memref_slice %arg11[%dma_wait3A_226, %dma_wait3A_227] : memref<10240x128xf32, #tpu.memory_space<vmem_shared>> -> memref<10240x128xf32, #tpu.memory_space<vmem_shared>>
        tpu.wait_indirect_dma semaphore(%run_scoped3A_216 : memref<!tpu.dma_semaphore, #tpu.memory_space<semaphore_mem>>) src(%arg10 : memref<128x128xf32, #tpu.memory_space<vmem>>) dst(%dma_wait3A_228 : memref<10240x128xf32, #tpu.memory_space<vmem_shared>>)
        tpu.yield
      }) : () -> ()
      %dma_start3A_89 = arith.constant 3 : i32
      %dma_start3A_90 = arith.constant 0 : i32
      %dma_start3A_91 = tpu.memref_slice %arg7[%dma_start3A_89, %dma_start3A_90] : memref<8x128xi32, #tpu.memory_space<vmem>> -> memref<1x128xi32, #tpu.memory_space<vmem>>
      %dma_start3A_92 = tpu.memref_squeeze %dma_start3A_91 : memref<1x128xi32, #tpu.memory_space<vmem>> -> memref<128xi32, #tpu.memory_space<vmem>>
      %dma_start3A_93 = arith.constant 0 : i32
      %dma_start3A_94 = arith.constant 0 : i32
      %dma_start3A_95 = tpu.memref_slice %arg2[%arg0, %dma_start3A_93, %dma_start3A_94] : memref<2x10000x128xf32, #tpu.memory_space<hbm>> -> memref<1x10000x128xf32, #tpu.memory_space<hbm>>
      %dma_start3A_96 = tpu.memref_squeeze %dma_start3A_95 : memref<1x10000x128xf32, #tpu.memory_space<hbm>> -> memref<10000x128xf32, #tpu.memory_space<hbm>>
      %dma_start3A_97 = arith.constant 0 : i32
      %dma_start3A_98 = arith.constant 0 : i32
      %dma_start3A_99 = tpu.memref_slice %dma_start3A_96[%dma_start3A_97, %dma_start3A_98] : memref<10000x128xf32, #tpu.memory_space<hbm>> -> memref<10000x128xf32, #tpu.memory_space<hbm>>
      tpu.enqueue_indirect_dma source(%dma_start3A_99 : memref<10000x128xf32, #tpu.memory_space<hbm>>) target(%arg10 : memref<128x128xf32, #tpu.memory_space<vmem>>) offsets(%dma_start3A_92 : memref<128xi32, #tpu.memory_space<vmem>>) semaphore(%arg13 : memref<!tpu.dma_semaphore, #tpu.memory_space<semaphore_mem>>)
      %dma_wait3A_100 = arith.constant 2 : i32
      %dma_wait3A_101 = arith.constant 0 : i32
      %dma_wait3A_102 = tpu.memref_slice %arg7[%dma_wait3A_100, %dma_wait3A_101] : memref<8x128xi32, #tpu.memory_space<vmem>> -> memref<1x128xi32, #tpu.memory_space<vmem>>
      %dma_wait3A_103 = tpu.memref_squeeze %dma_wait3A_102 : memref<1x128xi32, #tpu.memory_space<vmem>> -> memref<128xi32, #tpu.memory_space<vmem>>
      %dma_wait3A_104 = arith.constant 0 : i32
      %dma_wait3A_105 = arith.constant 0 : i32
      %dma_wait3A_106 = tpu.memref_slice %arg2[%arg0, %dma_wait3A_104, %dma_wait3A_105] : memref<2x10000x128xf32, #tpu.memory_space<hbm>> -> memref<1x10000x128xf32, #tpu.memory_space<hbm>>
      %dma_wait3A_107 = tpu.memref_squeeze %dma_wait3A_106 : memref<1x10000x128xf32, #tpu.memory_space<hbm>> -> memref<10000x128xf32, #tpu.memory_space<hbm>>
      %dma_wait3A_108 = arith.constant 0 : i32
      %dma_wait3A_109 = arith.constant 0 : i32
      %dma_wait3A_110 = tpu.memref_slice %dma_wait3A_107[%dma_wait3A_108, %dma_wait3A_109] : memref<10000x128xf32, #tpu.memory_space<hbm>> -> memref<10000x128xf32, #tpu.memory_space<hbm>>
      tpu.wait_indirect_dma semaphore(%arg12 : memref<!tpu.dma_semaphore, #tpu.memory_space<semaphore_mem>>) src(%dma_wait3A_110 : memref<10000x128xf32, #tpu.memory_space<hbm>>) dst(%arg9 : memref<128x128xf32, #tpu.memory_space<vmem>>)
      %run_scoped3A_111 = arith.constant 2 : i32
      "tpu.region"() ({
        %run_scoped3A_216 = tpu.sem_alloc : memref<!tpu.dma_semaphore, #tpu.memory_space<semaphore_mem>>
        %dma_start3A_217 = arith.constant 0 : i32
        %dma_start3A_218 = tpu.memref_slice %arg8[%run_scoped3A_111, %dma_start3A_217] : memref<8x128xi32, #tpu.memory_space<vmem>> -> memref<1x128xi32, #tpu.memory_space<vmem>>
        %dma_start3A_219 = tpu.memref_squeeze %dma_start3A_218 : memref<1x128xi32, #tpu.memory_space<vmem>> -> memref<128xi32, #tpu.memory_space<vmem>>
        %dma_start3A_220 = arith.constant 0 : i32
        %dma_start3A_221 = arith.constant 0 : i32
        %dma_start3A_222 = tpu.memref_slice %arg11[%dma_start3A_220, %dma_start3A_221] : memref<10240x128xf32, #tpu.memory_space<vmem_shared>> -> memref<10240x128xf32, #tpu.memory_space<vmem_shared>>
        tpu.enqueue_indirect_dma source(%arg9 : memref<128x128xf32, #tpu.memory_space<vmem>>) target(%dma_start3A_222 : memref<10240x128xf32, #tpu.memory_space<vmem_shared>>) offsets(%dma_start3A_219 : memref<128xi32, #tpu.memory_space<vmem>>) semaphore(%run_scoped3A_216 : memref<!tpu.dma_semaphore, #tpu.memory_space<semaphore_mem>>) {add = true}
        %dma_wait3A_223 = arith.constant 0 : i32
        %dma_wait3A_224 = tpu.memref_slice %arg8[%run_scoped3A_111, %dma_wait3A_223] : memref<8x128xi32, #tpu.memory_space<vmem>> -> memref<1x128xi32, #tpu.memory_space<vmem>>
        %dma_wait3A_225 = tpu.memref_squeeze %dma_wait3A_224 : memref<1x128xi32, #tpu.memory_space<vmem>> -> memref<128xi32, #tpu.memory_space<vmem>>
        %dma_wait3A_226 = arith.constant 0 : i32
        %dma_wait3A_227 = arith.constant 0 : i32
        %dma_wait3A_228 = tpu.memref_slice %arg11[%dma_wait3A_226, %dma_wait3A_227] : memref<10240x128xf32, #tpu.memory_space<vmem_shared>> -> memref<10240x128xf32, #tpu.memory_space<vmem_shared>>
        tpu.wait_indirect_dma semaphore(%run_scoped3A_216 : memref<!tpu.dma_semaphore, #tpu.memory_space<semaphore_mem>>) src(%arg9 : memref<128x128xf32, #tpu.memory_space<vmem>>) dst(%dma_wait3A_228 : memref<10240x128xf32, #tpu.memory_space<vmem_shared>>)
        tpu.yield
      }) : () -> ()
      %dma_start3A_112 = arith.constant 4 : i32
      %dma_start3A_113 = arith.constant 0 : i32
      %dma_start3A_114 = tpu.memref_slice %arg7[%dma_start3A_112, %dma_start3A_113] : memref<8x128xi32, #tpu.memory_space<vmem>> -> memref<1x128xi32, #tpu.memory_space<vmem>>
      %dma_start3A_115 = tpu.memref_squeeze %dma_start3A_114 : memref<1x128xi32, #tpu.memory_space<vmem>> -> memref<128xi32, #tpu.memory_space<vmem>>
      %dma_start3A_116 = arith.constant 0 : i32
      %dma_start3A_117 = arith.constant 0 : i32
      %dma_start3A_118 = tpu.memref_slice %arg2[%arg0, %dma_start3A_116, %dma_start3A_117] : memref<2x10000x128xf32, #tpu.memory_space<hbm>> -> memref<1x10000x128xf32, #tpu.memory_space<hbm>>
      %dma_start3A_119 = tpu.memref_squeeze %dma_start3A_118 : memref<1x10000x128xf32, #tpu.memory_space<hbm>> -> memref<10000x128xf32, #tpu.memory_space<hbm>>
      %dma_start3A_120 = arith.constant 0 : i32
      %dma_start3A_121 = arith.constant 0 : i32
      %dma_start3A_122 = tpu.memref_slice %dma_start3A_119[%dma_start3A_120, %dma_start3A_121] : memref<10000x128xf32, #tpu.memory_space<hbm>> -> memref<10000x128xf32, #tpu.memory_space<hbm>>
      tpu.enqueue_indirect_dma source(%dma_start3A_122 : memref<10000x128xf32, #tpu.memory_space<hbm>>) target(%arg9 : memref<128x128xf32, #tpu.memory_space<vmem>>) offsets(%dma_start3A_115 : memref<128xi32, #tpu.memory_space<vmem>>) semaphore(%arg12 : memref<!tpu.dma_semaphore, #tpu.memory_space<semaphore_mem>>)
      %dma_wait3A_123 = arith.constant 3 : i32
      %dma_wait3A_124 = arith.constant 0 : i32
      %dma_wait3A_125 = tpu.memref_slice %arg7[%dma_wait3A_123, %dma_wait3A_124] : memref<8x128xi32, #tpu.memory_space<vmem>> -> memref<1x128xi32, #tpu.memory_space<vmem>>
      %dma_wait3A_126 = tpu.memref_squeeze %dma_wait3A_125 : memref<1x128xi32, #tpu.memory_space<vmem>> -> memref<128xi32, #tpu.memory_space<vmem>>
      %dma_wait3A_127 = arith.constant 0 : i32
      %dma_wait3A_128 = arith.constant 0 : i32
      %dma_wait3A_129 = tpu.memref_slice %arg2[%arg0, %dma_wait3A_127, %dma_wait3A_128] : memref<2x10000x128xf32, #tpu.memory_space<hbm>> -> memref<1x10000x128xf32, #tpu.memory_space<hbm>>
      %dma_wait3A_130 = tpu.memref_squeeze %dma_wait3A_129 : memref<1x10000x128xf32, #tpu.memory_space<hbm>> -> memref<10000x128xf32, #tpu.memory_space<hbm>>
      %dma_wait3A_131 = arith.constant 0 : i32
      %dma_wait3A_132 = arith.constant 0 : i32
      %dma_wait3A_133 = tpu.memref_slice %dma_wait3A_130[%dma_wait3A_131, %dma_wait3A_132] : memref<10000x128xf32, #tpu.memory_space<hbm>> -> memref<10000x128xf32, #tpu.memory_space<hbm>>
      tpu.wait_indirect_dma semaphore(%arg13 : memref<!tpu.dma_semaphore, #tpu.memory_space<semaphore_mem>>) src(%dma_wait3A_133 : memref<10000x128xf32, #tpu.memory_space<hbm>>) dst(%arg10 : memref<128x128xf32, #tpu.memory_space<vmem>>)
      %run_scoped3A_134 = arith.constant 3 : i32
      "tpu.region"() ({
        %run_scoped3A_216 = tpu.sem_alloc : memref<!tpu.dma_semaphore, #tpu.memory_space<semaphore_mem>>
        %dma_start3A_217 = arith.constant 0 : i32
        %dma_start3A_218 = tpu.memref_slice %arg8[%run_scoped3A_134, %dma_start3A_217] : memref<8x128xi32, #tpu.memory_space<vmem>> -> memref<1x128xi32, #tpu.memory_space<vmem>>
        %dma_start3A_219 = tpu.memref_squeeze %dma_start3A_218 : memref<1x128xi32, #tpu.memory_space<vmem>> -> memref<128xi32, #tpu.memory_space<vmem>>
        %dma_start3A_220 = arith.constant 0 : i32
        %dma_start3A_221 = arith.constant 0 : i32
        %dma_start3A_222 = tpu.memref_slice %arg11[%dma_start3A_220, %dma_start3A_221] : memref<10240x128xf32, #tpu.memory_space<vmem_shared>> -> memref<10240x128xf32, #tpu.memory_space<vmem_shared>>
        tpu.enqueue_indirect_dma source(%arg10 : memref<128x128xf32, #tpu.memory_space<vmem>>) target(%dma_start3A_222 : memref<10240x128xf32, #tpu.memory_space<vmem_shared>>) offsets(%dma_start3A_219 : memref<128xi32, #tpu.memory_space<vmem>>) semaphore(%run_scoped3A_216 : memref<!tpu.dma_semaphore, #tpu.memory_space<semaphore_mem>>) {add = true}
        %dma_wait3A_223 = arith.constant 0 : i32
        %dma_wait3A_224 = tpu.memref_slice %arg8[%run_scoped3A_134, %dma_wait3A_223] : memref<8x128xi32, #tpu.memory_space<vmem>> -> memref<1x128xi32, #tpu.memory_space<vmem>>
        %dma_wait3A_225 = tpu.memref_squeeze %dma_wait3A_224 : memref<1x128xi32, #tpu.memory_space<vmem>> -> memref<128xi32, #tpu.memory_space<vmem>>
        %dma_wait3A_226 = arith.constant 0 : i32
        %dma_wait3A_227 = arith.constant 0 : i32
        %dma_wait3A_228 = tpu.memref_slice %arg11[%dma_wait3A_226, %dma_wait3A_227] : memref<10240x128xf32, #tpu.memory_space<vmem_shared>> -> memref<10240x128xf32, #tpu.memory_space<vmem_shared>>
        tpu.wait_indirect_dma semaphore(%run_scoped3A_216 : memref<!tpu.dma_semaphore, #tpu.memory_space<semaphore_mem>>) src(%arg10 : memref<128x128xf32, #tpu.memory_space<vmem>>) dst(%dma_wait3A_228 : memref<10240x128xf32, #tpu.memory_space<vmem_shared>>)
        tpu.yield
      }) : () -> ()
      %dma_start3A_135 = arith.constant 5 : i32
      %dma_start3A_136 = arith.constant 0 : i32
      %dma_start3A_137 = tpu.memref_slice %arg7[%dma_start3A_135, %dma_start3A_136] : memref<8x128xi32, #tpu.memory_space<vmem>> -> memref<1x128xi32, #tpu.memory_space<vmem>>
      %dma_start3A_138 = tpu.memref_squeeze %dma_start3A_137 : memref<1x128xi32, #tpu.memory_space<vmem>> -> memref<128xi32, #tpu.memory_space<vmem>>
      %dma_start3A_139 = arith.constant 0 : i32
      %dma_start3A_140 = arith.constant 0 : i32
      %dma_start3A_141 = tpu.memref_slice %arg2[%arg0, %dma_start3A_139, %dma_start3A_140] : memref<2x10000x128xf32, #tpu.memory_space<hbm>> -> memref<1x10000x128xf32, #tpu.memory_space<hbm>>
      %dma_start3A_142 = tpu.memref_squeeze %dma_start3A_141 : memref<1x10000x128xf32, #tpu.memory_space<hbm>> -> memref<10000x128xf32, #tpu.memory_space<hbm>>
      %dma_start3A_143 = arith.constant 0 : i32
      %dma_start3A_144 = arith.constant 0 : i32
      %dma_start3A_145 = tpu.memref_slice %dma_start3A_142[%dma_start3A_143, %dma_start3A_144] : memref<10000x128xf32, #tpu.memory_space<hbm>> -> memref<10000x128xf32, #tpu.memory_space<hbm>>
      tpu.enqueue_indirect_dma source(%dma_start3A_145 : memref<10000x128xf32, #tpu.memory_space<hbm>>) target(%arg10 : memref<128x128xf32, #tpu.memory_space<vmem>>) offsets(%dma_start3A_138 : memref<128xi32, #tpu.memory_space<vmem>>) semaphore(%arg13 : memref<!tpu.dma_semaphore, #tpu.memory_space<semaphore_mem>>)
      %dma_wait3A_146 = arith.constant 4 : i32
      %dma_wait3A_147 = arith.constant 0 : i32
      %dma_wait3A_148 = tpu.memref_slice %arg7[%dma_wait3A_146, %dma_wait3A_147] : memref<8x128xi32, #tpu.memory_space<vmem>> -> memref<1x128xi32, #tpu.memory_space<vmem>>
      %dma_wait3A_149 = tpu.memref_squeeze %dma_wait3A_148 : memref<1x128xi32, #tpu.memory_space<vmem>> -> memref<128xi32, #tpu.memory_space<vmem>>
      %dma_wait3A_150 = arith.constant 0 : i32
      %dma_wait3A_151 = arith.constant 0 : i32
      %dma_wait3A_152 = tpu.memref_slice %arg2[%arg0, %dma_wait3A_150, %dma_wait3A_151] : memref<2x10000x128xf32, #tpu.memory_space<hbm>> -> memref<1x10000x128xf32, #tpu.memory_space<hbm>>
      %dma_wait3A_153 = tpu.memref_squeeze %dma_wait3A_152 : memref<1x10000x128xf32, #tpu.memory_space<hbm>> -> memref<10000x128xf32, #tpu.memory_space<hbm>>
      %dma_wait3A_154 = arith.constant 0 : i32
      %dma_wait3A_155 = arith.constant 0 : i32
      %dma_wait3A_156 = tpu.memref_slice %dma_wait3A_153[%dma_wait3A_154, %dma_wait3A_155] : memref<10000x128xf32, #tpu.memory_space<hbm>> -> memref<10000x128xf32, #tpu.memory_space<hbm>>
      tpu.wait_indirect_dma semaphore(%arg12 : memref<!tpu.dma_semaphore, #tpu.memory_space<semaphore_mem>>) src(%dma_wait3A_156 : memref<10000x128xf32, #tpu.memory_space<hbm>>) dst(%arg9 : memref<128x128xf32, #tpu.memory_space<vmem>>)
      %run_scoped3A_157 = arith.constant 4 : i32
      "tpu.region"() ({
        %run_scoped3A_216 = tpu.sem_alloc : memref<!tpu.dma_semaphore, #tpu.memory_space<semaphore_mem>>
        %dma_start3A_217 = arith.constant 0 : i32
        %dma_start3A_218 = tpu.memref_slice %arg8[%run_scoped3A_157, %dma_start3A_217] : memref<8x128xi32, #tpu.memory_space<vmem>> -> memref<1x128xi32, #tpu.memory_space<vmem>>
        %dma_start3A_219 = tpu.memref_squeeze %dma_start3A_218 : memref<1x128xi32, #tpu.memory_space<vmem>> -> memref<128xi32, #tpu.memory_space<vmem>>
        %dma_start3A_220 = arith.constant 0 : i32
        %dma_start3A_221 = arith.constant 0 : i32
        %dma_start3A_222 = tpu.memref_slice %arg11[%dma_start3A_220, %dma_start3A_221] : memref<10240x128xf32, #tpu.memory_space<vmem_shared>> -> memref<10240x128xf32, #tpu.memory_space<vmem_shared>>
        tpu.enqueue_indirect_dma source(%arg9 : memref<128x128xf32, #tpu.memory_space<vmem>>) target(%dma_start3A_222 : memref<10240x128xf32, #tpu.memory_space<vmem_shared>>) offsets(%dma_start3A_219 : memref<128xi32, #tpu.memory_space<vmem>>) semaphore(%run_scoped3A_216 : memref<!tpu.dma_semaphore, #tpu.memory_space<semaphore_mem>>) {add = true}
        %dma_wait3A_223 = arith.constant 0 : i32
        %dma_wait3A_224 = tpu.memref_slice %arg8[%run_scoped3A_157, %dma_wait3A_223] : memref<8x128xi32, #tpu.memory_space<vmem>> -> memref<1x128xi32, #tpu.memory_space<vmem>>
        %dma_wait3A_225 = tpu.memref_squeeze %dma_wait3A_224 : memref<1x128xi32, #tpu.memory_space<vmem>> -> memref<128xi32, #tpu.memory_space<vmem>>
        %dma_wait3A_226 = arith.constant 0 : i32
        %dma_wait3A_227 = arith.constant 0 : i32
        %dma_wait3A_228 = tpu.memref_slice %arg11[%dma_wait3A_226, %dma_wait3A_227] : memref<10240x128xf32, #tpu.memory_space<vmem_shared>> -> memref<10240x128xf32, #tpu.memory_space<vmem_shared>>
        tpu.wait_indirect_dma semaphore(%run_scoped3A_216 : memref<!tpu.dma_semaphore, #tpu.memory_space<semaphore_mem>>) src(%arg9 : memref<128x128xf32, #tpu.memory_space<vmem>>) dst(%dma_wait3A_228 : memref<10240x128xf32, #tpu.memory_space<vmem_shared>>)
        tpu.yield
      }) : () -> ()
      %dma_start3A_158 = arith.constant 6 : i32
      %dma_start3A_159 = arith.constant 0 : i32
      %dma_start3A_160 = tpu.memref_slice %arg7[%dma_start3A_158, %dma_start3A_159] : memref<8x128xi32, #tpu.memory_space<vmem>> -> memref<1x128xi32, #tpu.memory_space<vmem>>
      %dma_start3A_161 = tpu.memref_squeeze %dma_start3A_160 : memref<1x128xi32, #tpu.memory_space<vmem>> -> memref<128xi32, #tpu.memory_space<vmem>>
      %dma_start3A_162 = arith.constant 0 : i32
      %dma_start3A_163 = arith.constant 0 : i32
      %dma_start3A_164 = tpu.memref_slice %arg2[%arg0, %dma_start3A_162, %dma_start3A_163] : memref<2x10000x128xf32, #tpu.memory_space<hbm>> -> memref<1x10000x128xf32, #tpu.memory_space<hbm>>
      %dma_start3A_165 = tpu.memref_squeeze %dma_start3A_164 : memref<1x10000x128xf32, #tpu.memory_space<hbm>> -> memref<10000x128xf32, #tpu.memory_space<hbm>>
      %dma_start3A_166 = arith.constant 0 : i32
      %dma_start3A_167 = arith.constant 0 : i32
      %dma_start3A_168 = tpu.memref_slice %dma_start3A_165[%dma_start3A_166, %dma_start3A_167] : memref<10000x128xf32, #tpu.memory_space<hbm>> -> memref<10000x128xf32, #tpu.memory_space<hbm>>
      tpu.enqueue_indirect_dma source(%dma_start3A_168 : memref<10000x128xf32, #tpu.memory_space<hbm>>) target(%arg9 : memref<128x128xf32, #tpu.memory_space<vmem>>) offsets(%dma_start3A_161 : memref<128xi32, #tpu.memory_space<vmem>>) semaphore(%arg12 : memref<!tpu.dma_semaphore, #tpu.memory_space<semaphore_mem>>)
      %dma_wait3A_169 = arith.constant 5 : i32
      %dma_wait3A_170 = arith.constant 0 : i32
      %dma_wait3A_171 = tpu.memref_slice %arg7[%dma_wait3A_169, %dma_wait3A_170] : memref<8x128xi32, #tpu.memory_space<vmem>> -> memref<1x128xi32, #tpu.memory_space<vmem>>
      %dma_wait3A_172 = tpu.memref_squeeze %dma_wait3A_171 : memref<1x128xi32, #tpu.memory_space<vmem>> -> memref<128xi32, #tpu.memory_space<vmem>>
      %dma_wait3A_173 = arith.constant 0 : i32
      %dma_wait3A_174 = arith.constant 0 : i32
      %dma_wait3A_175 = tpu.memref_slice %arg2[%arg0, %dma_wait3A_173, %dma_wait3A_174] : memref<2x10000x128xf32, #tpu.memory_space<hbm>> -> memref<1x10000x128xf32, #tpu.memory_space<hbm>>
      %dma_wait3A_176 = tpu.memref_squeeze %dma_wait3A_175 : memref<1x10000x128xf32, #tpu.memory_space<hbm>> -> memref<10000x128xf32, #tpu.memory_space<hbm>>
      %dma_wait3A_177 = arith.constant 0 : i32
      %dma_wait3A_178 = arith.constant 0 : i32
      %dma_wait3A_179 = tpu.memref_slice %dma_wait3A_176[%dma_wait3A_177, %dma_wait3A_178] : memref<10000x128xf32, #tpu.memory_space<hbm>> -> memref<10000x128xf32, #tpu.memory_space<hbm>>
      tpu.wait_indirect_dma semaphore(%arg13 : memref<!tpu.dma_semaphore, #tpu.memory_space<semaphore_mem>>) src(%dma_wait3A_179 : memref<10000x128xf32, #tpu.memory_space<hbm>>) dst(%arg10 : memref<128x128xf32, #tpu.memory_space<vmem>>)
      %run_scoped3A_180 = arith.constant 5 : i32
      "tpu.region"() ({
        %run_scoped3A_216 = tpu.sem_alloc : memref<!tpu.dma_semaphore, #tpu.memory_space<semaphore_mem>>
        %dma_start3A_217 = arith.constant 0 : i32
        %dma_start3A_218 = tpu.memref_slice %arg8[%run_scoped3A_180, %dma_start3A_217] : memref<8x128xi32, #tpu.memory_space<vmem>> -> memref<1x128xi32, #tpu.memory_space<vmem>>
        %dma_start3A_219 = tpu.memref_squeeze %dma_start3A_218 : memref<1x128xi32, #tpu.memory_space<vmem>> -> memref<128xi32, #tpu.memory_space<vmem>>
        %dma_start3A_220 = arith.constant 0 : i32
        %dma_start3A_221 = arith.constant 0 : i32
        %dma_start3A_222 = tpu.memref_slice %arg11[%dma_start3A_220, %dma_start3A_221] : memref<10240x128xf32, #tpu.memory_space<vmem_shared>> -> memref<10240x128xf32, #tpu.memory_space<vmem_shared>>
        tpu.enqueue_indirect_dma source(%arg10 : memref<128x128xf32, #tpu.memory_space<vmem>>) target(%dma_start3A_222 : memref<10240x128xf32, #tpu.memory_space<vmem_shared>>) offsets(%dma_start3A_219 : memref<128xi32, #tpu.memory_space<vmem>>) semaphore(%run_scoped3A_216 : memref<!tpu.dma_semaphore, #tpu.memory_space<semaphore_mem>>) {add = true}
        %dma_wait3A_223 = arith.constant 0 : i32
        %dma_wait3A_224 = tpu.memref_slice %arg8[%run_scoped3A_180, %dma_wait3A_223] : memref<8x128xi32, #tpu.memory_space<vmem>> -> memref<1x128xi32, #tpu.memory_space<vmem>>
        %dma_wait3A_225 = tpu.memref_squeeze %dma_wait3A_224 : memref<1x128xi32, #tpu.memory_space<vmem>> -> memref<128xi32, #tpu.memory_space<vmem>>
        %dma_wait3A_226 = arith.constant 0 : i32
        %dma_wait3A_227 = arith.constant 0 : i32
        %dma_wait3A_228 = tpu.memref_slice %arg11[%dma_wait3A_226, %dma_wait3A_227] : memref<10240x128xf32, #tpu.memory_space<vmem_shared>> -> memref<10240x128xf32, #tpu.memory_space<vmem_shared>>
        tpu.wait_indirect_dma semaphore(%run_scoped3A_216 : memref<!tpu.dma_semaphore, #tpu.memory_space<semaphore_mem>>) src(%arg10 : memref<128x128xf32, #tpu.memory_space<vmem>>) dst(%dma_wait3A_228 : memref<10240x128xf32, #tpu.memory_space<vmem_shared>>)
        tpu.yield
      }) : () -> ()
      %dma_start3A_181 = arith.constant 7 : i32
      %dma_start3A_182 = arith.constant 0 : i32
      %dma_start3A_183 = tpu.memref_slice %arg7[%dma_start3A_181, %dma_start3A_182] : memref<8x128xi32, #tpu.memory_space<vmem>> -> memref<1x128xi32, #tpu.memory_space<vmem>>
      %dma_start3A_184 = tpu.memref_squeeze %dma_start3A_183 : memref<1x128xi32, #tpu.memory_space<vmem>> -> memref<128xi32, #tpu.memory_space<vmem>>
      %dma_start3A_185 = arith.constant 0 : i32
      %dma_start3A_186 = arith.constant 0 : i32
      %dma_start3A_187 = tpu.memref_slice %arg2[%arg0, %dma_start3A_185, %dma_start3A_186] : memref<2x10000x128xf32, #tpu.memory_space<hbm>> -> memref<1x10000x128xf32, #tpu.memory_space<hbm>>
      %dma_start3A_188 = tpu.memref_squeeze %dma_start3A_187 : memref<1x10000x128xf32, #tpu.memory_space<hbm>> -> memref<10000x128xf32, #tpu.memory_space<hbm>>
      %dma_start3A_189 = arith.constant 0 : i32
      %dma_start3A_190 = arith.constant 0 : i32
      %dma_start3A_191 = tpu.memref_slice %dma_start3A_188[%dma_start3A_189, %dma_start3A_190] : memref<10000x128xf32, #tpu.memory_space<hbm>> -> memref<10000x128xf32, #tpu.memory_space<hbm>>
      tpu.enqueue_indirect_dma source(%dma_start3A_191 : memref<10000x128xf32, #tpu.memory_space<hbm>>) target(%arg10 : memref<128x128xf32, #tpu.memory_space<vmem>>) offsets(%dma_start3A_184 : memref<128xi32, #tpu.memory_space<vmem>>) semaphore(%arg13 : memref<!tpu.dma_semaphore, #tpu.memory_space<semaphore_mem>>)
      %dma_wait3A_192 = arith.constant 6 : i32
      %dma_wait3A_193 = arith.constant 0 : i32
      %dma_wait3A_194 = tpu.memref_slice %arg7[%dma_wait3A_192, %dma_wait3A_193] : memref<8x128xi32, #tpu.memory_space<vmem>> -> memref<1x128xi32, #tpu.memory_space<vmem>>
      %dma_wait3A_195 = tpu.memref_squeeze %dma_wait3A_194 : memref<1x128xi32, #tpu.memory_space<vmem>> -> memref<128xi32, #tpu.memory_space<vmem>>
      %dma_wait3A_196 = arith.constant 0 : i32
      %dma_wait3A_197 = arith.constant 0 : i32
      %dma_wait3A_198 = tpu.memref_slice %arg2[%arg0, %dma_wait3A_196, %dma_wait3A_197] : memref<2x10000x128xf32, #tpu.memory_space<hbm>> -> memref<1x10000x128xf32, #tpu.memory_space<hbm>>
      %dma_wait3A_199 = tpu.memref_squeeze %dma_wait3A_198 : memref<1x10000x128xf32, #tpu.memory_space<hbm>> -> memref<10000x128xf32, #tpu.memory_space<hbm>>
      %dma_wait3A_200 = arith.constant 0 : i32
      %dma_wait3A_201 = arith.constant 0 : i32
      %dma_wait3A_202 = tpu.memref_slice %dma_wait3A_199[%dma_wait3A_200, %dma_wait3A_201] : memref<10000x128xf32, #tpu.memory_space<hbm>> -> memref<10000x128xf32, #tpu.memory_space<hbm>>
      tpu.wait_indirect_dma semaphore(%arg12 : memref<!tpu.dma_semaphore, #tpu.memory_space<semaphore_mem>>) src(%dma_wait3A_202 : memref<10000x128xf32, #tpu.memory_space<hbm>>) dst(%arg9 : memref<128x128xf32, #tpu.memory_space<vmem>>)
      %run_scoped3A_203 = arith.constant 6 : i32
      "tpu.region"() ({
        %run_scoped3A_216 = tpu.sem_alloc : memref<!tpu.dma_semaphore, #tpu.memory_space<semaphore_mem>>
        %dma_start3A_217 = arith.constant 0 : i32
        %dma_start3A_218 = tpu.memref_slice %arg8[%run_scoped3A_203, %dma_start3A_217] : memref<8x128xi32, #tpu.memory_space<vmem>> -> memref<1x128xi32, #tpu.memory_space<vmem>>
        %dma_start3A_219 = tpu.memref_squeeze %dma_start3A_218 : memref<1x128xi32, #tpu.memory_space<vmem>> -> memref<128xi32, #tpu.memory_space<vmem>>
        %dma_start3A_220 = arith.constant 0 : i32
        %dma_start3A_221 = arith.constant 0 : i32
        %dma_start3A_222 = tpu.memref_slice %arg11[%dma_start3A_220, %dma_start3A_221] : memref<10240x128xf32, #tpu.memory_space<vmem_shared>> -> memref<10240x128xf32, #tpu.memory_space<vmem_shared>>
        tpu.enqueue_indirect_dma source(%arg9 : memref<128x128xf32, #tpu.memory_space<vmem>>) target(%dma_start3A_222 : memref<10240x128xf32, #tpu.memory_space<vmem_shared>>) offsets(%dma_start3A_219 : memref<128xi32, #tpu.memory_space<vmem>>) semaphore(%run_scoped3A_216 : memref<!tpu.dma_semaphore, #tpu.memory_space<semaphore_mem>>) {add = true}
        %dma_wait3A_223 = arith.constant 0 : i32
        %dma_wait3A_224 = tpu.memref_slice %arg8[%run_scoped3A_203, %dma_wait3A_223] : memref<8x128xi32, #tpu.memory_space<vmem>> -> memref<1x128xi32, #tpu.memory_space<vmem>>
        %dma_wait3A_225 = tpu.memref_squeeze %dma_wait3A_224 : memref<1x128xi32, #tpu.memory_space<vmem>> -> memref<128xi32, #tpu.memory_space<vmem>>
        %dma_wait3A_226 = arith.constant 0 : i32
        %dma_wait3A_227 = arith.constant 0 : i32
        %dma_wait3A_228 = tpu.memref_slice %arg11[%dma_wait3A_226, %dma_wait3A_227] : memref<10240x128xf32, #tpu.memory_space<vmem_shared>> -> memref<10240x128xf32, #tpu.memory_space<vmem_shared>>
        tpu.wait_indirect_dma semaphore(%run_scoped3A_216 : memref<!tpu.dma_semaphore, #tpu.memory_space<semaphore_mem>>) src(%arg9 : memref<128x128xf32, #tpu.memory_space<vmem>>) dst(%dma_wait3A_228 : memref<10240x128xf32, #tpu.memory_space<vmem_shared>>)
        tpu.yield
      }) : () -> ()
      %dma_wait3A_204 = arith.constant 7 : i32
      %dma_wait3A_205 = arith.constant 0 : i32
      %dma_wait3A_206 = tpu.memref_slice %arg7[%dma_wait3A_204, %dma_wait3A_205] : memref<8x128xi32, #tpu.memory_space<vmem>> -> memref<1x128xi32, #tpu.memory_space<vmem>>
      %dma_wait3A_207 = tpu.memref_squeeze %dma_wait3A_206 : memref<1x128xi32, #tpu.memory_space<vmem>> -> memref<128xi32, #tpu.memory_space<vmem>>
      %dma_wait3A_208 = arith.constant 0 : i32
      %dma_wait3A_209 = arith.constant 0 : i32
      %dma_wait3A_210 = tpu.memref_slice %arg2[%arg0, %dma_wait3A_208, %dma_wait3A_209] : memref<2x10000x128xf32, #tpu.memory_space<hbm>> -> memref<1x10000x128xf32, #tpu.memory_space<hbm>>
      %dma_wait3A_211 = tpu.memref_squeeze %dma_wait3A_210 : memref<1x10000x128xf32, #tpu.memory_space<hbm>> -> memref<10000x128xf32, #tpu.memory_space<hbm>>
      %dma_wait3A_212 = arith.constant 0 : i32
      %dma_wait3A_213 = arith.constant 0 : i32
      %dma_wait3A_214 = tpu.memref_slice %dma_wait3A_211[%dma_wait3A_212, %dma_wait3A_213] : memref<10000x128xf32, #tpu.memory_space<hbm>> -> memref<10000x128xf32, #tpu.memory_space<hbm>>
      tpu.wait_indirect_dma semaphore(%arg13 : memref<!tpu.dma_semaphore, #tpu.memory_space<semaphore_mem>>) src(%dma_wait3A_214 : memref<10000x128xf32, #tpu.memory_space<hbm>>) dst(%arg10 : memref<128x128xf32, #tpu.memory_space<vmem>>)
      %run_scoped3A_215 = arith.constant 7 : i32
      "tpu.region"() ({
        %run_scoped3A_216 = tpu.sem_alloc : memref<!tpu.dma_semaphore, #tpu.memory_space<semaphore_mem>>
        %dma_start3A_217 = arith.constant 0 : i32
        %dma_start3A_218 = tpu.memref_slice %arg8[%run_scoped3A_215, %dma_start3A_217] : memref<8x128xi32, #tpu.memory_space<vmem>> -> memref<1x128xi32, #tpu.memory_space<vmem>>
        %dma_start3A_219 = tpu.memref_squeeze %dma_start3A_218 : memref<1x128xi32, #tpu.memory_space<vmem>> -> memref<128xi32, #tpu.memory_space<vmem>>
        %dma_start3A_220 = arith.constant 0 : i32
        %dma_start3A_221 = arith.constant 0 : i32
        %dma_start3A_222 = tpu.memref_slice %arg11[%dma_start3A_220, %dma_start3A_221] : memref<10240x128xf32, #tpu.memory_space<vmem_shared>> -> memref<10240x128xf32, #tpu.memory_space<vmem_shared>>
        tpu.enqueue_indirect_dma source(%arg10 : memref<128x128xf32, #tpu.memory_space<vmem>>) target(%dma_start3A_222 : memref<10240x128xf32, #tpu.memory_space<vmem_shared>>) offsets(%dma_start3A_219 : memref<128xi32, #tpu.memory_space<vmem>>) semaphore(%run_scoped3A_216 : memref<!tpu.dma_semaphore, #tpu.memory_space<semaphore_mem>>) {add = true}
        %dma_wait3A_223 = arith.constant 0 : i32
        %dma_wait3A_224 = tpu.memref_slice %arg8[%run_scoped3A_215, %dma_wait3A_223] : memref<8x128xi32, #tpu.memory_space<vmem>> -> memref<1x128xi32, #tpu.memory_space<vmem>>
        %dma_wait3A_225 = tpu.memref_squeeze %dma_wait3A_224 : memref<1x128xi32, #tpu.memory_space<vmem>> -> memref<128xi32, #tpu.memory_space<vmem>>
        %dma_wait3A_226 = arith.constant 0 : i32
        %dma_wait3A_227 = arith.constant 0 : i32
        %dma_wait3A_228 = tpu.memref_slice %arg11[%dma_wait3A_226, %dma_wait3A_227] : memref<10240x128xf32, #tpu.memory_space<vmem_shared>> -> memref<10240x128xf32, #tpu.memory_space<vmem_shared>>
        tpu.wait_indirect_dma semaphore(%run_scoped3A_216 : memref<!tpu.dma_semaphore, #tpu.memory_space<semaphore_mem>>) src(%arg10 : memref<128x128xf32, #tpu.memory_space<vmem>>) dst(%dma_wait3A_228 : memref<10240x128xf32, #tpu.memory_space<vmem_shared>>)
        tpu.yield
      }) : () -> ()
    }
    %scan3A_16 = arith.constant 10 : i32
    %barrier3A_17 = arith.constant 0 : index
    tpu.barrier barrier_id(%barrier3A_17)
    %add3A_18 = arith.constant 0 : i32
    %add3A_19 = arith.addi %mul3A_2, %add3A_18 : i32
    "tpu.region"() ({
      %run_scoped3A = tpu.sem_alloc : memref<!tpu.dma_semaphore, #tpu.memory_space<semaphore_mem>>
      %dma_start3A = arith.constant 0 : i32
      %dma_start3A_28 = tpu.memref_slice %arg11[%add3A_19, %dma_start3A] : memref<10240x128xf32, #tpu.memory_space<vmem_shared>> -> memref<128x128xf32, #tpu.memory_space<vmem_shared>>
      %dma_start3A_29 = arith.constant 0 : i32
      %dma_start3A_30 = tpu.memref_slice %arg11[%add3A_19, %dma_start3A_29] : memref<10240x128xf32, #tpu.memory_space<vmem_shared>> -> memref<128x128xf32, #tpu.memory_space<vmem_shared>>
      tpu.enqueue_dma source(%dma_start3A_30 : memref<128x128xf32, #tpu.memory_space<vmem_shared>>) target(%arg9 : memref<128x128xf32, #tpu.memory_space<vmem>>) target_semaphore(%run_scoped3A : memref<!tpu.dma_semaphore, #tpu.memory_space<semaphore_mem>>)
      %dma_wait3A = arith.constant 0 : i32
      %dma_wait3A_31 = tpu.memref_slice %arg11[%add3A_19, %dma_wait3A] : memref<10240x128xf32, #tpu.memory_space<vmem_shared>> -> memref<128x128xf32, #tpu.memory_space<vmem_shared>>
      %dma_wait3A_32 = arith.constant 0 : i32
      %dma_wait3A_33 = tpu.memref_slice %arg11[%add3A_19, %dma_wait3A_32] : memref<10240x128xf32, #tpu.memory_space<vmem_shared>> -> memref<128x128xf32, #tpu.memory_space<vmem_shared>>
      tpu.wait_dma2 semaphore(%run_scoped3A : memref<!tpu.dma_semaphore, #tpu.memory_space<semaphore_mem>>) src(%dma_wait3A_33 : memref<128x128xf32, #tpu.memory_space<vmem_shared>>) dst(%arg9 : memref<128x128xf32, #tpu.memory_space<vmem>>)
      tpu.yield
    }) : () -> ()
    "tpu.region"() ({
      %run_scoped3A = tpu.sem_alloc : memref<!tpu.dma_semaphore, #tpu.memory_space<semaphore_mem>>
      %dma_start3A = arith.constant 0 : i32
      %dma_start3A_28 = tpu.memref_slice %arg6[%arg0, %add3A_19, %dma_start3A] : memref<2x10240x128xf32, #tpu.memory_space<hbm>> -> memref<1x128x128xf32, #tpu.memory_space<hbm>>
      %dma_start3A_29 = tpu.memref_squeeze %dma_start3A_28 : memref<1x128x128xf32, #tpu.memory_space<hbm>> -> memref<128x128xf32, #tpu.memory_space<hbm>>
      %dma_start3A_30 = arith.constant 0 : i32
      %dma_start3A_31 = tpu.memref_slice %arg6[%arg0, %add3A_19, %dma_start3A_30] : memref<2x10240x128xf32, #tpu.memory_space<hbm>> -> memref<1x128x128xf32, #tpu.memory_space<hbm>>
      %dma_start3A_32 = tpu.memref_squeeze %dma_start3A_31 : memref<1x128x128xf32, #tpu.memory_space<hbm>> -> memref<128x128xf32, #tpu.memory_space<hbm>>
      tpu.enqueue_dma source(%arg9 : memref<128x128xf32, #tpu.memory_space<vmem>>) target(%dma_start3A_32 : memref<128x128xf32, #tpu.memory_space<hbm>>) target_semaphore(%run_scoped3A : memref<!tpu.dma_semaphore, #tpu.memory_space<semaphore_mem>>)
      %dma_wait3A = arith.constant 0 : i32
      %dma_wait3A_33 = tpu.memref_slice %arg6[%arg0, %add3A_19, %dma_wait3A] : memref<2x10240x128xf32, #tpu.memory_space<hbm>> -> memref<1x128x128xf32, #tpu.memory_space<hbm>>
      %dma_wait3A_34 = tpu.memref_squeeze %dma_wait3A_33 : memref<1x128x128xf32, #tpu.memory_space<hbm>> -> memref<128x128xf32, #tpu.memory_space<hbm>>
      %dma_wait3A_35 = arith.constant 0 : i32
      %dma_wait3A_36 = tpu.memref_slice %arg6[%arg0, %add3A_19, %dma_wait3A_35] : memref<2x10240x128xf32, #tpu.memory_space<hbm>> -> memref<1x128x128xf32, #tpu.memory_space<hbm>>
      %dma_wait3A_37 = tpu.memref_squeeze %dma_wait3A_36 : memref<1x128x128xf32, #tpu.memory_space<hbm>> -> memref<128x128xf32, #tpu.memory_space<hbm>>
      tpu.wait_dma2 semaphore(%run_scoped3A : memref<!tpu.dma_semaphore, #tpu.memory_space<semaphore_mem>>) src(%arg9 : memref<128x128xf32, #tpu.memory_space<vmem>>) dst(%dma_wait3A_37 : memref<128x128xf32, #tpu.memory_space<hbm>>)
      tpu.yield
    }) : () -> ()
    %add3A_20 = arith.constant 128 : i32
    %add3A_21 = arith.addi %mul3A_2, %add3A_20 : i32
    "tpu.region"() ({
      %run_scoped3A = tpu.sem_alloc : memref<!tpu.dma_semaphore, #tpu.memory_space<semaphore_mem>>
      %dma_start3A = arith.constant 0 : i32
      %dma_start3A_28 = tpu.memref_slice %arg11[%add3A_21, %dma_start3A] : memref<10240x128xf32, #tpu.memory_space<vmem_shared>> -> memref<128x128xf32, #tpu.memory_space<vmem_shared>>
      %dma_start3A_29 = arith.constant 0 : i32
      %dma_start3A_30 = tpu.memref_slice %arg11[%add3A_21, %dma_start3A_29] : memref<10240x128xf32, #tpu.memory_space<vmem_shared>> -> memref<128x128xf32, #tpu.memory_space<vmem_shared>>
      tpu.enqueue_dma source(%dma_start3A_30 : memref<128x128xf32, #tpu.memory_space<vmem_shared>>) target(%arg9 : memref<128x128xf32, #tpu.memory_space<vmem>>) target_semaphore(%run_scoped3A : memref<!tpu.dma_semaphore, #tpu.memory_space<semaphore_mem>>)
      %dma_wait3A = arith.constant 0 : i32
      %dma_wait3A_31 = tpu.memref_slice %arg11[%add3A_21, %dma_wait3A] : memref<10240x128xf32, #tpu.memory_space<vmem_shared>> -> memref<128x128xf32, #tpu.memory_space<vmem_shared>>
      %dma_wait3A_32 = arith.constant 0 : i32
      %dma_wait3A_33 = tpu.memref_slice %arg11[%add3A_21, %dma_wait3A_32] : memref<10240x128xf32, #tpu.memory_space<vmem_shared>> -> memref<128x128xf32, #tpu.memory_space<vmem_shared>>
      tpu.wait_dma2 semaphore(%run_scoped3A : memref<!tpu.dma_semaphore, #tpu.memory_space<semaphore_mem>>) src(%dma_wait3A_33 : memref<128x128xf32, #tpu.memory_space<vmem_shared>>) dst(%arg9 : memref<128x128xf32, #tpu.memory_space<vmem>>)
      tpu.yield
    }) : () -> ()
    "tpu.region"() ({
      %run_scoped3A = tpu.sem_alloc : memref<!tpu.dma_semaphore, #tpu.memory_space<semaphore_mem>>
      %dma_start3A = arith.constant 0 : i32
      %dma_start3A_28 = tpu.memref_slice %arg6[%arg0, %add3A_21, %dma_start3A] : memref<2x10240x128xf32, #tpu.memory_space<hbm>> -> memref<1x128x128xf32, #tpu.memory_space<hbm>>
      %dma_start3A_29 = tpu.memref_squeeze %dma_start3A_28 : memref<1x128x128xf32, #tpu.memory_space<hbm>> -> memref<128x128xf32, #tpu.memory_space<hbm>>
      %dma_start3A_30 = arith.constant 0 : i32
      %dma_start3A_31 = tpu.memref_slice %arg6[%arg0, %add3A_21, %dma_start3A_30] : memref<2x10240x128xf32, #tpu.memory_space<hbm>> -> memref<1x128x128xf32, #tpu.memory_space<hbm>>
      %dma_start3A_32 = tpu.memref_squeeze %dma_start3A_31 : memref<1x128x128xf32, #tpu.memory_space<hbm>> -> memref<128x128xf32, #tpu.memory_space<hbm>>
      tpu.enqueue_dma source(%arg9 : memref<128x128xf32, #tpu.memory_space<vmem>>) target(%dma_start3A_32 : memref<128x128xf32, #tpu.memory_space<hbm>>) target_semaphore(%run_scoped3A : memref<!tpu.dma_semaphore, #tpu.memory_space<semaphore_mem>>)
      %dma_wait3A = arith.constant 0 : i32
      %dma_wait3A_33 = tpu.memref_slice %arg6[%arg0, %add3A_21, %dma_wait3A] : memref<2x10240x128xf32, #tpu.memory_space<hbm>> -> memref<1x128x128xf32, #tpu.memory_space<hbm>>
      %dma_wait3A_34 = tpu.memref_squeeze %dma_wait3A_33 : memref<1x128x128xf32, #tpu.memory_space<hbm>> -> memref<128x128xf32, #tpu.memory_space<hbm>>
      %dma_wait3A_35 = arith.constant 0 : i32
      %dma_wait3A_36 = tpu.memref_slice %arg6[%arg0, %add3A_21, %dma_wait3A_35] : memref<2x10240x128xf32, #tpu.memory_space<hbm>> -> memref<1x128x128xf32, #tpu.memory_space<hbm>>
      %dma_wait3A_37 = tpu.memref_squeeze %dma_wait3A_36 : memref<1x128x128xf32, #tpu.memory_space<hbm>> -> memref<128x128xf32, #tpu.memory_space<hbm>>
      tpu.wait_dma2 semaphore(%run_scoped3A : memref<!tpu.dma_semaphore, #tpu.memory_space<semaphore_mem>>) src(%arg9 : memref<128x128xf32, #tpu.memory_space<vmem>>) dst(%dma_wait3A_37 : memref<128x128xf32, #tpu.memory_space<hbm>>)
      tpu.yield
    }) : () -> ()
    %add3A_22 = arith.constant 256 : i32
    %add3A_23 = arith.addi %mul3A_2, %add3A_22 : i32
    "tpu.region"() ({
      %run_scoped3A = tpu.sem_alloc : memref<!tpu.dma_semaphore, #tpu.memory_space<semaphore_mem>>
      %dma_start3A = arith.constant 0 : i32
      %dma_start3A_28 = tpu.memref_slice %arg11[%add3A_23, %dma_start3A] : memref<10240x128xf32, #tpu.memory_space<vmem_shared>> -> memref<128x128xf32, #tpu.memory_space<vmem_shared>>
      %dma_start3A_29 = arith.constant 0 : i32
      %dma_start3A_30 = tpu.memref_slice %arg11[%add3A_23, %dma_start3A_29] : memref<10240x128xf32, #tpu.memory_space<vmem_shared>> -> memref<128x128xf32, #tpu.memory_space<vmem_shared>>
      tpu.enqueue_dma source(%dma_start3A_30 : memref<128x128xf32, #tpu.memory_space<vmem_shared>>) target(%arg9 : memref<128x128xf32, #tpu.memory_space<vmem>>) target_semaphore(%run_scoped3A : memref<!tpu.dma_semaphore, #tpu.memory_space<semaphore_mem>>)
      %dma_wait3A = arith.constant 0 : i32
      %dma_wait3A_31 = tpu.memref_slice %arg11[%add3A_23, %dma_wait3A] : memref<10240x128xf32, #tpu.memory_space<vmem_shared>> -> memref<128x128xf32, #tpu.memory_space<vmem_shared>>
      %dma_wait3A_32 = arith.constant 0 : i32
      %dma_wait3A_33 = tpu.memref_slice %arg11[%add3A_23, %dma_wait3A_32] : memref<10240x128xf32, #tpu.memory_space<vmem_shared>> -> memref<128x128xf32, #tpu.memory_space<vmem_shared>>
      tpu.wait_dma2 semaphore(%run_scoped3A : memref<!tpu.dma_semaphore, #tpu.memory_space<semaphore_mem>>) src(%dma_wait3A_33 : memref<128x128xf32, #tpu.memory_space<vmem_shared>>) dst(%arg9 : memref<128x128xf32, #tpu.memory_space<vmem>>)
      tpu.yield
    }) : () -> ()
    "tpu.region"() ({
      %run_scoped3A = tpu.sem_alloc : memref<!tpu.dma_semaphore, #tpu.memory_space<semaphore_mem>>
      %dma_start3A = arith.constant 0 : i32
      %dma_start3A_28 = tpu.memref_slice %arg6[%arg0, %add3A_23, %dma_start3A] : memref<2x10240x128xf32, #tpu.memory_space<hbm>> -> memref<1x128x128xf32, #tpu.memory_space<hbm>>
      %dma_start3A_29 = tpu.memref_squeeze %dma_start3A_28 : memref<1x128x128xf32, #tpu.memory_space<hbm>> -> memref<128x128xf32, #tpu.memory_space<hbm>>
      %dma_start3A_30 = arith.constant 0 : i32
      %dma_start3A_31 = tpu.memref_slice %arg6[%arg0, %add3A_23, %dma_start3A_30] : memref<2x10240x128xf32, #tpu.memory_space<hbm>> -> memref<1x128x128xf32, #tpu.memory_space<hbm>>
      %dma_start3A_32 = tpu.memref_squeeze %dma_start3A_31 : memref<1x128x128xf32, #tpu.memory_space<hbm>> -> memref<128x128xf32, #tpu.memory_space<hbm>>
      tpu.enqueue_dma source(%arg9 : memref<128x128xf32, #tpu.memory_space<vmem>>) target(%dma_start3A_32 : memref<128x128xf32, #tpu.memory_space<hbm>>) target_semaphore(%run_scoped3A : memref<!tpu.dma_semaphore, #tpu.memory_space<semaphore_mem>>)
      %dma_wait3A = arith.constant 0 : i32
      %dma_wait3A_33 = tpu.memref_slice %arg6[%arg0, %add3A_23, %dma_wait3A] : memref<2x10240x128xf32, #tpu.memory_space<hbm>> -> memref<1x128x128xf32, #tpu.memory_space<hbm>>
      %dma_wait3A_34 = tpu.memref_squeeze %dma_wait3A_33 : memref<1x128x128xf32, #tpu.memory_space<hbm>> -> memref<128x128xf32, #tpu.memory_space<hbm>>
      %dma_wait3A_35 = arith.constant 0 : i32
      %dma_wait3A_36 = tpu.memref_slice %arg6[%arg0, %add3A_23, %dma_wait3A_35] : memref<2x10240x128xf32, #tpu.memory_space<hbm>> -> memref<1x128x128xf32, #tpu.memory_space<hbm>>
      %dma_wait3A_37 = tpu.memref_squeeze %dma_wait3A_36 : memref<1x128x128xf32, #tpu.memory_space<hbm>> -> memref<128x128xf32, #tpu.memory_space<hbm>>
      tpu.wait_dma2 semaphore(%run_scoped3A : memref<!tpu.dma_semaphore, #tpu.memory_space<semaphore_mem>>) src(%arg9 : memref<128x128xf32, #tpu.memory_space<vmem>>) dst(%dma_wait3A_37 : memref<128x128xf32, #tpu.memory_space<hbm>>)
      tpu.yield
    }) : () -> ()
    %add3A_24 = arith.constant 384 : i32
    %add3A_25 = arith.addi %mul3A_2, %add3A_24 : i32
    "tpu.region"() ({
      %run_scoped3A = tpu.sem_alloc : memref<!tpu.dma_semaphore, #tpu.memory_space<semaphore_mem>>
      %dma_start3A = arith.constant 0 : i32
      %dma_start3A_28 = tpu.memref_slice %arg11[%add3A_25, %dma_start3A] : memref<10240x128xf32, #tpu.memory_space<vmem_shared>> -> memref<128x128xf32, #tpu.memory_space<vmem_shared>>
      %dma_start3A_29 = arith.constant 0 : i32
      %dma_start3A_30 = tpu.memref_slice %arg11[%add3A_25, %dma_start3A_29] : memref<10240x128xf32, #tpu.memory_space<vmem_shared>> -> memref<128x128xf32, #tpu.memory_space<vmem_shared>>
      tpu.enqueue_dma source(%dma_start3A_30 : memref<128x128xf32, #tpu.memory_space<vmem_shared>>) target(%arg9 : memref<128x128xf32, #tpu.memory_space<vmem>>) target_semaphore(%run_scoped3A : memref<!tpu.dma_semaphore, #tpu.memory_space<semaphore_mem>>)
      %dma_wait3A = arith.constant 0 : i32
      %dma_wait3A_31 = tpu.memref_slice %arg11[%add3A_25, %dma_wait3A] : memref<10240x128xf32, #tpu.memory_space<vmem_shared>> -> memref<128x128xf32, #tpu.memory_space<vmem_shared>>
      %dma_wait3A_32 = arith.constant 0 : i32
      %dma_wait3A_33 = tpu.memref_slice %arg11[%add3A_25, %dma_wait3A_32] : memref<10240x128xf32, #tpu.memory_space<vmem_shared>> -> memref<128x128xf32, #tpu.memory_space<vmem_shared>>
      tpu.wait_dma2 semaphore(%run_scoped3A : memref<!tpu.dma_semaphore, #tpu.memory_space<semaphore_mem>>) src(%dma_wait3A_33 : memref<128x128xf32, #tpu.memory_space<vmem_shared>>) dst(%arg9 : memref<128x128xf32, #tpu.memory_space<vmem>>)
      tpu.yield
    }) : () -> ()
    "tpu.region"() ({
      %run_scoped3A = tpu.sem_alloc : memref<!tpu.dma_semaphore, #tpu.memory_space<semaphore_mem>>
      %dma_start3A = arith.constant 0 : i32
      %dma_start3A_28 = tpu.memref_slice %arg6[%arg0, %add3A_25, %dma_start3A] : memref<2x10240x128xf32, #tpu.memory_space<hbm>> -> memref<1x128x128xf32, #tpu.memory_space<hbm>>
      %dma_start3A_29 = tpu.memref_squeeze %dma_start3A_28 : memref<1x128x128xf32, #tpu.memory_space<hbm>> -> memref<128x128xf32, #tpu.memory_space<hbm>>
      %dma_start3A_30 = arith.constant 0 : i32
      %dma_start3A_31 = tpu.memref_slice %arg6[%arg0, %add3A_25, %dma_start3A_30] : memref<2x10240x128xf32, #tpu.memory_space<hbm>> -> memref<1x128x128xf32, #tpu.memory_space<hbm>>
      %dma_start3A_32 = tpu.memref_squeeze %dma_start3A_31 : memref<1x128x128xf32, #tpu.memory_space<hbm>> -> memref<128x128xf32, #tpu.memory_space<hbm>>
      tpu.enqueue_dma source(%arg9 : memref<128x128xf32, #tpu.memory_space<vmem>>) target(%dma_start3A_32 : memref<128x128xf32, #tpu.memory_space<hbm>>) target_semaphore(%run_scoped3A : memref<!tpu.dma_semaphore, #tpu.memory_space<semaphore_mem>>)
      %dma_wait3A = arith.constant 0 : i32
      %dma_wait3A_33 = tpu.memref_slice %arg6[%arg0, %add3A_25, %dma_wait3A] : memref<2x10240x128xf32, #tpu.memory_space<hbm>> -> memref<1x128x128xf32, #tpu.memory_space<hbm>>
      %dma_wait3A_34 = tpu.memref_squeeze %dma_wait3A_33 : memref<1x128x128xf32, #tpu.memory_space<hbm>> -> memref<128x128xf32, #tpu.memory_space<hbm>>
      %dma_wait3A_35 = arith.constant 0 : i32
      %dma_wait3A_36 = tpu.memref_slice %arg6[%arg0, %add3A_25, %dma_wait3A_35] : memref<2x10240x128xf32, #tpu.memory_space<hbm>> -> memref<1x128x128xf32, #tpu.memory_space<hbm>>
      %dma_wait3A_37 = tpu.memref_squeeze %dma_wait3A_36 : memref<1x128x128xf32, #tpu.memory_space<hbm>> -> memref<128x128xf32, #tpu.memory_space<hbm>>
      tpu.wait_dma2 semaphore(%run_scoped3A : memref<!tpu.dma_semaphore, #tpu.memory_space<semaphore_mem>>) src(%arg9 : memref<128x128xf32, #tpu.memory_space<vmem>>) dst(%dma_wait3A_37 : memref<128x128xf32, #tpu.memory_space<hbm>>)
      tpu.yield
    }) : () -> ()
    %add3A_26 = arith.constant 512 : i32
    %add3A_27 = arith.addi %mul3A_2, %add3A_26 : i32
    "tpu.region"() ({
      %run_scoped3A = tpu.sem_alloc : memref<!tpu.dma_semaphore, #tpu.memory_space<semaphore_mem>>
      %dma_start3A = arith.constant 0 : i32
      %dma_start3A_28 = tpu.memref_slice %arg11[%add3A_27, %dma_start3A] : memref<10240x128xf32, #tpu.memory_space<vmem_shared>> -> memref<128x128xf32, #tpu.memory_space<vmem_shared>>
      %dma_start3A_29 = arith.constant 0 : i32
      %dma_start3A_30 = tpu.memref_slice %arg11[%add3A_27, %dma_start3A_29] : memref<10240x128xf32, #tpu.memory_space<vmem_shared>> -> memref<128x128xf32, #tpu.memory_space<vmem_shared>>
      tpu.enqueue_dma source(%dma_start3A_30 : memref<128x128xf32, #tpu.memory_space<vmem_shared>>) target(%arg9 : memref<128x128xf32, #tpu.memory_space<vmem>>) target_semaphore(%run_scoped3A : memref<!tpu.dma_semaphore, #tpu.memory_space<semaphore_mem>>)
      %dma_wait3A = arith.constant 0 : i32
      %dma_wait3A_31 = tpu.memref_slice %arg11[%add3A_27, %dma_wait3A] : memref<10240x128xf32, #tpu.memory_space<vmem_shared>> -> memref<128x128xf32, #tpu.memory_space<vmem_shared>>
      %dma_wait3A_32 = arith.constant 0 : i32
      %dma_wait3A_33 = tpu.memref_slice %arg11[%add3A_27, %dma_wait3A_32] : memref<10240x128xf32, #tpu.memory_space<vmem_shared>> -> memref<128x128xf32, #tpu.memory_space<vmem_shared>>
      tpu.wait_dma2 semaphore(%run_scoped3A : memref<!tpu.dma_semaphore, #tpu.memory_space<semaphore_mem>>) src(%dma_wait3A_33 : memref<128x128xf32, #tpu.memory_space<vmem_shared>>) dst(%arg9 : memref<128x128xf32, #tpu.memory_space<vmem>>)
      tpu.yield
    }) : () -> ()
    "tpu.region"() ({
      %run_scoped3A = tpu.sem_alloc : memref<!tpu.dma_semaphore, #tpu.memory_space<semaphore_mem>>
      %dma_start3A = arith.constant 0 : i32
      %dma_start3A_28 = tpu.memref_slice %arg6[%arg0, %add3A_27, %dma_start3A] : memref<2x10240x128xf32, #tpu.memory_space<hbm>> -> memref<1x128x128xf32, #tpu.memory_space<hbm>>
      %dma_start3A_29 = tpu.memref_squeeze %dma_start3A_28 : memref<1x128x128xf32, #tpu.memory_space<hbm>> -> memref<128x128xf32, #tpu.memory_space<hbm>>
      %dma_start3A_30 = arith.constant 0 : i32
      %dma_start3A_31 = tpu.memref_slice %arg6[%arg0, %add3A_27, %dma_start3A_30] : memref<2x10240x128xf32, #tpu.memory_space<hbm>> -> memref<1x128x128xf32, #tpu.memory_space<hbm>>
      %dma_start3A_32 = tpu.memref_squeeze %dma_start3A_31 : memref<1x128x128xf32, #tpu.memory_space<hbm>> -> memref<128x128xf32, #tpu.memory_space<hbm>>
      tpu.enqueue_dma source(%arg9 : memref<128x128xf32, #tpu.memory_space<vmem>>) target(%dma_start3A_32 : memref<128x128xf32, #tpu.memory_space<hbm>>) target_semaphore(%run_scoped3A : memref<!tpu.dma_semaphore, #tpu.memory_space<semaphore_mem>>)
      %dma_wait3A = arith.constant 0 : i32
      %dma_wait3A_33 = tpu.memref_slice %arg6[%arg0, %add3A_27, %dma_wait3A] : memref<2x10240x128xf32, #tpu.memory_space<hbm>> -> memref<1x128x128xf32, #tpu.memory_space<hbm>>
      %dma_wait3A_34 = tpu.memref_squeeze %dma_wait3A_33 : memref<1x128x128xf32, #tpu.memory_space<hbm>> -> memref<128x128xf32, #tpu.memory_space<hbm>>
      %dma_wait3A_35 = arith.constant 0 : i32
      %dma_wait3A_36 = tpu.memref_slice %arg6[%arg0, %add3A_27, %dma_wait3A_35] : memref<2x10240x128xf32, #tpu.memory_space<hbm>> -> memref<1x128x128xf32, #tpu.memory_space<hbm>>
      %dma_wait3A_37 = tpu.memref_squeeze %dma_wait3A_36 : memref<1x128x128xf32, #tpu.memory_space<hbm>> -> memref<128x128xf32, #tpu.memory_space<hbm>>
      tpu.wait_dma2 semaphore(%run_scoped3A : memref<!tpu.dma_semaphore, #tpu.memory_space<semaphore_mem>>) src(%arg9 : memref<128x128xf32, #tpu.memory_space<vmem>>) dst(%dma_wait3A_37 : memref<128x128xf32, #tpu.memory_space<hbm>>)
      tpu.yield
    }) : () -> ()
    return
  }
}

#map = affine_map<(d0, d1) -> (0, 0, 0)>
#map1 = affine_map<(d0, d1) -> (0, 0)>
module attributes {stable_mosaic.version = 14 : i64} {
  func.func @body(%arg0: i32, %arg1: i32, %arg2: memref<32x80x128xi32, #tpu.memory_space<hbm>>, %arg3: memref<10240x128xf32, #tpu.memory_space<hbm>>, %arg4: memref<128x128xf32, #tpu.memory_space<hbm>>, %arg5: memref<2x10240x128xf32, #tpu.memory_space<hbm>>, %arg6: memref<8x128xi32, #tpu.memory_space<vmem>>, %arg7: memref<128x128xf32, #tpu.memory_space<vmem>>, %arg8: memref<128x128xf32, #tpu.memory_space<vmem>>, %arg9: memref<10240x128xf32, #tpu.memory_space<vmem_shared>>) attributes {dimension_semantics = [#tpu.dimension_semantics<core_parallel>, #tpu.dimension_semantics<subcore_parallel>], iteration_bounds = array<i64: 2, 16>, scalar_prefetch = 0 : i64, scratch_operands = 4 : i64, tpu.core_type = #tpu.core_type<sc_vector_subcore>, window_params = [{transform_indices = #map}, {transform_indices = #map1}, {transform_indices = #map1}, {transform_indices = #map}]} {
    %mul3A = arith.constant 2 : i32
    %mul3A_0 = arith.muli %arg1, %mul3A : i32
    %add3A = arith.addi %mul3A_0, %arg0 : i32
    %mul3A_1 = arith.constant 640 : i32
    %mul3A_2 = arith.muli %arg1, %mul3A_1 : i32
    "tpu.region"() ({
      %run_scoped3A = tpu.sem_alloc : memref<!tpu.dma_semaphore, #tpu.memory_space<semaphore_mem>>
      %dma_start3A = arith.constant 0 : i32
      %dma_start3A_73 = arith.constant 0 : i32
      %dma_start3A_74 = tpu.memref_slice %arg3[%dma_start3A, %dma_start3A_73] : memref<10240x128xf32, #tpu.memory_space<hbm>> -> memref<128x128xf32, #tpu.memory_space<hbm>>
      %dma_start3A_75 = arith.constant 0 : i32
      %dma_start3A_76 = arith.constant 0 : i32
      %dma_start3A_77 = tpu.memref_slice %arg3[%dma_start3A_75, %dma_start3A_76] : memref<10240x128xf32, #tpu.memory_space<hbm>> -> memref<128x128xf32, #tpu.memory_space<hbm>>
      tpu.enqueue_dma source(%dma_start3A_77 : memref<128x128xf32, #tpu.memory_space<hbm>>) target(%arg7 : memref<128x128xf32, #tpu.memory_space<vmem>>) target_semaphore(%run_scoped3A : memref<!tpu.dma_semaphore, #tpu.memory_space<semaphore_mem>>)
      %dma_wait3A = arith.constant 0 : i32
      %dma_wait3A_78 = arith.constant 0 : i32
      %dma_wait3A_79 = tpu.memref_slice %arg3[%dma_wait3A, %dma_wait3A_78] : memref<10240x128xf32, #tpu.memory_space<hbm>> -> memref<128x128xf32, #tpu.memory_space<hbm>>
      %dma_wait3A_80 = arith.constant 0 : i32
      %dma_wait3A_81 = arith.constant 0 : i32
      %dma_wait3A_82 = tpu.memref_slice %arg3[%dma_wait3A_80, %dma_wait3A_81] : memref<10240x128xf32, #tpu.memory_space<hbm>> -> memref<128x128xf32, #tpu.memory_space<hbm>>
      tpu.wait_dma2 semaphore(%run_scoped3A : memref<!tpu.dma_semaphore, #tpu.memory_space<semaphore_mem>>) src(%dma_wait3A_82 : memref<128x128xf32, #tpu.memory_space<hbm>>) dst(%arg7 : memref<128x128xf32, #tpu.memory_space<vmem>>)
      tpu.yield
    }) : () -> ()
    %add3A_3 = arith.constant 0 : i32
    %add3A_4 = arith.addi %mul3A_2, %add3A_3 : i32
    "tpu.region"() ({
      %run_scoped3A = tpu.sem_alloc : memref<!tpu.dma_semaphore, #tpu.memory_space<semaphore_mem>>
      %dma_start3A = arith.constant 0 : i32
      %dma_start3A_73 = tpu.memref_slice %arg9[%add3A_4, %dma_start3A] : memref<10240x128xf32, #tpu.memory_space<vmem_shared>> -> memref<128x128xf32, #tpu.memory_space<vmem_shared>>
      %dma_start3A_74 = arith.constant 0 : i32
      %dma_start3A_75 = tpu.memref_slice %arg9[%add3A_4, %dma_start3A_74] : memref<10240x128xf32, #tpu.memory_space<vmem_shared>> -> memref<128x128xf32, #tpu.memory_space<vmem_shared>>
      tpu.enqueue_dma source(%arg7 : memref<128x128xf32, #tpu.memory_space<vmem>>) target(%dma_start3A_75 : memref<128x128xf32, #tpu.memory_space<vmem_shared>>) target_semaphore(%run_scoped3A : memref<!tpu.dma_semaphore, #tpu.memory_space<semaphore_mem>>)
      %dma_wait3A = arith.constant 0 : i32
      %dma_wait3A_76 = tpu.memref_slice %arg9[%add3A_4, %dma_wait3A] : memref<10240x128xf32, #tpu.memory_space<vmem_shared>> -> memref<128x128xf32, #tpu.memory_space<vmem_shared>>
      %dma_wait3A_77 = arith.constant 0 : i32
      %dma_wait3A_78 = tpu.memref_slice %arg9[%add3A_4, %dma_wait3A_77] : memref<10240x128xf32, #tpu.memory_space<vmem_shared>> -> memref<128x128xf32, #tpu.memory_space<vmem_shared>>
      tpu.wait_dma2 semaphore(%run_scoped3A : memref<!tpu.dma_semaphore, #tpu.memory_space<semaphore_mem>>) src(%arg7 : memref<128x128xf32, #tpu.memory_space<vmem>>) dst(%dma_wait3A_78 : memref<128x128xf32, #tpu.memory_space<vmem_shared>>)
      tpu.yield
    }) : () -> ()
    %add3A_5 = arith.constant 128 : i32
    %add3A_6 = arith.addi %mul3A_2, %add3A_5 : i32
    "tpu.region"() ({
      %run_scoped3A = tpu.sem_alloc : memref<!tpu.dma_semaphore, #tpu.memory_space<semaphore_mem>>
      %dma_start3A = arith.constant 0 : i32
      %dma_start3A_73 = tpu.memref_slice %arg9[%add3A_6, %dma_start3A] : memref<10240x128xf32, #tpu.memory_space<vmem_shared>> -> memref<128x128xf32, #tpu.memory_space<vmem_shared>>
      %dma_start3A_74 = arith.constant 0 : i32
      %dma_start3A_75 = tpu.memref_slice %arg9[%add3A_6, %dma_start3A_74] : memref<10240x128xf32, #tpu.memory_space<vmem_shared>> -> memref<128x128xf32, #tpu.memory_space<vmem_shared>>
      tpu.enqueue_dma source(%arg7 : memref<128x128xf32, #tpu.memory_space<vmem>>) target(%dma_start3A_75 : memref<128x128xf32, #tpu.memory_space<vmem_shared>>) target_semaphore(%run_scoped3A : memref<!tpu.dma_semaphore, #tpu.memory_space<semaphore_mem>>)
      %dma_wait3A = arith.constant 0 : i32
      %dma_wait3A_76 = tpu.memref_slice %arg9[%add3A_6, %dma_wait3A] : memref<10240x128xf32, #tpu.memory_space<vmem_shared>> -> memref<128x128xf32, #tpu.memory_space<vmem_shared>>
      %dma_wait3A_77 = arith.constant 0 : i32
      %dma_wait3A_78 = tpu.memref_slice %arg9[%add3A_6, %dma_wait3A_77] : memref<10240x128xf32, #tpu.memory_space<vmem_shared>> -> memref<128x128xf32, #tpu.memory_space<vmem_shared>>
      tpu.wait_dma2 semaphore(%run_scoped3A : memref<!tpu.dma_semaphore, #tpu.memory_space<semaphore_mem>>) src(%arg7 : memref<128x128xf32, #tpu.memory_space<vmem>>) dst(%dma_wait3A_78 : memref<128x128xf32, #tpu.memory_space<vmem_shared>>)
      tpu.yield
    }) : () -> ()
    %add3A_7 = arith.constant 256 : i32
    %add3A_8 = arith.addi %mul3A_2, %add3A_7 : i32
    "tpu.region"() ({
      %run_scoped3A = tpu.sem_alloc : memref<!tpu.dma_semaphore, #tpu.memory_space<semaphore_mem>>
      %dma_start3A = arith.constant 0 : i32
      %dma_start3A_73 = tpu.memref_slice %arg9[%add3A_8, %dma_start3A] : memref<10240x128xf32, #tpu.memory_space<vmem_shared>> -> memref<128x128xf32, #tpu.memory_space<vmem_shared>>
      %dma_start3A_74 = arith.constant 0 : i32
      %dma_start3A_75 = tpu.memref_slice %arg9[%add3A_8, %dma_start3A_74] : memref<10240x128xf32, #tpu.memory_space<vmem_shared>> -> memref<128x128xf32, #tpu.memory_space<vmem_shared>>
      tpu.enqueue_dma source(%arg7 : memref<128x128xf32, #tpu.memory_space<vmem>>) target(%dma_start3A_75 : memref<128x128xf32, #tpu.memory_space<vmem_shared>>) target_semaphore(%run_scoped3A : memref<!tpu.dma_semaphore, #tpu.memory_space<semaphore_mem>>)
      %dma_wait3A = arith.constant 0 : i32
      %dma_wait3A_76 = tpu.memref_slice %arg9[%add3A_8, %dma_wait3A] : memref<10240x128xf32, #tpu.memory_space<vmem_shared>> -> memref<128x128xf32, #tpu.memory_space<vmem_shared>>
      %dma_wait3A_77 = arith.constant 0 : i32
      %dma_wait3A_78 = tpu.memref_slice %arg9[%add3A_8, %dma_wait3A_77] : memref<10240x128xf32, #tpu.memory_space<vmem_shared>> -> memref<128x128xf32, #tpu.memory_space<vmem_shared>>
      tpu.wait_dma2 semaphore(%run_scoped3A : memref<!tpu.dma_semaphore, #tpu.memory_space<semaphore_mem>>) src(%arg7 : memref<128x128xf32, #tpu.memory_space<vmem>>) dst(%dma_wait3A_78 : memref<128x128xf32, #tpu.memory_space<vmem_shared>>)
      tpu.yield
    }) : () -> ()
    %add3A_9 = arith.constant 384 : i32
    %add3A_10 = arith.addi %mul3A_2, %add3A_9 : i32
    "tpu.region"() ({
      %run_scoped3A = tpu.sem_alloc : memref<!tpu.dma_semaphore, #tpu.memory_space<semaphore_mem>>
      %dma_start3A = arith.constant 0 : i32
      %dma_start3A_73 = tpu.memref_slice %arg9[%add3A_10, %dma_start3A] : memref<10240x128xf32, #tpu.memory_space<vmem_shared>> -> memref<128x128xf32, #tpu.memory_space<vmem_shared>>
      %dma_start3A_74 = arith.constant 0 : i32
      %dma_start3A_75 = tpu.memref_slice %arg9[%add3A_10, %dma_start3A_74] : memref<10240x128xf32, #tpu.memory_space<vmem_shared>> -> memref<128x128xf32, #tpu.memory_space<vmem_shared>>
      tpu.enqueue_dma source(%arg7 : memref<128x128xf32, #tpu.memory_space<vmem>>) target(%dma_start3A_75 : memref<128x128xf32, #tpu.memory_space<vmem_shared>>) target_semaphore(%run_scoped3A : memref<!tpu.dma_semaphore, #tpu.memory_space<semaphore_mem>>)
      %dma_wait3A = arith.constant 0 : i32
      %dma_wait3A_76 = tpu.memref_slice %arg9[%add3A_10, %dma_wait3A] : memref<10240x128xf32, #tpu.memory_space<vmem_shared>> -> memref<128x128xf32, #tpu.memory_space<vmem_shared>>
      %dma_wait3A_77 = arith.constant 0 : i32
      %dma_wait3A_78 = tpu.memref_slice %arg9[%add3A_10, %dma_wait3A_77] : memref<10240x128xf32, #tpu.memory_space<vmem_shared>> -> memref<128x128xf32, #tpu.memory_space<vmem_shared>>
      tpu.wait_dma2 semaphore(%run_scoped3A : memref<!tpu.dma_semaphore, #tpu.memory_space<semaphore_mem>>) src(%arg7 : memref<128x128xf32, #tpu.memory_space<vmem>>) dst(%dma_wait3A_78 : memref<128x128xf32, #tpu.memory_space<vmem_shared>>)
      tpu.yield
    }) : () -> ()
    %add3A_11 = arith.constant 512 : i32
    %add3A_12 = arith.addi %mul3A_2, %add3A_11 : i32
    "tpu.region"() ({
      %run_scoped3A = tpu.sem_alloc : memref<!tpu.dma_semaphore, #tpu.memory_space<semaphore_mem>>
      %dma_start3A = arith.constant 0 : i32
      %dma_start3A_73 = tpu.memref_slice %arg9[%add3A_12, %dma_start3A] : memref<10240x128xf32, #tpu.memory_space<vmem_shared>> -> memref<128x128xf32, #tpu.memory_space<vmem_shared>>
      %dma_start3A_74 = arith.constant 0 : i32
      %dma_start3A_75 = tpu.memref_slice %arg9[%add3A_12, %dma_start3A_74] : memref<10240x128xf32, #tpu.memory_space<vmem_shared>> -> memref<128x128xf32, #tpu.memory_space<vmem_shared>>
      tpu.enqueue_dma source(%arg7 : memref<128x128xf32, #tpu.memory_space<vmem>>) target(%dma_start3A_75 : memref<128x128xf32, #tpu.memory_space<vmem_shared>>) target_semaphore(%run_scoped3A : memref<!tpu.dma_semaphore, #tpu.memory_space<semaphore_mem>>)
      %dma_wait3A = arith.constant 0 : i32
      %dma_wait3A_76 = tpu.memref_slice %arg9[%add3A_12, %dma_wait3A] : memref<10240x128xf32, #tpu.memory_space<vmem_shared>> -> memref<128x128xf32, #tpu.memory_space<vmem_shared>>
      %dma_wait3A_77 = arith.constant 0 : i32
      %dma_wait3A_78 = tpu.memref_slice %arg9[%add3A_12, %dma_wait3A_77] : memref<10240x128xf32, #tpu.memory_space<vmem_shared>> -> memref<128x128xf32, #tpu.memory_space<vmem_shared>>
      tpu.wait_dma2 semaphore(%run_scoped3A : memref<!tpu.dma_semaphore, #tpu.memory_space<semaphore_mem>>) src(%arg7 : memref<128x128xf32, #tpu.memory_space<vmem>>) dst(%dma_wait3A_78 : memref<128x128xf32, #tpu.memory_space<vmem_shared>>)
      tpu.yield
    }) : () -> ()
    "tpu.region"() ({
      %run_scoped3A = tpu.sem_alloc : memref<!tpu.dma_semaphore, #tpu.memory_space<semaphore_mem>>
      tpu.enqueue_dma source(%arg4 : memref<128x128xf32, #tpu.memory_space<hbm>>) target(%arg8 : memref<128x128xf32, #tpu.memory_space<vmem>>) target_semaphore(%run_scoped3A : memref<!tpu.dma_semaphore, #tpu.memory_space<semaphore_mem>>)
      tpu.wait_dma2 semaphore(%run_scoped3A : memref<!tpu.dma_semaphore, #tpu.memory_space<semaphore_mem>>) src(%arg4 : memref<128x128xf32, #tpu.memory_space<hbm>>) dst(%arg8 : memref<128x128xf32, #tpu.memory_space<vmem>>)
      tpu.yield
    }) : () -> ()
    %barrier3A = arith.constant 0 : index
    tpu.barrier barrier_id(%barrier3A)
    "tpu.region"() ({
      %run_scoped3A = tpu.sem_alloc : memref<!tpu.dma_semaphore, #tpu.memory_space<semaphore_mem>>
      %dma_start3A = arith.constant 0 : i32
      %dma_start3A_73 = arith.constant 0 : i32
      %dma_start3A_74 = tpu.memref_slice %arg2[%add3A, %dma_start3A, %dma_start3A_73] : memref<32x80x128xi32, #tpu.memory_space<hbm>> -> memref<1x8x128xi32, #tpu.memory_space<hbm>>
      %dma_start3A_75 = tpu.memref_squeeze %dma_start3A_74 : memref<1x8x128xi32, #tpu.memory_space<hbm>> -> memref<8x128xi32, #tpu.memory_space<hbm>>
      %dma_start3A_76 = arith.constant 0 : i32
      %dma_start3A_77 = arith.constant 0 : i32
      %dma_start3A_78 = tpu.memref_slice %arg2[%add3A, %dma_start3A_76, %dma_start3A_77] : memref<32x80x128xi32, #tpu.memory_space<hbm>> -> memref<1x8x128xi32, #tpu.memory_space<hbm>>
      %dma_start3A_79 = tpu.memref_squeeze %dma_start3A_78 : memref<1x8x128xi32, #tpu.memory_space<hbm>> -> memref<8x128xi32, #tpu.memory_space<hbm>>
      tpu.enqueue_dma source(%dma_start3A_79 : memref<8x128xi32, #tpu.memory_space<hbm>>) target(%arg6 : memref<8x128xi32, #tpu.memory_space<vmem>>) target_semaphore(%run_scoped3A : memref<!tpu.dma_semaphore, #tpu.memory_space<semaphore_mem>>)
      %dma_wait3A = arith.constant 0 : i32
      %dma_wait3A_80 = arith.constant 0 : i32
      %dma_wait3A_81 = tpu.memref_slice %arg2[%add3A, %dma_wait3A, %dma_wait3A_80] : memref<32x80x128xi32, #tpu.memory_space<hbm>> -> memref<1x8x128xi32, #tpu.memory_space<hbm>>
      %dma_wait3A_82 = tpu.memref_squeeze %dma_wait3A_81 : memref<1x8x128xi32, #tpu.memory_space<hbm>> -> memref<8x128xi32, #tpu.memory_space<hbm>>
      %dma_wait3A_83 = arith.constant 0 : i32
      %dma_wait3A_84 = arith.constant 0 : i32
      %dma_wait3A_85 = tpu.memref_slice %arg2[%add3A, %dma_wait3A_83, %dma_wait3A_84] : memref<32x80x128xi32, #tpu.memory_space<hbm>> -> memref<1x8x128xi32, #tpu.memory_space<hbm>>
      %dma_wait3A_86 = tpu.memref_squeeze %dma_wait3A_85 : memref<1x8x128xi32, #tpu.memory_space<hbm>> -> memref<8x128xi32, #tpu.memory_space<hbm>>
      tpu.wait_dma2 semaphore(%run_scoped3A : memref<!tpu.dma_semaphore, #tpu.memory_space<semaphore_mem>>) src(%dma_wait3A_86 : memref<8x128xi32, #tpu.memory_space<hbm>>) dst(%arg6 : memref<8x128xi32, #tpu.memory_space<vmem>>)
      tpu.yield
    }) : () -> ()
    %scan3A = arith.constant 0 : i32
    %scan3A_13 = arith.constant 8 : i32
    %scan3A_14 = arith.addi %scan3A, %scan3A_13 : i32
    %scan3A_15 = arith.constant 1 : i32
    scf.for %scan3A_73 = %scan3A to %scan3A_14 step %scan3A_15  : i32 {
      %mul3A_74 = arith.constant 1 : i32
      %mul3A_75 = arith.muli %scan3A_73, %mul3A_74 : i32
      %add3A_76 = arith.constant 0 : i32
      %add3A_77 = arith.addi %add3A_76, %mul3A_75 : i32
      "tpu.region"() ({
        %run_scoped3A = tpu.sem_alloc : memref<!tpu.dma_semaphore, #tpu.memory_space<semaphore_mem>>
        %dma_start3A = arith.constant 0 : i32
        %dma_start3A_78 = tpu.memref_slice %arg6[%add3A_77, %dma_start3A] : memref<8x128xi32, #tpu.memory_space<vmem>> -> memref<1x128xi32, #tpu.memory_space<vmem>>
        %dma_start3A_79 = tpu.memref_squeeze %dma_start3A_78 : memref<1x128xi32, #tpu.memory_space<vmem>> -> memref<128xi32, #tpu.memory_space<vmem>>
        %dma_start3A_80 = arith.constant 0 : i32
        %dma_start3A_81 = arith.constant 0 : i32
        %dma_start3A_82 = tpu.memref_slice %arg9[%dma_start3A_80, %dma_start3A_81] : memref<10240x128xf32, #tpu.memory_space<vmem_shared>> -> memref<10240x128xf32, #tpu.memory_space<vmem_shared>>
        tpu.enqueue_indirect_dma source(%arg8 : memref<128x128xf32, #tpu.memory_space<vmem>>) target(%dma_start3A_82 : memref<10240x128xf32, #tpu.memory_space<vmem_shared>>) offsets(%dma_start3A_79 : memref<128xi32, #tpu.memory_space<vmem>>) semaphore(%run_scoped3A : memref<!tpu.dma_semaphore, #tpu.memory_space<semaphore_mem>>) {add = true}
        %dma_wait3A = arith.constant 0 : i32
        %dma_wait3A_83 = tpu.memref_slice %arg6[%add3A_77, %dma_wait3A] : memref<8x128xi32, #tpu.memory_space<vmem>> -> memref<1x128xi32, #tpu.memory_space<vmem>>
        %dma_wait3A_84 = tpu.memref_squeeze %dma_wait3A_83 : memref<1x128xi32, #tpu.memory_space<vmem>> -> memref<128xi32, #tpu.memory_space<vmem>>
        %dma_wait3A_85 = arith.constant 0 : i32
        %dma_wait3A_86 = arith.constant 0 : i32
        %dma_wait3A_87 = tpu.memref_slice %arg9[%dma_wait3A_85, %dma_wait3A_86] : memref<10240x128xf32, #tpu.memory_space<vmem_shared>> -> memref<10240x128xf32, #tpu.memory_space<vmem_shared>>
        tpu.wait_indirect_dma semaphore(%run_scoped3A : memref<!tpu.dma_semaphore, #tpu.memory_space<semaphore_mem>>) src(%arg8 : memref<128x128xf32, #tpu.memory_space<vmem>>) dst(%dma_wait3A_87 : memref<10240x128xf32, #tpu.memory_space<vmem_shared>>)
        tpu.yield
      }) : () -> ()
    }
    %scan3A_16 = arith.constant 8 : i32
    "tpu.region"() ({
      %run_scoped3A = tpu.sem_alloc : memref<!tpu.dma_semaphore, #tpu.memory_space<semaphore_mem>>
      %dma_start3A = arith.constant 8 : i32
      %dma_start3A_73 = arith.constant 0 : i32
      %dma_start3A_74 = tpu.memref_slice %arg2[%add3A, %dma_start3A, %dma_start3A_73] : memref<32x80x128xi32, #tpu.memory_space<hbm>> -> memref<1x8x128xi32, #tpu.memory_space<hbm>>
      %dma_start3A_75 = tpu.memref_squeeze %dma_start3A_74 : memref<1x8x128xi32, #tpu.memory_space<hbm>> -> memref<8x128xi32, #tpu.memory_space<hbm>>
      %dma_start3A_76 = arith.constant 8 : i32
      %dma_start3A_77 = arith.constant 0 : i32
      %dma_start3A_78 = tpu.memref_slice %arg2[%add3A, %dma_start3A_76, %dma_start3A_77] : memref<32x80x128xi32, #tpu.memory_space<hbm>> -> memref<1x8x128xi32, #tpu.memory_space<hbm>>
      %dma_start3A_79 = tpu.memref_squeeze %dma_start3A_78 : memref<1x8x128xi32, #tpu.memory_space<hbm>> -> memref<8x128xi32, #tpu.memory_space<hbm>>
      tpu.enqueue_dma source(%dma_start3A_79 : memref<8x128xi32, #tpu.memory_space<hbm>>) target(%arg6 : memref<8x128xi32, #tpu.memory_space<vmem>>) target_semaphore(%run_scoped3A : memref<!tpu.dma_semaphore, #tpu.memory_space<semaphore_mem>>)
      %dma_wait3A = arith.constant 8 : i32
      %dma_wait3A_80 = arith.constant 0 : i32
      %dma_wait3A_81 = tpu.memref_slice %arg2[%add3A, %dma_wait3A, %dma_wait3A_80] : memref<32x80x128xi32, #tpu.memory_space<hbm>> -> memref<1x8x128xi32, #tpu.memory_space<hbm>>
      %dma_wait3A_82 = tpu.memref_squeeze %dma_wait3A_81 : memref<1x8x128xi32, #tpu.memory_space<hbm>> -> memref<8x128xi32, #tpu.memory_space<hbm>>
      %dma_wait3A_83 = arith.constant 8 : i32
      %dma_wait3A_84 = arith.constant 0 : i32
      %dma_wait3A_85 = tpu.memref_slice %arg2[%add3A, %dma_wait3A_83, %dma_wait3A_84] : memref<32x80x128xi32, #tpu.memory_space<hbm>> -> memref<1x8x128xi32, #tpu.memory_space<hbm>>
      %dma_wait3A_86 = tpu.memref_squeeze %dma_wait3A_85 : memref<1x8x128xi32, #tpu.memory_space<hbm>> -> memref<8x128xi32, #tpu.memory_space<hbm>>
      tpu.wait_dma2 semaphore(%run_scoped3A : memref<!tpu.dma_semaphore, #tpu.memory_space<semaphore_mem>>) src(%dma_wait3A_86 : memref<8x128xi32, #tpu.memory_space<hbm>>) dst(%arg6 : memref<8x128xi32, #tpu.memory_space<vmem>>)
      tpu.yield
    }) : () -> ()
    %scan3A_17 = arith.constant 0 : i32
    %scan3A_18 = arith.constant 8 : i32
    %scan3A_19 = arith.addi %scan3A_17, %scan3A_18 : i32
    %scan3A_20 = arith.constant 1 : i32
    scf.for %scan3A_73 = %scan3A_17 to %scan3A_19 step %scan3A_20  : i32 {
      %mul3A_74 = arith.constant 1 : i32
      %mul3A_75 = arith.muli %scan3A_73, %mul3A_74 : i32
      %add3A_76 = arith.constant 0 : i32
      %add3A_77 = arith.addi %add3A_76, %mul3A_75 : i32
      "tpu.region"() ({
        %run_scoped3A = tpu.sem_alloc : memref<!tpu.dma_semaphore, #tpu.memory_space<semaphore_mem>>
        %dma_start3A = arith.constant 0 : i32
        %dma_start3A_78 = tpu.memref_slice %arg6[%add3A_77, %dma_start3A] : memref<8x128xi32, #tpu.memory_space<vmem>> -> memref<1x128xi32, #tpu.memory_space<vmem>>
        %dma_start3A_79 = tpu.memref_squeeze %dma_start3A_78 : memref<1x128xi32, #tpu.memory_space<vmem>> -> memref<128xi32, #tpu.memory_space<vmem>>
        %dma_start3A_80 = arith.constant 0 : i32
        %dma_start3A_81 = arith.constant 0 : i32
        %dma_start3A_82 = tpu.memref_slice %arg9[%dma_start3A_80, %dma_start3A_81] : memref<10240x128xf32, #tpu.memory_space<vmem_shared>> -> memref<10240x128xf32, #tpu.memory_space<vmem_shared>>
        tpu.enqueue_indirect_dma source(%arg8 : memref<128x128xf32, #tpu.memory_space<vmem>>) target(%dma_start3A_82 : memref<10240x128xf32, #tpu.memory_space<vmem_shared>>) offsets(%dma_start3A_79 : memref<128xi32, #tpu.memory_space<vmem>>) semaphore(%run_scoped3A : memref<!tpu.dma_semaphore, #tpu.memory_space<semaphore_mem>>) {add = true}
        %dma_wait3A = arith.constant 0 : i32
        %dma_wait3A_83 = tpu.memref_slice %arg6[%add3A_77, %dma_wait3A] : memref<8x128xi32, #tpu.memory_space<vmem>> -> memref<1x128xi32, #tpu.memory_space<vmem>>
        %dma_wait3A_84 = tpu.memref_squeeze %dma_wait3A_83 : memref<1x128xi32, #tpu.memory_space<vmem>> -> memref<128xi32, #tpu.memory_space<vmem>>
        %dma_wait3A_85 = arith.constant 0 : i32
        %dma_wait3A_86 = arith.constant 0 : i32
        %dma_wait3A_87 = tpu.memref_slice %arg9[%dma_wait3A_85, %dma_wait3A_86] : memref<10240x128xf32, #tpu.memory_space<vmem_shared>> -> memref<10240x128xf32, #tpu.memory_space<vmem_shared>>
        tpu.wait_indirect_dma semaphore(%run_scoped3A : memref<!tpu.dma_semaphore, #tpu.memory_space<semaphore_mem>>) src(%arg8 : memref<128x128xf32, #tpu.memory_space<vmem>>) dst(%dma_wait3A_87 : memref<10240x128xf32, #tpu.memory_space<vmem_shared>>)
        tpu.yield
      }) : () -> ()
    }
    %scan3A_21 = arith.constant 8 : i32
    "tpu.region"() ({
      %run_scoped3A = tpu.sem_alloc : memref<!tpu.dma_semaphore, #tpu.memory_space<semaphore_mem>>
      %dma_start3A = arith.constant 16 : i32
      %dma_start3A_73 = arith.constant 0 : i32
      %dma_start3A_74 = tpu.memref_slice %arg2[%add3A, %dma_start3A, %dma_start3A_73] : memref<32x80x128xi32, #tpu.memory_space<hbm>> -> memref<1x8x128xi32, #tpu.memory_space<hbm>>
      %dma_start3A_75 = tpu.memref_squeeze %dma_start3A_74 : memref<1x8x128xi32, #tpu.memory_space<hbm>> -> memref<8x128xi32, #tpu.memory_space<hbm>>
      %dma_start3A_76 = arith.constant 16 : i32
      %dma_start3A_77 = arith.constant 0 : i32
      %dma_start3A_78 = tpu.memref_slice %arg2[%add3A, %dma_start3A_76, %dma_start3A_77] : memref<32x80x128xi32, #tpu.memory_space<hbm>> -> memref<1x8x128xi32, #tpu.memory_space<hbm>>
      %dma_start3A_79 = tpu.memref_squeeze %dma_start3A_78 : memref<1x8x128xi32, #tpu.memory_space<hbm>> -> memref<8x128xi32, #tpu.memory_space<hbm>>
      tpu.enqueue_dma source(%dma_start3A_79 : memref<8x128xi32, #tpu.memory_space<hbm>>) target(%arg6 : memref<8x128xi32, #tpu.memory_space<vmem>>) target_semaphore(%run_scoped3A : memref<!tpu.dma_semaphore, #tpu.memory_space<semaphore_mem>>)
      %dma_wait3A = arith.constant 16 : i32
      %dma_wait3A_80 = arith.constant 0 : i32
      %dma_wait3A_81 = tpu.memref_slice %arg2[%add3A, %dma_wait3A, %dma_wait3A_80] : memref<32x80x128xi32, #tpu.memory_space<hbm>> -> memref<1x8x128xi32, #tpu.memory_space<hbm>>
      %dma_wait3A_82 = tpu.memref_squeeze %dma_wait3A_81 : memref<1x8x128xi32, #tpu.memory_space<hbm>> -> memref<8x128xi32, #tpu.memory_space<hbm>>
      %dma_wait3A_83 = arith.constant 16 : i32
      %dma_wait3A_84 = arith.constant 0 : i32
      %dma_wait3A_85 = tpu.memref_slice %arg2[%add3A, %dma_wait3A_83, %dma_wait3A_84] : memref<32x80x128xi32, #tpu.memory_space<hbm>> -> memref<1x8x128xi32, #tpu.memory_space<hbm>>
      %dma_wait3A_86 = tpu.memref_squeeze %dma_wait3A_85 : memref<1x8x128xi32, #tpu.memory_space<hbm>> -> memref<8x128xi32, #tpu.memory_space<hbm>>
      tpu.wait_dma2 semaphore(%run_scoped3A : memref<!tpu.dma_semaphore, #tpu.memory_space<semaphore_mem>>) src(%dma_wait3A_86 : memref<8x128xi32, #tpu.memory_space<hbm>>) dst(%arg6 : memref<8x128xi32, #tpu.memory_space<vmem>>)
      tpu.yield
    }) : () -> ()
    %scan3A_22 = arith.constant 0 : i32
    %scan3A_23 = arith.constant 8 : i32
    %scan3A_24 = arith.addi %scan3A_22, %scan3A_23 : i32
    %scan3A_25 = arith.constant 1 : i32
    scf.for %scan3A_73 = %scan3A_22 to %scan3A_24 step %scan3A_25  : i32 {
      %mul3A_74 = arith.constant 1 : i32
      %mul3A_75 = arith.muli %scan3A_73, %mul3A_74 : i32
      %add3A_76 = arith.constant 0 : i32
      %add3A_77 = arith.addi %add3A_76, %mul3A_75 : i32
      "tpu.region"() ({
        %run_scoped3A = tpu.sem_alloc : memref<!tpu.dma_semaphore, #tpu.memory_space<semaphore_mem>>
        %dma_start3A = arith.constant 0 : i32
        %dma_start3A_78 = tpu.memref_slice %arg6[%add3A_77, %dma_start3A] : memref<8x128xi32, #tpu.memory_space<vmem>> -> memref<1x128xi32, #tpu.memory_space<vmem>>
        %dma_start3A_79 = tpu.memref_squeeze %dma_start3A_78 : memref<1x128xi32, #tpu.memory_space<vmem>> -> memref<128xi32, #tpu.memory_space<vmem>>
        %dma_start3A_80 = arith.constant 0 : i32
        %dma_start3A_81 = arith.constant 0 : i32
        %dma_start3A_82 = tpu.memref_slice %arg9[%dma_start3A_80, %dma_start3A_81] : memref<10240x128xf32, #tpu.memory_space<vmem_shared>> -> memref<10240x128xf32, #tpu.memory_space<vmem_shared>>
        tpu.enqueue_indirect_dma source(%arg8 : memref<128x128xf32, #tpu.memory_space<vmem>>) target(%dma_start3A_82 : memref<10240x128xf32, #tpu.memory_space<vmem_shared>>) offsets(%dma_start3A_79 : memref<128xi32, #tpu.memory_space<vmem>>) semaphore(%run_scoped3A : memref<!tpu.dma_semaphore, #tpu.memory_space<semaphore_mem>>) {add = true}
        %dma_wait3A = arith.constant 0 : i32
        %dma_wait3A_83 = tpu.memref_slice %arg6[%add3A_77, %dma_wait3A] : memref<8x128xi32, #tpu.memory_space<vmem>> -> memref<1x128xi32, #tpu.memory_space<vmem>>
        %dma_wait3A_84 = tpu.memref_squeeze %dma_wait3A_83 : memref<1x128xi32, #tpu.memory_space<vmem>> -> memref<128xi32, #tpu.memory_space<vmem>>
        %dma_wait3A_85 = arith.constant 0 : i32
        %dma_wait3A_86 = arith.constant 0 : i32
        %dma_wait3A_87 = tpu.memref_slice %arg9[%dma_wait3A_85, %dma_wait3A_86] : memref<10240x128xf32, #tpu.memory_space<vmem_shared>> -> memref<10240x128xf32, #tpu.memory_space<vmem_shared>>
        tpu.wait_indirect_dma semaphore(%run_scoped3A : memref<!tpu.dma_semaphore, #tpu.memory_space<semaphore_mem>>) src(%arg8 : memref<128x128xf32, #tpu.memory_space<vmem>>) dst(%dma_wait3A_87 : memref<10240x128xf32, #tpu.memory_space<vmem_shared>>)
        tpu.yield
      }) : () -> ()
    }
    %scan3A_26 = arith.constant 8 : i32
    "tpu.region"() ({
      %run_scoped3A = tpu.sem_alloc : memref<!tpu.dma_semaphore, #tpu.memory_space<semaphore_mem>>
      %dma_start3A = arith.constant 24 : i32
      %dma_start3A_73 = arith.constant 0 : i32
      %dma_start3A_74 = tpu.memref_slice %arg2[%add3A, %dma_start3A, %dma_start3A_73] : memref<32x80x128xi32, #tpu.memory_space<hbm>> -> memref<1x8x128xi32, #tpu.memory_space<hbm>>
      %dma_start3A_75 = tpu.memref_squeeze %dma_start3A_74 : memref<1x8x128xi32, #tpu.memory_space<hbm>> -> memref<8x128xi32, #tpu.memory_space<hbm>>
      %dma_start3A_76 = arith.constant 24 : i32
      %dma_start3A_77 = arith.constant 0 : i32
      %dma_start3A_78 = tpu.memref_slice %arg2[%add3A, %dma_start3A_76, %dma_start3A_77] : memref<32x80x128xi32, #tpu.memory_space<hbm>> -> memref<1x8x128xi32, #tpu.memory_space<hbm>>
      %dma_start3A_79 = tpu.memref_squeeze %dma_start3A_78 : memref<1x8x128xi32, #tpu.memory_space<hbm>> -> memref<8x128xi32, #tpu.memory_space<hbm>>
      tpu.enqueue_dma source(%dma_start3A_79 : memref<8x128xi32, #tpu.memory_space<hbm>>) target(%arg6 : memref<8x128xi32, #tpu.memory_space<vmem>>) target_semaphore(%run_scoped3A : memref<!tpu.dma_semaphore, #tpu.memory_space<semaphore_mem>>)
      %dma_wait3A = arith.constant 24 : i32
      %dma_wait3A_80 = arith.constant 0 : i32
      %dma_wait3A_81 = tpu.memref_slice %arg2[%add3A, %dma_wait3A, %dma_wait3A_80] : memref<32x80x128xi32, #tpu.memory_space<hbm>> -> memref<1x8x128xi32, #tpu.memory_space<hbm>>
      %dma_wait3A_82 = tpu.memref_squeeze %dma_wait3A_81 : memref<1x8x128xi32, #tpu.memory_space<hbm>> -> memref<8x128xi32, #tpu.memory_space<hbm>>
      %dma_wait3A_83 = arith.constant 24 : i32
      %dma_wait3A_84 = arith.constant 0 : i32
      %dma_wait3A_85 = tpu.memref_slice %arg2[%add3A, %dma_wait3A_83, %dma_wait3A_84] : memref<32x80x128xi32, #tpu.memory_space<hbm>> -> memref<1x8x128xi32, #tpu.memory_space<hbm>>
      %dma_wait3A_86 = tpu.memref_squeeze %dma_wait3A_85 : memref<1x8x128xi32, #tpu.memory_space<hbm>> -> memref<8x128xi32, #tpu.memory_space<hbm>>
      tpu.wait_dma2 semaphore(%run_scoped3A : memref<!tpu.dma_semaphore, #tpu.memory_space<semaphore_mem>>) src(%dma_wait3A_86 : memref<8x128xi32, #tpu.memory_space<hbm>>) dst(%arg6 : memref<8x128xi32, #tpu.memory_space<vmem>>)
      tpu.yield
    }) : () -> ()
    %scan3A_27 = arith.constant 0 : i32
    %scan3A_28 = arith.constant 8 : i32
    %scan3A_29 = arith.addi %scan3A_27, %scan3A_28 : i32
    %scan3A_30 = arith.constant 1 : i32
    scf.for %scan3A_73 = %scan3A_27 to %scan3A_29 step %scan3A_30  : i32 {
      %mul3A_74 = arith.constant 1 : i32
      %mul3A_75 = arith.muli %scan3A_73, %mul3A_74 : i32
      %add3A_76 = arith.constant 0 : i32
      %add3A_77 = arith.addi %add3A_76, %mul3A_75 : i32
      "tpu.region"() ({
        %run_scoped3A = tpu.sem_alloc : memref<!tpu.dma_semaphore, #tpu.memory_space<semaphore_mem>>
        %dma_start3A = arith.constant 0 : i32
        %dma_start3A_78 = tpu.memref_slice %arg6[%add3A_77, %dma_start3A] : memref<8x128xi32, #tpu.memory_space<vmem>> -> memref<1x128xi32, #tpu.memory_space<vmem>>
        %dma_start3A_79 = tpu.memref_squeeze %dma_start3A_78 : memref<1x128xi32, #tpu.memory_space<vmem>> -> memref<128xi32, #tpu.memory_space<vmem>>
        %dma_start3A_80 = arith.constant 0 : i32
        %dma_start3A_81 = arith.constant 0 : i32
        %dma_start3A_82 = tpu.memref_slice %arg9[%dma_start3A_80, %dma_start3A_81] : memref<10240x128xf32, #tpu.memory_space<vmem_shared>> -> memref<10240x128xf32, #tpu.memory_space<vmem_shared>>
        tpu.enqueue_indirect_dma source(%arg8 : memref<128x128xf32, #tpu.memory_space<vmem>>) target(%dma_start3A_82 : memref<10240x128xf32, #tpu.memory_space<vmem_shared>>) offsets(%dma_start3A_79 : memref<128xi32, #tpu.memory_space<vmem>>) semaphore(%run_scoped3A : memref<!tpu.dma_semaphore, #tpu.memory_space<semaphore_mem>>) {add = true}
        %dma_wait3A = arith.constant 0 : i32
        %dma_wait3A_83 = tpu.memref_slice %arg6[%add3A_77, %dma_wait3A] : memref<8x128xi32, #tpu.memory_space<vmem>> -> memref<1x128xi32, #tpu.memory_space<vmem>>
        %dma_wait3A_84 = tpu.memref_squeeze %dma_wait3A_83 : memref<1x128xi32, #tpu.memory_space<vmem>> -> memref<128xi32, #tpu.memory_space<vmem>>
        %dma_wait3A_85 = arith.constant 0 : i32
        %dma_wait3A_86 = arith.constant 0 : i32
        %dma_wait3A_87 = tpu.memref_slice %arg9[%dma_wait3A_85, %dma_wait3A_86] : memref<10240x128xf32, #tpu.memory_space<vmem_shared>> -> memref<10240x128xf32, #tpu.memory_space<vmem_shared>>
        tpu.wait_indirect_dma semaphore(%run_scoped3A : memref<!tpu.dma_semaphore, #tpu.memory_space<semaphore_mem>>) src(%arg8 : memref<128x128xf32, #tpu.memory_space<vmem>>) dst(%dma_wait3A_87 : memref<10240x128xf32, #tpu.memory_space<vmem_shared>>)
        tpu.yield
      }) : () -> ()
    }
    %scan3A_31 = arith.constant 8 : i32
    "tpu.region"() ({
      %run_scoped3A = tpu.sem_alloc : memref<!tpu.dma_semaphore, #tpu.memory_space<semaphore_mem>>
      %dma_start3A = arith.constant 32 : i32
      %dma_start3A_73 = arith.constant 0 : i32
      %dma_start3A_74 = tpu.memref_slice %arg2[%add3A, %dma_start3A, %dma_start3A_73] : memref<32x80x128xi32, #tpu.memory_space<hbm>> -> memref<1x8x128xi32, #tpu.memory_space<hbm>>
      %dma_start3A_75 = tpu.memref_squeeze %dma_start3A_74 : memref<1x8x128xi32, #tpu.memory_space<hbm>> -> memref<8x128xi32, #tpu.memory_space<hbm>>
      %dma_start3A_76 = arith.constant 32 : i32
      %dma_start3A_77 = arith.constant 0 : i32
      %dma_start3A_78 = tpu.memref_slice %arg2[%add3A, %dma_start3A_76, %dma_start3A_77] : memref<32x80x128xi32, #tpu.memory_space<hbm>> -> memref<1x8x128xi32, #tpu.memory_space<hbm>>
      %dma_start3A_79 = tpu.memref_squeeze %dma_start3A_78 : memref<1x8x128xi32, #tpu.memory_space<hbm>> -> memref<8x128xi32, #tpu.memory_space<hbm>>
      tpu.enqueue_dma source(%dma_start3A_79 : memref<8x128xi32, #tpu.memory_space<hbm>>) target(%arg6 : memref<8x128xi32, #tpu.memory_space<vmem>>) target_semaphore(%run_scoped3A : memref<!tpu.dma_semaphore, #tpu.memory_space<semaphore_mem>>)
      %dma_wait3A = arith.constant 32 : i32
      %dma_wait3A_80 = arith.constant 0 : i32
      %dma_wait3A_81 = tpu.memref_slice %arg2[%add3A, %dma_wait3A, %dma_wait3A_80] : memref<32x80x128xi32, #tpu.memory_space<hbm>> -> memref<1x8x128xi32, #tpu.memory_space<hbm>>
      %dma_wait3A_82 = tpu.memref_squeeze %dma_wait3A_81 : memref<1x8x128xi32, #tpu.memory_space<hbm>> -> memref<8x128xi32, #tpu.memory_space<hbm>>
      %dma_wait3A_83 = arith.constant 32 : i32
      %dma_wait3A_84 = arith.constant 0 : i32
      %dma_wait3A_85 = tpu.memref_slice %arg2[%add3A, %dma_wait3A_83, %dma_wait3A_84] : memref<32x80x128xi32, #tpu.memory_space<hbm>> -> memref<1x8x128xi32, #tpu.memory_space<hbm>>
      %dma_wait3A_86 = tpu.memref_squeeze %dma_wait3A_85 : memref<1x8x128xi32, #tpu.memory_space<hbm>> -> memref<8x128xi32, #tpu.memory_space<hbm>>
      tpu.wait_dma2 semaphore(%run_scoped3A : memref<!tpu.dma_semaphore, #tpu.memory_space<semaphore_mem>>) src(%dma_wait3A_86 : memref<8x128xi32, #tpu.memory_space<hbm>>) dst(%arg6 : memref<8x128xi32, #tpu.memory_space<vmem>>)
      tpu.yield
    }) : () -> ()
    %scan3A_32 = arith.constant 0 : i32
    %scan3A_33 = arith.constant 8 : i32
    %scan3A_34 = arith.addi %scan3A_32, %scan3A_33 : i32
    %scan3A_35 = arith.constant 1 : i32
    scf.for %scan3A_73 = %scan3A_32 to %scan3A_34 step %scan3A_35  : i32 {
      %mul3A_74 = arith.constant 1 : i32
      %mul3A_75 = arith.muli %scan3A_73, %mul3A_74 : i32
      %add3A_76 = arith.constant 0 : i32
      %add3A_77 = arith.addi %add3A_76, %mul3A_75 : i32
      "tpu.region"() ({
        %run_scoped3A = tpu.sem_alloc : memref<!tpu.dma_semaphore, #tpu.memory_space<semaphore_mem>>
        %dma_start3A = arith.constant 0 : i32
        %dma_start3A_78 = tpu.memref_slice %arg6[%add3A_77, %dma_start3A] : memref<8x128xi32, #tpu.memory_space<vmem>> -> memref<1x128xi32, #tpu.memory_space<vmem>>
        %dma_start3A_79 = tpu.memref_squeeze %dma_start3A_78 : memref<1x128xi32, #tpu.memory_space<vmem>> -> memref<128xi32, #tpu.memory_space<vmem>>
        %dma_start3A_80 = arith.constant 0 : i32
        %dma_start3A_81 = arith.constant 0 : i32
        %dma_start3A_82 = tpu.memref_slice %arg9[%dma_start3A_80, %dma_start3A_81] : memref<10240x128xf32, #tpu.memory_space<vmem_shared>> -> memref<10240x128xf32, #tpu.memory_space<vmem_shared>>
        tpu.enqueue_indirect_dma source(%arg8 : memref<128x128xf32, #tpu.memory_space<vmem>>) target(%dma_start3A_82 : memref<10240x128xf32, #tpu.memory_space<vmem_shared>>) offsets(%dma_start3A_79 : memref<128xi32, #tpu.memory_space<vmem>>) semaphore(%run_scoped3A : memref<!tpu.dma_semaphore, #tpu.memory_space<semaphore_mem>>) {add = true}
        %dma_wait3A = arith.constant 0 : i32
        %dma_wait3A_83 = tpu.memref_slice %arg6[%add3A_77, %dma_wait3A] : memref<8x128xi32, #tpu.memory_space<vmem>> -> memref<1x128xi32, #tpu.memory_space<vmem>>
        %dma_wait3A_84 = tpu.memref_squeeze %dma_wait3A_83 : memref<1x128xi32, #tpu.memory_space<vmem>> -> memref<128xi32, #tpu.memory_space<vmem>>
        %dma_wait3A_85 = arith.constant 0 : i32
        %dma_wait3A_86 = arith.constant 0 : i32
        %dma_wait3A_87 = tpu.memref_slice %arg9[%dma_wait3A_85, %dma_wait3A_86] : memref<10240x128xf32, #tpu.memory_space<vmem_shared>> -> memref<10240x128xf32, #tpu.memory_space<vmem_shared>>
        tpu.wait_indirect_dma semaphore(%run_scoped3A : memref<!tpu.dma_semaphore, #tpu.memory_space<semaphore_mem>>) src(%arg8 : memref<128x128xf32, #tpu.memory_space<vmem>>) dst(%dma_wait3A_87 : memref<10240x128xf32, #tpu.memory_space<vmem_shared>>)
        tpu.yield
      }) : () -> ()
    }
    %scan3A_36 = arith.constant 8 : i32
    "tpu.region"() ({
      %run_scoped3A = tpu.sem_alloc : memref<!tpu.dma_semaphore, #tpu.memory_space<semaphore_mem>>
      %dma_start3A = arith.constant 40 : i32
      %dma_start3A_73 = arith.constant 0 : i32
      %dma_start3A_74 = tpu.memref_slice %arg2[%add3A, %dma_start3A, %dma_start3A_73] : memref<32x80x128xi32, #tpu.memory_space<hbm>> -> memref<1x8x128xi32, #tpu.memory_space<hbm>>
      %dma_start3A_75 = tpu.memref_squeeze %dma_start3A_74 : memref<1x8x128xi32, #tpu.memory_space<hbm>> -> memref<8x128xi32, #tpu.memory_space<hbm>>
      %dma_start3A_76 = arith.constant 40 : i32
      %dma_start3A_77 = arith.constant 0 : i32
      %dma_start3A_78 = tpu.memref_slice %arg2[%add3A, %dma_start3A_76, %dma_start3A_77] : memref<32x80x128xi32, #tpu.memory_space<hbm>> -> memref<1x8x128xi32, #tpu.memory_space<hbm>>
      %dma_start3A_79 = tpu.memref_squeeze %dma_start3A_78 : memref<1x8x128xi32, #tpu.memory_space<hbm>> -> memref<8x128xi32, #tpu.memory_space<hbm>>
      tpu.enqueue_dma source(%dma_start3A_79 : memref<8x128xi32, #tpu.memory_space<hbm>>) target(%arg6 : memref<8x128xi32, #tpu.memory_space<vmem>>) target_semaphore(%run_scoped3A : memref<!tpu.dma_semaphore, #tpu.memory_space<semaphore_mem>>)
      %dma_wait3A = arith.constant 40 : i32
      %dma_wait3A_80 = arith.constant 0 : i32
      %dma_wait3A_81 = tpu.memref_slice %arg2[%add3A, %dma_wait3A, %dma_wait3A_80] : memref<32x80x128xi32, #tpu.memory_space<hbm>> -> memref<1x8x128xi32, #tpu.memory_space<hbm>>
      %dma_wait3A_82 = tpu.memref_squeeze %dma_wait3A_81 : memref<1x8x128xi32, #tpu.memory_space<hbm>> -> memref<8x128xi32, #tpu.memory_space<hbm>>
      %dma_wait3A_83 = arith.constant 40 : i32
      %dma_wait3A_84 = arith.constant 0 : i32
      %dma_wait3A_85 = tpu.memref_slice %arg2[%add3A, %dma_wait3A_83, %dma_wait3A_84] : memref<32x80x128xi32, #tpu.memory_space<hbm>> -> memref<1x8x128xi32, #tpu.memory_space<hbm>>
      %dma_wait3A_86 = tpu.memref_squeeze %dma_wait3A_85 : memref<1x8x128xi32, #tpu.memory_space<hbm>> -> memref<8x128xi32, #tpu.memory_space<hbm>>
      tpu.wait_dma2 semaphore(%run_scoped3A : memref<!tpu.dma_semaphore, #tpu.memory_space<semaphore_mem>>) src(%dma_wait3A_86 : memref<8x128xi32, #tpu.memory_space<hbm>>) dst(%arg6 : memref<8x128xi32, #tpu.memory_space<vmem>>)
      tpu.yield
    }) : () -> ()
    %scan3A_37 = arith.constant 0 : i32
    %scan3A_38 = arith.constant 8 : i32
    %scan3A_39 = arith.addi %scan3A_37, %scan3A_38 : i32
    %scan3A_40 = arith.constant 1 : i32
    scf.for %scan3A_73 = %scan3A_37 to %scan3A_39 step %scan3A_40  : i32 {
      %mul3A_74 = arith.constant 1 : i32
      %mul3A_75 = arith.muli %scan3A_73, %mul3A_74 : i32
      %add3A_76 = arith.constant 0 : i32
      %add3A_77 = arith.addi %add3A_76, %mul3A_75 : i32
      "tpu.region"() ({
        %run_scoped3A = tpu.sem_alloc : memref<!tpu.dma_semaphore, #tpu.memory_space<semaphore_mem>>
        %dma_start3A = arith.constant 0 : i32
        %dma_start3A_78 = tpu.memref_slice %arg6[%add3A_77, %dma_start3A] : memref<8x128xi32, #tpu.memory_space<vmem>> -> memref<1x128xi32, #tpu.memory_space<vmem>>
        %dma_start3A_79 = tpu.memref_squeeze %dma_start3A_78 : memref<1x128xi32, #tpu.memory_space<vmem>> -> memref<128xi32, #tpu.memory_space<vmem>>
        %dma_start3A_80 = arith.constant 0 : i32
        %dma_start3A_81 = arith.constant 0 : i32
        %dma_start3A_82 = tpu.memref_slice %arg9[%dma_start3A_80, %dma_start3A_81] : memref<10240x128xf32, #tpu.memory_space<vmem_shared>> -> memref<10240x128xf32, #tpu.memory_space<vmem_shared>>
        tpu.enqueue_indirect_dma source(%arg8 : memref<128x128xf32, #tpu.memory_space<vmem>>) target(%dma_start3A_82 : memref<10240x128xf32, #tpu.memory_space<vmem_shared>>) offsets(%dma_start3A_79 : memref<128xi32, #tpu.memory_space<vmem>>) semaphore(%run_scoped3A : memref<!tpu.dma_semaphore, #tpu.memory_space<semaphore_mem>>) {add = true}
        %dma_wait3A = arith.constant 0 : i32
        %dma_wait3A_83 = tpu.memref_slice %arg6[%add3A_77, %dma_wait3A] : memref<8x128xi32, #tpu.memory_space<vmem>> -> memref<1x128xi32, #tpu.memory_space<vmem>>
        %dma_wait3A_84 = tpu.memref_squeeze %dma_wait3A_83 : memref<1x128xi32, #tpu.memory_space<vmem>> -> memref<128xi32, #tpu.memory_space<vmem>>
        %dma_wait3A_85 = arith.constant 0 : i32
        %dma_wait3A_86 = arith.constant 0 : i32
        %dma_wait3A_87 = tpu.memref_slice %arg9[%dma_wait3A_85, %dma_wait3A_86] : memref<10240x128xf32, #tpu.memory_space<vmem_shared>> -> memref<10240x128xf32, #tpu.memory_space<vmem_shared>>
        tpu.wait_indirect_dma semaphore(%run_scoped3A : memref<!tpu.dma_semaphore, #tpu.memory_space<semaphore_mem>>) src(%arg8 : memref<128x128xf32, #tpu.memory_space<vmem>>) dst(%dma_wait3A_87 : memref<10240x128xf32, #tpu.memory_space<vmem_shared>>)
        tpu.yield
      }) : () -> ()
    }
    %scan3A_41 = arith.constant 8 : i32
    "tpu.region"() ({
      %run_scoped3A = tpu.sem_alloc : memref<!tpu.dma_semaphore, #tpu.memory_space<semaphore_mem>>
      %dma_start3A = arith.constant 48 : i32
      %dma_start3A_73 = arith.constant 0 : i32
      %dma_start3A_74 = tpu.memref_slice %arg2[%add3A, %dma_start3A, %dma_start3A_73] : memref<32x80x128xi32, #tpu.memory_space<hbm>> -> memref<1x8x128xi32, #tpu.memory_space<hbm>>
      %dma_start3A_75 = tpu.memref_squeeze %dma_start3A_74 : memref<1x8x128xi32, #tpu.memory_space<hbm>> -> memref<8x128xi32, #tpu.memory_space<hbm>>
      %dma_start3A_76 = arith.constant 48 : i32
      %dma_start3A_77 = arith.constant 0 : i32
      %dma_start3A_78 = tpu.memref_slice %arg2[%add3A, %dma_start3A_76, %dma_start3A_77] : memref<32x80x128xi32, #tpu.memory_space<hbm>> -> memref<1x8x128xi32, #tpu.memory_space<hbm>>
      %dma_start3A_79 = tpu.memref_squeeze %dma_start3A_78 : memref<1x8x128xi32, #tpu.memory_space<hbm>> -> memref<8x128xi32, #tpu.memory_space<hbm>>
      tpu.enqueue_dma source(%dma_start3A_79 : memref<8x128xi32, #tpu.memory_space<hbm>>) target(%arg6 : memref<8x128xi32, #tpu.memory_space<vmem>>) target_semaphore(%run_scoped3A : memref<!tpu.dma_semaphore, #tpu.memory_space<semaphore_mem>>)
      %dma_wait3A = arith.constant 48 : i32
      %dma_wait3A_80 = arith.constant 0 : i32
      %dma_wait3A_81 = tpu.memref_slice %arg2[%add3A, %dma_wait3A, %dma_wait3A_80] : memref<32x80x128xi32, #tpu.memory_space<hbm>> -> memref<1x8x128xi32, #tpu.memory_space<hbm>>
      %dma_wait3A_82 = tpu.memref_squeeze %dma_wait3A_81 : memref<1x8x128xi32, #tpu.memory_space<hbm>> -> memref<8x128xi32, #tpu.memory_space<hbm>>
      %dma_wait3A_83 = arith.constant 48 : i32
      %dma_wait3A_84 = arith.constant 0 : i32
      %dma_wait3A_85 = tpu.memref_slice %arg2[%add3A, %dma_wait3A_83, %dma_wait3A_84] : memref<32x80x128xi32, #tpu.memory_space<hbm>> -> memref<1x8x128xi32, #tpu.memory_space<hbm>>
      %dma_wait3A_86 = tpu.memref_squeeze %dma_wait3A_85 : memref<1x8x128xi32, #tpu.memory_space<hbm>> -> memref<8x128xi32, #tpu.memory_space<hbm>>
      tpu.wait_dma2 semaphore(%run_scoped3A : memref<!tpu.dma_semaphore, #tpu.memory_space<semaphore_mem>>) src(%dma_wait3A_86 : memref<8x128xi32, #tpu.memory_space<hbm>>) dst(%arg6 : memref<8x128xi32, #tpu.memory_space<vmem>>)
      tpu.yield
    }) : () -> ()
    %scan3A_42 = arith.constant 0 : i32
    %scan3A_43 = arith.constant 8 : i32
    %scan3A_44 = arith.addi %scan3A_42, %scan3A_43 : i32
    %scan3A_45 = arith.constant 1 : i32
    scf.for %scan3A_73 = %scan3A_42 to %scan3A_44 step %scan3A_45  : i32 {
      %mul3A_74 = arith.constant 1 : i32
      %mul3A_75 = arith.muli %scan3A_73, %mul3A_74 : i32
      %add3A_76 = arith.constant 0 : i32
      %add3A_77 = arith.addi %add3A_76, %mul3A_75 : i32
      "tpu.region"() ({
        %run_scoped3A = tpu.sem_alloc : memref<!tpu.dma_semaphore, #tpu.memory_space<semaphore_mem>>
        %dma_start3A = arith.constant 0 : i32
        %dma_start3A_78 = tpu.memref_slice %arg6[%add3A_77, %dma_start3A] : memref<8x128xi32, #tpu.memory_space<vmem>> -> memref<1x128xi32, #tpu.memory_space<vmem>>
        %dma_start3A_79 = tpu.memref_squeeze %dma_start3A_78 : memref<1x128xi32, #tpu.memory_space<vmem>> -> memref<128xi32, #tpu.memory_space<vmem>>
        %dma_start3A_80 = arith.constant 0 : i32
        %dma_start3A_81 = arith.constant 0 : i32
        %dma_start3A_82 = tpu.memref_slice %arg9[%dma_start3A_80, %dma_start3A_81] : memref<10240x128xf32, #tpu.memory_space<vmem_shared>> -> memref<10240x128xf32, #tpu.memory_space<vmem_shared>>
        tpu.enqueue_indirect_dma source(%arg8 : memref<128x128xf32, #tpu.memory_space<vmem>>) target(%dma_start3A_82 : memref<10240x128xf32, #tpu.memory_space<vmem_shared>>) offsets(%dma_start3A_79 : memref<128xi32, #tpu.memory_space<vmem>>) semaphore(%run_scoped3A : memref<!tpu.dma_semaphore, #tpu.memory_space<semaphore_mem>>) {add = true}
        %dma_wait3A = arith.constant 0 : i32
        %dma_wait3A_83 = tpu.memref_slice %arg6[%add3A_77, %dma_wait3A] : memref<8x128xi32, #tpu.memory_space<vmem>> -> memref<1x128xi32, #tpu.memory_space<vmem>>
        %dma_wait3A_84 = tpu.memref_squeeze %dma_wait3A_83 : memref<1x128xi32, #tpu.memory_space<vmem>> -> memref<128xi32, #tpu.memory_space<vmem>>
        %dma_wait3A_85 = arith.constant 0 : i32
        %dma_wait3A_86 = arith.constant 0 : i32
        %dma_wait3A_87 = tpu.memref_slice %arg9[%dma_wait3A_85, %dma_wait3A_86] : memref<10240x128xf32, #tpu.memory_space<vmem_shared>> -> memref<10240x128xf32, #tpu.memory_space<vmem_shared>>
        tpu.wait_indirect_dma semaphore(%run_scoped3A : memref<!tpu.dma_semaphore, #tpu.memory_space<semaphore_mem>>) src(%arg8 : memref<128x128xf32, #tpu.memory_space<vmem>>) dst(%dma_wait3A_87 : memref<10240x128xf32, #tpu.memory_space<vmem_shared>>)
        tpu.yield
      }) : () -> ()
    }
    %scan3A_46 = arith.constant 8 : i32
    "tpu.region"() ({
      %run_scoped3A = tpu.sem_alloc : memref<!tpu.dma_semaphore, #tpu.memory_space<semaphore_mem>>
      %dma_start3A = arith.constant 56 : i32
      %dma_start3A_73 = arith.constant 0 : i32
      %dma_start3A_74 = tpu.memref_slice %arg2[%add3A, %dma_start3A, %dma_start3A_73] : memref<32x80x128xi32, #tpu.memory_space<hbm>> -> memref<1x8x128xi32, #tpu.memory_space<hbm>>
      %dma_start3A_75 = tpu.memref_squeeze %dma_start3A_74 : memref<1x8x128xi32, #tpu.memory_space<hbm>> -> memref<8x128xi32, #tpu.memory_space<hbm>>
      %dma_start3A_76 = arith.constant 56 : i32
      %dma_start3A_77 = arith.constant 0 : i32
      %dma_start3A_78 = tpu.memref_slice %arg2[%add3A, %dma_start3A_76, %dma_start3A_77] : memref<32x80x128xi32, #tpu.memory_space<hbm>> -> memref<1x8x128xi32, #tpu.memory_space<hbm>>
      %dma_start3A_79 = tpu.memref_squeeze %dma_start3A_78 : memref<1x8x128xi32, #tpu.memory_space<hbm>> -> memref<8x128xi32, #tpu.memory_space<hbm>>
      tpu.enqueue_dma source(%dma_start3A_79 : memref<8x128xi32, #tpu.memory_space<hbm>>) target(%arg6 : memref<8x128xi32, #tpu.memory_space<vmem>>) target_semaphore(%run_scoped3A : memref<!tpu.dma_semaphore, #tpu.memory_space<semaphore_mem>>)
      %dma_wait3A = arith.constant 56 : i32
      %dma_wait3A_80 = arith.constant 0 : i32
      %dma_wait3A_81 = tpu.memref_slice %arg2[%add3A, %dma_wait3A, %dma_wait3A_80] : memref<32x80x128xi32, #tpu.memory_space<hbm>> -> memref<1x8x128xi32, #tpu.memory_space<hbm>>
      %dma_wait3A_82 = tpu.memref_squeeze %dma_wait3A_81 : memref<1x8x128xi32, #tpu.memory_space<hbm>> -> memref<8x128xi32, #tpu.memory_space<hbm>>
      %dma_wait3A_83 = arith.constant 56 : i32
      %dma_wait3A_84 = arith.constant 0 : i32
      %dma_wait3A_85 = tpu.memref_slice %arg2[%add3A, %dma_wait3A_83, %dma_wait3A_84] : memref<32x80x128xi32, #tpu.memory_space<hbm>> -> memref<1x8x128xi32, #tpu.memory_space<hbm>>
      %dma_wait3A_86 = tpu.memref_squeeze %dma_wait3A_85 : memref<1x8x128xi32, #tpu.memory_space<hbm>> -> memref<8x128xi32, #tpu.memory_space<hbm>>
      tpu.wait_dma2 semaphore(%run_scoped3A : memref<!tpu.dma_semaphore, #tpu.memory_space<semaphore_mem>>) src(%dma_wait3A_86 : memref<8x128xi32, #tpu.memory_space<hbm>>) dst(%arg6 : memref<8x128xi32, #tpu.memory_space<vmem>>)
      tpu.yield
    }) : () -> ()
    %scan3A_47 = arith.constant 0 : i32
    %scan3A_48 = arith.constant 8 : i32
    %scan3A_49 = arith.addi %scan3A_47, %scan3A_48 : i32
    %scan3A_50 = arith.constant 1 : i32
    scf.for %scan3A_73 = %scan3A_47 to %scan3A_49 step %scan3A_50  : i32 {
      %mul3A_74 = arith.constant 1 : i32
      %mul3A_75 = arith.muli %scan3A_73, %mul3A_74 : i32
      %add3A_76 = arith.constant 0 : i32
      %add3A_77 = arith.addi %add3A_76, %mul3A_75 : i32
      "tpu.region"() ({
        %run_scoped3A = tpu.sem_alloc : memref<!tpu.dma_semaphore, #tpu.memory_space<semaphore_mem>>
        %dma_start3A = arith.constant 0 : i32
        %dma_start3A_78 = tpu.memref_slice %arg6[%add3A_77, %dma_start3A] : memref<8x128xi32, #tpu.memory_space<vmem>> -> memref<1x128xi32, #tpu.memory_space<vmem>>
        %dma_start3A_79 = tpu.memref_squeeze %dma_start3A_78 : memref<1x128xi32, #tpu.memory_space<vmem>> -> memref<128xi32, #tpu.memory_space<vmem>>
        %dma_start3A_80 = arith.constant 0 : i32
        %dma_start3A_81 = arith.constant 0 : i32
        %dma_start3A_82 = tpu.memref_slice %arg9[%dma_start3A_80, %dma_start3A_81] : memref<10240x128xf32, #tpu.memory_space<vmem_shared>> -> memref<10240x128xf32, #tpu.memory_space<vmem_shared>>
        tpu.enqueue_indirect_dma source(%arg8 : memref<128x128xf32, #tpu.memory_space<vmem>>) target(%dma_start3A_82 : memref<10240x128xf32, #tpu.memory_space<vmem_shared>>) offsets(%dma_start3A_79 : memref<128xi32, #tpu.memory_space<vmem>>) semaphore(%run_scoped3A : memref<!tpu.dma_semaphore, #tpu.memory_space<semaphore_mem>>) {add = true}
        %dma_wait3A = arith.constant 0 : i32
        %dma_wait3A_83 = tpu.memref_slice %arg6[%add3A_77, %dma_wait3A] : memref<8x128xi32, #tpu.memory_space<vmem>> -> memref<1x128xi32, #tpu.memory_space<vmem>>
        %dma_wait3A_84 = tpu.memref_squeeze %dma_wait3A_83 : memref<1x128xi32, #tpu.memory_space<vmem>> -> memref<128xi32, #tpu.memory_space<vmem>>
        %dma_wait3A_85 = arith.constant 0 : i32
        %dma_wait3A_86 = arith.constant 0 : i32
        %dma_wait3A_87 = tpu.memref_slice %arg9[%dma_wait3A_85, %dma_wait3A_86] : memref<10240x128xf32, #tpu.memory_space<vmem_shared>> -> memref<10240x128xf32, #tpu.memory_space<vmem_shared>>
        tpu.wait_indirect_dma semaphore(%run_scoped3A : memref<!tpu.dma_semaphore, #tpu.memory_space<semaphore_mem>>) src(%arg8 : memref<128x128xf32, #tpu.memory_space<vmem>>) dst(%dma_wait3A_87 : memref<10240x128xf32, #tpu.memory_space<vmem_shared>>)
        tpu.yield
      }) : () -> ()
    }
    %scan3A_51 = arith.constant 8 : i32
    "tpu.region"() ({
      %run_scoped3A = tpu.sem_alloc : memref<!tpu.dma_semaphore, #tpu.memory_space<semaphore_mem>>
      %dma_start3A = arith.constant 64 : i32
      %dma_start3A_73 = arith.constant 0 : i32
      %dma_start3A_74 = tpu.memref_slice %arg2[%add3A, %dma_start3A, %dma_start3A_73] : memref<32x80x128xi32, #tpu.memory_space<hbm>> -> memref<1x8x128xi32, #tpu.memory_space<hbm>>
      %dma_start3A_75 = tpu.memref_squeeze %dma_start3A_74 : memref<1x8x128xi32, #tpu.memory_space<hbm>> -> memref<8x128xi32, #tpu.memory_space<hbm>>
      %dma_start3A_76 = arith.constant 64 : i32
      %dma_start3A_77 = arith.constant 0 : i32
      %dma_start3A_78 = tpu.memref_slice %arg2[%add3A, %dma_start3A_76, %dma_start3A_77] : memref<32x80x128xi32, #tpu.memory_space<hbm>> -> memref<1x8x128xi32, #tpu.memory_space<hbm>>
      %dma_start3A_79 = tpu.memref_squeeze %dma_start3A_78 : memref<1x8x128xi32, #tpu.memory_space<hbm>> -> memref<8x128xi32, #tpu.memory_space<hbm>>
      tpu.enqueue_dma source(%dma_start3A_79 : memref<8x128xi32, #tpu.memory_space<hbm>>) target(%arg6 : memref<8x128xi32, #tpu.memory_space<vmem>>) target_semaphore(%run_scoped3A : memref<!tpu.dma_semaphore, #tpu.memory_space<semaphore_mem>>)
      %dma_wait3A = arith.constant 64 : i32
      %dma_wait3A_80 = arith.constant 0 : i32
      %dma_wait3A_81 = tpu.memref_slice %arg2[%add3A, %dma_wait3A, %dma_wait3A_80] : memref<32x80x128xi32, #tpu.memory_space<hbm>> -> memref<1x8x128xi32, #tpu.memory_space<hbm>>
      %dma_wait3A_82 = tpu.memref_squeeze %dma_wait3A_81 : memref<1x8x128xi32, #tpu.memory_space<hbm>> -> memref<8x128xi32, #tpu.memory_space<hbm>>
      %dma_wait3A_83 = arith.constant 64 : i32
      %dma_wait3A_84 = arith.constant 0 : i32
      %dma_wait3A_85 = tpu.memref_slice %arg2[%add3A, %dma_wait3A_83, %dma_wait3A_84] : memref<32x80x128xi32, #tpu.memory_space<hbm>> -> memref<1x8x128xi32, #tpu.memory_space<hbm>>
      %dma_wait3A_86 = tpu.memref_squeeze %dma_wait3A_85 : memref<1x8x128xi32, #tpu.memory_space<hbm>> -> memref<8x128xi32, #tpu.memory_space<hbm>>
      tpu.wait_dma2 semaphore(%run_scoped3A : memref<!tpu.dma_semaphore, #tpu.memory_space<semaphore_mem>>) src(%dma_wait3A_86 : memref<8x128xi32, #tpu.memory_space<hbm>>) dst(%arg6 : memref<8x128xi32, #tpu.memory_space<vmem>>)
      tpu.yield
    }) : () -> ()
    %scan3A_52 = arith.constant 0 : i32
    %scan3A_53 = arith.constant 8 : i32
    %scan3A_54 = arith.addi %scan3A_52, %scan3A_53 : i32
    %scan3A_55 = arith.constant 1 : i32
    scf.for %scan3A_73 = %scan3A_52 to %scan3A_54 step %scan3A_55  : i32 {
      %mul3A_74 = arith.constant 1 : i32
      %mul3A_75 = arith.muli %scan3A_73, %mul3A_74 : i32
      %add3A_76 = arith.constant 0 : i32
      %add3A_77 = arith.addi %add3A_76, %mul3A_75 : i32
      "tpu.region"() ({
        %run_scoped3A = tpu.sem_alloc : memref<!tpu.dma_semaphore, #tpu.memory_space<semaphore_mem>>
        %dma_start3A = arith.constant 0 : i32
        %dma_start3A_78 = tpu.memref_slice %arg6[%add3A_77, %dma_start3A] : memref<8x128xi32, #tpu.memory_space<vmem>> -> memref<1x128xi32, #tpu.memory_space<vmem>>
        %dma_start3A_79 = tpu.memref_squeeze %dma_start3A_78 : memref<1x128xi32, #tpu.memory_space<vmem>> -> memref<128xi32, #tpu.memory_space<vmem>>
        %dma_start3A_80 = arith.constant 0 : i32
        %dma_start3A_81 = arith.constant 0 : i32
        %dma_start3A_82 = tpu.memref_slice %arg9[%dma_start3A_80, %dma_start3A_81] : memref<10240x128xf32, #tpu.memory_space<vmem_shared>> -> memref<10240x128xf32, #tpu.memory_space<vmem_shared>>
        tpu.enqueue_indirect_dma source(%arg8 : memref<128x128xf32, #tpu.memory_space<vmem>>) target(%dma_start3A_82 : memref<10240x128xf32, #tpu.memory_space<vmem_shared>>) offsets(%dma_start3A_79 : memref<128xi32, #tpu.memory_space<vmem>>) semaphore(%run_scoped3A : memref<!tpu.dma_semaphore, #tpu.memory_space<semaphore_mem>>) {add = true}
        %dma_wait3A = arith.constant 0 : i32
        %dma_wait3A_83 = tpu.memref_slice %arg6[%add3A_77, %dma_wait3A] : memref<8x128xi32, #tpu.memory_space<vmem>> -> memref<1x128xi32, #tpu.memory_space<vmem>>
        %dma_wait3A_84 = tpu.memref_squeeze %dma_wait3A_83 : memref<1x128xi32, #tpu.memory_space<vmem>> -> memref<128xi32, #tpu.memory_space<vmem>>
        %dma_wait3A_85 = arith.constant 0 : i32
        %dma_wait3A_86 = arith.constant 0 : i32
        %dma_wait3A_87 = tpu.memref_slice %arg9[%dma_wait3A_85, %dma_wait3A_86] : memref<10240x128xf32, #tpu.memory_space<vmem_shared>> -> memref<10240x128xf32, #tpu.memory_space<vmem_shared>>
        tpu.wait_indirect_dma semaphore(%run_scoped3A : memref<!tpu.dma_semaphore, #tpu.memory_space<semaphore_mem>>) src(%arg8 : memref<128x128xf32, #tpu.memory_space<vmem>>) dst(%dma_wait3A_87 : memref<10240x128xf32, #tpu.memory_space<vmem_shared>>)
        tpu.yield
      }) : () -> ()
    }
    %scan3A_56 = arith.constant 8 : i32
    "tpu.region"() ({
      %run_scoped3A = tpu.sem_alloc : memref<!tpu.dma_semaphore, #tpu.memory_space<semaphore_mem>>
      %dma_start3A = arith.constant 72 : i32
      %dma_start3A_73 = arith.constant 0 : i32
      %dma_start3A_74 = tpu.memref_slice %arg2[%add3A, %dma_start3A, %dma_start3A_73] : memref<32x80x128xi32, #tpu.memory_space<hbm>> -> memref<1x8x128xi32, #tpu.memory_space<hbm>>
      %dma_start3A_75 = tpu.memref_squeeze %dma_start3A_74 : memref<1x8x128xi32, #tpu.memory_space<hbm>> -> memref<8x128xi32, #tpu.memory_space<hbm>>
      %dma_start3A_76 = arith.constant 72 : i32
      %dma_start3A_77 = arith.constant 0 : i32
      %dma_start3A_78 = tpu.memref_slice %arg2[%add3A, %dma_start3A_76, %dma_start3A_77] : memref<32x80x128xi32, #tpu.memory_space<hbm>> -> memref<1x8x128xi32, #tpu.memory_space<hbm>>
      %dma_start3A_79 = tpu.memref_squeeze %dma_start3A_78 : memref<1x8x128xi32, #tpu.memory_space<hbm>> -> memref<8x128xi32, #tpu.memory_space<hbm>>
      tpu.enqueue_dma source(%dma_start3A_79 : memref<8x128xi32, #tpu.memory_space<hbm>>) target(%arg6 : memref<8x128xi32, #tpu.memory_space<vmem>>) target_semaphore(%run_scoped3A : memref<!tpu.dma_semaphore, #tpu.memory_space<semaphore_mem>>)
      %dma_wait3A = arith.constant 72 : i32
      %dma_wait3A_80 = arith.constant 0 : i32
      %dma_wait3A_81 = tpu.memref_slice %arg2[%add3A, %dma_wait3A, %dma_wait3A_80] : memref<32x80x128xi32, #tpu.memory_space<hbm>> -> memref<1x8x128xi32, #tpu.memory_space<hbm>>
      %dma_wait3A_82 = tpu.memref_squeeze %dma_wait3A_81 : memref<1x8x128xi32, #tpu.memory_space<hbm>> -> memref<8x128xi32, #tpu.memory_space<hbm>>
      %dma_wait3A_83 = arith.constant 72 : i32
      %dma_wait3A_84 = arith.constant 0 : i32
      %dma_wait3A_85 = tpu.memref_slice %arg2[%add3A, %dma_wait3A_83, %dma_wait3A_84] : memref<32x80x128xi32, #tpu.memory_space<hbm>> -> memref<1x8x128xi32, #tpu.memory_space<hbm>>
      %dma_wait3A_86 = tpu.memref_squeeze %dma_wait3A_85 : memref<1x8x128xi32, #tpu.memory_space<hbm>> -> memref<8x128xi32, #tpu.memory_space<hbm>>
      tpu.wait_dma2 semaphore(%run_scoped3A : memref<!tpu.dma_semaphore, #tpu.memory_space<semaphore_mem>>) src(%dma_wait3A_86 : memref<8x128xi32, #tpu.memory_space<hbm>>) dst(%arg6 : memref<8x128xi32, #tpu.memory_space<vmem>>)
      tpu.yield
    }) : () -> ()
    %scan3A_57 = arith.constant 0 : i32
    %scan3A_58 = arith.constant 8 : i32
    %scan3A_59 = arith.addi %scan3A_57, %scan3A_58 : i32
    %scan3A_60 = arith.constant 1 : i32
    scf.for %scan3A_73 = %scan3A_57 to %scan3A_59 step %scan3A_60  : i32 {
      %mul3A_74 = arith.constant 1 : i32
      %mul3A_75 = arith.muli %scan3A_73, %mul3A_74 : i32
      %add3A_76 = arith.constant 0 : i32
      %add3A_77 = arith.addi %add3A_76, %mul3A_75 : i32
      "tpu.region"() ({
        %run_scoped3A = tpu.sem_alloc : memref<!tpu.dma_semaphore, #tpu.memory_space<semaphore_mem>>
        %dma_start3A = arith.constant 0 : i32
        %dma_start3A_78 = tpu.memref_slice %arg6[%add3A_77, %dma_start3A] : memref<8x128xi32, #tpu.memory_space<vmem>> -> memref<1x128xi32, #tpu.memory_space<vmem>>
        %dma_start3A_79 = tpu.memref_squeeze %dma_start3A_78 : memref<1x128xi32, #tpu.memory_space<vmem>> -> memref<128xi32, #tpu.memory_space<vmem>>
        %dma_start3A_80 = arith.constant 0 : i32
        %dma_start3A_81 = arith.constant 0 : i32
        %dma_start3A_82 = tpu.memref_slice %arg9[%dma_start3A_80, %dma_start3A_81] : memref<10240x128xf32, #tpu.memory_space<vmem_shared>> -> memref<10240x128xf32, #tpu.memory_space<vmem_shared>>
        tpu.enqueue_indirect_dma source(%arg8 : memref<128x128xf32, #tpu.memory_space<vmem>>) target(%dma_start3A_82 : memref<10240x128xf32, #tpu.memory_space<vmem_shared>>) offsets(%dma_start3A_79 : memref<128xi32, #tpu.memory_space<vmem>>) semaphore(%run_scoped3A : memref<!tpu.dma_semaphore, #tpu.memory_space<semaphore_mem>>) {add = true}
        %dma_wait3A = arith.constant 0 : i32
        %dma_wait3A_83 = tpu.memref_slice %arg6[%add3A_77, %dma_wait3A] : memref<8x128xi32, #tpu.memory_space<vmem>> -> memref<1x128xi32, #tpu.memory_space<vmem>>
        %dma_wait3A_84 = tpu.memref_squeeze %dma_wait3A_83 : memref<1x128xi32, #tpu.memory_space<vmem>> -> memref<128xi32, #tpu.memory_space<vmem>>
        %dma_wait3A_85 = arith.constant 0 : i32
        %dma_wait3A_86 = arith.constant 0 : i32
        %dma_wait3A_87 = tpu.memref_slice %arg9[%dma_wait3A_85, %dma_wait3A_86] : memref<10240x128xf32, #tpu.memory_space<vmem_shared>> -> memref<10240x128xf32, #tpu.memory_space<vmem_shared>>
        tpu.wait_indirect_dma semaphore(%run_scoped3A : memref<!tpu.dma_semaphore, #tpu.memory_space<semaphore_mem>>) src(%arg8 : memref<128x128xf32, #tpu.memory_space<vmem>>) dst(%dma_wait3A_87 : memref<10240x128xf32, #tpu.memory_space<vmem_shared>>)
        tpu.yield
      }) : () -> ()
    }
    %scan3A_61 = arith.constant 8 : i32
    %barrier3A_62 = arith.constant 0 : index
    tpu.barrier barrier_id(%barrier3A_62)
    %add3A_63 = arith.constant 0 : i32
    %add3A_64 = arith.addi %mul3A_2, %add3A_63 : i32
    "tpu.region"() ({
      %run_scoped3A = tpu.sem_alloc : memref<!tpu.dma_semaphore, #tpu.memory_space<semaphore_mem>>
      %dma_start3A = arith.constant 0 : i32
      %dma_start3A_73 = tpu.memref_slice %arg9[%add3A_64, %dma_start3A] : memref<10240x128xf32, #tpu.memory_space<vmem_shared>> -> memref<128x128xf32, #tpu.memory_space<vmem_shared>>
      %dma_start3A_74 = arith.constant 0 : i32
      %dma_start3A_75 = tpu.memref_slice %arg9[%add3A_64, %dma_start3A_74] : memref<10240x128xf32, #tpu.memory_space<vmem_shared>> -> memref<128x128xf32, #tpu.memory_space<vmem_shared>>
      tpu.enqueue_dma source(%dma_start3A_75 : memref<128x128xf32, #tpu.memory_space<vmem_shared>>) target(%arg7 : memref<128x128xf32, #tpu.memory_space<vmem>>) target_semaphore(%run_scoped3A : memref<!tpu.dma_semaphore, #tpu.memory_space<semaphore_mem>>)
      %dma_wait3A = arith.constant 0 : i32
      %dma_wait3A_76 = tpu.memref_slice %arg9[%add3A_64, %dma_wait3A] : memref<10240x128xf32, #tpu.memory_space<vmem_shared>> -> memref<128x128xf32, #tpu.memory_space<vmem_shared>>
      %dma_wait3A_77 = arith.constant 0 : i32
      %dma_wait3A_78 = tpu.memref_slice %arg9[%add3A_64, %dma_wait3A_77] : memref<10240x128xf32, #tpu.memory_space<vmem_shared>> -> memref<128x128xf32, #tpu.memory_space<vmem_shared>>
      tpu.wait_dma2 semaphore(%run_scoped3A : memref<!tpu.dma_semaphore, #tpu.memory_space<semaphore_mem>>) src(%dma_wait3A_78 : memref<128x128xf32, #tpu.memory_space<vmem_shared>>) dst(%arg7 : memref<128x128xf32, #tpu.memory_space<vmem>>)
      tpu.yield
    }) : () -> ()
    "tpu.region"() ({
      %run_scoped3A = tpu.sem_alloc : memref<!tpu.dma_semaphore, #tpu.memory_space<semaphore_mem>>
      %dma_start3A = arith.constant 0 : i32
      %dma_start3A_73 = tpu.memref_slice %arg5[%arg0, %add3A_64, %dma_start3A] : memref<2x10240x128xf32, #tpu.memory_space<hbm>> -> memref<1x128x128xf32, #tpu.memory_space<hbm>>
      %dma_start3A_74 = tpu.memref_squeeze %dma_start3A_73 : memref<1x128x128xf32, #tpu.memory_space<hbm>> -> memref<128x128xf32, #tpu.memory_space<hbm>>
      %dma_start3A_75 = arith.constant 0 : i32
      %dma_start3A_76 = tpu.memref_slice %arg5[%arg0, %add3A_64, %dma_start3A_75] : memref<2x10240x128xf32, #tpu.memory_space<hbm>> -> memref<1x128x128xf32, #tpu.memory_space<hbm>>
      %dma_start3A_77 = tpu.memref_squeeze %dma_start3A_76 : memref<1x128x128xf32, #tpu.memory_space<hbm>> -> memref<128x128xf32, #tpu.memory_space<hbm>>
      tpu.enqueue_dma source(%arg7 : memref<128x128xf32, #tpu.memory_space<vmem>>) target(%dma_start3A_77 : memref<128x128xf32, #tpu.memory_space<hbm>>) target_semaphore(%run_scoped3A : memref<!tpu.dma_semaphore, #tpu.memory_space<semaphore_mem>>)
      %dma_wait3A = arith.constant 0 : i32
      %dma_wait3A_78 = tpu.memref_slice %arg5[%arg0, %add3A_64, %dma_wait3A] : memref<2x10240x128xf32, #tpu.memory_space<hbm>> -> memref<1x128x128xf32, #tpu.memory_space<hbm>>
      %dma_wait3A_79 = tpu.memref_squeeze %dma_wait3A_78 : memref<1x128x128xf32, #tpu.memory_space<hbm>> -> memref<128x128xf32, #tpu.memory_space<hbm>>
      %dma_wait3A_80 = arith.constant 0 : i32
      %dma_wait3A_81 = tpu.memref_slice %arg5[%arg0, %add3A_64, %dma_wait3A_80] : memref<2x10240x128xf32, #tpu.memory_space<hbm>> -> memref<1x128x128xf32, #tpu.memory_space<hbm>>
      %dma_wait3A_82 = tpu.memref_squeeze %dma_wait3A_81 : memref<1x128x128xf32, #tpu.memory_space<hbm>> -> memref<128x128xf32, #tpu.memory_space<hbm>>
      tpu.wait_dma2 semaphore(%run_scoped3A : memref<!tpu.dma_semaphore, #tpu.memory_space<semaphore_mem>>) src(%arg7 : memref<128x128xf32, #tpu.memory_space<vmem>>) dst(%dma_wait3A_82 : memref<128x128xf32, #tpu.memory_space<hbm>>)
      tpu.yield
    }) : () -> ()
    %add3A_65 = arith.constant 128 : i32
    %add3A_66 = arith.addi %mul3A_2, %add3A_65 : i32
    "tpu.region"() ({
      %run_scoped3A = tpu.sem_alloc : memref<!tpu.dma_semaphore, #tpu.memory_space<semaphore_mem>>
      %dma_start3A = arith.constant 0 : i32
      %dma_start3A_73 = tpu.memref_slice %arg9[%add3A_66, %dma_start3A] : memref<10240x128xf32, #tpu.memory_space<vmem_shared>> -> memref<128x128xf32, #tpu.memory_space<vmem_shared>>
      %dma_start3A_74 = arith.constant 0 : i32
      %dma_start3A_75 = tpu.memref_slice %arg9[%add3A_66, %dma_start3A_74] : memref<10240x128xf32, #tpu.memory_space<vmem_shared>> -> memref<128x128xf32, #tpu.memory_space<vmem_shared>>
      tpu.enqueue_dma source(%dma_start3A_75 : memref<128x128xf32, #tpu.memory_space<vmem_shared>>) target(%arg7 : memref<128x128xf32, #tpu.memory_space<vmem>>) target_semaphore(%run_scoped3A : memref<!tpu.dma_semaphore, #tpu.memory_space<semaphore_mem>>)
      %dma_wait3A = arith.constant 0 : i32
      %dma_wait3A_76 = tpu.memref_slice %arg9[%add3A_66, %dma_wait3A] : memref<10240x128xf32, #tpu.memory_space<vmem_shared>> -> memref<128x128xf32, #tpu.memory_space<vmem_shared>>
      %dma_wait3A_77 = arith.constant 0 : i32
      %dma_wait3A_78 = tpu.memref_slice %arg9[%add3A_66, %dma_wait3A_77] : memref<10240x128xf32, #tpu.memory_space<vmem_shared>> -> memref<128x128xf32, #tpu.memory_space<vmem_shared>>
      tpu.wait_dma2 semaphore(%run_scoped3A : memref<!tpu.dma_semaphore, #tpu.memory_space<semaphore_mem>>) src(%dma_wait3A_78 : memref<128x128xf32, #tpu.memory_space<vmem_shared>>) dst(%arg7 : memref<128x128xf32, #tpu.memory_space<vmem>>)
      tpu.yield
    }) : () -> ()
    "tpu.region"() ({
      %run_scoped3A = tpu.sem_alloc : memref<!tpu.dma_semaphore, #tpu.memory_space<semaphore_mem>>
      %dma_start3A = arith.constant 0 : i32
      %dma_start3A_73 = tpu.memref_slice %arg5[%arg0, %add3A_66, %dma_start3A] : memref<2x10240x128xf32, #tpu.memory_space<hbm>> -> memref<1x128x128xf32, #tpu.memory_space<hbm>>
      %dma_start3A_74 = tpu.memref_squeeze %dma_start3A_73 : memref<1x128x128xf32, #tpu.memory_space<hbm>> -> memref<128x128xf32, #tpu.memory_space<hbm>>
      %dma_start3A_75 = arith.constant 0 : i32
      %dma_start3A_76 = tpu.memref_slice %arg5[%arg0, %add3A_66, %dma_start3A_75] : memref<2x10240x128xf32, #tpu.memory_space<hbm>> -> memref<1x128x128xf32, #tpu.memory_space<hbm>>
      %dma_start3A_77 = tpu.memref_squeeze %dma_start3A_76 : memref<1x128x128xf32, #tpu.memory_space<hbm>> -> memref<128x128xf32, #tpu.memory_space<hbm>>
      tpu.enqueue_dma source(%arg7 : memref<128x128xf32, #tpu.memory_space<vmem>>) target(%dma_start3A_77 : memref<128x128xf32, #tpu.memory_space<hbm>>) target_semaphore(%run_scoped3A : memref<!tpu.dma_semaphore, #tpu.memory_space<semaphore_mem>>)
      %dma_wait3A = arith.constant 0 : i32
      %dma_wait3A_78 = tpu.memref_slice %arg5[%arg0, %add3A_66, %dma_wait3A] : memref<2x10240x128xf32, #tpu.memory_space<hbm>> -> memref<1x128x128xf32, #tpu.memory_space<hbm>>
      %dma_wait3A_79 = tpu.memref_squeeze %dma_wait3A_78 : memref<1x128x128xf32, #tpu.memory_space<hbm>> -> memref<128x128xf32, #tpu.memory_space<hbm>>
      %dma_wait3A_80 = arith.constant 0 : i32
      %dma_wait3A_81 = tpu.memref_slice %arg5[%arg0, %add3A_66, %dma_wait3A_80] : memref<2x10240x128xf32, #tpu.memory_space<hbm>> -> memref<1x128x128xf32, #tpu.memory_space<hbm>>
      %dma_wait3A_82 = tpu.memref_squeeze %dma_wait3A_81 : memref<1x128x128xf32, #tpu.memory_space<hbm>> -> memref<128x128xf32, #tpu.memory_space<hbm>>
      tpu.wait_dma2 semaphore(%run_scoped3A : memref<!tpu.dma_semaphore, #tpu.memory_space<semaphore_mem>>) src(%arg7 : memref<128x128xf32, #tpu.memory_space<vmem>>) dst(%dma_wait3A_82 : memref<128x128xf32, #tpu.memory_space<hbm>>)
      tpu.yield
    }) : () -> ()
    %add3A_67 = arith.constant 256 : i32
    %add3A_68 = arith.addi %mul3A_2, %add3A_67 : i32
    "tpu.region"() ({
      %run_scoped3A = tpu.sem_alloc : memref<!tpu.dma_semaphore, #tpu.memory_space<semaphore_mem>>
      %dma_start3A = arith.constant 0 : i32
      %dma_start3A_73 = tpu.memref_slice %arg9[%add3A_68, %dma_start3A] : memref<10240x128xf32, #tpu.memory_space<vmem_shared>> -> memref<128x128xf32, #tpu.memory_space<vmem_shared>>
      %dma_start3A_74 = arith.constant 0 : i32
      %dma_start3A_75 = tpu.memref_slice %arg9[%add3A_68, %dma_start3A_74] : memref<10240x128xf32, #tpu.memory_space<vmem_shared>> -> memref<128x128xf32, #tpu.memory_space<vmem_shared>>
      tpu.enqueue_dma source(%dma_start3A_75 : memref<128x128xf32, #tpu.memory_space<vmem_shared>>) target(%arg7 : memref<128x128xf32, #tpu.memory_space<vmem>>) target_semaphore(%run_scoped3A : memref<!tpu.dma_semaphore, #tpu.memory_space<semaphore_mem>>)
      %dma_wait3A = arith.constant 0 : i32
      %dma_wait3A_76 = tpu.memref_slice %arg9[%add3A_68, %dma_wait3A] : memref<10240x128xf32, #tpu.memory_space<vmem_shared>> -> memref<128x128xf32, #tpu.memory_space<vmem_shared>>
      %dma_wait3A_77 = arith.constant 0 : i32
      %dma_wait3A_78 = tpu.memref_slice %arg9[%add3A_68, %dma_wait3A_77] : memref<10240x128xf32, #tpu.memory_space<vmem_shared>> -> memref<128x128xf32, #tpu.memory_space<vmem_shared>>
      tpu.wait_dma2 semaphore(%run_scoped3A : memref<!tpu.dma_semaphore, #tpu.memory_space<semaphore_mem>>) src(%dma_wait3A_78 : memref<128x128xf32, #tpu.memory_space<vmem_shared>>) dst(%arg7 : memref<128x128xf32, #tpu.memory_space<vmem>>)
      tpu.yield
    }) : () -> ()
    "tpu.region"() ({
      %run_scoped3A = tpu.sem_alloc : memref<!tpu.dma_semaphore, #tpu.memory_space<semaphore_mem>>
      %dma_start3A = arith.constant 0 : i32
      %dma_start3A_73 = tpu.memref_slice %arg5[%arg0, %add3A_68, %dma_start3A] : memref<2x10240x128xf32, #tpu.memory_space<hbm>> -> memref<1x128x128xf32, #tpu.memory_space<hbm>>
      %dma_start3A_74 = tpu.memref_squeeze %dma_start3A_73 : memref<1x128x128xf32, #tpu.memory_space<hbm>> -> memref<128x128xf32, #tpu.memory_space<hbm>>
      %dma_start3A_75 = arith.constant 0 : i32
      %dma_start3A_76 = tpu.memref_slice %arg5[%arg0, %add3A_68, %dma_start3A_75] : memref<2x10240x128xf32, #tpu.memory_space<hbm>> -> memref<1x128x128xf32, #tpu.memory_space<hbm>>
      %dma_start3A_77 = tpu.memref_squeeze %dma_start3A_76 : memref<1x128x128xf32, #tpu.memory_space<hbm>> -> memref<128x128xf32, #tpu.memory_space<hbm>>
      tpu.enqueue_dma source(%arg7 : memref<128x128xf32, #tpu.memory_space<vmem>>) target(%dma_start3A_77 : memref<128x128xf32, #tpu.memory_space<hbm>>) target_semaphore(%run_scoped3A : memref<!tpu.dma_semaphore, #tpu.memory_space<semaphore_mem>>)
      %dma_wait3A = arith.constant 0 : i32
      %dma_wait3A_78 = tpu.memref_slice %arg5[%arg0, %add3A_68, %dma_wait3A] : memref<2x10240x128xf32, #tpu.memory_space<hbm>> -> memref<1x128x128xf32, #tpu.memory_space<hbm>>
      %dma_wait3A_79 = tpu.memref_squeeze %dma_wait3A_78 : memref<1x128x128xf32, #tpu.memory_space<hbm>> -> memref<128x128xf32, #tpu.memory_space<hbm>>
      %dma_wait3A_80 = arith.constant 0 : i32
      %dma_wait3A_81 = tpu.memref_slice %arg5[%arg0, %add3A_68, %dma_wait3A_80] : memref<2x10240x128xf32, #tpu.memory_space<hbm>> -> memref<1x128x128xf32, #tpu.memory_space<hbm>>
      %dma_wait3A_82 = tpu.memref_squeeze %dma_wait3A_81 : memref<1x128x128xf32, #tpu.memory_space<hbm>> -> memref<128x128xf32, #tpu.memory_space<hbm>>
      tpu.wait_dma2 semaphore(%run_scoped3A : memref<!tpu.dma_semaphore, #tpu.memory_space<semaphore_mem>>) src(%arg7 : memref<128x128xf32, #tpu.memory_space<vmem>>) dst(%dma_wait3A_82 : memref<128x128xf32, #tpu.memory_space<hbm>>)
      tpu.yield
    }) : () -> ()
    %add3A_69 = arith.constant 384 : i32
    %add3A_70 = arith.addi %mul3A_2, %add3A_69 : i32
    "tpu.region"() ({
      %run_scoped3A = tpu.sem_alloc : memref<!tpu.dma_semaphore, #tpu.memory_space<semaphore_mem>>
      %dma_start3A = arith.constant 0 : i32
      %dma_start3A_73 = tpu.memref_slice %arg9[%add3A_70, %dma_start3A] : memref<10240x128xf32, #tpu.memory_space<vmem_shared>> -> memref<128x128xf32, #tpu.memory_space<vmem_shared>>
      %dma_start3A_74 = arith.constant 0 : i32
      %dma_start3A_75 = tpu.memref_slice %arg9[%add3A_70, %dma_start3A_74] : memref<10240x128xf32, #tpu.memory_space<vmem_shared>> -> memref<128x128xf32, #tpu.memory_space<vmem_shared>>
      tpu.enqueue_dma source(%dma_start3A_75 : memref<128x128xf32, #tpu.memory_space<vmem_shared>>) target(%arg7 : memref<128x128xf32, #tpu.memory_space<vmem>>) target_semaphore(%run_scoped3A : memref<!tpu.dma_semaphore, #tpu.memory_space<semaphore_mem>>)
      %dma_wait3A = arith.constant 0 : i32
      %dma_wait3A_76 = tpu.memref_slice %arg9[%add3A_70, %dma_wait3A] : memref<10240x128xf32, #tpu.memory_space<vmem_shared>> -> memref<128x128xf32, #tpu.memory_space<vmem_shared>>
      %dma_wait3A_77 = arith.constant 0 : i32
      %dma_wait3A_78 = tpu.memref_slice %arg9[%add3A_70, %dma_wait3A_77] : memref<10240x128xf32, #tpu.memory_space<vmem_shared>> -> memref<128x128xf32, #tpu.memory_space<vmem_shared>>
      tpu.wait_dma2 semaphore(%run_scoped3A : memref<!tpu.dma_semaphore, #tpu.memory_space<semaphore_mem>>) src(%dma_wait3A_78 : memref<128x128xf32, #tpu.memory_space<vmem_shared>>) dst(%arg7 : memref<128x128xf32, #tpu.memory_space<vmem>>)
      tpu.yield
    }) : () -> ()
    "tpu.region"() ({
      %run_scoped3A = tpu.sem_alloc : memref<!tpu.dma_semaphore, #tpu.memory_space<semaphore_mem>>
      %dma_start3A = arith.constant 0 : i32
      %dma_start3A_73 = tpu.memref_slice %arg5[%arg0, %add3A_70, %dma_start3A] : memref<2x10240x128xf32, #tpu.memory_space<hbm>> -> memref<1x128x128xf32, #tpu.memory_space<hbm>>
      %dma_start3A_74 = tpu.memref_squeeze %dma_start3A_73 : memref<1x128x128xf32, #tpu.memory_space<hbm>> -> memref<128x128xf32, #tpu.memory_space<hbm>>
      %dma_start3A_75 = arith.constant 0 : i32
      %dma_start3A_76 = tpu.memref_slice %arg5[%arg0, %add3A_70, %dma_start3A_75] : memref<2x10240x128xf32, #tpu.memory_space<hbm>> -> memref<1x128x128xf32, #tpu.memory_space<hbm>>
      %dma_start3A_77 = tpu.memref_squeeze %dma_start3A_76 : memref<1x128x128xf32, #tpu.memory_space<hbm>> -> memref<128x128xf32, #tpu.memory_space<hbm>>
      tpu.enqueue_dma source(%arg7 : memref<128x128xf32, #tpu.memory_space<vmem>>) target(%dma_start3A_77 : memref<128x128xf32, #tpu.memory_space<hbm>>) target_semaphore(%run_scoped3A : memref<!tpu.dma_semaphore, #tpu.memory_space<semaphore_mem>>)
      %dma_wait3A = arith.constant 0 : i32
      %dma_wait3A_78 = tpu.memref_slice %arg5[%arg0, %add3A_70, %dma_wait3A] : memref<2x10240x128xf32, #tpu.memory_space<hbm>> -> memref<1x128x128xf32, #tpu.memory_space<hbm>>
      %dma_wait3A_79 = tpu.memref_squeeze %dma_wait3A_78 : memref<1x128x128xf32, #tpu.memory_space<hbm>> -> memref<128x128xf32, #tpu.memory_space<hbm>>
      %dma_wait3A_80 = arith.constant 0 : i32
      %dma_wait3A_81 = tpu.memref_slice %arg5[%arg0, %add3A_70, %dma_wait3A_80] : memref<2x10240x128xf32, #tpu.memory_space<hbm>> -> memref<1x128x128xf32, #tpu.memory_space<hbm>>
      %dma_wait3A_82 = tpu.memref_squeeze %dma_wait3A_81 : memref<1x128x128xf32, #tpu.memory_space<hbm>> -> memref<128x128xf32, #tpu.memory_space<hbm>>
      tpu.wait_dma2 semaphore(%run_scoped3A : memref<!tpu.dma_semaphore, #tpu.memory_space<semaphore_mem>>) src(%arg7 : memref<128x128xf32, #tpu.memory_space<vmem>>) dst(%dma_wait3A_82 : memref<128x128xf32, #tpu.memory_space<hbm>>)
      tpu.yield
    }) : () -> ()
    %add3A_71 = arith.constant 512 : i32
    %add3A_72 = arith.addi %mul3A_2, %add3A_71 : i32
    "tpu.region"() ({
      %run_scoped3A = tpu.sem_alloc : memref<!tpu.dma_semaphore, #tpu.memory_space<semaphore_mem>>
      %dma_start3A = arith.constant 0 : i32
      %dma_start3A_73 = tpu.memref_slice %arg9[%add3A_72, %dma_start3A] : memref<10240x128xf32, #tpu.memory_space<vmem_shared>> -> memref<128x128xf32, #tpu.memory_space<vmem_shared>>
      %dma_start3A_74 = arith.constant 0 : i32
      %dma_start3A_75 = tpu.memref_slice %arg9[%add3A_72, %dma_start3A_74] : memref<10240x128xf32, #tpu.memory_space<vmem_shared>> -> memref<128x128xf32, #tpu.memory_space<vmem_shared>>
      tpu.enqueue_dma source(%dma_start3A_75 : memref<128x128xf32, #tpu.memory_space<vmem_shared>>) target(%arg7 : memref<128x128xf32, #tpu.memory_space<vmem>>) target_semaphore(%run_scoped3A : memref<!tpu.dma_semaphore, #tpu.memory_space<semaphore_mem>>)
      %dma_wait3A = arith.constant 0 : i32
      %dma_wait3A_76 = tpu.memref_slice %arg9[%add3A_72, %dma_wait3A] : memref<10240x128xf32, #tpu.memory_space<vmem_shared>> -> memref<128x128xf32, #tpu.memory_space<vmem_shared>>
      %dma_wait3A_77 = arith.constant 0 : i32
      %dma_wait3A_78 = tpu.memref_slice %arg9[%add3A_72, %dma_wait3A_77] : memref<10240x128xf32, #tpu.memory_space<vmem_shared>> -> memref<128x128xf32, #tpu.memory_space<vmem_shared>>
      tpu.wait_dma2 semaphore(%run_scoped3A : memref<!tpu.dma_semaphore, #tpu.memory_space<semaphore_mem>>) src(%dma_wait3A_78 : memref<128x128xf32, #tpu.memory_space<vmem_shared>>) dst(%arg7 : memref<128x128xf32, #tpu.memory_space<vmem>>)
      tpu.yield
    }) : () -> ()
    "tpu.region"() ({
      %run_scoped3A = tpu.sem_alloc : memref<!tpu.dma_semaphore, #tpu.memory_space<semaphore_mem>>
      %dma_start3A = arith.constant 0 : i32
      %dma_start3A_73 = tpu.memref_slice %arg5[%arg0, %add3A_72, %dma_start3A] : memref<2x10240x128xf32, #tpu.memory_space<hbm>> -> memref<1x128x128xf32, #tpu.memory_space<hbm>>
      %dma_start3A_74 = tpu.memref_squeeze %dma_start3A_73 : memref<1x128x128xf32, #tpu.memory_space<hbm>> -> memref<128x128xf32, #tpu.memory_space<hbm>>
      %dma_start3A_75 = arith.constant 0 : i32
      %dma_start3A_76 = tpu.memref_slice %arg5[%arg0, %add3A_72, %dma_start3A_75] : memref<2x10240x128xf32, #tpu.memory_space<hbm>> -> memref<1x128x128xf32, #tpu.memory_space<hbm>>
      %dma_start3A_77 = tpu.memref_squeeze %dma_start3A_76 : memref<1x128x128xf32, #tpu.memory_space<hbm>> -> memref<128x128xf32, #tpu.memory_space<hbm>>
      tpu.enqueue_dma source(%arg7 : memref<128x128xf32, #tpu.memory_space<vmem>>) target(%dma_start3A_77 : memref<128x128xf32, #tpu.memory_space<hbm>>) target_semaphore(%run_scoped3A : memref<!tpu.dma_semaphore, #tpu.memory_space<semaphore_mem>>)
      %dma_wait3A = arith.constant 0 : i32
      %dma_wait3A_78 = tpu.memref_slice %arg5[%arg0, %add3A_72, %dma_wait3A] : memref<2x10240x128xf32, #tpu.memory_space<hbm>> -> memref<1x128x128xf32, #tpu.memory_space<hbm>>
      %dma_wait3A_79 = tpu.memref_squeeze %dma_wait3A_78 : memref<1x128x128xf32, #tpu.memory_space<hbm>> -> memref<128x128xf32, #tpu.memory_space<hbm>>
      %dma_wait3A_80 = arith.constant 0 : i32
      %dma_wait3A_81 = tpu.memref_slice %arg5[%arg0, %add3A_72, %dma_wait3A_80] : memref<2x10240x128xf32, #tpu.memory_space<hbm>> -> memref<1x128x128xf32, #tpu.memory_space<hbm>>
      %dma_wait3A_82 = tpu.memref_squeeze %dma_wait3A_81 : memref<1x128x128xf32, #tpu.memory_space<hbm>> -> memref<128x128xf32, #tpu.memory_space<hbm>>
      tpu.wait_dma2 semaphore(%run_scoped3A : memref<!tpu.dma_semaphore, #tpu.memory_space<semaphore_mem>>) src(%arg7 : memref<128x128xf32, #tpu.memory_space<vmem>>) dst(%dma_wait3A_82 : memref<128x128xf32, #tpu.memory_space<hbm>>)
      tpu.yield
    }) : () -> ()
    return
  }
}

#map = affine_map<(d0, d1) -> (0, 0, 0)>
#map1 = affine_map<(d0, d1) -> (0, 0)>
module attributes {stable_mosaic.version = 14 : i64} {
  func.func @body(%arg0: i32, %arg1: i32, %arg2: memref<2x10000x128xf32, #tpu.memory_space<hbm>>, %arg3: memref<32x80x128xi32, #tpu.memory_space<hbm>>, %arg4: memref<32x80x128xi32, #tpu.memory_space<hbm>>, %arg5: memref<10240x128xf32, #tpu.memory_space<hbm>>, %arg6: memref<2x10240x128xf32, #tpu.memory_space<hbm>>, %arg7: memref<8x128xi32, #tpu.memory_space<vmem>>, %arg8: memref<8x128xi32, #tpu.memory_space<vmem>>, %arg9: memref<128x128xf32, #tpu.memory_space<vmem>>, %arg10: memref<128x128xf32, #tpu.memory_space<vmem>>, %arg11: memref<10240x128xf32, #tpu.memory_space<vmem_shared>>, %arg12: memref<!tpu.dma_semaphore, #tpu.memory_space<semaphore_mem>>, %arg13: memref<!tpu.dma_semaphore, #tpu.memory_space<semaphore_mem>>) attributes {dimension_semantics = [#tpu.dimension_semantics<core_parallel>, #tpu.dimension_semantics<subcore_parallel>], iteration_bounds = array<i64: 2, 16>, scalar_prefetch = 0 : i64, scratch_operands = 7 : i64, tpu.core_type = #tpu.core_type<sc_vector_subcore>, window_params = [{transform_indices = #map}, {transform_indices = #map}, {transform_indices = #map}, {transform_indices = #map1}, {transform_indices = #map}]} {
    %mul3A = arith.constant 2 : i32
    %mul3A_0 = arith.muli %arg1, %mul3A : i32
    %add3A = arith.addi %mul3A_0, %arg0 : i32
    %mul3A_1 = arith.constant 640 : i32
    %mul3A_2 = arith.muli %arg1, %mul3A_1 : i32
    "tpu.region"() ({
      %run_scoped3A = tpu.sem_alloc : memref<!tpu.dma_semaphore, #tpu.memory_space<semaphore_mem>>
      %dma_start3A = arith.constant 0 : i32
      %dma_start3A_28 = arith.constant 0 : i32
      %dma_start3A_29 = tpu.memref_slice %arg5[%dma_start3A, %dma_start3A_28] : memref<10240x128xf32, #tpu.memory_space<hbm>> -> memref<128x128xf32, #tpu.memory_space<hbm>>
      %dma_start3A_30 = arith.constant 0 : i32
      %dma_start3A_31 = arith.constant 0 : i32
      %dma_start3A_32 = tpu.memref_slice %arg5[%dma_start3A_30, %dma_start3A_31] : memref<10240x128xf32, #tpu.memory_space<hbm>> -> memref<128x128xf32, #tpu.memory_space<hbm>>
      tpu.enqueue_dma source(%dma_start3A_32 : memref<128x128xf32, #tpu.memory_space<hbm>>) target(%arg9 : memref<128x128xf32, #tpu.memory_space<vmem>>) target_semaphore(%run_scoped3A : memref<!tpu.dma_semaphore, #tpu.memory_space<semaphore_mem>>)
      %dma_wait3A = arith.constant 0 : i32
      %dma_wait3A_33 = arith.constant 0 : i32
      %dma_wait3A_34 = tpu.memref_slice %arg5[%dma_wait3A, %dma_wait3A_33] : memref<10240x128xf32, #tpu.memory_space<hbm>> -> memref<128x128xf32, #tpu.memory_space<hbm>>
      %dma_wait3A_35 = arith.constant 0 : i32
      %dma_wait3A_36 = arith.constant 0 : i32
      %dma_wait3A_37 = tpu.memref_slice %arg5[%dma_wait3A_35, %dma_wait3A_36] : memref<10240x128xf32, #tpu.memory_space<hbm>> -> memref<128x128xf32, #tpu.memory_space<hbm>>
      tpu.wait_dma2 semaphore(%run_scoped3A : memref<!tpu.dma_semaphore, #tpu.memory_space<semaphore_mem>>) src(%dma_wait3A_37 : memref<128x128xf32, #tpu.memory_space<hbm>>) dst(%arg9 : memref<128x128xf32, #tpu.memory_space<vmem>>)
      tpu.yield
    }) : () -> ()
    %add3A_3 = arith.constant 0 : i32
    %add3A_4 = arith.addi %mul3A_2, %add3A_3 : i32
    "tpu.region"() ({
      %run_scoped3A = tpu.sem_alloc : memref<!tpu.dma_semaphore, #tpu.memory_space<semaphore_mem>>
      %dma_start3A = arith.constant 0 : i32
      %dma_start3A_28 = tpu.memref_slice %arg11[%add3A_4, %dma_start3A] : memref<10240x128xf32, #tpu.memory_space<vmem_shared>> -> memref<128x128xf32, #tpu.memory_space<vmem_shared>>
      %dma_start3A_29 = arith.constant 0 : i32
      %dma_start3A_30 = tpu.memref_slice %arg11[%add3A_4, %dma_start3A_29] : memref<10240x128xf32, #tpu.memory_space<vmem_shared>> -> memref<128x128xf32, #tpu.memory_space<vmem_shared>>
      tpu.enqueue_dma source(%arg9 : memref<128x128xf32, #tpu.memory_space<vmem>>) target(%dma_start3A_30 : memref<128x128xf32, #tpu.memory_space<vmem_shared>>) target_semaphore(%run_scoped3A : memref<!tpu.dma_semaphore, #tpu.memory_space<semaphore_mem>>)
      %dma_wait3A = arith.constant 0 : i32
      %dma_wait3A_31 = tpu.memref_slice %arg11[%add3A_4, %dma_wait3A] : memref<10240x128xf32, #tpu.memory_space<vmem_shared>> -> memref<128x128xf32, #tpu.memory_space<vmem_shared>>
      %dma_wait3A_32 = arith.constant 0 : i32
      %dma_wait3A_33 = tpu.memref_slice %arg11[%add3A_4, %dma_wait3A_32] : memref<10240x128xf32, #tpu.memory_space<vmem_shared>> -> memref<128x128xf32, #tpu.memory_space<vmem_shared>>
      tpu.wait_dma2 semaphore(%run_scoped3A : memref<!tpu.dma_semaphore, #tpu.memory_space<semaphore_mem>>) src(%arg9 : memref<128x128xf32, #tpu.memory_space<vmem>>) dst(%dma_wait3A_33 : memref<128x128xf32, #tpu.memory_space<vmem_shared>>)
      tpu.yield
    }) : () -> ()
    %add3A_5 = arith.constant 128 : i32
    %add3A_6 = arith.addi %mul3A_2, %add3A_5 : i32
    "tpu.region"() ({
      %run_scoped3A = tpu.sem_alloc : memref<!tpu.dma_semaphore, #tpu.memory_space<semaphore_mem>>
      %dma_start3A = arith.constant 0 : i32
      %dma_start3A_28 = tpu.memref_slice %arg11[%add3A_6, %dma_start3A] : memref<10240x128xf32, #tpu.memory_space<vmem_shared>> -> memref<128x128xf32, #tpu.memory_space<vmem_shared>>
      %dma_start3A_29 = arith.constant 0 : i32
      %dma_start3A_30 = tpu.memref_slice %arg11[%add3A_6, %dma_start3A_29] : memref<10240x128xf32, #tpu.memory_space<vmem_shared>> -> memref<128x128xf32, #tpu.memory_space<vmem_shared>>
      tpu.enqueue_dma source(%arg9 : memref<128x128xf32, #tpu.memory_space<vmem>>) target(%dma_start3A_30 : memref<128x128xf32, #tpu.memory_space<vmem_shared>>) target_semaphore(%run_scoped3A : memref<!tpu.dma_semaphore, #tpu.memory_space<semaphore_mem>>)
      %dma_wait3A = arith.constant 0 : i32
      %dma_wait3A_31 = tpu.memref_slice %arg11[%add3A_6, %dma_wait3A] : memref<10240x128xf32, #tpu.memory_space<vmem_shared>> -> memref<128x128xf32, #tpu.memory_space<vmem_shared>>
      %dma_wait3A_32 = arith.constant 0 : i32
      %dma_wait3A_33 = tpu.memref_slice %arg11[%add3A_6, %dma_wait3A_32] : memref<10240x128xf32, #tpu.memory_space<vmem_shared>> -> memref<128x128xf32, #tpu.memory_space<vmem_shared>>
      tpu.wait_dma2 semaphore(%run_scoped3A : memref<!tpu.dma_semaphore, #tpu.memory_space<semaphore_mem>>) src(%arg9 : memref<128x128xf32, #tpu.memory_space<vmem>>) dst(%dma_wait3A_33 : memref<128x128xf32, #tpu.memory_space<vmem_shared>>)
      tpu.yield
    }) : () -> ()
    %add3A_7 = arith.constant 256 : i32
    %add3A_8 = arith.addi %mul3A_2, %add3A_7 : i32
    "tpu.region"() ({
      %run_scoped3A = tpu.sem_alloc : memref<!tpu.dma_semaphore, #tpu.memory_space<semaphore_mem>>
      %dma_start3A = arith.constant 0 : i32
      %dma_start3A_28 = tpu.memref_slice %arg11[%add3A_8, %dma_start3A] : memref<10240x128xf32, #tpu.memory_space<vmem_shared>> -> memref<128x128xf32, #tpu.memory_space<vmem_shared>>
      %dma_start3A_29 = arith.constant 0 : i32
      %dma_start3A_30 = tpu.memref_slice %arg11[%add3A_8, %dma_start3A_29] : memref<10240x128xf32, #tpu.memory_space<vmem_shared>> -> memref<128x128xf32, #tpu.memory_space<vmem_shared>>
      tpu.enqueue_dma source(%arg9 : memref<128x128xf32, #tpu.memory_space<vmem>>) target(%dma_start3A_30 : memref<128x128xf32, #tpu.memory_space<vmem_shared>>) target_semaphore(%run_scoped3A : memref<!tpu.dma_semaphore, #tpu.memory_space<semaphore_mem>>)
      %dma_wait3A = arith.constant 0 : i32
      %dma_wait3A_31 = tpu.memref_slice %arg11[%add3A_8, %dma_wait3A] : memref<10240x128xf32, #tpu.memory_space<vmem_shared>> -> memref<128x128xf32, #tpu.memory_space<vmem_shared>>
      %dma_wait3A_32 = arith.constant 0 : i32
      %dma_wait3A_33 = tpu.memref_slice %arg11[%add3A_8, %dma_wait3A_32] : memref<10240x128xf32, #tpu.memory_space<vmem_shared>> -> memref<128x128xf32, #tpu.memory_space<vmem_shared>>
      tpu.wait_dma2 semaphore(%run_scoped3A : memref<!tpu.dma_semaphore, #tpu.memory_space<semaphore_mem>>) src(%arg9 : memref<128x128xf32, #tpu.memory_space<vmem>>) dst(%dma_wait3A_33 : memref<128x128xf32, #tpu.memory_space<vmem_shared>>)
      tpu.yield
    }) : () -> ()
    %add3A_9 = arith.constant 384 : i32
    %add3A_10 = arith.addi %mul3A_2, %add3A_9 : i32
    "tpu.region"() ({
      %run_scoped3A = tpu.sem_alloc : memref<!tpu.dma_semaphore, #tpu.memory_space<semaphore_mem>>
      %dma_start3A = arith.constant 0 : i32
      %dma_start3A_28 = tpu.memref_slice %arg11[%add3A_10, %dma_start3A] : memref<10240x128xf32, #tpu.memory_space<vmem_shared>> -> memref<128x128xf32, #tpu.memory_space<vmem_shared>>
      %dma_start3A_29 = arith.constant 0 : i32
      %dma_start3A_30 = tpu.memref_slice %arg11[%add3A_10, %dma_start3A_29] : memref<10240x128xf32, #tpu.memory_space<vmem_shared>> -> memref<128x128xf32, #tpu.memory_space<vmem_shared>>
      tpu.enqueue_dma source(%arg9 : memref<128x128xf32, #tpu.memory_space<vmem>>) target(%dma_start3A_30 : memref<128x128xf32, #tpu.memory_space<vmem_shared>>) target_semaphore(%run_scoped3A : memref<!tpu.dma_semaphore, #tpu.memory_space<semaphore_mem>>)
      %dma_wait3A = arith.constant 0 : i32
      %dma_wait3A_31 = tpu.memref_slice %arg11[%add3A_10, %dma_wait3A] : memref<10240x128xf32, #tpu.memory_space<vmem_shared>> -> memref<128x128xf32, #tpu.memory_space<vmem_shared>>
      %dma_wait3A_32 = arith.constant 0 : i32
      %dma_wait3A_33 = tpu.memref_slice %arg11[%add3A_10, %dma_wait3A_32] : memref<10240x128xf32, #tpu.memory_space<vmem_shared>> -> memref<128x128xf32, #tpu.memory_space<vmem_shared>>
      tpu.wait_dma2 semaphore(%run_scoped3A : memref<!tpu.dma_semaphore, #tpu.memory_space<semaphore_mem>>) src(%arg9 : memref<128x128xf32, #tpu.memory_space<vmem>>) dst(%dma_wait3A_33 : memref<128x128xf32, #tpu.memory_space<vmem_shared>>)
      tpu.yield
    }) : () -> ()
    %add3A_11 = arith.constant 512 : i32
    %add3A_12 = arith.addi %mul3A_2, %add3A_11 : i32
    "tpu.region"() ({
      %run_scoped3A = tpu.sem_alloc : memref<!tpu.dma_semaphore, #tpu.memory_space<semaphore_mem>>
      %dma_start3A = arith.constant 0 : i32
      %dma_start3A_28 = tpu.memref_slice %arg11[%add3A_12, %dma_start3A] : memref<10240x128xf32, #tpu.memory_space<vmem_shared>> -> memref<128x128xf32, #tpu.memory_space<vmem_shared>>
      %dma_start3A_29 = arith.constant 0 : i32
      %dma_start3A_30 = tpu.memref_slice %arg11[%add3A_12, %dma_start3A_29] : memref<10240x128xf32, #tpu.memory_space<vmem_shared>> -> memref<128x128xf32, #tpu.memory_space<vmem_shared>>
      tpu.enqueue_dma source(%arg9 : memref<128x128xf32, #tpu.memory_space<vmem>>) target(%dma_start3A_30 : memref<128x128xf32, #tpu.memory_space<vmem_shared>>) target_semaphore(%run_scoped3A : memref<!tpu.dma_semaphore, #tpu.memory_space<semaphore_mem>>)
      %dma_wait3A = arith.constant 0 : i32
      %dma_wait3A_31 = tpu.memref_slice %arg11[%add3A_12, %dma_wait3A] : memref<10240x128xf32, #tpu.memory_space<vmem_shared>> -> memref<128x128xf32, #tpu.memory_space<vmem_shared>>
      %dma_wait3A_32 = arith.constant 0 : i32
      %dma_wait3A_33 = tpu.memref_slice %arg11[%add3A_12, %dma_wait3A_32] : memref<10240x128xf32, #tpu.memory_space<vmem_shared>> -> memref<128x128xf32, #tpu.memory_space<vmem_shared>>
      tpu.wait_dma2 semaphore(%run_scoped3A : memref<!tpu.dma_semaphore, #tpu.memory_space<semaphore_mem>>) src(%arg9 : memref<128x128xf32, #tpu.memory_space<vmem>>) dst(%dma_wait3A_33 : memref<128x128xf32, #tpu.memory_space<vmem_shared>>)
      tpu.yield
    }) : () -> ()
    %barrier3A = arith.constant 0 : index
    tpu.barrier barrier_id(%barrier3A)
    %scan3A = arith.constant 0 : i32
    %scan3A_13 = arith.constant 10 : i32
    %scan3A_14 = arith.addi %scan3A, %scan3A_13 : i32
    %scan3A_15 = arith.constant 1 : i32
    scf.for %scan3A_28 = %scan3A to %scan3A_14 step %scan3A_15  : i32 {
      %mul3A_29 = arith.constant 1 : i32
      %mul3A_30 = arith.muli %scan3A_28, %mul3A_29 : i32
      %add3A_31 = arith.constant 0 : i32
      %add3A_32 = arith.addi %add3A_31, %mul3A_30 : i32
      %mul3A_33 = arith.constant 8 : i32
      %mul3A_34 = arith.muli %add3A_32, %mul3A_33 : i32
      %multiple_of3A = tpu.assume_multiple %mul3A_34, 8 : i32
      "tpu.region"() ({
        %run_scoped3A_216 = tpu.sem_alloc : memref<!tpu.dma_semaphore, #tpu.memory_space<semaphore_mem>>
        %dma_start3A_217 = arith.constant 0 : i32
        %dma_start3A_218 = tpu.memref_slice %arg3[%add3A, %multiple_of3A, %dma_start3A_217] : memref<32x80x128xi32, #tpu.memory_space<hbm>> -> memref<1x8x128xi32, #tpu.memory_space<hbm>>
        %dma_start3A_219 = tpu.memref_squeeze %dma_start3A_218 : memref<1x8x128xi32, #tpu.memory_space<hbm>> -> memref<8x128xi32, #tpu.memory_space<hbm>>
        %dma_start3A_220 = arith.constant 0 : i32
        %dma_start3A_221 = tpu.memref_slice %arg3[%add3A, %multiple_of3A, %dma_start3A_220] : memref<32x80x128xi32, #tpu.memory_space<hbm>> -> memref<1x8x128xi32, #tpu.memory_space<hbm>>
        %dma_start3A_222 = tpu.memref_squeeze %dma_start3A_221 : memref<1x8x128xi32, #tpu.memory_space<hbm>> -> memref<8x128xi32, #tpu.memory_space<hbm>>
        tpu.enqueue_dma source(%dma_start3A_222 : memref<8x128xi32, #tpu.memory_space<hbm>>) target(%arg7 : memref<8x128xi32, #tpu.memory_space<vmem>>) target_semaphore(%run_scoped3A_216 : memref<!tpu.dma_semaphore, #tpu.memory_space<semaphore_mem>>)
        %dma_wait3A_223 = arith.constant 0 : i32
        %dma_wait3A_224 = tpu.memref_slice %arg3[%add3A, %multiple_of3A, %dma_wait3A_223] : memref<32x80x128xi32, #tpu.memory_space<hbm>> -> memref<1x8x128xi32, #tpu.memory_space<hbm>>
        %dma_wait3A_225 = tpu.memref_squeeze %dma_wait3A_224 : memref<1x8x128xi32, #tpu.memory_space<hbm>> -> memref<8x128xi32, #tpu.memory_space<hbm>>
        %dma_wait3A_226 = arith.constant 0 : i32
        %dma_wait3A_227 = tpu.memref_slice %arg3[%add3A, %multiple_of3A, %dma_wait3A_226] : memref<32x80x128xi32, #tpu.memory_space<hbm>> -> memref<1x8x128xi32, #tpu.memory_space<hbm>>
        %dma_wait3A_228 = tpu.memref_squeeze %dma_wait3A_227 : memref<1x8x128xi32, #tpu.memory_space<hbm>> -> memref<8x128xi32, #tpu.memory_space<hbm>>
        tpu.wait_dma2 semaphore(%run_scoped3A_216 : memref<!tpu.dma_semaphore, #tpu.memory_space<semaphore_mem>>) src(%dma_wait3A_228 : memref<8x128xi32, #tpu.memory_space<hbm>>) dst(%arg7 : memref<8x128xi32, #tpu.memory_space<vmem>>)
        tpu.yield
      }) : () -> ()
      "tpu.region"() ({
        %run_scoped3A_216 = tpu.sem_alloc : memref<!tpu.dma_semaphore, #tpu.memory_space<semaphore_mem>>
        %dma_start3A_217 = arith.constant 0 : i32
        %dma_start3A_218 = tpu.memref_slice %arg4[%add3A, %multiple_of3A, %dma_start3A_217] : memref<32x80x128xi32, #tpu.memory_space<hbm>> -> memref<1x8x128xi32, #tpu.memory_space<hbm>>
        %dma_start3A_219 = tpu.memref_squeeze %dma_start3A_218 : memref<1x8x128xi32, #tpu.memory_space<hbm>> -> memref<8x128xi32, #tpu.memory_space<hbm>>
        %dma_start3A_220 = arith.constant 0 : i32
        %dma_start3A_221 = tpu.memref_slice %arg4[%add3A, %multiple_of3A, %dma_start3A_220] : memref<32x80x128xi32, #tpu.memory_space<hbm>> -> memref<1x8x128xi32, #tpu.memory_space<hbm>>
        %dma_start3A_222 = tpu.memref_squeeze %dma_start3A_221 : memref<1x8x128xi32, #tpu.memory_space<hbm>> -> memref<8x128xi32, #tpu.memory_space<hbm>>
        tpu.enqueue_dma source(%dma_start3A_222 : memref<8x128xi32, #tpu.memory_space<hbm>>) target(%arg8 : memref<8x128xi32, #tpu.memory_space<vmem>>) target_semaphore(%run_scoped3A_216 : memref<!tpu.dma_semaphore, #tpu.memory_space<semaphore_mem>>)
        %dma_wait3A_223 = arith.constant 0 : i32
        %dma_wait3A_224 = tpu.memref_slice %arg4[%add3A, %multiple_of3A, %dma_wait3A_223] : memref<32x80x128xi32, #tpu.memory_space<hbm>> -> memref<1x8x128xi32, #tpu.memory_space<hbm>>
        %dma_wait3A_225 = tpu.memref_squeeze %dma_wait3A_224 : memref<1x8x128xi32, #tpu.memory_space<hbm>> -> memref<8x128xi32, #tpu.memory_space<hbm>>
        %dma_wait3A_226 = arith.constant 0 : i32
        %dma_wait3A_227 = tpu.memref_slice %arg4[%add3A, %multiple_of3A, %dma_wait3A_226] : memref<32x80x128xi32, #tpu.memory_space<hbm>> -> memref<1x8x128xi32, #tpu.memory_space<hbm>>
        %dma_wait3A_228 = tpu.memref_squeeze %dma_wait3A_227 : memref<1x8x128xi32, #tpu.memory_space<hbm>> -> memref<8x128xi32, #tpu.memory_space<hbm>>
        tpu.wait_dma2 semaphore(%run_scoped3A_216 : memref<!tpu.dma_semaphore, #tpu.memory_space<semaphore_mem>>) src(%dma_wait3A_228 : memref<8x128xi32, #tpu.memory_space<hbm>>) dst(%arg8 : memref<8x128xi32, #tpu.memory_space<vmem>>)
        tpu.yield
      }) : () -> ()
      %dma_start3A = arith.constant 0 : i32
      %dma_start3A_35 = arith.constant 0 : i32
      %dma_start3A_36 = tpu.memref_slice %arg7[%dma_start3A, %dma_start3A_35] : memref<8x128xi32, #tpu.memory_space<vmem>> -> memref<1x128xi32, #tpu.memory_space<vmem>>
      %dma_start3A_37 = tpu.memref_squeeze %dma_start3A_36 : memref<1x128xi32, #tpu.memory_space<vmem>> -> memref<128xi32, #tpu.memory_space<vmem>>
      %dma_start3A_38 = arith.constant 0 : i32
      %dma_start3A_39 = arith.constant 0 : i32
      %dma_start3A_40 = tpu.memref_slice %arg2[%arg0, %dma_start3A_38, %dma_start3A_39] : memref<2x10000x128xf32, #tpu.memory_space<hbm>> -> memref<1x10000x128xf32, #tpu.memory_space<hbm>>
      %dma_start3A_41 = tpu.memref_squeeze %dma_start3A_40 : memref<1x10000x128xf32, #tpu.memory_space<hbm>> -> memref<10000x128xf32, #tpu.memory_space<hbm>>
      %dma_start3A_42 = arith.constant 0 : i32
      %dma_start3A_43 = arith.constant 0 : i32
      %dma_start3A_44 = tpu.memref_slice %dma_start3A_41[%dma_start3A_42, %dma_start3A_43] : memref<10000x128xf32, #tpu.memory_space<hbm>> -> memref<10000x128xf32, #tpu.memory_space<hbm>>
      tpu.enqueue_indirect_dma source(%dma_start3A_44 : memref<10000x128xf32, #tpu.memory_space<hbm>>) target(%arg9 : memref<128x128xf32, #tpu.memory_space<vmem>>) offsets(%dma_start3A_37 : memref<128xi32, #tpu.memory_space<vmem>>) semaphore(%arg12 : memref<!tpu.dma_semaphore, #tpu.memory_space<semaphore_mem>>)
      %dma_start3A_45 = arith.constant 1 : i32
      %dma_start3A_46 = arith.constant 0 : i32
      %dma_start3A_47 = tpu.memref_slice %arg7[%dma_start3A_45, %dma_start3A_46] : memref<8x128xi32, #tpu.memory_space<vmem>> -> memref<1x128xi32, #tpu.memory_space<vmem>>
      %dma_start3A_48 = tpu.memref_squeeze %dma_start3A_47 : memref<1x128xi32, #tpu.memory_space<vmem>> -> memref<128xi32, #tpu.memory_space<vmem>>
      %dma_start3A_49 = arith.constant 0 : i32
      %dma_start3A_50 = arith.constant 0 : i32
      %dma_start3A_51 = tpu.memref_slice %arg2[%arg0, %dma_start3A_49, %dma_start3A_50] : memref<2x10000x128xf32, #tpu.memory_space<hbm>> -> memref<1x10000x128xf32, #tpu.memory_space<hbm>>
      %dma_start3A_52 = tpu.memref_squeeze %dma_start3A_51 : memref<1x10000x128xf32, #tpu.memory_space<hbm>> -> memref<10000x128xf32, #tpu.memory_space<hbm>>
      %dma_start3A_53 = arith.constant 0 : i32
      %dma_start3A_54 = arith.constant 0 : i32
      %dma_start3A_55 = tpu.memref_slice %dma_start3A_52[%dma_start3A_53, %dma_start3A_54] : memref<10000x128xf32, #tpu.memory_space<hbm>> -> memref<10000x128xf32, #tpu.memory_space<hbm>>
      tpu.enqueue_indirect_dma source(%dma_start3A_55 : memref<10000x128xf32, #tpu.memory_space<hbm>>) target(%arg10 : memref<128x128xf32, #tpu.memory_space<vmem>>) offsets(%dma_start3A_48 : memref<128xi32, #tpu.memory_space<vmem>>) semaphore(%arg13 : memref<!tpu.dma_semaphore, #tpu.memory_space<semaphore_mem>>)
      %dma_wait3A = arith.constant 0 : i32
      %dma_wait3A_56 = arith.constant 0 : i32
      %dma_wait3A_57 = tpu.memref_slice %arg7[%dma_wait3A, %dma_wait3A_56] : memref<8x128xi32, #tpu.memory_space<vmem>> -> memref<1x128xi32, #tpu.memory_space<vmem>>
      %dma_wait3A_58 = tpu.memref_squeeze %dma_wait3A_57 : memref<1x128xi32, #tpu.memory_space<vmem>> -> memref<128xi32, #tpu.memory_space<vmem>>
      %dma_wait3A_59 = arith.constant 0 : i32
      %dma_wait3A_60 = arith.constant 0 : i32
      %dma_wait3A_61 = tpu.memref_slice %arg2[%arg0, %dma_wait3A_59, %dma_wait3A_60] : memref<2x10000x128xf32, #tpu.memory_space<hbm>> -> memref<1x10000x128xf32, #tpu.memory_space<hbm>>
      %dma_wait3A_62 = tpu.memref_squeeze %dma_wait3A_61 : memref<1x10000x128xf32, #tpu.memory_space<hbm>> -> memref<10000x128xf32, #tpu.memory_space<hbm>>
      %dma_wait3A_63 = arith.constant 0 : i32
      %dma_wait3A_64 = arith.constant 0 : i32
      %dma_wait3A_65 = tpu.memref_slice %dma_wait3A_62[%dma_wait3A_63, %dma_wait3A_64] : memref<10000x128xf32, #tpu.memory_space<hbm>> -> memref<10000x128xf32, #tpu.memory_space<hbm>>
      tpu.wait_indirect_dma semaphore(%arg12 : memref<!tpu.dma_semaphore, #tpu.memory_space<semaphore_mem>>) src(%dma_wait3A_65 : memref<10000x128xf32, #tpu.memory_space<hbm>>) dst(%arg9 : memref<128x128xf32, #tpu.memory_space<vmem>>)
      %run_scoped3A = arith.constant 0 : i32
      "tpu.region"() ({
        %run_scoped3A_216 = tpu.sem_alloc : memref<!tpu.dma_semaphore, #tpu.memory_space<semaphore_mem>>
        %dma_start3A_217 = arith.constant 0 : i32
        %dma_start3A_218 = tpu.memref_slice %arg8[%run_scoped3A, %dma_start3A_217] : memref<8x128xi32, #tpu.memory_space<vmem>> -> memref<1x128xi32, #tpu.memory_space<vmem>>
        %dma_start3A_219 = tpu.memref_squeeze %dma_start3A_218 : memref<1x128xi32, #tpu.memory_space<vmem>> -> memref<128xi32, #tpu.memory_space<vmem>>
        %dma_start3A_220 = arith.constant 0 : i32
        %dma_start3A_221 = arith.constant 0 : i32
        %dma_start3A_222 = tpu.memref_slice %arg11[%dma_start3A_220, %dma_start3A_221] : memref<10240x128xf32, #tpu.memory_space<vmem_shared>> -> memref<10240x128xf32, #tpu.memory_space<vmem_shared>>
        tpu.enqueue_indirect_dma source(%arg9 : memref<128x128xf32, #tpu.memory_space<vmem>>) target(%dma_start3A_222 : memref<10240x128xf32, #tpu.memory_space<vmem_shared>>) offsets(%dma_start3A_219 : memref<128xi32, #tpu.memory_space<vmem>>) semaphore(%run_scoped3A_216 : memref<!tpu.dma_semaphore, #tpu.memory_space<semaphore_mem>>) {add = true}
        %dma_wait3A_223 = arith.constant 0 : i32
        %dma_wait3A_224 = tpu.memref_slice %arg8[%run_scoped3A, %dma_wait3A_223] : memref<8x128xi32, #tpu.memory_space<vmem>> -> memref<1x128xi32, #tpu.memory_space<vmem>>
        %dma_wait3A_225 = tpu.memref_squeeze %dma_wait3A_224 : memref<1x128xi32, #tpu.memory_space<vmem>> -> memref<128xi32, #tpu.memory_space<vmem>>
        %dma_wait3A_226 = arith.constant 0 : i32
        %dma_wait3A_227 = arith.constant 0 : i32
        %dma_wait3A_228 = tpu.memref_slice %arg11[%dma_wait3A_226, %dma_wait3A_227] : memref<10240x128xf32, #tpu.memory_space<vmem_shared>> -> memref<10240x128xf32, #tpu.memory_space<vmem_shared>>
        tpu.wait_indirect_dma semaphore(%run_scoped3A_216 : memref<!tpu.dma_semaphore, #tpu.memory_space<semaphore_mem>>) src(%arg9 : memref<128x128xf32, #tpu.memory_space<vmem>>) dst(%dma_wait3A_228 : memref<10240x128xf32, #tpu.memory_space<vmem_shared>>)
        tpu.yield
      }) : () -> ()
      %dma_start3A_66 = arith.constant 2 : i32
      %dma_start3A_67 = arith.constant 0 : i32
      %dma_start3A_68 = tpu.memref_slice %arg7[%dma_start3A_66, %dma_start3A_67] : memref<8x128xi32, #tpu.memory_space<vmem>> -> memref<1x128xi32, #tpu.memory_space<vmem>>
      %dma_start3A_69 = tpu.memref_squeeze %dma_start3A_68 : memref<1x128xi32, #tpu.memory_space<vmem>> -> memref<128xi32, #tpu.memory_space<vmem>>
      %dma_start3A_70 = arith.constant 0 : i32
      %dma_start3A_71 = arith.constant 0 : i32
      %dma_start3A_72 = tpu.memref_slice %arg2[%arg0, %dma_start3A_70, %dma_start3A_71] : memref<2x10000x128xf32, #tpu.memory_space<hbm>> -> memref<1x10000x128xf32, #tpu.memory_space<hbm>>
      %dma_start3A_73 = tpu.memref_squeeze %dma_start3A_72 : memref<1x10000x128xf32, #tpu.memory_space<hbm>> -> memref<10000x128xf32, #tpu.memory_space<hbm>>
      %dma_start3A_74 = arith.constant 0 : i32
      %dma_start3A_75 = arith.constant 0 : i32
      %dma_start3A_76 = tpu.memref_slice %dma_start3A_73[%dma_start3A_74, %dma_start3A_75] : memref<10000x128xf32, #tpu.memory_space<hbm>> -> memref<10000x128xf32, #tpu.memory_space<hbm>>
      tpu.enqueue_indirect_dma source(%dma_start3A_76 : memref<10000x128xf32, #tpu.memory_space<hbm>>) target(%arg9 : memref<128x128xf32, #tpu.memory_space<vmem>>) offsets(%dma_start3A_69 : memref<128xi32, #tpu.memory_space<vmem>>) semaphore(%arg12 : memref<!tpu.dma_semaphore, #tpu.memory_space<semaphore_mem>>)
      %dma_wait3A_77 = arith.constant 1 : i32
      %dma_wait3A_78 = arith.constant 0 : i32
      %dma_wait3A_79 = tpu.memref_slice %arg7[%dma_wait3A_77, %dma_wait3A_78] : memref<8x128xi32, #tpu.memory_space<vmem>> -> memref<1x128xi32, #tpu.memory_space<vmem>>
      %dma_wait3A_80 = tpu.memref_squeeze %dma_wait3A_79 : memref<1x128xi32, #tpu.memory_space<vmem>> -> memref<128xi32, #tpu.memory_space<vmem>>
      %dma_wait3A_81 = arith.constant 0 : i32
      %dma_wait3A_82 = arith.constant 0 : i32
      %dma_wait3A_83 = tpu.memref_slice %arg2[%arg0, %dma_wait3A_81, %dma_wait3A_82] : memref<2x10000x128xf32, #tpu.memory_space<hbm>> -> memref<1x10000x128xf32, #tpu.memory_space<hbm>>
      %dma_wait3A_84 = tpu.memref_squeeze %dma_wait3A_83 : memref<1x10000x128xf32, #tpu.memory_space<hbm>> -> memref<10000x128xf32, #tpu.memory_space<hbm>>
      %dma_wait3A_85 = arith.constant 0 : i32
      %dma_wait3A_86 = arith.constant 0 : i32
      %dma_wait3A_87 = tpu.memref_slice %dma_wait3A_84[%dma_wait3A_85, %dma_wait3A_86] : memref<10000x128xf32, #tpu.memory_space<hbm>> -> memref<10000x128xf32, #tpu.memory_space<hbm>>
      tpu.wait_indirect_dma semaphore(%arg13 : memref<!tpu.dma_semaphore, #tpu.memory_space<semaphore_mem>>) src(%dma_wait3A_87 : memref<10000x128xf32, #tpu.memory_space<hbm>>) dst(%arg10 : memref<128x128xf32, #tpu.memory_space<vmem>>)
      %run_scoped3A_88 = arith.constant 1 : i32
      "tpu.region"() ({
        %run_scoped3A_216 = tpu.sem_alloc : memref<!tpu.dma_semaphore, #tpu.memory_space<semaphore_mem>>
        %dma_start3A_217 = arith.constant 0 : i32
        %dma_start3A_218 = tpu.memref_slice %arg8[%run_scoped3A_88, %dma_start3A_217] : memref<8x128xi32, #tpu.memory_space<vmem>> -> memref<1x128xi32, #tpu.memory_space<vmem>>
        %dma_start3A_219 = tpu.memref_squeeze %dma_start3A_218 : memref<1x128xi32, #tpu.memory_space<vmem>> -> memref<128xi32, #tpu.memory_space<vmem>>
        %dma_start3A_220 = arith.constant 0 : i32
        %dma_start3A_221 = arith.constant 0 : i32
        %dma_start3A_222 = tpu.memref_slice %arg11[%dma_start3A_220, %dma_start3A_221] : memref<10240x128xf32, #tpu.memory_space<vmem_shared>> -> memref<10240x128xf32, #tpu.memory_space<vmem_shared>>
        tpu.enqueue_indirect_dma source(%arg10 : memref<128x128xf32, #tpu.memory_space<vmem>>) target(%dma_start3A_222 : memref<10240x128xf32, #tpu.memory_space<vmem_shared>>) offsets(%dma_start3A_219 : memref<128xi32, #tpu.memory_space<vmem>>) semaphore(%run_scoped3A_216 : memref<!tpu.dma_semaphore, #tpu.memory_space<semaphore_mem>>) {add = true}
        %dma_wait3A_223 = arith.constant 0 : i32
        %dma_wait3A_224 = tpu.memref_slice %arg8[%run_scoped3A_88, %dma_wait3A_223] : memref<8x128xi32, #tpu.memory_space<vmem>> -> memref<1x128xi32, #tpu.memory_space<vmem>>
        %dma_wait3A_225 = tpu.memref_squeeze %dma_wait3A_224 : memref<1x128xi32, #tpu.memory_space<vmem>> -> memref<128xi32, #tpu.memory_space<vmem>>
        %dma_wait3A_226 = arith.constant 0 : i32
        %dma_wait3A_227 = arith.constant 0 : i32
        %dma_wait3A_228 = tpu.memref_slice %arg11[%dma_wait3A_226, %dma_wait3A_227] : memref<10240x128xf32, #tpu.memory_space<vmem_shared>> -> memref<10240x128xf32, #tpu.memory_space<vmem_shared>>
        tpu.wait_indirect_dma semaphore(%run_scoped3A_216 : memref<!tpu.dma_semaphore, #tpu.memory_space<semaphore_mem>>) src(%arg10 : memref<128x128xf32, #tpu.memory_space<vmem>>) dst(%dma_wait3A_228 : memref<10240x128xf32, #tpu.memory_space<vmem_shared>>)
        tpu.yield
      }) : () -> ()
      %dma_start3A_89 = arith.constant 3 : i32
      %dma_start3A_90 = arith.constant 0 : i32
      %dma_start3A_91 = tpu.memref_slice %arg7[%dma_start3A_89, %dma_start3A_90] : memref<8x128xi32, #tpu.memory_space<vmem>> -> memref<1x128xi32, #tpu.memory_space<vmem>>
      %dma_start3A_92 = tpu.memref_squeeze %dma_start3A_91 : memref<1x128xi32, #tpu.memory_space<vmem>> -> memref<128xi32, #tpu.memory_space<vmem>>
      %dma_start3A_93 = arith.constant 0 : i32
      %dma_start3A_94 = arith.constant 0 : i32
      %dma_start3A_95 = tpu.memref_slice %arg2[%arg0, %dma_start3A_93, %dma_start3A_94] : memref<2x10000x128xf32, #tpu.memory_space<hbm>> -> memref<1x10000x128xf32, #tpu.memory_space<hbm>>
      %dma_start3A_96 = tpu.memref_squeeze %dma_start3A_95 : memref<1x10000x128xf32, #tpu.memory_space<hbm>> -> memref<10000x128xf32, #tpu.memory_space<hbm>>
      %dma_start3A_97 = arith.constant 0 : i32
      %dma_start3A_98 = arith.constant 0 : i32
      %dma_start3A_99 = tpu.memref_slice %dma_start3A_96[%dma_start3A_97, %dma_start3A_98] : memref<10000x128xf32, #tpu.memory_space<hbm>> -> memref<10000x128xf32, #tpu.memory_space<hbm>>
      tpu.enqueue_indirect_dma source(%dma_start3A_99 : memref<10000x128xf32, #tpu.memory_space<hbm>>) target(%arg10 : memref<128x128xf32, #tpu.memory_space<vmem>>) offsets(%dma_start3A_92 : memref<128xi32, #tpu.memory_space<vmem>>) semaphore(%arg13 : memref<!tpu.dma_semaphore, #tpu.memory_space<semaphore_mem>>)
      %dma_wait3A_100 = arith.constant 2 : i32
      %dma_wait3A_101 = arith.constant 0 : i32
      %dma_wait3A_102 = tpu.memref_slice %arg7[%dma_wait3A_100, %dma_wait3A_101] : memref<8x128xi32, #tpu.memory_space<vmem>> -> memref<1x128xi32, #tpu.memory_space<vmem>>
      %dma_wait3A_103 = tpu.memref_squeeze %dma_wait3A_102 : memref<1x128xi32, #tpu.memory_space<vmem>> -> memref<128xi32, #tpu.memory_space<vmem>>
      %dma_wait3A_104 = arith.constant 0 : i32
      %dma_wait3A_105 = arith.constant 0 : i32
      %dma_wait3A_106 = tpu.memref_slice %arg2[%arg0, %dma_wait3A_104, %dma_wait3A_105] : memref<2x10000x128xf32, #tpu.memory_space<hbm>> -> memref<1x10000x128xf32, #tpu.memory_space<hbm>>
      %dma_wait3A_107 = tpu.memref_squeeze %dma_wait3A_106 : memref<1x10000x128xf32, #tpu.memory_space<hbm>> -> memref<10000x128xf32, #tpu.memory_space<hbm>>
      %dma_wait3A_108 = arith.constant 0 : i32
      %dma_wait3A_109 = arith.constant 0 : i32
      %dma_wait3A_110 = tpu.memref_slice %dma_wait3A_107[%dma_wait3A_108, %dma_wait3A_109] : memref<10000x128xf32, #tpu.memory_space<hbm>> -> memref<10000x128xf32, #tpu.memory_space<hbm>>
      tpu.wait_indirect_dma semaphore(%arg12 : memref<!tpu.dma_semaphore, #tpu.memory_space<semaphore_mem>>) src(%dma_wait3A_110 : memref<10000x128xf32, #tpu.memory_space<hbm>>) dst(%arg9 : memref<128x128xf32, #tpu.memory_space<vmem>>)
      %run_scoped3A_111 = arith.constant 2 : i32
      "tpu.region"() ({
        %run_scoped3A_216 = tpu.sem_alloc : memref<!tpu.dma_semaphore, #tpu.memory_space<semaphore_mem>>
        %dma_start3A_217 = arith.constant 0 : i32
        %dma_start3A_218 = tpu.memref_slice %arg8[%run_scoped3A_111, %dma_start3A_217] : memref<8x128xi32, #tpu.memory_space<vmem>> -> memref<1x128xi32, #tpu.memory_space<vmem>>
        %dma_start3A_219 = tpu.memref_squeeze %dma_start3A_218 : memref<1x128xi32, #tpu.memory_space<vmem>> -> memref<128xi32, #tpu.memory_space<vmem>>
        %dma_start3A_220 = arith.constant 0 : i32
        %dma_start3A_221 = arith.constant 0 : i32
        %dma_start3A_222 = tpu.memref_slice %arg11[%dma_start3A_220, %dma_start3A_221] : memref<10240x128xf32, #tpu.memory_space<vmem_shared>> -> memref<10240x128xf32, #tpu.memory_space<vmem_shared>>
        tpu.enqueue_indirect_dma source(%arg9 : memref<128x128xf32, #tpu.memory_space<vmem>>) target(%dma_start3A_222 : memref<10240x128xf32, #tpu.memory_space<vmem_shared>>) offsets(%dma_start3A_219 : memref<128xi32, #tpu.memory_space<vmem>>) semaphore(%run_scoped3A_216 : memref<!tpu.dma_semaphore, #tpu.memory_space<semaphore_mem>>) {add = true}
        %dma_wait3A_223 = arith.constant 0 : i32
        %dma_wait3A_224 = tpu.memref_slice %arg8[%run_scoped3A_111, %dma_wait3A_223] : memref<8x128xi32, #tpu.memory_space<vmem>> -> memref<1x128xi32, #tpu.memory_space<vmem>>
        %dma_wait3A_225 = tpu.memref_squeeze %dma_wait3A_224 : memref<1x128xi32, #tpu.memory_space<vmem>> -> memref<128xi32, #tpu.memory_space<vmem>>
        %dma_wait3A_226 = arith.constant 0 : i32
        %dma_wait3A_227 = arith.constant 0 : i32
        %dma_wait3A_228 = tpu.memref_slice %arg11[%dma_wait3A_226, %dma_wait3A_227] : memref<10240x128xf32, #tpu.memory_space<vmem_shared>> -> memref<10240x128xf32, #tpu.memory_space<vmem_shared>>
        tpu.wait_indirect_dma semaphore(%run_scoped3A_216 : memref<!tpu.dma_semaphore, #tpu.memory_space<semaphore_mem>>) src(%arg9 : memref<128x128xf32, #tpu.memory_space<vmem>>) dst(%dma_wait3A_228 : memref<10240x128xf32, #tpu.memory_space<vmem_shared>>)
        tpu.yield
      }) : () -> ()
      %dma_start3A_112 = arith.constant 4 : i32
      %dma_start3A_113 = arith.constant 0 : i32
      %dma_start3A_114 = tpu.memref_slice %arg7[%dma_start3A_112, %dma_start3A_113] : memref<8x128xi32, #tpu.memory_space<vmem>> -> memref<1x128xi32, #tpu.memory_space<vmem>>
      %dma_start3A_115 = tpu.memref_squeeze %dma_start3A_114 : memref<1x128xi32, #tpu.memory_space<vmem>> -> memref<128xi32, #tpu.memory_space<vmem>>
      %dma_start3A_116 = arith.constant 0 : i32
      %dma_start3A_117 = arith.constant 0 : i32
      %dma_start3A_118 = tpu.memref_slice %arg2[%arg0, %dma_start3A_116, %dma_start3A_117] : memref<2x10000x128xf32, #tpu.memory_space<hbm>> -> memref<1x10000x128xf32, #tpu.memory_space<hbm>>
      %dma_start3A_119 = tpu.memref_squeeze %dma_start3A_118 : memref<1x10000x128xf32, #tpu.memory_space<hbm>> -> memref<10000x128xf32, #tpu.memory_space<hbm>>
      %dma_start3A_120 = arith.constant 0 : i32
      %dma_start3A_121 = arith.constant 0 : i32
      %dma_start3A_122 = tpu.memref_slice %dma_start3A_119[%dma_start3A_120, %dma_start3A_121] : memref<10000x128xf32, #tpu.memory_space<hbm>> -> memref<10000x128xf32, #tpu.memory_space<hbm>>
      tpu.enqueue_indirect_dma source(%dma_start3A_122 : memref<10000x128xf32, #tpu.memory_space<hbm>>) target(%arg9 : memref<128x128xf32, #tpu.memory_space<vmem>>) offsets(%dma_start3A_115 : memref<128xi32, #tpu.memory_space<vmem>>) semaphore(%arg12 : memref<!tpu.dma_semaphore, #tpu.memory_space<semaphore_mem>>)
      %dma_wait3A_123 = arith.constant 3 : i32
      %dma_wait3A_124 = arith.constant 0 : i32
      %dma_wait3A_125 = tpu.memref_slice %arg7[%dma_wait3A_123, %dma_wait3A_124] : memref<8x128xi32, #tpu.memory_space<vmem>> -> memref<1x128xi32, #tpu.memory_space<vmem>>
      %dma_wait3A_126 = tpu.memref_squeeze %dma_wait3A_125 : memref<1x128xi32, #tpu.memory_space<vmem>> -> memref<128xi32, #tpu.memory_space<vmem>>
      %dma_wait3A_127 = arith.constant 0 : i32
      %dma_wait3A_128 = arith.constant 0 : i32
      %dma_wait3A_129 = tpu.memref_slice %arg2[%arg0, %dma_wait3A_127, %dma_wait3A_128] : memref<2x10000x128xf32, #tpu.memory_space<hbm>> -> memref<1x10000x128xf32, #tpu.memory_space<hbm>>
      %dma_wait3A_130 = tpu.memref_squeeze %dma_wait3A_129 : memref<1x10000x128xf32, #tpu.memory_space<hbm>> -> memref<10000x128xf32, #tpu.memory_space<hbm>>
      %dma_wait3A_131 = arith.constant 0 : i32
      %dma_wait3A_132 = arith.constant 0 : i32
      %dma_wait3A_133 = tpu.memref_slice %dma_wait3A_130[%dma_wait3A_131, %dma_wait3A_132] : memref<10000x128xf32, #tpu.memory_space<hbm>> -> memref<10000x128xf32, #tpu.memory_space<hbm>>
      tpu.wait_indirect_dma semaphore(%arg13 : memref<!tpu.dma_semaphore, #tpu.memory_space<semaphore_mem>>) src(%dma_wait3A_133 : memref<10000x128xf32, #tpu.memory_space<hbm>>) dst(%arg10 : memref<128x128xf32, #tpu.memory_space<vmem>>)
      %run_scoped3A_134 = arith.constant 3 : i32
      "tpu.region"() ({
        %run_scoped3A_216 = tpu.sem_alloc : memref<!tpu.dma_semaphore, #tpu.memory_space<semaphore_mem>>
        %dma_start3A_217 = arith.constant 0 : i32
        %dma_start3A_218 = tpu.memref_slice %arg8[%run_scoped3A_134, %dma_start3A_217] : memref<8x128xi32, #tpu.memory_space<vmem>> -> memref<1x128xi32, #tpu.memory_space<vmem>>
        %dma_start3A_219 = tpu.memref_squeeze %dma_start3A_218 : memref<1x128xi32, #tpu.memory_space<vmem>> -> memref<128xi32, #tpu.memory_space<vmem>>
        %dma_start3A_220 = arith.constant 0 : i32
        %dma_start3A_221 = arith.constant 0 : i32
        %dma_start3A_222 = tpu.memref_slice %arg11[%dma_start3A_220, %dma_start3A_221] : memref<10240x128xf32, #tpu.memory_space<vmem_shared>> -> memref<10240x128xf32, #tpu.memory_space<vmem_shared>>
        tpu.enqueue_indirect_dma source(%arg10 : memref<128x128xf32, #tpu.memory_space<vmem>>) target(%dma_start3A_222 : memref<10240x128xf32, #tpu.memory_space<vmem_shared>>) offsets(%dma_start3A_219 : memref<128xi32, #tpu.memory_space<vmem>>) semaphore(%run_scoped3A_216 : memref<!tpu.dma_semaphore, #tpu.memory_space<semaphore_mem>>) {add = true}
        %dma_wait3A_223 = arith.constant 0 : i32
        %dma_wait3A_224 = tpu.memref_slice %arg8[%run_scoped3A_134, %dma_wait3A_223] : memref<8x128xi32, #tpu.memory_space<vmem>> -> memref<1x128xi32, #tpu.memory_space<vmem>>
        %dma_wait3A_225 = tpu.memref_squeeze %dma_wait3A_224 : memref<1x128xi32, #tpu.memory_space<vmem>> -> memref<128xi32, #tpu.memory_space<vmem>>
        %dma_wait3A_226 = arith.constant 0 : i32
        %dma_wait3A_227 = arith.constant 0 : i32
        %dma_wait3A_228 = tpu.memref_slice %arg11[%dma_wait3A_226, %dma_wait3A_227] : memref<10240x128xf32, #tpu.memory_space<vmem_shared>> -> memref<10240x128xf32, #tpu.memory_space<vmem_shared>>
        tpu.wait_indirect_dma semaphore(%run_scoped3A_216 : memref<!tpu.dma_semaphore, #tpu.memory_space<semaphore_mem>>) src(%arg10 : memref<128x128xf32, #tpu.memory_space<vmem>>) dst(%dma_wait3A_228 : memref<10240x128xf32, #tpu.memory_space<vmem_shared>>)
        tpu.yield
      }) : () -> ()
      %dma_start3A_135 = arith.constant 5 : i32
      %dma_start3A_136 = arith.constant 0 : i32
      %dma_start3A_137 = tpu.memref_slice %arg7[%dma_start3A_135, %dma_start3A_136] : memref<8x128xi32, #tpu.memory_space<vmem>> -> memref<1x128xi32, #tpu.memory_space<vmem>>
      %dma_start3A_138 = tpu.memref_squeeze %dma_start3A_137 : memref<1x128xi32, #tpu.memory_space<vmem>> -> memref<128xi32, #tpu.memory_space<vmem>>
      %dma_start3A_139 = arith.constant 0 : i32
      %dma_start3A_140 = arith.constant 0 : i32
      %dma_start3A_141 = tpu.memref_slice %arg2[%arg0, %dma_start3A_139, %dma_start3A_140] : memref<2x10000x128xf32, #tpu.memory_space<hbm>> -> memref<1x10000x128xf32, #tpu.memory_space<hbm>>
      %dma_start3A_142 = tpu.memref_squeeze %dma_start3A_141 : memref<1x10000x128xf32, #tpu.memory_space<hbm>> -> memref<10000x128xf32, #tpu.memory_space<hbm>>
      %dma_start3A_143 = arith.constant 0 : i32
      %dma_start3A_144 = arith.constant 0 : i32
      %dma_start3A_145 = tpu.memref_slice %dma_start3A_142[%dma_start3A_143, %dma_start3A_144] : memref<10000x128xf32, #tpu.memory_space<hbm>> -> memref<10000x128xf32, #tpu.memory_space<hbm>>
      tpu.enqueue_indirect_dma source(%dma_start3A_145 : memref<10000x128xf32, #tpu.memory_space<hbm>>) target(%arg10 : memref<128x128xf32, #tpu.memory_space<vmem>>) offsets(%dma_start3A_138 : memref<128xi32, #tpu.memory_space<vmem>>) semaphore(%arg13 : memref<!tpu.dma_semaphore, #tpu.memory_space<semaphore_mem>>)
      %dma_wait3A_146 = arith.constant 4 : i32
      %dma_wait3A_147 = arith.constant 0 : i32
      %dma_wait3A_148 = tpu.memref_slice %arg7[%dma_wait3A_146, %dma_wait3A_147] : memref<8x128xi32, #tpu.memory_space<vmem>> -> memref<1x128xi32, #tpu.memory_space<vmem>>
      %dma_wait3A_149 = tpu.memref_squeeze %dma_wait3A_148 : memref<1x128xi32, #tpu.memory_space<vmem>> -> memref<128xi32, #tpu.memory_space<vmem>>
      %dma_wait3A_150 = arith.constant 0 : i32
      %dma_wait3A_151 = arith.constant 0 : i32
      %dma_wait3A_152 = tpu.memref_slice %arg2[%arg0, %dma_wait3A_150, %dma_wait3A_151] : memref<2x10000x128xf32, #tpu.memory_space<hbm>> -> memref<1x10000x128xf32, #tpu.memory_space<hbm>>
      %dma_wait3A_153 = tpu.memref_squeeze %dma_wait3A_152 : memref<1x10000x128xf32, #tpu.memory_space<hbm>> -> memref<10000x128xf32, #tpu.memory_space<hbm>>
      %dma_wait3A_154 = arith.constant 0 : i32
      %dma_wait3A_155 = arith.constant 0 : i32
      %dma_wait3A_156 = tpu.memref_slice %dma_wait3A_153[%dma_wait3A_154, %dma_wait3A_155] : memref<10000x128xf32, #tpu.memory_space<hbm>> -> memref<10000x128xf32, #tpu.memory_space<hbm>>
      tpu.wait_indirect_dma semaphore(%arg12 : memref<!tpu.dma_semaphore, #tpu.memory_space<semaphore_mem>>) src(%dma_wait3A_156 : memref<10000x128xf32, #tpu.memory_space<hbm>>) dst(%arg9 : memref<128x128xf32, #tpu.memory_space<vmem>>)
      %run_scoped3A_157 = arith.constant 4 : i32
      "tpu.region"() ({
        %run_scoped3A_216 = tpu.sem_alloc : memref<!tpu.dma_semaphore, #tpu.memory_space<semaphore_mem>>
        %dma_start3A_217 = arith.constant 0 : i32
        %dma_start3A_218 = tpu.memref_slice %arg8[%run_scoped3A_157, %dma_start3A_217] : memref<8x128xi32, #tpu.memory_space<vmem>> -> memref<1x128xi32, #tpu.memory_space<vmem>>
        %dma_start3A_219 = tpu.memref_squeeze %dma_start3A_218 : memref<1x128xi32, #tpu.memory_space<vmem>> -> memref<128xi32, #tpu.memory_space<vmem>>
        %dma_start3A_220 = arith.constant 0 : i32
        %dma_start3A_221 = arith.constant 0 : i32
        %dma_start3A_222 = tpu.memref_slice %arg11[%dma_start3A_220, %dma_start3A_221] : memref<10240x128xf32, #tpu.memory_space<vmem_shared>> -> memref<10240x128xf32, #tpu.memory_space<vmem_shared>>
        tpu.enqueue_indirect_dma source(%arg9 : memref<128x128xf32, #tpu.memory_space<vmem>>) target(%dma_start3A_222 : memref<10240x128xf32, #tpu.memory_space<vmem_shared>>) offsets(%dma_start3A_219 : memref<128xi32, #tpu.memory_space<vmem>>) semaphore(%run_scoped3A_216 : memref<!tpu.dma_semaphore, #tpu.memory_space<semaphore_mem>>) {add = true}
        %dma_wait3A_223 = arith.constant 0 : i32
        %dma_wait3A_224 = tpu.memref_slice %arg8[%run_scoped3A_157, %dma_wait3A_223] : memref<8x128xi32, #tpu.memory_space<vmem>> -> memref<1x128xi32, #tpu.memory_space<vmem>>
        %dma_wait3A_225 = tpu.memref_squeeze %dma_wait3A_224 : memref<1x128xi32, #tpu.memory_space<vmem>> -> memref<128xi32, #tpu.memory_space<vmem>>
        %dma_wait3A_226 = arith.constant 0 : i32
        %dma_wait3A_227 = arith.constant 0 : i32
        %dma_wait3A_228 = tpu.memref_slice %arg11[%dma_wait3A_226, %dma_wait3A_227] : memref<10240x128xf32, #tpu.memory_space<vmem_shared>> -> memref<10240x128xf32, #tpu.memory_space<vmem_shared>>
        tpu.wait_indirect_dma semaphore(%run_scoped3A_216 : memref<!tpu.dma_semaphore, #tpu.memory_space<semaphore_mem>>) src(%arg9 : memref<128x128xf32, #tpu.memory_space<vmem>>) dst(%dma_wait3A_228 : memref<10240x128xf32, #tpu.memory_space<vmem_shared>>)
        tpu.yield
      }) : () -> ()
      %dma_start3A_158 = arith.constant 6 : i32
      %dma_start3A_159 = arith.constant 0 : i32
      %dma_start3A_160 = tpu.memref_slice %arg7[%dma_start3A_158, %dma_start3A_159] : memref<8x128xi32, #tpu.memory_space<vmem>> -> memref<1x128xi32, #tpu.memory_space<vmem>>
      %dma_start3A_161 = tpu.memref_squeeze %dma_start3A_160 : memref<1x128xi32, #tpu.memory_space<vmem>> -> memref<128xi32, #tpu.memory_space<vmem>>
      %dma_start3A_162 = arith.constant 0 : i32
      %dma_start3A_163 = arith.constant 0 : i32
      %dma_start3A_164 = tpu.memref_slice %arg2[%arg0, %dma_start3A_162, %dma_start3A_163] : memref<2x10000x128xf32, #tpu.memory_space<hbm>> -> memref<1x10000x128xf32, #tpu.memory_space<hbm>>
      %dma_start3A_165 = tpu.memref_squeeze %dma_start3A_164 : memref<1x10000x128xf32, #tpu.memory_space<hbm>> -> memref<10000x128xf32, #tpu.memory_space<hbm>>
      %dma_start3A_166 = arith.constant 0 : i32
      %dma_start3A_167 = arith.constant 0 : i32
      %dma_start3A_168 = tpu.memref_slice %dma_start3A_165[%dma_start3A_166, %dma_start3A_167] : memref<10000x128xf32, #tpu.memory_space<hbm>> -> memref<10000x128xf32, #tpu.memory_space<hbm>>
      tpu.enqueue_indirect_dma source(%dma_start3A_168 : memref<10000x128xf32, #tpu.memory_space<hbm>>) target(%arg9 : memref<128x128xf32, #tpu.memory_space<vmem>>) offsets(%dma_start3A_161 : memref<128xi32, #tpu.memory_space<vmem>>) semaphore(%arg12 : memref<!tpu.dma_semaphore, #tpu.memory_space<semaphore_mem>>)
      %dma_wait3A_169 = arith.constant 5 : i32
      %dma_wait3A_170 = arith.constant 0 : i32
      %dma_wait3A_171 = tpu.memref_slice %arg7[%dma_wait3A_169, %dma_wait3A_170] : memref<8x128xi32, #tpu.memory_space<vmem>> -> memref<1x128xi32, #tpu.memory_space<vmem>>
      %dma_wait3A_172 = tpu.memref_squeeze %dma_wait3A_171 : memref<1x128xi32, #tpu.memory_space<vmem>> -> memref<128xi32, #tpu.memory_space<vmem>>
      %dma_wait3A_173 = arith.constant 0 : i32
      %dma_wait3A_174 = arith.constant 0 : i32
      %dma_wait3A_175 = tpu.memref_slice %arg2[%arg0, %dma_wait3A_173, %dma_wait3A_174] : memref<2x10000x128xf32, #tpu.memory_space<hbm>> -> memref<1x10000x128xf32, #tpu.memory_space<hbm>>
      %dma_wait3A_176 = tpu.memref_squeeze %dma_wait3A_175 : memref<1x10000x128xf32, #tpu.memory_space<hbm>> -> memref<10000x128xf32, #tpu.memory_space<hbm>>
      %dma_wait3A_177 = arith.constant 0 : i32
      %dma_wait3A_178 = arith.constant 0 : i32
      %dma_wait3A_179 = tpu.memref_slice %dma_wait3A_176[%dma_wait3A_177, %dma_wait3A_178] : memref<10000x128xf32, #tpu.memory_space<hbm>> -> memref<10000x128xf32, #tpu.memory_space<hbm>>
      tpu.wait_indirect_dma semaphore(%arg13 : memref<!tpu.dma_semaphore, #tpu.memory_space<semaphore_mem>>) src(%dma_wait3A_179 : memref<10000x128xf32, #tpu.memory_space<hbm>>) dst(%arg10 : memref<128x128xf32, #tpu.memory_space<vmem>>)
      %run_scoped3A_180 = arith.constant 5 : i32
      "tpu.region"() ({
        %run_scoped3A_216 = tpu.sem_alloc : memref<!tpu.dma_semaphore, #tpu.memory_space<semaphore_mem>>
        %dma_start3A_217 = arith.constant 0 : i32
        %dma_start3A_218 = tpu.memref_slice %arg8[%run_scoped3A_180, %dma_start3A_217] : memref<8x128xi32, #tpu.memory_space<vmem>> -> memref<1x128xi32, #tpu.memory_space<vmem>>
        %dma_start3A_219 = tpu.memref_squeeze %dma_start3A_218 : memref<1x128xi32, #tpu.memory_space<vmem>> -> memref<128xi32, #tpu.memory_space<vmem>>
        %dma_start3A_220 = arith.constant 0 : i32
        %dma_start3A_221 = arith.constant 0 : i32
        %dma_start3A_222 = tpu.memref_slice %arg11[%dma_start3A_220, %dma_start3A_221] : memref<10240x128xf32, #tpu.memory_space<vmem_shared>> -> memref<10240x128xf32, #tpu.memory_space<vmem_shared>>
        tpu.enqueue_indirect_dma source(%arg10 : memref<128x128xf32, #tpu.memory_space<vmem>>) target(%dma_start3A_222 : memref<10240x128xf32, #tpu.memory_space<vmem_shared>>) offsets(%dma_start3A_219 : memref<128xi32, #tpu.memory_space<vmem>>) semaphore(%run_scoped3A_216 : memref<!tpu.dma_semaphore, #tpu.memory_space<semaphore_mem>>) {add = true}
        %dma_wait3A_223 = arith.constant 0 : i32
        %dma_wait3A_224 = tpu.memref_slice %arg8[%run_scoped3A_180, %dma_wait3A_223] : memref<8x128xi32, #tpu.memory_space<vmem>> -> memref<1x128xi32, #tpu.memory_space<vmem>>
        %dma_wait3A_225 = tpu.memref_squeeze %dma_wait3A_224 : memref<1x128xi32, #tpu.memory_space<vmem>> -> memref<128xi32, #tpu.memory_space<vmem>>
        %dma_wait3A_226 = arith.constant 0 : i32
        %dma_wait3A_227 = arith.constant 0 : i32
        %dma_wait3A_228 = tpu.memref_slice %arg11[%dma_wait3A_226, %dma_wait3A_227] : memref<10240x128xf32, #tpu.memory_space<vmem_shared>> -> memref<10240x128xf32, #tpu.memory_space<vmem_shared>>
        tpu.wait_indirect_dma semaphore(%run_scoped3A_216 : memref<!tpu.dma_semaphore, #tpu.memory_space<semaphore_mem>>) src(%arg10 : memref<128x128xf32, #tpu.memory_space<vmem>>) dst(%dma_wait3A_228 : memref<10240x128xf32, #tpu.memory_space<vmem_shared>>)
        tpu.yield
      }) : () -> ()
      %dma_start3A_181 = arith.constant 7 : i32
      %dma_start3A_182 = arith.constant 0 : i32
      %dma_start3A_183 = tpu.memref_slice %arg7[%dma_start3A_181, %dma_start3A_182] : memref<8x128xi32, #tpu.memory_space<vmem>> -> memref<1x128xi32, #tpu.memory_space<vmem>>
      %dma_start3A_184 = tpu.memref_squeeze %dma_start3A_183 : memref<1x128xi32, #tpu.memory_space<vmem>> -> memref<128xi32, #tpu.memory_space<vmem>>
      %dma_start3A_185 = arith.constant 0 : i32
      %dma_start3A_186 = arith.constant 0 : i32
      %dma_start3A_187 = tpu.memref_slice %arg2[%arg0, %dma_start3A_185, %dma_start3A_186] : memref<2x10000x128xf32, #tpu.memory_space<hbm>> -> memref<1x10000x128xf32, #tpu.memory_space<hbm>>
      %dma_start3A_188 = tpu.memref_squeeze %dma_start3A_187 : memref<1x10000x128xf32, #tpu.memory_space<hbm>> -> memref<10000x128xf32, #tpu.memory_space<hbm>>
      %dma_start3A_189 = arith.constant 0 : i32
      %dma_start3A_190 = arith.constant 0 : i32
      %dma_start3A_191 = tpu.memref_slice %dma_start3A_188[%dma_start3A_189, %dma_start3A_190] : memref<10000x128xf32, #tpu.memory_space<hbm>> -> memref<10000x128xf32, #tpu.memory_space<hbm>>
      tpu.enqueue_indirect_dma source(%dma_start3A_191 : memref<10000x128xf32, #tpu.memory_space<hbm>>) target(%arg10 : memref<128x128xf32, #tpu.memory_space<vmem>>) offsets(%dma_start3A_184 : memref<128xi32, #tpu.memory_space<vmem>>) semaphore(%arg13 : memref<!tpu.dma_semaphore, #tpu.memory_space<semaphore_mem>>)
      %dma_wait3A_192 = arith.constant 6 : i32
      %dma_wait3A_193 = arith.constant 0 : i32
      %dma_wait3A_194 = tpu.memref_slice %arg7[%dma_wait3A_192, %dma_wait3A_193] : memref<8x128xi32, #tpu.memory_space<vmem>> -> memref<1x128xi32, #tpu.memory_space<vmem>>
      %dma_wait3A_195 = tpu.memref_squeeze %dma_wait3A_194 : memref<1x128xi32, #tpu.memory_space<vmem>> -> memref<128xi32, #tpu.memory_space<vmem>>
      %dma_wait3A_196 = arith.constant 0 : i32
      %dma_wait3A_197 = arith.constant 0 : i32
      %dma_wait3A_198 = tpu.memref_slice %arg2[%arg0, %dma_wait3A_196, %dma_wait3A_197] : memref<2x10000x128xf32, #tpu.memory_space<hbm>> -> memref<1x10000x128xf32, #tpu.memory_space<hbm>>
      %dma_wait3A_199 = tpu.memref_squeeze %dma_wait3A_198 : memref<1x10000x128xf32, #tpu.memory_space<hbm>> -> memref<10000x128xf32, #tpu.memory_space<hbm>>
      %dma_wait3A_200 = arith.constant 0 : i32
      %dma_wait3A_201 = arith.constant 0 : i32
      %dma_wait3A_202 = tpu.memref_slice %dma_wait3A_199[%dma_wait3A_200, %dma_wait3A_201] : memref<10000x128xf32, #tpu.memory_space<hbm>> -> memref<10000x128xf32, #tpu.memory_space<hbm>>
      tpu.wait_indirect_dma semaphore(%arg12 : memref<!tpu.dma_semaphore, #tpu.memory_space<semaphore_mem>>) src(%dma_wait3A_202 : memref<10000x128xf32, #tpu.memory_space<hbm>>) dst(%arg9 : memref<128x128xf32, #tpu.memory_space<vmem>>)
      %run_scoped3A_203 = arith.constant 6 : i32
      "tpu.region"() ({
        %run_scoped3A_216 = tpu.sem_alloc : memref<!tpu.dma_semaphore, #tpu.memory_space<semaphore_mem>>
        %dma_start3A_217 = arith.constant 0 : i32
        %dma_start3A_218 = tpu.memref_slice %arg8[%run_scoped3A_203, %dma_start3A_217] : memref<8x128xi32, #tpu.memory_space<vmem>> -> memref<1x128xi32, #tpu.memory_space<vmem>>
        %dma_start3A_219 = tpu.memref_squeeze %dma_start3A_218 : memref<1x128xi32, #tpu.memory_space<vmem>> -> memref<128xi32, #tpu.memory_space<vmem>>
        %dma_start3A_220 = arith.constant 0 : i32
        %dma_start3A_221 = arith.constant 0 : i32
        %dma_start3A_222 = tpu.memref_slice %arg11[%dma_start3A_220, %dma_start3A_221] : memref<10240x128xf32, #tpu.memory_space<vmem_shared>> -> memref<10240x128xf32, #tpu.memory_space<vmem_shared>>
        tpu.enqueue_indirect_dma source(%arg9 : memref<128x128xf32, #tpu.memory_space<vmem>>) target(%dma_start3A_222 : memref<10240x128xf32, #tpu.memory_space<vmem_shared>>) offsets(%dma_start3A_219 : memref<128xi32, #tpu.memory_space<vmem>>) semaphore(%run_scoped3A_216 : memref<!tpu.dma_semaphore, #tpu.memory_space<semaphore_mem>>) {add = true}
        %dma_wait3A_223 = arith.constant 0 : i32
        %dma_wait3A_224 = tpu.memref_slice %arg8[%run_scoped3A_203, %dma_wait3A_223] : memref<8x128xi32, #tpu.memory_space<vmem>> -> memref<1x128xi32, #tpu.memory_space<vmem>>
        %dma_wait3A_225 = tpu.memref_squeeze %dma_wait3A_224 : memref<1x128xi32, #tpu.memory_space<vmem>> -> memref<128xi32, #tpu.memory_space<vmem>>
        %dma_wait3A_226 = arith.constant 0 : i32
        %dma_wait3A_227 = arith.constant 0 : i32
        %dma_wait3A_228 = tpu.memref_slice %arg11[%dma_wait3A_226, %dma_wait3A_227] : memref<10240x128xf32, #tpu.memory_space<vmem_shared>> -> memref<10240x128xf32, #tpu.memory_space<vmem_shared>>
        tpu.wait_indirect_dma semaphore(%run_scoped3A_216 : memref<!tpu.dma_semaphore, #tpu.memory_space<semaphore_mem>>) src(%arg9 : memref<128x128xf32, #tpu.memory_space<vmem>>) dst(%dma_wait3A_228 : memref<10240x128xf32, #tpu.memory_space<vmem_shared>>)
        tpu.yield
      }) : () -> ()
      %dma_wait3A_204 = arith.constant 7 : i32
      %dma_wait3A_205 = arith.constant 0 : i32
      %dma_wait3A_206 = tpu.memref_slice %arg7[%dma_wait3A_204, %dma_wait3A_205] : memref<8x128xi32, #tpu.memory_space<vmem>> -> memref<1x128xi32, #tpu.memory_space<vmem>>
      %dma_wait3A_207 = tpu.memref_squeeze %dma_wait3A_206 : memref<1x128xi32, #tpu.memory_space<vmem>> -> memref<128xi32, #tpu.memory_space<vmem>>
      %dma_wait3A_208 = arith.constant 0 : i32
      %dma_wait3A_209 = arith.constant 0 : i32
      %dma_wait3A_210 = tpu.memref_slice %arg2[%arg0, %dma_wait3A_208, %dma_wait3A_209] : memref<2x10000x128xf32, #tpu.memory_space<hbm>> -> memref<1x10000x128xf32, #tpu.memory_space<hbm>>
      %dma_wait3A_211 = tpu.memref_squeeze %dma_wait3A_210 : memref<1x10000x128xf32, #tpu.memory_space<hbm>> -> memref<10000x128xf32, #tpu.memory_space<hbm>>
      %dma_wait3A_212 = arith.constant 0 : i32
      %dma_wait3A_213 = arith.constant 0 : i32
      %dma_wait3A_214 = tpu.memref_slice %dma_wait3A_211[%dma_wait3A_212, %dma_wait3A_213] : memref<10000x128xf32, #tpu.memory_space<hbm>> -> memref<10000x128xf32, #tpu.memory_space<hbm>>
      tpu.wait_indirect_dma semaphore(%arg13 : memref<!tpu.dma_semaphore, #tpu.memory_space<semaphore_mem>>) src(%dma_wait3A_214 : memref<10000x128xf32, #tpu.memory_space<hbm>>) dst(%arg10 : memref<128x128xf32, #tpu.memory_space<vmem>>)
      %run_scoped3A_215 = arith.constant 7 : i32
      "tpu.region"() ({
        %run_scoped3A_216 = tpu.sem_alloc : memref<!tpu.dma_semaphore, #tpu.memory_space<semaphore_mem>>
        %dma_start3A_217 = arith.constant 0 : i32
        %dma_start3A_218 = tpu.memref_slice %arg8[%run_scoped3A_215, %dma_start3A_217] : memref<8x128xi32, #tpu.memory_space<vmem>> -> memref<1x128xi32, #tpu.memory_space<vmem>>
        %dma_start3A_219 = tpu.memref_squeeze %dma_start3A_218 : memref<1x128xi32, #tpu.memory_space<vmem>> -> memref<128xi32, #tpu.memory_space<vmem>>
        %dma_start3A_220 = arith.constant 0 : i32
        %dma_start3A_221 = arith.constant 0 : i32
        %dma_start3A_222 = tpu.memref_slice %arg11[%dma_start3A_220, %dma_start3A_221] : memref<10240x128xf32, #tpu.memory_space<vmem_shared>> -> memref<10240x128xf32, #tpu.memory_space<vmem_shared>>
        tpu.enqueue_indirect_dma source(%arg10 : memref<128x128xf32, #tpu.memory_space<vmem>>) target(%dma_start3A_222 : memref<10240x128xf32, #tpu.memory_space<vmem_shared>>) offsets(%dma_start3A_219 : memref<128xi32, #tpu.memory_space<vmem>>) semaphore(%run_scoped3A_216 : memref<!tpu.dma_semaphore, #tpu.memory_space<semaphore_mem>>) {add = true}
        %dma_wait3A_223 = arith.constant 0 : i32
        %dma_wait3A_224 = tpu.memref_slice %arg8[%run_scoped3A_215, %dma_wait3A_223] : memref<8x128xi32, #tpu.memory_space<vmem>> -> memref<1x128xi32, #tpu.memory_space<vmem>>
        %dma_wait3A_225 = tpu.memref_squeeze %dma_wait3A_224 : memref<1x128xi32, #tpu.memory_space<vmem>> -> memref<128xi32, #tpu.memory_space<vmem>>
        %dma_wait3A_226 = arith.constant 0 : i32
        %dma_wait3A_227 = arith.constant 0 : i32
        %dma_wait3A_228 = tpu.memref_slice %arg11[%dma_wait3A_226, %dma_wait3A_227] : memref<10240x128xf32, #tpu.memory_space<vmem_shared>> -> memref<10240x128xf32, #tpu.memory_space<vmem_shared>>
        tpu.wait_indirect_dma semaphore(%run_scoped3A_216 : memref<!tpu.dma_semaphore, #tpu.memory_space<semaphore_mem>>) src(%arg10 : memref<128x128xf32, #tpu.memory_space<vmem>>) dst(%dma_wait3A_228 : memref<10240x128xf32, #tpu.memory_space<vmem_shared>>)
        tpu.yield
      }) : () -> ()
    }
    %scan3A_16 = arith.constant 10 : i32
    %barrier3A_17 = arith.constant 0 : index
    tpu.barrier barrier_id(%barrier3A_17)
    %add3A_18 = arith.constant 0 : i32
    %add3A_19 = arith.addi %mul3A_2, %add3A_18 : i32
    "tpu.region"() ({
      %run_scoped3A = tpu.sem_alloc : memref<!tpu.dma_semaphore, #tpu.memory_space<semaphore_mem>>
      %dma_start3A = arith.constant 0 : i32
      %dma_start3A_28 = tpu.memref_slice %arg11[%add3A_19, %dma_start3A] : memref<10240x128xf32, #tpu.memory_space<vmem_shared>> -> memref<128x128xf32, #tpu.memory_space<vmem_shared>>
      %dma_start3A_29 = arith.constant 0 : i32
      %dma_start3A_30 = tpu.memref_slice %arg11[%add3A_19, %dma_start3A_29] : memref<10240x128xf32, #tpu.memory_space<vmem_shared>> -> memref<128x128xf32, #tpu.memory_space<vmem_shared>>
      tpu.enqueue_dma source(%dma_start3A_30 : memref<128x128xf32, #tpu.memory_space<vmem_shared>>) target(%arg9 : memref<128x128xf32, #tpu.memory_space<vmem>>) target_semaphore(%run_scoped3A : memref<!tpu.dma_semaphore, #tpu.memory_space<semaphore_mem>>)
      %dma_wait3A = arith.constant 0 : i32
      %dma_wait3A_31 = tpu.memref_slice %arg11[%add3A_19, %dma_wait3A] : memref<10240x128xf32, #tpu.memory_space<vmem_shared>> -> memref<128x128xf32, #tpu.memory_space<vmem_shared>>
      %dma_wait3A_32 = arith.constant 0 : i32
      %dma_wait3A_33 = tpu.memref_slice %arg11[%add3A_19, %dma_wait3A_32] : memref<10240x128xf32, #tpu.memory_space<vmem_shared>> -> memref<128x128xf32, #tpu.memory_space<vmem_shared>>
      tpu.wait_dma2 semaphore(%run_scoped3A : memref<!tpu.dma_semaphore, #tpu.memory_space<semaphore_mem>>) src(%dma_wait3A_33 : memref<128x128xf32, #tpu.memory_space<vmem_shared>>) dst(%arg9 : memref<128x128xf32, #tpu.memory_space<vmem>>)
      tpu.yield
    }) : () -> ()
    "tpu.region"() ({
      %run_scoped3A = tpu.sem_alloc : memref<!tpu.dma_semaphore, #tpu.memory_space<semaphore_mem>>
      %dma_start3A = arith.constant 0 : i32
      %dma_start3A_28 = tpu.memref_slice %arg6[%arg0, %add3A_19, %dma_start3A] : memref<2x10240x128xf32, #tpu.memory_space<hbm>> -> memref<1x128x128xf32, #tpu.memory_space<hbm>>
      %dma_start3A_29 = tpu.memref_squeeze %dma_start3A_28 : memref<1x128x128xf32, #tpu.memory_space<hbm>> -> memref<128x128xf32, #tpu.memory_space<hbm>>
      %dma_start3A_30 = arith.constant 0 : i32
      %dma_start3A_31 = tpu.memref_slice %arg6[%arg0, %add3A_19, %dma_start3A_30] : memref<2x10240x128xf32, #tpu.memory_space<hbm>> -> memref<1x128x128xf32, #tpu.memory_space<hbm>>
      %dma_start3A_32 = tpu.memref_squeeze %dma_start3A_31 : memref<1x128x128xf32, #tpu.memory_space<hbm>> -> memref<128x128xf32, #tpu.memory_space<hbm>>
      tpu.enqueue_dma source(%arg9 : memref<128x128xf32, #tpu.memory_space<vmem>>) target(%dma_start3A_32 : memref<128x128xf32, #tpu.memory_space<hbm>>) target_semaphore(%run_scoped3A : memref<!tpu.dma_semaphore, #tpu.memory_space<semaphore_mem>>)
      %dma_wait3A = arith.constant 0 : i32
      %dma_wait3A_33 = tpu.memref_slice %arg6[%arg0, %add3A_19, %dma_wait3A] : memref<2x10240x128xf32, #tpu.memory_space<hbm>> -> memref<1x128x128xf32, #tpu.memory_space<hbm>>
      %dma_wait3A_34 = tpu.memref_squeeze %dma_wait3A_33 : memref<1x128x128xf32, #tpu.memory_space<hbm>> -> memref<128x128xf32, #tpu.memory_space<hbm>>
      %dma_wait3A_35 = arith.constant 0 : i32
      %dma_wait3A_36 = tpu.memref_slice %arg6[%arg0, %add3A_19, %dma_wait3A_35] : memref<2x10240x128xf32, #tpu.memory_space<hbm>> -> memref<1x128x128xf32, #tpu.memory_space<hbm>>
      %dma_wait3A_37 = tpu.memref_squeeze %dma_wait3A_36 : memref<1x128x128xf32, #tpu.memory_space<hbm>> -> memref<128x128xf32, #tpu.memory_space<hbm>>
      tpu.wait_dma2 semaphore(%run_scoped3A : memref<!tpu.dma_semaphore, #tpu.memory_space<semaphore_mem>>) src(%arg9 : memref<128x128xf32, #tpu.memory_space<vmem>>) dst(%dma_wait3A_37 : memref<128x128xf32, #tpu.memory_space<hbm>>)
      tpu.yield
    }) : () -> ()
    %add3A_20 = arith.constant 128 : i32
    %add3A_21 = arith.addi %mul3A_2, %add3A_20 : i32
    "tpu.region"() ({
      %run_scoped3A = tpu.sem_alloc : memref<!tpu.dma_semaphore, #tpu.memory_space<semaphore_mem>>
      %dma_start3A = arith.constant 0 : i32
      %dma_start3A_28 = tpu.memref_slice %arg11[%add3A_21, %dma_start3A] : memref<10240x128xf32, #tpu.memory_space<vmem_shared>> -> memref<128x128xf32, #tpu.memory_space<vmem_shared>>
      %dma_start3A_29 = arith.constant 0 : i32
      %dma_start3A_30 = tpu.memref_slice %arg11[%add3A_21, %dma_start3A_29] : memref<10240x128xf32, #tpu.memory_space<vmem_shared>> -> memref<128x128xf32, #tpu.memory_space<vmem_shared>>
      tpu.enqueue_dma source(%dma_start3A_30 : memref<128x128xf32, #tpu.memory_space<vmem_shared>>) target(%arg9 : memref<128x128xf32, #tpu.memory_space<vmem>>) target_semaphore(%run_scoped3A : memref<!tpu.dma_semaphore, #tpu.memory_space<semaphore_mem>>)
      %dma_wait3A = arith.constant 0 : i32
      %dma_wait3A_31 = tpu.memref_slice %arg11[%add3A_21, %dma_wait3A] : memref<10240x128xf32, #tpu.memory_space<vmem_shared>> -> memref<128x128xf32, #tpu.memory_space<vmem_shared>>
      %dma_wait3A_32 = arith.constant 0 : i32
      %dma_wait3A_33 = tpu.memref_slice %arg11[%add3A_21, %dma_wait3A_32] : memref<10240x128xf32, #tpu.memory_space<vmem_shared>> -> memref<128x128xf32, #tpu.memory_space<vmem_shared>>
      tpu.wait_dma2 semaphore(%run_scoped3A : memref<!tpu.dma_semaphore, #tpu.memory_space<semaphore_mem>>) src(%dma_wait3A_33 : memref<128x128xf32, #tpu.memory_space<vmem_shared>>) dst(%arg9 : memref<128x128xf32, #tpu.memory_space<vmem>>)
      tpu.yield
    }) : () -> ()
    "tpu.region"() ({
      %run_scoped3A = tpu.sem_alloc : memref<!tpu.dma_semaphore, #tpu.memory_space<semaphore_mem>>
      %dma_start3A = arith.constant 0 : i32
      %dma_start3A_28 = tpu.memref_slice %arg6[%arg0, %add3A_21, %dma_start3A] : memref<2x10240x128xf32, #tpu.memory_space<hbm>> -> memref<1x128x128xf32, #tpu.memory_space<hbm>>
      %dma_start3A_29 = tpu.memref_squeeze %dma_start3A_28 : memref<1x128x128xf32, #tpu.memory_space<hbm>> -> memref<128x128xf32, #tpu.memory_space<hbm>>
      %dma_start3A_30 = arith.constant 0 : i32
      %dma_start3A_31 = tpu.memref_slice %arg6[%arg0, %add3A_21, %dma_start3A_30] : memref<2x10240x128xf32, #tpu.memory_space<hbm>> -> memref<1x128x128xf32, #tpu.memory_space<hbm>>
      %dma_start3A_32 = tpu.memref_squeeze %dma_start3A_31 : memref<1x128x128xf32, #tpu.memory_space<hbm>> -> memref<128x128xf32, #tpu.memory_space<hbm>>
      tpu.enqueue_dma source(%arg9 : memref<128x128xf32, #tpu.memory_space<vmem>>) target(%dma_start3A_32 : memref<128x128xf32, #tpu.memory_space<hbm>>) target_semaphore(%run_scoped3A : memref<!tpu.dma_semaphore, #tpu.memory_space<semaphore_mem>>)
      %dma_wait3A = arith.constant 0 : i32
      %dma_wait3A_33 = tpu.memref_slice %arg6[%arg0, %add3A_21, %dma_wait3A] : memref<2x10240x128xf32, #tpu.memory_space<hbm>> -> memref<1x128x128xf32, #tpu.memory_space<hbm>>
      %dma_wait3A_34 = tpu.memref_squeeze %dma_wait3A_33 : memref<1x128x128xf32, #tpu.memory_space<hbm>> -> memref<128x128xf32, #tpu.memory_space<hbm>>
      %dma_wait3A_35 = arith.constant 0 : i32
      %dma_wait3A_36 = tpu.memref_slice %arg6[%arg0, %add3A_21, %dma_wait3A_35] : memref<2x10240x128xf32, #tpu.memory_space<hbm>> -> memref<1x128x128xf32, #tpu.memory_space<hbm>>
      %dma_wait3A_37 = tpu.memref_squeeze %dma_wait3A_36 : memref<1x128x128xf32, #tpu.memory_space<hbm>> -> memref<128x128xf32, #tpu.memory_space<hbm>>
      tpu.wait_dma2 semaphore(%run_scoped3A : memref<!tpu.dma_semaphore, #tpu.memory_space<semaphore_mem>>) src(%arg9 : memref<128x128xf32, #tpu.memory_space<vmem>>) dst(%dma_wait3A_37 : memref<128x128xf32, #tpu.memory_space<hbm>>)
      tpu.yield
    }) : () -> ()
    %add3A_22 = arith.constant 256 : i32
    %add3A_23 = arith.addi %mul3A_2, %add3A_22 : i32
    "tpu.region"() ({
      %run_scoped3A = tpu.sem_alloc : memref<!tpu.dma_semaphore, #tpu.memory_space<semaphore_mem>>
      %dma_start3A = arith.constant 0 : i32
      %dma_start3A_28 = tpu.memref_slice %arg11[%add3A_23, %dma_start3A] : memref<10240x128xf32, #tpu.memory_space<vmem_shared>> -> memref<128x128xf32, #tpu.memory_space<vmem_shared>>
      %dma_start3A_29 = arith.constant 0 : i32
      %dma_start3A_30 = tpu.memref_slice %arg11[%add3A_23, %dma_start3A_29] : memref<10240x128xf32, #tpu.memory_space<vmem_shared>> -> memref<128x128xf32, #tpu.memory_space<vmem_shared>>
      tpu.enqueue_dma source(%dma_start3A_30 : memref<128x128xf32, #tpu.memory_space<vmem_shared>>) target(%arg9 : memref<128x128xf32, #tpu.memory_space<vmem>>) target_semaphore(%run_scoped3A : memref<!tpu.dma_semaphore, #tpu.memory_space<semaphore_mem>>)
      %dma_wait3A = arith.constant 0 : i32
      %dma_wait3A_31 = tpu.memref_slice %arg11[%add3A_23, %dma_wait3A] : memref<10240x128xf32, #tpu.memory_space<vmem_shared>> -> memref<128x128xf32, #tpu.memory_space<vmem_shared>>
      %dma_wait3A_32 = arith.constant 0 : i32
      %dma_wait3A_33 = tpu.memref_slice %arg11[%add3A_23, %dma_wait3A_32] : memref<10240x128xf32, #tpu.memory_space<vmem_shared>> -> memref<128x128xf32, #tpu.memory_space<vmem_shared>>
      tpu.wait_dma2 semaphore(%run_scoped3A : memref<!tpu.dma_semaphore, #tpu.memory_space<semaphore_mem>>) src(%dma_wait3A_33 : memref<128x128xf32, #tpu.memory_space<vmem_shared>>) dst(%arg9 : memref<128x128xf32, #tpu.memory_space<vmem>>)
      tpu.yield
    }) : () -> ()
    "tpu.region"() ({
      %run_scoped3A = tpu.sem_alloc : memref<!tpu.dma_semaphore, #tpu.memory_space<semaphore_mem>>
      %dma_start3A = arith.constant 0 : i32
      %dma_start3A_28 = tpu.memref_slice %arg6[%arg0, %add3A_23, %dma_start3A] : memref<2x10240x128xf32, #tpu.memory_space<hbm>> -> memref<1x128x128xf32, #tpu.memory_space<hbm>>
      %dma_start3A_29 = tpu.memref_squeeze %dma_start3A_28 : memref<1x128x128xf32, #tpu.memory_space<hbm>> -> memref<128x128xf32, #tpu.memory_space<hbm>>
      %dma_start3A_30 = arith.constant 0 : i32
      %dma_start3A_31 = tpu.memref_slice %arg6[%arg0, %add3A_23, %dma_start3A_30] : memref<2x10240x128xf32, #tpu.memory_space<hbm>> -> memref<1x128x128xf32, #tpu.memory_space<hbm>>
      %dma_start3A_32 = tpu.memref_squeeze %dma_start3A_31 : memref<1x128x128xf32, #tpu.memory_space<hbm>> -> memref<128x128xf32, #tpu.memory_space<hbm>>
      tpu.enqueue_dma source(%arg9 : memref<128x128xf32, #tpu.memory_space<vmem>>) target(%dma_start3A_32 : memref<128x128xf32, #tpu.memory_space<hbm>>) target_semaphore(%run_scoped3A : memref<!tpu.dma_semaphore, #tpu.memory_space<semaphore_mem>>)
      %dma_wait3A = arith.constant 0 : i32
      %dma_wait3A_33 = tpu.memref_slice %arg6[%arg0, %add3A_23, %dma_wait3A] : memref<2x10240x128xf32, #tpu.memory_space<hbm>> -> memref<1x128x128xf32, #tpu.memory_space<hbm>>
      %dma_wait3A_34 = tpu.memref_squeeze %dma_wait3A_33 : memref<1x128x128xf32, #tpu.memory_space<hbm>> -> memref<128x128xf32, #tpu.memory_space<hbm>>
      %dma_wait3A_35 = arith.constant 0 : i32
      %dma_wait3A_36 = tpu.memref_slice %arg6[%arg0, %add3A_23, %dma_wait3A_35] : memref<2x10240x128xf32, #tpu.memory_space<hbm>> -> memref<1x128x128xf32, #tpu.memory_space<hbm>>
      %dma_wait3A_37 = tpu.memref_squeeze %dma_wait3A_36 : memref<1x128x128xf32, #tpu.memory_space<hbm>> -> memref<128x128xf32, #tpu.memory_space<hbm>>
      tpu.wait_dma2 semaphore(%run_scoped3A : memref<!tpu.dma_semaphore, #tpu.memory_space<semaphore_mem>>) src(%arg9 : memref<128x128xf32, #tpu.memory_space<vmem>>) dst(%dma_wait3A_37 : memref<128x128xf32, #tpu.memory_space<hbm>>)
      tpu.yield
    }) : () -> ()
    %add3A_24 = arith.constant 384 : i32
    %add3A_25 = arith.addi %mul3A_2, %add3A_24 : i32
    "tpu.region"() ({
      %run_scoped3A = tpu.sem_alloc : memref<!tpu.dma_semaphore, #tpu.memory_space<semaphore_mem>>
      %dma_start3A = arith.constant 0 : i32
      %dma_start3A_28 = tpu.memref_slice %arg11[%add3A_25, %dma_start3A] : memref<10240x128xf32, #tpu.memory_space<vmem_shared>> -> memref<128x128xf32, #tpu.memory_space<vmem_shared>>
      %dma_start3A_29 = arith.constant 0 : i32
      %dma_start3A_30 = tpu.memref_slice %arg11[%add3A_25, %dma_start3A_29] : memref<10240x128xf32, #tpu.memory_space<vmem_shared>> -> memref<128x128xf32, #tpu.memory_space<vmem_shared>>
      tpu.enqueue_dma source(%dma_start3A_30 : memref<128x128xf32, #tpu.memory_space<vmem_shared>>) target(%arg9 : memref<128x128xf32, #tpu.memory_space<vmem>>) target_semaphore(%run_scoped3A : memref<!tpu.dma_semaphore, #tpu.memory_space<semaphore_mem>>)
      %dma_wait3A = arith.constant 0 : i32
      %dma_wait3A_31 = tpu.memref_slice %arg11[%add3A_25, %dma_wait3A] : memref<10240x128xf32, #tpu.memory_space<vmem_shared>> -> memref<128x128xf32, #tpu.memory_space<vmem_shared>>
      %dma_wait3A_32 = arith.constant 0 : i32
      %dma_wait3A_33 = tpu.memref_slice %arg11[%add3A_25, %dma_wait3A_32] : memref<10240x128xf32, #tpu.memory_space<vmem_shared>> -> memref<128x128xf32, #tpu.memory_space<vmem_shared>>
      tpu.wait_dma2 semaphore(%run_scoped3A : memref<!tpu.dma_semaphore, #tpu.memory_space<semaphore_mem>>) src(%dma_wait3A_33 : memref<128x128xf32, #tpu.memory_space<vmem_shared>>) dst(%arg9 : memref<128x128xf32, #tpu.memory_space<vmem>>)
      tpu.yield
    }) : () -> ()
    "tpu.region"() ({
      %run_scoped3A = tpu.sem_alloc : memref<!tpu.dma_semaphore, #tpu.memory_space<semaphore_mem>>
      %dma_start3A = arith.constant 0 : i32
      %dma_start3A_28 = tpu.memref_slice %arg6[%arg0, %add3A_25, %dma_start3A] : memref<2x10240x128xf32, #tpu.memory_space<hbm>> -> memref<1x128x128xf32, #tpu.memory_space<hbm>>
      %dma_start3A_29 = tpu.memref_squeeze %dma_start3A_28 : memref<1x128x128xf32, #tpu.memory_space<hbm>> -> memref<128x128xf32, #tpu.memory_space<hbm>>
      %dma_start3A_30 = arith.constant 0 : i32
      %dma_start3A_31 = tpu.memref_slice %arg6[%arg0, %add3A_25, %dma_start3A_30] : memref<2x10240x128xf32, #tpu.memory_space<hbm>> -> memref<1x128x128xf32, #tpu.memory_space<hbm>>
      %dma_start3A_32 = tpu.memref_squeeze %dma_start3A_31 : memref<1x128x128xf32, #tpu.memory_space<hbm>> -> memref<128x128xf32, #tpu.memory_space<hbm>>
      tpu.enqueue_dma source(%arg9 : memref<128x128xf32, #tpu.memory_space<vmem>>) target(%dma_start3A_32 : memref<128x128xf32, #tpu.memory_space<hbm>>) target_semaphore(%run_scoped3A : memref<!tpu.dma_semaphore, #tpu.memory_space<semaphore_mem>>)
      %dma_wait3A = arith.constant 0 : i32
      %dma_wait3A_33 = tpu.memref_slice %arg6[%arg0, %add3A_25, %dma_wait3A] : memref<2x10240x128xf32, #tpu.memory_space<hbm>> -> memref<1x128x128xf32, #tpu.memory_space<hbm>>
      %dma_wait3A_34 = tpu.memref_squeeze %dma_wait3A_33 : memref<1x128x128xf32, #tpu.memory_space<hbm>> -> memref<128x128xf32, #tpu.memory_space<hbm>>
      %dma_wait3A_35 = arith.constant 0 : i32
      %dma_wait3A_36 = tpu.memref_slice %arg6[%arg0, %add3A_25, %dma_wait3A_35] : memref<2x10240x128xf32, #tpu.memory_space<hbm>> -> memref<1x128x128xf32, #tpu.memory_space<hbm>>
      %dma_wait3A_37 = tpu.memref_squeeze %dma_wait3A_36 : memref<1x128x128xf32, #tpu.memory_space<hbm>> -> memref<128x128xf32, #tpu.memory_space<hbm>>
      tpu.wait_dma2 semaphore(%run_scoped3A : memref<!tpu.dma_semaphore, #tpu.memory_space<semaphore_mem>>) src(%arg9 : memref<128x128xf32, #tpu.memory_space<vmem>>) dst(%dma_wait3A_37 : memref<128x128xf32, #tpu.memory_space<hbm>>)
      tpu.yield
    }) : () -> ()
    %add3A_26 = arith.constant 512 : i32
    %add3A_27 = arith.addi %mul3A_2, %add3A_26 : i32
    "tpu.region"() ({
      %run_scoped3A = tpu.sem_alloc : memref<!tpu.dma_semaphore, #tpu.memory_space<semaphore_mem>>
      %dma_start3A = arith.constant 0 : i32
      %dma_start3A_28 = tpu.memref_slice %arg11[%add3A_27, %dma_start3A] : memref<10240x128xf32, #tpu.memory_space<vmem_shared>> -> memref<128x128xf32, #tpu.memory_space<vmem_shared>>
      %dma_start3A_29 = arith.constant 0 : i32
      %dma_start3A_30 = tpu.memref_slice %arg11[%add3A_27, %dma_start3A_29] : memref<10240x128xf32, #tpu.memory_space<vmem_shared>> -> memref<128x128xf32, #tpu.memory_space<vmem_shared>>
      tpu.enqueue_dma source(%dma_start3A_30 : memref<128x128xf32, #tpu.memory_space<vmem_shared>>) target(%arg9 : memref<128x128xf32, #tpu.memory_space<vmem>>) target_semaphore(%run_scoped3A : memref<!tpu.dma_semaphore, #tpu.memory_space<semaphore_mem>>)
      %dma_wait3A = arith.constant 0 : i32
      %dma_wait3A_31 = tpu.memref_slice %arg11[%add3A_27, %dma_wait3A] : memref<10240x128xf32, #tpu.memory_space<vmem_shared>> -> memref<128x128xf32, #tpu.memory_space<vmem_shared>>
      %dma_wait3A_32 = arith.constant 0 : i32
      %dma_wait3A_33 = tpu.memref_slice %arg11[%add3A_27, %dma_wait3A_32] : memref<10240x128xf32, #tpu.memory_space<vmem_shared>> -> memref<128x128xf32, #tpu.memory_space<vmem_shared>>
      tpu.wait_dma2 semaphore(%run_scoped3A : memref<!tpu.dma_semaphore, #tpu.memory_space<semaphore_mem>>) src(%dma_wait3A_33 : memref<128x128xf32, #tpu.memory_space<vmem_shared>>) dst(%arg9 : memref<128x128xf32, #tpu.memory_space<vmem>>)
      tpu.yield
    }) : () -> ()
    "tpu.region"() ({
      %run_scoped3A = tpu.sem_alloc : memref<!tpu.dma_semaphore, #tpu.memory_space<semaphore_mem>>
      %dma_start3A = arith.constant 0 : i32
      %dma_start3A_28 = tpu.memref_slice %arg6[%arg0, %add3A_27, %dma_start3A] : memref<2x10240x128xf32, #tpu.memory_space<hbm>> -> memref<1x128x128xf32, #tpu.memory_space<hbm>>
      %dma_start3A_29 = tpu.memref_squeeze %dma_start3A_28 : memref<1x128x128xf32, #tpu.memory_space<hbm>> -> memref<128x128xf32, #tpu.memory_space<hbm>>
      %dma_start3A_30 = arith.constant 0 : i32
      %dma_start3A_31 = tpu.memref_slice %arg6[%arg0, %add3A_27, %dma_start3A_30] : memref<2x10240x128xf32, #tpu.memory_space<hbm>> -> memref<1x128x128xf32, #tpu.memory_space<hbm>>
      %dma_start3A_32 = tpu.memref_squeeze %dma_start3A_31 : memref<1x128x128xf32, #tpu.memory_space<hbm>> -> memref<128x128xf32, #tpu.memory_space<hbm>>
      tpu.enqueue_dma source(%arg9 : memref<128x128xf32, #tpu.memory_space<vmem>>) target(%dma_start3A_32 : memref<128x128xf32, #tpu.memory_space<hbm>>) target_semaphore(%run_scoped3A : memref<!tpu.dma_semaphore, #tpu.memory_space<semaphore_mem>>)
      %dma_wait3A = arith.constant 0 : i32
      %dma_wait3A_33 = tpu.memref_slice %arg6[%arg0, %add3A_27, %dma_wait3A] : memref<2x10240x128xf32, #tpu.memory_space<hbm>> -> memref<1x128x128xf32, #tpu.memory_space<hbm>>
      %dma_wait3A_34 = tpu.memref_squeeze %dma_wait3A_33 : memref<1x128x128xf32, #tpu.memory_space<hbm>> -> memref<128x128xf32, #tpu.memory_space<hbm>>
      %dma_wait3A_35 = arith.constant 0 : i32
      %dma_wait3A_36 = tpu.memref_slice %arg6[%arg0, %add3A_27, %dma_wait3A_35] : memref<2x10240x128xf32, #tpu.memory_space<hbm>> -> memref<1x128x128xf32, #tpu.memory_space<hbm>>
      %dma_wait3A_37 = tpu.memref_squeeze %dma_wait3A_36 : memref<1x128x128xf32, #tpu.memory_space<hbm>> -> memref<128x128xf32, #tpu.memory_space<hbm>>
      tpu.wait_dma2 semaphore(%run_scoped3A : memref<!tpu.dma_semaphore, #tpu.memory_space<semaphore_mem>>) src(%arg9 : memref<128x128xf32, #tpu.memory_space<vmem>>) dst(%dma_wait3A_37 : memref<128x128xf32, #tpu.memory_space<hbm>>)
      tpu.yield
    }) : () -> ()
    return
  }
}

#map = affine_map<(d0, d1) -> (0, 0, 0)>
#map1 = affine_map<(d0, d1) -> (0, 0)>
module attributes {stable_mosaic.version = 14 : i64} {
  func.func @body(%arg0: i32, %arg1: i32, %arg2: memref<2x10000x128xf32, #tpu.memory_space<hbm>>, %arg3: memref<32x80x128xi32, #tpu.memory_space<hbm>>, %arg4: memref<32x80x128xi32, #tpu.memory_space<hbm>>, %arg5: memref<10240x128xf32, #tpu.memory_space<hbm>>, %arg6: memref<2x10240x128xf32, #tpu.memory_space<hbm>>, %arg7: memref<8x128xi32, #tpu.memory_space<vmem>>, %arg8: memref<8x128xi32, #tpu.memory_space<vmem>>, %arg9: memref<128x128xf32, #tpu.memory_space<vmem>>, %arg10: memref<128x128xf32, #tpu.memory_space<vmem>>, %arg11: memref<10240x128xf32, #tpu.memory_space<vmem_shared>>, %arg12: memref<!tpu.dma_semaphore, #tpu.memory_space<semaphore_mem>>, %arg13: memref<!tpu.dma_semaphore, #tpu.memory_space<semaphore_mem>>) attributes {dimension_semantics = [#tpu.dimension_semantics<core_parallel>, #tpu.dimension_semantics<subcore_parallel>], iteration_bounds = array<i64: 2, 16>, scalar_prefetch = 0 : i64, scratch_operands = 7 : i64, tpu.core_type = #tpu.core_type<sc_vector_subcore>, window_params = [{transform_indices = #map}, {transform_indices = #map}, {transform_indices = #map}, {transform_indices = #map1}, {transform_indices = #map}]} {
    %mul3A = arith.constant 2 : i32
    %mul3A_0 = arith.muli %arg1, %mul3A : i32
    %add3A = arith.addi %mul3A_0, %arg0 : i32
    %mul3A_1 = arith.constant 640 : i32
    %mul3A_2 = arith.muli %arg1, %mul3A_1 : i32
    "tpu.region"() ({
      %run_scoped3A = tpu.sem_alloc : memref<!tpu.dma_semaphore, #tpu.memory_space<semaphore_mem>>
      %dma_start3A = arith.constant 0 : i32
      %dma_start3A_28 = arith.constant 0 : i32
      %dma_start3A_29 = tpu.memref_slice %arg5[%dma_start3A, %dma_start3A_28] : memref<10240x128xf32, #tpu.memory_space<hbm>> -> memref<128x128xf32, #tpu.memory_space<hbm>>
      %dma_start3A_30 = arith.constant 0 : i32
      %dma_start3A_31 = arith.constant 0 : i32
      %dma_start3A_32 = tpu.memref_slice %arg5[%dma_start3A_30, %dma_start3A_31] : memref<10240x128xf32, #tpu.memory_space<hbm>> -> memref<128x128xf32, #tpu.memory_space<hbm>>
      tpu.enqueue_dma source(%dma_start3A_32 : memref<128x128xf32, #tpu.memory_space<hbm>>) target(%arg9 : memref<128x128xf32, #tpu.memory_space<vmem>>) target_semaphore(%run_scoped3A : memref<!tpu.dma_semaphore, #tpu.memory_space<semaphore_mem>>)
      %dma_wait3A = arith.constant 0 : i32
      %dma_wait3A_33 = arith.constant 0 : i32
      %dma_wait3A_34 = tpu.memref_slice %arg5[%dma_wait3A, %dma_wait3A_33] : memref<10240x128xf32, #tpu.memory_space<hbm>> -> memref<128x128xf32, #tpu.memory_space<hbm>>
      %dma_wait3A_35 = arith.constant 0 : i32
      %dma_wait3A_36 = arith.constant 0 : i32
      %dma_wait3A_37 = tpu.memref_slice %arg5[%dma_wait3A_35, %dma_wait3A_36] : memref<10240x128xf32, #tpu.memory_space<hbm>> -> memref<128x128xf32, #tpu.memory_space<hbm>>
      tpu.wait_dma2 semaphore(%run_scoped3A : memref<!tpu.dma_semaphore, #tpu.memory_space<semaphore_mem>>) src(%dma_wait3A_37 : memref<128x128xf32, #tpu.memory_space<hbm>>) dst(%arg9 : memref<128x128xf32, #tpu.memory_space<vmem>>)
      tpu.yield
    }) : () -> ()
    %add3A_3 = arith.constant 0 : i32
    %add3A_4 = arith.addi %mul3A_2, %add3A_3 : i32
    "tpu.region"() ({
      %run_scoped3A = tpu.sem_alloc : memref<!tpu.dma_semaphore, #tpu.memory_space<semaphore_mem>>
      %dma_start3A = arith.constant 0 : i32
      %dma_start3A_28 = tpu.memref_slice %arg11[%add3A_4, %dma_start3A] : memref<10240x128xf32, #tpu.memory_space<vmem_shared>> -> memref<128x128xf32, #tpu.memory_space<vmem_shared>>
      %dma_start3A_29 = arith.constant 0 : i32
      %dma_start3A_30 = tpu.memref_slice %arg11[%add3A_4, %dma_start3A_29] : memref<10240x128xf32, #tpu.memory_space<vmem_shared>> -> memref<128x128xf32, #tpu.memory_space<vmem_shared>>
      tpu.enqueue_dma source(%arg9 : memref<128x128xf32, #tpu.memory_space<vmem>>) target(%dma_start3A_30 : memref<128x128xf32, #tpu.memory_space<vmem_shared>>) target_semaphore(%run_scoped3A : memref<!tpu.dma_semaphore, #tpu.memory_space<semaphore_mem>>)
      %dma_wait3A = arith.constant 0 : i32
      %dma_wait3A_31 = tpu.memref_slice %arg11[%add3A_4, %dma_wait3A] : memref<10240x128xf32, #tpu.memory_space<vmem_shared>> -> memref<128x128xf32, #tpu.memory_space<vmem_shared>>
      %dma_wait3A_32 = arith.constant 0 : i32
      %dma_wait3A_33 = tpu.memref_slice %arg11[%add3A_4, %dma_wait3A_32] : memref<10240x128xf32, #tpu.memory_space<vmem_shared>> -> memref<128x128xf32, #tpu.memory_space<vmem_shared>>
      tpu.wait_dma2 semaphore(%run_scoped3A : memref<!tpu.dma_semaphore, #tpu.memory_space<semaphore_mem>>) src(%arg9 : memref<128x128xf32, #tpu.memory_space<vmem>>) dst(%dma_wait3A_33 : memref<128x128xf32, #tpu.memory_space<vmem_shared>>)
      tpu.yield
    }) : () -> ()
    %add3A_5 = arith.constant 128 : i32
    %add3A_6 = arith.addi %mul3A_2, %add3A_5 : i32
    "tpu.region"() ({
      %run_scoped3A = tpu.sem_alloc : memref<!tpu.dma_semaphore, #tpu.memory_space<semaphore_mem>>
      %dma_start3A = arith.constant 0 : i32
      %dma_start3A_28 = tpu.memref_slice %arg11[%add3A_6, %dma_start3A] : memref<10240x128xf32, #tpu.memory_space<vmem_shared>> -> memref<128x128xf32, #tpu.memory_space<vmem_shared>>
      %dma_start3A_29 = arith.constant 0 : i32
      %dma_start3A_30 = tpu.memref_slice %arg11[%add3A_6, %dma_start3A_29] : memref<10240x128xf32, #tpu.memory_space<vmem_shared>> -> memref<128x128xf32, #tpu.memory_space<vmem_shared>>
      tpu.enqueue_dma source(%arg9 : memref<128x128xf32, #tpu.memory_space<vmem>>) target(%dma_start3A_30 : memref<128x128xf32, #tpu.memory_space<vmem_shared>>) target_semaphore(%run_scoped3A : memref<!tpu.dma_semaphore, #tpu.memory_space<semaphore_mem>>)
      %dma_wait3A = arith.constant 0 : i32
      %dma_wait3A_31 = tpu.memref_slice %arg11[%add3A_6, %dma_wait3A] : memref<10240x128xf32, #tpu.memory_space<vmem_shared>> -> memref<128x128xf32, #tpu.memory_space<vmem_shared>>
      %dma_wait3A_32 = arith.constant 0 : i32
      %dma_wait3A_33 = tpu.memref_slice %arg11[%add3A_6, %dma_wait3A_32] : memref<10240x128xf32, #tpu.memory_space<vmem_shared>> -> memref<128x128xf32, #tpu.memory_space<vmem_shared>>
      tpu.wait_dma2 semaphore(%run_scoped3A : memref<!tpu.dma_semaphore, #tpu.memory_space<semaphore_mem>>) src(%arg9 : memref<128x128xf32, #tpu.memory_space<vmem>>) dst(%dma_wait3A_33 : memref<128x128xf32, #tpu.memory_space<vmem_shared>>)
      tpu.yield
    }) : () -> ()
    %add3A_7 = arith.constant 256 : i32
    %add3A_8 = arith.addi %mul3A_2, %add3A_7 : i32
    "tpu.region"() ({
      %run_scoped3A = tpu.sem_alloc : memref<!tpu.dma_semaphore, #tpu.memory_space<semaphore_mem>>
      %dma_start3A = arith.constant 0 : i32
      %dma_start3A_28 = tpu.memref_slice %arg11[%add3A_8, %dma_start3A] : memref<10240x128xf32, #tpu.memory_space<vmem_shared>> -> memref<128x128xf32, #tpu.memory_space<vmem_shared>>
      %dma_start3A_29 = arith.constant 0 : i32
      %dma_start3A_30 = tpu.memref_slice %arg11[%add3A_8, %dma_start3A_29] : memref<10240x128xf32, #tpu.memory_space<vmem_shared>> -> memref<128x128xf32, #tpu.memory_space<vmem_shared>>
      tpu.enqueue_dma source(%arg9 : memref<128x128xf32, #tpu.memory_space<vmem>>) target(%dma_start3A_30 : memref<128x128xf32, #tpu.memory_space<vmem_shared>>) target_semaphore(%run_scoped3A : memref<!tpu.dma_semaphore, #tpu.memory_space<semaphore_mem>>)
      %dma_wait3A = arith.constant 0 : i32
      %dma_wait3A_31 = tpu.memref_slice %arg11[%add3A_8, %dma_wait3A] : memref<10240x128xf32, #tpu.memory_space<vmem_shared>> -> memref<128x128xf32, #tpu.memory_space<vmem_shared>>
      %dma_wait3A_32 = arith.constant 0 : i32
      %dma_wait3A_33 = tpu.memref_slice %arg11[%add3A_8, %dma_wait3A_32] : memref<10240x128xf32, #tpu.memory_space<vmem_shared>> -> memref<128x128xf32, #tpu.memory_space<vmem_shared>>
      tpu.wait_dma2 semaphore(%run_scoped3A : memref<!tpu.dma_semaphore, #tpu.memory_space<semaphore_mem>>) src(%arg9 : memref<128x128xf32, #tpu.memory_space<vmem>>) dst(%dma_wait3A_33 : memref<128x128xf32, #tpu.memory_space<vmem_shared>>)
      tpu.yield
    }) : () -> ()
    %add3A_9 = arith.constant 384 : i32
    %add3A_10 = arith.addi %mul3A_2, %add3A_9 : i32
    "tpu.region"() ({
      %run_scoped3A = tpu.sem_alloc : memref<!tpu.dma_semaphore, #tpu.memory_space<semaphore_mem>>
      %dma_start3A = arith.constant 0 : i32
      %dma_start3A_28 = tpu.memref_slice %arg11[%add3A_10, %dma_start3A] : memref<10240x128xf32, #tpu.memory_space<vmem_shared>> -> memref<128x128xf32, #tpu.memory_space<vmem_shared>>
      %dma_start3A_29 = arith.constant 0 : i32
      %dma_start3A_30 = tpu.memref_slice %arg11[%add3A_10, %dma_start3A_29] : memref<10240x128xf32, #tpu.memory_space<vmem_shared>> -> memref<128x128xf32, #tpu.memory_space<vmem_shared>>
      tpu.enqueue_dma source(%arg9 : memref<128x128xf32, #tpu.memory_space<vmem>>) target(%dma_start3A_30 : memref<128x128xf32, #tpu.memory_space<vmem_shared>>) target_semaphore(%run_scoped3A : memref<!tpu.dma_semaphore, #tpu.memory_space<semaphore_mem>>)
      %dma_wait3A = arith.constant 0 : i32
      %dma_wait3A_31 = tpu.memref_slice %arg11[%add3A_10, %dma_wait3A] : memref<10240x128xf32, #tpu.memory_space<vmem_shared>> -> memref<128x128xf32, #tpu.memory_space<vmem_shared>>
      %dma_wait3A_32 = arith.constant 0 : i32
      %dma_wait3A_33 = tpu.memref_slice %arg11[%add3A_10, %dma_wait3A_32] : memref<10240x128xf32, #tpu.memory_space<vmem_shared>> -> memref<128x128xf32, #tpu.memory_space<vmem_shared>>
      tpu.wait_dma2 semaphore(%run_scoped3A : memref<!tpu.dma_semaphore, #tpu.memory_space<semaphore_mem>>) src(%arg9 : memref<128x128xf32, #tpu.memory_space<vmem>>) dst(%dma_wait3A_33 : memref<128x128xf32, #tpu.memory_space<vmem_shared>>)
      tpu.yield
    }) : () -> ()
    %add3A_11 = arith.constant 512 : i32
    %add3A_12 = arith.addi %mul3A_2, %add3A_11 : i32
    "tpu.region"() ({
      %run_scoped3A = tpu.sem_alloc : memref<!tpu.dma_semaphore, #tpu.memory_space<semaphore_mem>>
      %dma_start3A = arith.constant 0 : i32
      %dma_start3A_28 = tpu.memref_slice %arg11[%add3A_12, %dma_start3A] : memref<10240x128xf32, #tpu.memory_space<vmem_shared>> -> memref<128x128xf32, #tpu.memory_space<vmem_shared>>
      %dma_start3A_29 = arith.constant 0 : i32
      %dma_start3A_30 = tpu.memref_slice %arg11[%add3A_12, %dma_start3A_29] : memref<10240x128xf32, #tpu.memory_space<vmem_shared>> -> memref<128x128xf32, #tpu.memory_space<vmem_shared>>
      tpu.enqueue_dma source(%arg9 : memref<128x128xf32, #tpu.memory_space<vmem>>) target(%dma_start3A_30 : memref<128x128xf32, #tpu.memory_space<vmem_shared>>) target_semaphore(%run_scoped3A : memref<!tpu.dma_semaphore, #tpu.memory_space<semaphore_mem>>)
      %dma_wait3A = arith.constant 0 : i32
      %dma_wait3A_31 = tpu.memref_slice %arg11[%add3A_12, %dma_wait3A] : memref<10240x128xf32, #tpu.memory_space<vmem_shared>> -> memref<128x128xf32, #tpu.memory_space<vmem_shared>>
      %dma_wait3A_32 = arith.constant 0 : i32
      %dma_wait3A_33 = tpu.memref_slice %arg11[%add3A_12, %dma_wait3A_32] : memref<10240x128xf32, #tpu.memory_space<vmem_shared>> -> memref<128x128xf32, #tpu.memory_space<vmem_shared>>
      tpu.wait_dma2 semaphore(%run_scoped3A : memref<!tpu.dma_semaphore, #tpu.memory_space<semaphore_mem>>) src(%arg9 : memref<128x128xf32, #tpu.memory_space<vmem>>) dst(%dma_wait3A_33 : memref<128x128xf32, #tpu.memory_space<vmem_shared>>)
      tpu.yield
    }) : () -> ()
    %barrier3A = arith.constant 0 : index
    tpu.barrier barrier_id(%barrier3A)
    %scan3A = arith.constant 0 : i32
    %scan3A_13 = arith.constant 10 : i32
    %scan3A_14 = arith.addi %scan3A, %scan3A_13 : i32
    %scan3A_15 = arith.constant 1 : i32
    scf.for %scan3A_28 = %scan3A to %scan3A_14 step %scan3A_15  : i32 {
      %mul3A_29 = arith.constant 1 : i32
      %mul3A_30 = arith.muli %scan3A_28, %mul3A_29 : i32
      %add3A_31 = arith.constant 0 : i32
      %add3A_32 = arith.addi %add3A_31, %mul3A_30 : i32
      %mul3A_33 = arith.constant 8 : i32
      %mul3A_34 = arith.muli %add3A_32, %mul3A_33 : i32
      %multiple_of3A = tpu.assume_multiple %mul3A_34, 8 : i32
      "tpu.region"() ({
        %run_scoped3A_216 = tpu.sem_alloc : memref<!tpu.dma_semaphore, #tpu.memory_space<semaphore_mem>>
        %dma_start3A_217 = arith.constant 0 : i32
        %dma_start3A_218 = tpu.memref_slice %arg3[%add3A, %multiple_of3A, %dma_start3A_217] : memref<32x80x128xi32, #tpu.memory_space<hbm>> -> memref<1x8x128xi32, #tpu.memory_space<hbm>>
        %dma_start3A_219 = tpu.memref_squeeze %dma_start3A_218 : memref<1x8x128xi32, #tpu.memory_space<hbm>> -> memref<8x128xi32, #tpu.memory_space<hbm>>
        %dma_start3A_220 = arith.constant 0 : i32
        %dma_start3A_221 = tpu.memref_slice %arg3[%add3A, %multiple_of3A, %dma_start3A_220] : memref<32x80x128xi32, #tpu.memory_space<hbm>> -> memref<1x8x128xi32, #tpu.memory_space<hbm>>
        %dma_start3A_222 = tpu.memref_squeeze %dma_start3A_221 : memref<1x8x128xi32, #tpu.memory_space<hbm>> -> memref<8x128xi32, #tpu.memory_space<hbm>>
        tpu.enqueue_dma source(%dma_start3A_222 : memref<8x128xi32, #tpu.memory_space<hbm>>) target(%arg7 : memref<8x128xi32, #tpu.memory_space<vmem>>) target_semaphore(%run_scoped3A_216 : memref<!tpu.dma_semaphore, #tpu.memory_space<semaphore_mem>>)
        %dma_wait3A_223 = arith.constant 0 : i32
        %dma_wait3A_224 = tpu.memref_slice %arg3[%add3A, %multiple_of3A, %dma_wait3A_223] : memref<32x80x128xi32, #tpu.memory_space<hbm>> -> memref<1x8x128xi32, #tpu.memory_space<hbm>>
        %dma_wait3A_225 = tpu.memref_squeeze %dma_wait3A_224 : memref<1x8x128xi32, #tpu.memory_space<hbm>> -> memref<8x128xi32, #tpu.memory_space<hbm>>
        %dma_wait3A_226 = arith.constant 0 : i32
        %dma_wait3A_227 = tpu.memref_slice %arg3[%add3A, %multiple_of3A, %dma_wait3A_226] : memref<32x80x128xi32, #tpu.memory_space<hbm>> -> memref<1x8x128xi32, #tpu.memory_space<hbm>>
        %dma_wait3A_228 = tpu.memref_squeeze %dma_wait3A_227 : memref<1x8x128xi32, #tpu.memory_space<hbm>> -> memref<8x128xi32, #tpu.memory_space<hbm>>
        tpu.wait_dma2 semaphore(%run_scoped3A_216 : memref<!tpu.dma_semaphore, #tpu.memory_space<semaphore_mem>>) src(%dma_wait3A_228 : memref<8x128xi32, #tpu.memory_space<hbm>>) dst(%arg7 : memref<8x128xi32, #tpu.memory_space<vmem>>)
        tpu.yield
      }) : () -> ()
      "tpu.region"() ({
        %run_scoped3A_216 = tpu.sem_alloc : memref<!tpu.dma_semaphore, #tpu.memory_space<semaphore_mem>>
        %dma_start3A_217 = arith.constant 0 : i32
        %dma_start3A_218 = tpu.memref_slice %arg4[%add3A, %multiple_of3A, %dma_start3A_217] : memref<32x80x128xi32, #tpu.memory_space<hbm>> -> memref<1x8x128xi32, #tpu.memory_space<hbm>>
        %dma_start3A_219 = tpu.memref_squeeze %dma_start3A_218 : memref<1x8x128xi32, #tpu.memory_space<hbm>> -> memref<8x128xi32, #tpu.memory_space<hbm>>
        %dma_start3A_220 = arith.constant 0 : i32
        %dma_start3A_221 = tpu.memref_slice %arg4[%add3A, %multiple_of3A, %dma_start3A_220] : memref<32x80x128xi32, #tpu.memory_space<hbm>> -> memref<1x8x128xi32, #tpu.memory_space<hbm>>
        %dma_start3A_222 = tpu.memref_squeeze %dma_start3A_221 : memref<1x8x128xi32, #tpu.memory_space<hbm>> -> memref<8x128xi32, #tpu.memory_space<hbm>>
        tpu.enqueue_dma source(%dma_start3A_222 : memref<8x128xi32, #tpu.memory_space<hbm>>) target(%arg8 : memref<8x128xi32, #tpu.memory_space<vmem>>) target_semaphore(%run_scoped3A_216 : memref<!tpu.dma_semaphore, #tpu.memory_space<semaphore_mem>>)
        %dma_wait3A_223 = arith.constant 0 : i32
        %dma_wait3A_224 = tpu.memref_slice %arg4[%add3A, %multiple_of3A, %dma_wait3A_223] : memref<32x80x128xi32, #tpu.memory_space<hbm>> -> memref<1x8x128xi32, #tpu.memory_space<hbm>>
        %dma_wait3A_225 = tpu.memref_squeeze %dma_wait3A_224 : memref<1x8x128xi32, #tpu.memory_space<hbm>> -> memref<8x128xi32, #tpu.memory_space<hbm>>
        %dma_wait3A_226 = arith.constant 0 : i32
        %dma_wait3A_227 = tpu.memref_slice %arg4[%add3A, %multiple_of3A, %dma_wait3A_226] : memref<32x80x128xi32, #tpu.memory_space<hbm>> -> memref<1x8x128xi32, #tpu.memory_space<hbm>>
        %dma_wait3A_228 = tpu.memref_squeeze %dma_wait3A_227 : memref<1x8x128xi32, #tpu.memory_space<hbm>> -> memref<8x128xi32, #tpu.memory_space<hbm>>
        tpu.wait_dma2 semaphore(%run_scoped3A_216 : memref<!tpu.dma_semaphore, #tpu.memory_space<semaphore_mem>>) src(%dma_wait3A_228 : memref<8x128xi32, #tpu.memory_space<hbm>>) dst(%arg8 : memref<8x128xi32, #tpu.memory_space<vmem>>)
        tpu.yield
      }) : () -> ()
      %dma_start3A = arith.constant 0 : i32
      %dma_start3A_35 = arith.constant 0 : i32
      %dma_start3A_36 = tpu.memref_slice %arg7[%dma_start3A, %dma_start3A_35] : memref<8x128xi32, #tpu.memory_space<vmem>> -> memref<1x128xi32, #tpu.memory_space<vmem>>
      %dma_start3A_37 = tpu.memref_squeeze %dma_start3A_36 : memref<1x128xi32, #tpu.memory_space<vmem>> -> memref<128xi32, #tpu.memory_space<vmem>>
      %dma_start3A_38 = arith.constant 0 : i32
      %dma_start3A_39 = arith.constant 0 : i32
      %dma_start3A_40 = tpu.memref_slice %arg2[%arg0, %dma_start3A_38, %dma_start3A_39] : memref<2x10000x128xf32, #tpu.memory_space<hbm>> -> memref<1x10000x128xf32, #tpu.memory_space<hbm>>
      %dma_start3A_41 = tpu.memref_squeeze %dma_start3A_40 : memref<1x10000x128xf32, #tpu.memory_space<hbm>> -> memref<10000x128xf32, #tpu.memory_space<hbm>>
      %dma_start3A_42 = arith.constant 0 : i32
      %dma_start3A_43 = arith.constant 0 : i32
      %dma_start3A_44 = tpu.memref_slice %dma_start3A_41[%dma_start3A_42, %dma_start3A_43] : memref<10000x128xf32, #tpu.memory_space<hbm>> -> memref<10000x128xf32, #tpu.memory_space<hbm>>
      tpu.enqueue_indirect_dma source(%dma_start3A_44 : memref<10000x128xf32, #tpu.memory_space<hbm>>) target(%arg9 : memref<128x128xf32, #tpu.memory_space<vmem>>) offsets(%dma_start3A_37 : memref<128xi32, #tpu.memory_space<vmem>>) semaphore(%arg12 : memref<!tpu.dma_semaphore, #tpu.memory_space<semaphore_mem>>)
      %dma_start3A_45 = arith.constant 1 : i32
      %dma_start3A_46 = arith.constant 0 : i32
      %dma_start3A_47 = tpu.memref_slice %arg7[%dma_start3A_45, %dma_start3A_46] : memref<8x128xi32, #tpu.memory_space<vmem>> -> memref<1x128xi32, #tpu.memory_space<vmem>>
      %dma_start3A_48 = tpu.memref_squeeze %dma_start3A_47 : memref<1x128xi32, #tpu.memory_space<vmem>> -> memref<128xi32, #tpu.memory_space<vmem>>
      %dma_start3A_49 = arith.constant 0 : i32
      %dma_start3A_50 = arith.constant 0 : i32
      %dma_start3A_51 = tpu.memref_slice %arg2[%arg0, %dma_start3A_49, %dma_start3A_50] : memref<2x10000x128xf32, #tpu.memory_space<hbm>> -> memref<1x10000x128xf32, #tpu.memory_space<hbm>>
      %dma_start3A_52 = tpu.memref_squeeze %dma_start3A_51 : memref<1x10000x128xf32, #tpu.memory_space<hbm>> -> memref<10000x128xf32, #tpu.memory_space<hbm>>
      %dma_start3A_53 = arith.constant 0 : i32
      %dma_start3A_54 = arith.constant 0 : i32
      %dma_start3A_55 = tpu.memref_slice %dma_start3A_52[%dma_start3A_53, %dma_start3A_54] : memref<10000x128xf32, #tpu.memory_space<hbm>> -> memref<10000x128xf32, #tpu.memory_space<hbm>>
      tpu.enqueue_indirect_dma source(%dma_start3A_55 : memref<10000x128xf32, #tpu.memory_space<hbm>>) target(%arg10 : memref<128x128xf32, #tpu.memory_space<vmem>>) offsets(%dma_start3A_48 : memref<128xi32, #tpu.memory_space<vmem>>) semaphore(%arg13 : memref<!tpu.dma_semaphore, #tpu.memory_space<semaphore_mem>>)
      %dma_wait3A = arith.constant 0 : i32
      %dma_wait3A_56 = arith.constant 0 : i32
      %dma_wait3A_57 = tpu.memref_slice %arg7[%dma_wait3A, %dma_wait3A_56] : memref<8x128xi32, #tpu.memory_space<vmem>> -> memref<1x128xi32, #tpu.memory_space<vmem>>
      %dma_wait3A_58 = tpu.memref_squeeze %dma_wait3A_57 : memref<1x128xi32, #tpu.memory_space<vmem>> -> memref<128xi32, #tpu.memory_space<vmem>>
      %dma_wait3A_59 = arith.constant 0 : i32
      %dma_wait3A_60 = arith.constant 0 : i32
      %dma_wait3A_61 = tpu.memref_slice %arg2[%arg0, %dma_wait3A_59, %dma_wait3A_60] : memref<2x10000x128xf32, #tpu.memory_space<hbm>> -> memref<1x10000x128xf32, #tpu.memory_space<hbm>>
      %dma_wait3A_62 = tpu.memref_squeeze %dma_wait3A_61 : memref<1x10000x128xf32, #tpu.memory_space<hbm>> -> memref<10000x128xf32, #tpu.memory_space<hbm>>
      %dma_wait3A_63 = arith.constant 0 : i32
      %dma_wait3A_64 = arith.constant 0 : i32
      %dma_wait3A_65 = tpu.memref_slice %dma_wait3A_62[%dma_wait3A_63, %dma_wait3A_64] : memref<10000x128xf32, #tpu.memory_space<hbm>> -> memref<10000x128xf32, #tpu.memory_space<hbm>>
      tpu.wait_indirect_dma semaphore(%arg12 : memref<!tpu.dma_semaphore, #tpu.memory_space<semaphore_mem>>) src(%dma_wait3A_65 : memref<10000x128xf32, #tpu.memory_space<hbm>>) dst(%arg9 : memref<128x128xf32, #tpu.memory_space<vmem>>)
      %run_scoped3A = arith.constant 0 : i32
      "tpu.region"() ({
        %run_scoped3A_216 = tpu.sem_alloc : memref<!tpu.dma_semaphore, #tpu.memory_space<semaphore_mem>>
        %dma_start3A_217 = arith.constant 0 : i32
        %dma_start3A_218 = tpu.memref_slice %arg8[%run_scoped3A, %dma_start3A_217] : memref<8x128xi32, #tpu.memory_space<vmem>> -> memref<1x128xi32, #tpu.memory_space<vmem>>
        %dma_start3A_219 = tpu.memref_squeeze %dma_start3A_218 : memref<1x128xi32, #tpu.memory_space<vmem>> -> memref<128xi32, #tpu.memory_space<vmem>>
        %dma_start3A_220 = arith.constant 0 : i32
        %dma_start3A_221 = arith.constant 0 : i32
        %dma_start3A_222 = tpu.memref_slice %arg11[%dma_start3A_220, %dma_start3A_221] : memref<10240x128xf32, #tpu.memory_space<vmem_shared>> -> memref<10240x128xf32, #tpu.memory_space<vmem_shared>>
        tpu.enqueue_indirect_dma source(%arg9 : memref<128x128xf32, #tpu.memory_space<vmem>>) target(%dma_start3A_222 : memref<10240x128xf32, #tpu.memory_space<vmem_shared>>) offsets(%dma_start3A_219 : memref<128xi32, #tpu.memory_space<vmem>>) semaphore(%run_scoped3A_216 : memref<!tpu.dma_semaphore, #tpu.memory_space<semaphore_mem>>) {add = true}
        %dma_wait3A_223 = arith.constant 0 : i32
        %dma_wait3A_224 = tpu.memref_slice %arg8[%run_scoped3A, %dma_wait3A_223] : memref<8x128xi32, #tpu.memory_space<vmem>> -> memref<1x128xi32, #tpu.memory_space<vmem>>
        %dma_wait3A_225 = tpu.memref_squeeze %dma_wait3A_224 : memref<1x128xi32, #tpu.memory_space<vmem>> -> memref<128xi32, #tpu.memory_space<vmem>>
        %dma_wait3A_226 = arith.constant 0 : i32
        %dma_wait3A_227 = arith.constant 0 : i32
        %dma_wait3A_228 = tpu.memref_slice %arg11[%dma_wait3A_226, %dma_wait3A_227] : memref<10240x128xf32, #tpu.memory_space<vmem_shared>> -> memref<10240x128xf32, #tpu.memory_space<vmem_shared>>
        tpu.wait_indirect_dma semaphore(%run_scoped3A_216 : memref<!tpu.dma_semaphore, #tpu.memory_space<semaphore_mem>>) src(%arg9 : memref<128x128xf32, #tpu.memory_space<vmem>>) dst(%dma_wait3A_228 : memref<10240x128xf32, #tpu.memory_space<vmem_shared>>)
        tpu.yield
      }) : () -> ()
      %dma_start3A_66 = arith.constant 2 : i32
      %dma_start3A_67 = arith.constant 0 : i32
      %dma_start3A_68 = tpu.memref_slice %arg7[%dma_start3A_66, %dma_start3A_67] : memref<8x128xi32, #tpu.memory_space<vmem>> -> memref<1x128xi32, #tpu.memory_space<vmem>>
      %dma_start3A_69 = tpu.memref_squeeze %dma_start3A_68 : memref<1x128xi32, #tpu.memory_space<vmem>> -> memref<128xi32, #tpu.memory_space<vmem>>
      %dma_start3A_70 = arith.constant 0 : i32
      %dma_start3A_71 = arith.constant 0 : i32
      %dma_start3A_72 = tpu.memref_slice %arg2[%arg0, %dma_start3A_70, %dma_start3A_71] : memref<2x10000x128xf32, #tpu.memory_space<hbm>> -> memref<1x10000x128xf32, #tpu.memory_space<hbm>>
      %dma_start3A_73 = tpu.memref_squeeze %dma_start3A_72 : memref<1x10000x128xf32, #tpu.memory_space<hbm>> -> memref<10000x128xf32, #tpu.memory_space<hbm>>
      %dma_start3A_74 = arith.constant 0 : i32
      %dma_start3A_75 = arith.constant 0 : i32
      %dma_start3A_76 = tpu.memref_slice %dma_start3A_73[%dma_start3A_74, %dma_start3A_75] : memref<10000x128xf32, #tpu.memory_space<hbm>> -> memref<10000x128xf32, #tpu.memory_space<hbm>>
      tpu.enqueue_indirect_dma source(%dma_start3A_76 : memref<10000x128xf32, #tpu.memory_space<hbm>>) target(%arg9 : memref<128x128xf32, #tpu.memory_space<vmem>>) offsets(%dma_start3A_69 : memref<128xi32, #tpu.memory_space<vmem>>) semaphore(%arg12 : memref<!tpu.dma_semaphore, #tpu.memory_space<semaphore_mem>>)
      %dma_wait3A_77 = arith.constant 1 : i32
      %dma_wait3A_78 = arith.constant 0 : i32
      %dma_wait3A_79 = tpu.memref_slice %arg7[%dma_wait3A_77, %dma_wait3A_78] : memref<8x128xi32, #tpu.memory_space<vmem>> -> memref<1x128xi32, #tpu.memory_space<vmem>>
      %dma_wait3A_80 = tpu.memref_squeeze %dma_wait3A_79 : memref<1x128xi32, #tpu.memory_space<vmem>> -> memref<128xi32, #tpu.memory_space<vmem>>
      %dma_wait3A_81 = arith.constant 0 : i32
      %dma_wait3A_82 = arith.constant 0 : i32
      %dma_wait3A_83 = tpu.memref_slice %arg2[%arg0, %dma_wait3A_81, %dma_wait3A_82] : memref<2x10000x128xf32, #tpu.memory_space<hbm>> -> memref<1x10000x128xf32, #tpu.memory_space<hbm>>
      %dma_wait3A_84 = tpu.memref_squeeze %dma_wait3A_83 : memref<1x10000x128xf32, #tpu.memory_space<hbm>> -> memref<10000x128xf32, #tpu.memory_space<hbm>>
      %dma_wait3A_85 = arith.constant 0 : i32
      %dma_wait3A_86 = arith.constant 0 : i32
      %dma_wait3A_87 = tpu.memref_slice %dma_wait3A_84[%dma_wait3A_85, %dma_wait3A_86] : memref<10000x128xf32, #tpu.memory_space<hbm>> -> memref<10000x128xf32, #tpu.memory_space<hbm>>
      tpu.wait_indirect_dma semaphore(%arg13 : memref<!tpu.dma_semaphore, #tpu.memory_space<semaphore_mem>>) src(%dma_wait3A_87 : memref<10000x128xf32, #tpu.memory_space<hbm>>) dst(%arg10 : memref<128x128xf32, #tpu.memory_space<vmem>>)
      %run_scoped3A_88 = arith.constant 1 : i32
      "tpu.region"() ({
        %run_scoped3A_216 = tpu.sem_alloc : memref<!tpu.dma_semaphore, #tpu.memory_space<semaphore_mem>>
        %dma_start3A_217 = arith.constant 0 : i32
        %dma_start3A_218 = tpu.memref_slice %arg8[%run_scoped3A_88, %dma_start3A_217] : memref<8x128xi32, #tpu.memory_space<vmem>> -> memref<1x128xi32, #tpu.memory_space<vmem>>
        %dma_start3A_219 = tpu.memref_squeeze %dma_start3A_218 : memref<1x128xi32, #tpu.memory_space<vmem>> -> memref<128xi32, #tpu.memory_space<vmem>>
        %dma_start3A_220 = arith.constant 0 : i32
        %dma_start3A_221 = arith.constant 0 : i32
        %dma_start3A_222 = tpu.memref_slice %arg11[%dma_start3A_220, %dma_start3A_221] : memref<10240x128xf32, #tpu.memory_space<vmem_shared>> -> memref<10240x128xf32, #tpu.memory_space<vmem_shared>>
        tpu.enqueue_indirect_dma source(%arg10 : memref<128x128xf32, #tpu.memory_space<vmem>>) target(%dma_start3A_222 : memref<10240x128xf32, #tpu.memory_space<vmem_shared>>) offsets(%dma_start3A_219 : memref<128xi32, #tpu.memory_space<vmem>>) semaphore(%run_scoped3A_216 : memref<!tpu.dma_semaphore, #tpu.memory_space<semaphore_mem>>) {add = true}
        %dma_wait3A_223 = arith.constant 0 : i32
        %dma_wait3A_224 = tpu.memref_slice %arg8[%run_scoped3A_88, %dma_wait3A_223] : memref<8x128xi32, #tpu.memory_space<vmem>> -> memref<1x128xi32, #tpu.memory_space<vmem>>
        %dma_wait3A_225 = tpu.memref_squeeze %dma_wait3A_224 : memref<1x128xi32, #tpu.memory_space<vmem>> -> memref<128xi32, #tpu.memory_space<vmem>>
        %dma_wait3A_226 = arith.constant 0 : i32
        %dma_wait3A_227 = arith.constant 0 : i32
        %dma_wait3A_228 = tpu.memref_slice %arg11[%dma_wait3A_226, %dma_wait3A_227] : memref<10240x128xf32, #tpu.memory_space<vmem_shared>> -> memref<10240x128xf32, #tpu.memory_space<vmem_shared>>
        tpu.wait_indirect_dma semaphore(%run_scoped3A_216 : memref<!tpu.dma_semaphore, #tpu.memory_space<semaphore_mem>>) src(%arg10 : memref<128x128xf32, #tpu.memory_space<vmem>>) dst(%dma_wait3A_228 : memref<10240x128xf32, #tpu.memory_space<vmem_shared>>)
        tpu.yield
      }) : () -> ()
      %dma_start3A_89 = arith.constant 3 : i32
      %dma_start3A_90 = arith.constant 0 : i32
      %dma_start3A_91 = tpu.memref_slice %arg7[%dma_start3A_89, %dma_start3A_90] : memref<8x128xi32, #tpu.memory_space<vmem>> -> memref<1x128xi32, #tpu.memory_space<vmem>>
      %dma_start3A_92 = tpu.memref_squeeze %dma_start3A_91 : memref<1x128xi32, #tpu.memory_space<vmem>> -> memref<128xi32, #tpu.memory_space<vmem>>
      %dma_start3A_93 = arith.constant 0 : i32
      %dma_start3A_94 = arith.constant 0 : i32
      %dma_start3A_95 = tpu.memref_slice %arg2[%arg0, %dma_start3A_93, %dma_start3A_94] : memref<2x10000x128xf32, #tpu.memory_space<hbm>> -> memref<1x10000x128xf32, #tpu.memory_space<hbm>>
      %dma_start3A_96 = tpu.memref_squeeze %dma_start3A_95 : memref<1x10000x128xf32, #tpu.memory_space<hbm>> -> memref<10000x128xf32, #tpu.memory_space<hbm>>
      %dma_start3A_97 = arith.constant 0 : i32
      %dma_start3A_98 = arith.constant 0 : i32
      %dma_start3A_99 = tpu.memref_slice %dma_start3A_96[%dma_start3A_97, %dma_start3A_98] : memref<10000x128xf32, #tpu.memory_space<hbm>> -> memref<10000x128xf32, #tpu.memory_space<hbm>>
      tpu.enqueue_indirect_dma source(%dma_start3A_99 : memref<10000x128xf32, #tpu.memory_space<hbm>>) target(%arg10 : memref<128x128xf32, #tpu.memory_space<vmem>>) offsets(%dma_start3A_92 : memref<128xi32, #tpu.memory_space<vmem>>) semaphore(%arg13 : memref<!tpu.dma_semaphore, #tpu.memory_space<semaphore_mem>>)
      %dma_wait3A_100 = arith.constant 2 : i32
      %dma_wait3A_101 = arith.constant 0 : i32
      %dma_wait3A_102 = tpu.memref_slice %arg7[%dma_wait3A_100, %dma_wait3A_101] : memref<8x128xi32, #tpu.memory_space<vmem>> -> memref<1x128xi32, #tpu.memory_space<vmem>>
      %dma_wait3A_103 = tpu.memref_squeeze %dma_wait3A_102 : memref<1x128xi32, #tpu.memory_space<vmem>> -> memref<128xi32, #tpu.memory_space<vmem>>
      %dma_wait3A_104 = arith.constant 0 : i32
      %dma_wait3A_105 = arith.constant 0 : i32
      %dma_wait3A_106 = tpu.memref_slice %arg2[%arg0, %dma_wait3A_104, %dma_wait3A_105] : memref<2x10000x128xf32, #tpu.memory_space<hbm>> -> memref<1x10000x128xf32, #tpu.memory_space<hbm>>
      %dma_wait3A_107 = tpu.memref_squeeze %dma_wait3A_106 : memref<1x10000x128xf32, #tpu.memory_space<hbm>> -> memref<10000x128xf32, #tpu.memory_space<hbm>>
      %dma_wait3A_108 = arith.constant 0 : i32
      %dma_wait3A_109 = arith.constant 0 : i32
      %dma_wait3A_110 = tpu.memref_slice %dma_wait3A_107[%dma_wait3A_108, %dma_wait3A_109] : memref<10000x128xf32, #tpu.memory_space<hbm>> -> memref<10000x128xf32, #tpu.memory_space<hbm>>
      tpu.wait_indirect_dma semaphore(%arg12 : memref<!tpu.dma_semaphore, #tpu.memory_space<semaphore_mem>>) src(%dma_wait3A_110 : memref<10000x128xf32, #tpu.memory_space<hbm>>) dst(%arg9 : memref<128x128xf32, #tpu.memory_space<vmem>>)
      %run_scoped3A_111 = arith.constant 2 : i32
      "tpu.region"() ({
        %run_scoped3A_216 = tpu.sem_alloc : memref<!tpu.dma_semaphore, #tpu.memory_space<semaphore_mem>>
        %dma_start3A_217 = arith.constant 0 : i32
        %dma_start3A_218 = tpu.memref_slice %arg8[%run_scoped3A_111, %dma_start3A_217] : memref<8x128xi32, #tpu.memory_space<vmem>> -> memref<1x128xi32, #tpu.memory_space<vmem>>
        %dma_start3A_219 = tpu.memref_squeeze %dma_start3A_218 : memref<1x128xi32, #tpu.memory_space<vmem>> -> memref<128xi32, #tpu.memory_space<vmem>>
        %dma_start3A_220 = arith.constant 0 : i32
        %dma_start3A_221 = arith.constant 0 : i32
        %dma_start3A_222 = tpu.memref_slice %arg11[%dma_start3A_220, %dma_start3A_221] : memref<10240x128xf32, #tpu.memory_space<vmem_shared>> -> memref<10240x128xf32, #tpu.memory_space<vmem_shared>>
        tpu.enqueue_indirect_dma source(%arg9 : memref<128x128xf32, #tpu.memory_space<vmem>>) target(%dma_start3A_222 : memref<10240x128xf32, #tpu.memory_space<vmem_shared>>) offsets(%dma_start3A_219 : memref<128xi32, #tpu.memory_space<vmem>>) semaphore(%run_scoped3A_216 : memref<!tpu.dma_semaphore, #tpu.memory_space<semaphore_mem>>) {add = true}
        %dma_wait3A_223 = arith.constant 0 : i32
        %dma_wait3A_224 = tpu.memref_slice %arg8[%run_scoped3A_111, %dma_wait3A_223] : memref<8x128xi32, #tpu.memory_space<vmem>> -> memref<1x128xi32, #tpu.memory_space<vmem>>
        %dma_wait3A_225 = tpu.memref_squeeze %dma_wait3A_224 : memref<1x128xi32, #tpu.memory_space<vmem>> -> memref<128xi32, #tpu.memory_space<vmem>>
        %dma_wait3A_226 = arith.constant 0 : i32
        %dma_wait3A_227 = arith.constant 0 : i32
        %dma_wait3A_228 = tpu.memref_slice %arg11[%dma_wait3A_226, %dma_wait3A_227] : memref<10240x128xf32, #tpu.memory_space<vmem_shared>> -> memref<10240x128xf32, #tpu.memory_space<vmem_shared>>
        tpu.wait_indirect_dma semaphore(%run_scoped3A_216 : memref<!tpu.dma_semaphore, #tpu.memory_space<semaphore_mem>>) src(%arg9 : memref<128x128xf32, #tpu.memory_space<vmem>>) dst(%dma_wait3A_228 : memref<10240x128xf32, #tpu.memory_space<vmem_shared>>)
        tpu.yield
      }) : () -> ()
      %dma_start3A_112 = arith.constant 4 : i32
      %dma_start3A_113 = arith.constant 0 : i32
      %dma_start3A_114 = tpu.memref_slice %arg7[%dma_start3A_112, %dma_start3A_113] : memref<8x128xi32, #tpu.memory_space<vmem>> -> memref<1x128xi32, #tpu.memory_space<vmem>>
      %dma_start3A_115 = tpu.memref_squeeze %dma_start3A_114 : memref<1x128xi32, #tpu.memory_space<vmem>> -> memref<128xi32, #tpu.memory_space<vmem>>
      %dma_start3A_116 = arith.constant 0 : i32
      %dma_start3A_117 = arith.constant 0 : i32
      %dma_start3A_118 = tpu.memref_slice %arg2[%arg0, %dma_start3A_116, %dma_start3A_117] : memref<2x10000x128xf32, #tpu.memory_space<hbm>> -> memref<1x10000x128xf32, #tpu.memory_space<hbm>>
      %dma_start3A_119 = tpu.memref_squeeze %dma_start3A_118 : memref<1x10000x128xf32, #tpu.memory_space<hbm>> -> memref<10000x128xf32, #tpu.memory_space<hbm>>
      %dma_start3A_120 = arith.constant 0 : i32
      %dma_start3A_121 = arith.constant 0 : i32
      %dma_start3A_122 = tpu.memref_slice %dma_start3A_119[%dma_start3A_120, %dma_start3A_121] : memref<10000x128xf32, #tpu.memory_space<hbm>> -> memref<10000x128xf32, #tpu.memory_space<hbm>>
      tpu.enqueue_indirect_dma source(%dma_start3A_122 : memref<10000x128xf32, #tpu.memory_space<hbm>>) target(%arg9 : memref<128x128xf32, #tpu.memory_space<vmem>>) offsets(%dma_start3A_115 : memref<128xi32, #tpu.memory_space<vmem>>) semaphore(%arg12 : memref<!tpu.dma_semaphore, #tpu.memory_space<semaphore_mem>>)
      %dma_wait3A_123 = arith.constant 3 : i32
      %dma_wait3A_124 = arith.constant 0 : i32
      %dma_wait3A_125 = tpu.memref_slice %arg7[%dma_wait3A_123, %dma_wait3A_124] : memref<8x128xi32, #tpu.memory_space<vmem>> -> memref<1x128xi32, #tpu.memory_space<vmem>>
      %dma_wait3A_126 = tpu.memref_squeeze %dma_wait3A_125 : memref<1x128xi32, #tpu.memory_space<vmem>> -> memref<128xi32, #tpu.memory_space<vmem>>
      %dma_wait3A_127 = arith.constant 0 : i32
      %dma_wait3A_128 = arith.constant 0 : i32
      %dma_wait3A_129 = tpu.memref_slice %arg2[%arg0, %dma_wait3A_127, %dma_wait3A_128] : memref<2x10000x128xf32, #tpu.memory_space<hbm>> -> memref<1x10000x128xf32, #tpu.memory_space<hbm>>
      %dma_wait3A_130 = tpu.memref_squeeze %dma_wait3A_129 : memref<1x10000x128xf32, #tpu.memory_space<hbm>> -> memref<10000x128xf32, #tpu.memory_space<hbm>>
      %dma_wait3A_131 = arith.constant 0 : i32
      %dma_wait3A_132 = arith.constant 0 : i32
      %dma_wait3A_133 = tpu.memref_slice %dma_wait3A_130[%dma_wait3A_131, %dma_wait3A_132] : memref<10000x128xf32, #tpu.memory_space<hbm>> -> memref<10000x128xf32, #tpu.memory_space<hbm>>
      tpu.wait_indirect_dma semaphore(%arg13 : memref<!tpu.dma_semaphore, #tpu.memory_space<semaphore_mem>>) src(%dma_wait3A_133 : memref<10000x128xf32, #tpu.memory_space<hbm>>) dst(%arg10 : memref<128x128xf32, #tpu.memory_space<vmem>>)
      %run_scoped3A_134 = arith.constant 3 : i32
      "tpu.region"() ({
        %run_scoped3A_216 = tpu.sem_alloc : memref<!tpu.dma_semaphore, #tpu.memory_space<semaphore_mem>>
        %dma_start3A_217 = arith.constant 0 : i32
        %dma_start3A_218 = tpu.memref_slice %arg8[%run_scoped3A_134, %dma_start3A_217] : memref<8x128xi32, #tpu.memory_space<vmem>> -> memref<1x128xi32, #tpu.memory_space<vmem>>
        %dma_start3A_219 = tpu.memref_squeeze %dma_start3A_218 : memref<1x128xi32, #tpu.memory_space<vmem>> -> memref<128xi32, #tpu.memory_space<vmem>>
        %dma_start3A_220 = arith.constant 0 : i32
        %dma_start3A_221 = arith.constant 0 : i32
        %dma_start3A_222 = tpu.memref_slice %arg11[%dma_start3A_220, %dma_start3A_221] : memref<10240x128xf32, #tpu.memory_space<vmem_shared>> -> memref<10240x128xf32, #tpu.memory_space<vmem_shared>>
        tpu.enqueue_indirect_dma source(%arg10 : memref<128x128xf32, #tpu.memory_space<vmem>>) target(%dma_start3A_222 : memref<10240x128xf32, #tpu.memory_space<vmem_shared>>) offsets(%dma_start3A_219 : memref<128xi32, #tpu.memory_space<vmem>>) semaphore(%run_scoped3A_216 : memref<!tpu.dma_semaphore, #tpu.memory_space<semaphore_mem>>) {add = true}
        %dma_wait3A_223 = arith.constant 0 : i32
        %dma_wait3A_224 = tpu.memref_slice %arg8[%run_scoped3A_134, %dma_wait3A_223] : memref<8x128xi32, #tpu.memory_space<vmem>> -> memref<1x128xi32, #tpu.memory_space<vmem>>
        %dma_wait3A_225 = tpu.memref_squeeze %dma_wait3A_224 : memref<1x128xi32, #tpu.memory_space<vmem>> -> memref<128xi32, #tpu.memory_space<vmem>>
        %dma_wait3A_226 = arith.constant 0 : i32
        %dma_wait3A_227 = arith.constant 0 : i32
        %dma_wait3A_228 = tpu.memref_slice %arg11[%dma_wait3A_226, %dma_wait3A_227] : memref<10240x128xf32, #tpu.memory_space<vmem_shared>> -> memref<10240x128xf32, #tpu.memory_space<vmem_shared>>
        tpu.wait_indirect_dma semaphore(%run_scoped3A_216 : memref<!tpu.dma_semaphore, #tpu.memory_space<semaphore_mem>>) src(%arg10 : memref<128x128xf32, #tpu.memory_space<vmem>>) dst(%dma_wait3A_228 : memref<10240x128xf32, #tpu.memory_space<vmem_shared>>)
        tpu.yield
      }) : () -> ()
      %dma_start3A_135 = arith.constant 5 : i32
      %dma_start3A_136 = arith.constant 0 : i32
      %dma_start3A_137 = tpu.memref_slice %arg7[%dma_start3A_135, %dma_start3A_136] : memref<8x128xi32, #tpu.memory_space<vmem>> -> memref<1x128xi32, #tpu.memory_space<vmem>>
      %dma_start3A_138 = tpu.memref_squeeze %dma_start3A_137 : memref<1x128xi32, #tpu.memory_space<vmem>> -> memref<128xi32, #tpu.memory_space<vmem>>
      %dma_start3A_139 = arith.constant 0 : i32
      %dma_start3A_140 = arith.constant 0 : i32
      %dma_start3A_141 = tpu.memref_slice %arg2[%arg0, %dma_start3A_139, %dma_start3A_140] : memref<2x10000x128xf32, #tpu.memory_space<hbm>> -> memref<1x10000x128xf32, #tpu.memory_space<hbm>>
      %dma_start3A_142 = tpu.memref_squeeze %dma_start3A_141 : memref<1x10000x128xf32, #tpu.memory_space<hbm>> -> memref<10000x128xf32, #tpu.memory_space<hbm>>
      %dma_start3A_143 = arith.constant 0 : i32
      %dma_start3A_144 = arith.constant 0 : i32
      %dma_start3A_145 = tpu.memref_slice %dma_start3A_142[%dma_start3A_143, %dma_start3A_144] : memref<10000x128xf32, #tpu.memory_space<hbm>> -> memref<10000x128xf32, #tpu.memory_space<hbm>>
      tpu.enqueue_indirect_dma source(%dma_start3A_145 : memref<10000x128xf32, #tpu.memory_space<hbm>>) target(%arg10 : memref<128x128xf32, #tpu.memory_space<vmem>>) offsets(%dma_start3A_138 : memref<128xi32, #tpu.memory_space<vmem>>) semaphore(%arg13 : memref<!tpu.dma_semaphore, #tpu.memory_space<semaphore_mem>>)
      %dma_wait3A_146 = arith.constant 4 : i32
      %dma_wait3A_147 = arith.constant 0 : i32
      %dma_wait3A_148 = tpu.memref_slice %arg7[%dma_wait3A_146, %dma_wait3A_147] : memref<8x128xi32, #tpu.memory_space<vmem>> -> memref<1x128xi32, #tpu.memory_space<vmem>>
      %dma_wait3A_149 = tpu.memref_squeeze %dma_wait3A_148 : memref<1x128xi32, #tpu.memory_space<vmem>> -> memref<128xi32, #tpu.memory_space<vmem>>
      %dma_wait3A_150 = arith.constant 0 : i32
      %dma_wait3A_151 = arith.constant 0 : i32
      %dma_wait3A_152 = tpu.memref_slice %arg2[%arg0, %dma_wait3A_150, %dma_wait3A_151] : memref<2x10000x128xf32, #tpu.memory_space<hbm>> -> memref<1x10000x128xf32, #tpu.memory_space<hbm>>
      %dma_wait3A_153 = tpu.memref_squeeze %dma_wait3A_152 : memref<1x10000x128xf32, #tpu.memory_space<hbm>> -> memref<10000x128xf32, #tpu.memory_space<hbm>>
      %dma_wait3A_154 = arith.constant 0 : i32
      %dma_wait3A_155 = arith.constant 0 : i32
      %dma_wait3A_156 = tpu.memref_slice %dma_wait3A_153[%dma_wait3A_154, %dma_wait3A_155] : memref<10000x128xf32, #tpu.memory_space<hbm>> -> memref<10000x128xf32, #tpu.memory_space<hbm>>
      tpu.wait_indirect_dma semaphore(%arg12 : memref<!tpu.dma_semaphore, #tpu.memory_space<semaphore_mem>>) src(%dma_wait3A_156 : memref<10000x128xf32, #tpu.memory_space<hbm>>) dst(%arg9 : memref<128x128xf32, #tpu.memory_space<vmem>>)
      %run_scoped3A_157 = arith.constant 4 : i32
      "tpu.region"() ({
        %run_scoped3A_216 = tpu.sem_alloc : memref<!tpu.dma_semaphore, #tpu.memory_space<semaphore_mem>>
        %dma_start3A_217 = arith.constant 0 : i32
        %dma_start3A_218 = tpu.memref_slice %arg8[%run_scoped3A_157, %dma_start3A_217] : memref<8x128xi32, #tpu.memory_space<vmem>> -> memref<1x128xi32, #tpu.memory_space<vmem>>
        %dma_start3A_219 = tpu.memref_squeeze %dma_start3A_218 : memref<1x128xi32, #tpu.memory_space<vmem>> -> memref<128xi32, #tpu.memory_space<vmem>>
        %dma_start3A_220 = arith.constant 0 : i32
        %dma_start3A_221 = arith.constant 0 : i32
        %dma_start3A_222 = tpu.memref_slice %arg11[%dma_start3A_220, %dma_start3A_221] : memref<10240x128xf32, #tpu.memory_space<vmem_shared>> -> memref<10240x128xf32, #tpu.memory_space<vmem_shared>>
        tpu.enqueue_indirect_dma source(%arg9 : memref<128x128xf32, #tpu.memory_space<vmem>>) target(%dma_start3A_222 : memref<10240x128xf32, #tpu.memory_space<vmem_shared>>) offsets(%dma_start3A_219 : memref<128xi32, #tpu.memory_space<vmem>>) semaphore(%run_scoped3A_216 : memref<!tpu.dma_semaphore, #tpu.memory_space<semaphore_mem>>) {add = true}
        %dma_wait3A_223 = arith.constant 0 : i32
        %dma_wait3A_224 = tpu.memref_slice %arg8[%run_scoped3A_157, %dma_wait3A_223] : memref<8x128xi32, #tpu.memory_space<vmem>> -> memref<1x128xi32, #tpu.memory_space<vmem>>
        %dma_wait3A_225 = tpu.memref_squeeze %dma_wait3A_224 : memref<1x128xi32, #tpu.memory_space<vmem>> -> memref<128xi32, #tpu.memory_space<vmem>>
        %dma_wait3A_226 = arith.constant 0 : i32
        %dma_wait3A_227 = arith.constant 0 : i32
        %dma_wait3A_228 = tpu.memref_slice %arg11[%dma_wait3A_226, %dma_wait3A_227] : memref<10240x128xf32, #tpu.memory_space<vmem_shared>> -> memref<10240x128xf32, #tpu.memory_space<vmem_shared>>
        tpu.wait_indirect_dma semaphore(%run_scoped3A_216 : memref<!tpu.dma_semaphore, #tpu.memory_space<semaphore_mem>>) src(%arg9 : memref<128x128xf32, #tpu.memory_space<vmem>>) dst(%dma_wait3A_228 : memref<10240x128xf32, #tpu.memory_space<vmem_shared>>)
        tpu.yield
      }) : () -> ()
      %dma_start3A_158 = arith.constant 6 : i32
      %dma_start3A_159 = arith.constant 0 : i32
      %dma_start3A_160 = tpu.memref_slice %arg7[%dma_start3A_158, %dma_start3A_159] : memref<8x128xi32, #tpu.memory_space<vmem>> -> memref<1x128xi32, #tpu.memory_space<vmem>>
      %dma_start3A_161 = tpu.memref_squeeze %dma_start3A_160 : memref<1x128xi32, #tpu.memory_space<vmem>> -> memref<128xi32, #tpu.memory_space<vmem>>
      %dma_start3A_162 = arith.constant 0 : i32
      %dma_start3A_163 = arith.constant 0 : i32
      %dma_start3A_164 = tpu.memref_slice %arg2[%arg0, %dma_start3A_162, %dma_start3A_163] : memref<2x10000x128xf32, #tpu.memory_space<hbm>> -> memref<1x10000x128xf32, #tpu.memory_space<hbm>>
      %dma_start3A_165 = tpu.memref_squeeze %dma_start3A_164 : memref<1x10000x128xf32, #tpu.memory_space<hbm>> -> memref<10000x128xf32, #tpu.memory_space<hbm>>
      %dma_start3A_166 = arith.constant 0 : i32
      %dma_start3A_167 = arith.constant 0 : i32
      %dma_start3A_168 = tpu.memref_slice %dma_start3A_165[%dma_start3A_166, %dma_start3A_167] : memref<10000x128xf32, #tpu.memory_space<hbm>> -> memref<10000x128xf32, #tpu.memory_space<hbm>>
      tpu.enqueue_indirect_dma source(%dma_start3A_168 : memref<10000x128xf32, #tpu.memory_space<hbm>>) target(%arg9 : memref<128x128xf32, #tpu.memory_space<vmem>>) offsets(%dma_start3A_161 : memref<128xi32, #tpu.memory_space<vmem>>) semaphore(%arg12 : memref<!tpu.dma_semaphore, #tpu.memory_space<semaphore_mem>>)
      %dma_wait3A_169 = arith.constant 5 : i32
      %dma_wait3A_170 = arith.constant 0 : i32
      %dma_wait3A_171 = tpu.memref_slice %arg7[%dma_wait3A_169, %dma_wait3A_170] : memref<8x128xi32, #tpu.memory_space<vmem>> -> memref<1x128xi32, #tpu.memory_space<vmem>>
      %dma_wait3A_172 = tpu.memref_squeeze %dma_wait3A_171 : memref<1x128xi32, #tpu.memory_space<vmem>> -> memref<128xi32, #tpu.memory_space<vmem>>
      %dma_wait3A_173 = arith.constant 0 : i32
      %dma_wait3A_174 = arith.constant 0 : i32
      %dma_wait3A_175 = tpu.memref_slice %arg2[%arg0, %dma_wait3A_173, %dma_wait3A_174] : memref<2x10000x128xf32, #tpu.memory_space<hbm>> -> memref<1x10000x128xf32, #tpu.memory_space<hbm>>
      %dma_wait3A_176 = tpu.memref_squeeze %dma_wait3A_175 : memref<1x10000x128xf32, #tpu.memory_space<hbm>> -> memref<10000x128xf32, #tpu.memory_space<hbm>>
      %dma_wait3A_177 = arith.constant 0 : i32
      %dma_wait3A_178 = arith.constant 0 : i32
      %dma_wait3A_179 = tpu.memref_slice %dma_wait3A_176[%dma_wait3A_177, %dma_wait3A_178] : memref<10000x128xf32, #tpu.memory_space<hbm>> -> memref<10000x128xf32, #tpu.memory_space<hbm>>
      tpu.wait_indirect_dma semaphore(%arg13 : memref<!tpu.dma_semaphore, #tpu.memory_space<semaphore_mem>>) src(%dma_wait3A_179 : memref<10000x128xf32, #tpu.memory_space<hbm>>) dst(%arg10 : memref<128x128xf32, #tpu.memory_space<vmem>>)
      %run_scoped3A_180 = arith.constant 5 : i32
      "tpu.region"() ({
        %run_scoped3A_216 = tpu.sem_alloc : memref<!tpu.dma_semaphore, #tpu.memory_space<semaphore_mem>>
        %dma_start3A_217 = arith.constant 0 : i32
        %dma_start3A_218 = tpu.memref_slice %arg8[%run_scoped3A_180, %dma_start3A_217] : memref<8x128xi32, #tpu.memory_space<vmem>> -> memref<1x128xi32, #tpu.memory_space<vmem>>
        %dma_start3A_219 = tpu.memref_squeeze %dma_start3A_218 : memref<1x128xi32, #tpu.memory_space<vmem>> -> memref<128xi32, #tpu.memory_space<vmem>>
        %dma_start3A_220 = arith.constant 0 : i32
        %dma_start3A_221 = arith.constant 0 : i32
        %dma_start3A_222 = tpu.memref_slice %arg11[%dma_start3A_220, %dma_start3A_221] : memref<10240x128xf32, #tpu.memory_space<vmem_shared>> -> memref<10240x128xf32, #tpu.memory_space<vmem_shared>>
        tpu.enqueue_indirect_dma source(%arg10 : memref<128x128xf32, #tpu.memory_space<vmem>>) target(%dma_start3A_222 : memref<10240x128xf32, #tpu.memory_space<vmem_shared>>) offsets(%dma_start3A_219 : memref<128xi32, #tpu.memory_space<vmem>>) semaphore(%run_scoped3A_216 : memref<!tpu.dma_semaphore, #tpu.memory_space<semaphore_mem>>) {add = true}
        %dma_wait3A_223 = arith.constant 0 : i32
        %dma_wait3A_224 = tpu.memref_slice %arg8[%run_scoped3A_180, %dma_wait3A_223] : memref<8x128xi32, #tpu.memory_space<vmem>> -> memref<1x128xi32, #tpu.memory_space<vmem>>
        %dma_wait3A_225 = tpu.memref_squeeze %dma_wait3A_224 : memref<1x128xi32, #tpu.memory_space<vmem>> -> memref<128xi32, #tpu.memory_space<vmem>>
        %dma_wait3A_226 = arith.constant 0 : i32
        %dma_wait3A_227 = arith.constant 0 : i32
        %dma_wait3A_228 = tpu.memref_slice %arg11[%dma_wait3A_226, %dma_wait3A_227] : memref<10240x128xf32, #tpu.memory_space<vmem_shared>> -> memref<10240x128xf32, #tpu.memory_space<vmem_shared>>
        tpu.wait_indirect_dma semaphore(%run_scoped3A_216 : memref<!tpu.dma_semaphore, #tpu.memory_space<semaphore_mem>>) src(%arg10 : memref<128x128xf32, #tpu.memory_space<vmem>>) dst(%dma_wait3A_228 : memref<10240x128xf32, #tpu.memory_space<vmem_shared>>)
        tpu.yield
      }) : () -> ()
      %dma_start3A_181 = arith.constant 7 : i32
      %dma_start3A_182 = arith.constant 0 : i32
      %dma_start3A_183 = tpu.memref_slice %arg7[%dma_start3A_181, %dma_start3A_182] : memref<8x128xi32, #tpu.memory_space<vmem>> -> memref<1x128xi32, #tpu.memory_space<vmem>>
      %dma_start3A_184 = tpu.memref_squeeze %dma_start3A_183 : memref<1x128xi32, #tpu.memory_space<vmem>> -> memref<128xi32, #tpu.memory_space<vmem>>
      %dma_start3A_185 = arith.constant 0 : i32
      %dma_start3A_186 = arith.constant 0 : i32
      %dma_start3A_187 = tpu.memref_slice %arg2[%arg0, %dma_start3A_185, %dma_start3A_186] : memref<2x10000x128xf32, #tpu.memory_space<hbm>> -> memref<1x10000x128xf32, #tpu.memory_space<hbm>>
      %dma_start3A_188 = tpu.memref_squeeze %dma_start3A_187 : memref<1x10000x128xf32, #tpu.memory_space<hbm>> -> memref<10000x128xf32, #tpu.memory_space<hbm>>
      %dma_start3A_189 = arith.constant 0 : i32
      %dma_start3A_190 = arith.constant 0 : i32
      %dma_start3A_191 = tpu.memref_slice %dma_start3A_188[%dma_start3A_189, %dma_start3A_190] : memref<10000x128xf32, #tpu.memory_space<hbm>> -> memref<10000x128xf32, #tpu.memory_space<hbm>>
      tpu.enqueue_indirect_dma source(%dma_start3A_191 : memref<10000x128xf32, #tpu.memory_space<hbm>>) target(%arg10 : memref<128x128xf32, #tpu.memory_space<vmem>>) offsets(%dma_start3A_184 : memref<128xi32, #tpu.memory_space<vmem>>) semaphore(%arg13 : memref<!tpu.dma_semaphore, #tpu.memory_space<semaphore_mem>>)
      %dma_wait3A_192 = arith.constant 6 : i32
      %dma_wait3A_193 = arith.constant 0 : i32
      %dma_wait3A_194 = tpu.memref_slice %arg7[%dma_wait3A_192, %dma_wait3A_193] : memref<8x128xi32, #tpu.memory_space<vmem>> -> memref<1x128xi32, #tpu.memory_space<vmem>>
      %dma_wait3A_195 = tpu.memref_squeeze %dma_wait3A_194 : memref<1x128xi32, #tpu.memory_space<vmem>> -> memref<128xi32, #tpu.memory_space<vmem>>
      %dma_wait3A_196 = arith.constant 0 : i32
      %dma_wait3A_197 = arith.constant 0 : i32
      %dma_wait3A_198 = tpu.memref_slice %arg2[%arg0, %dma_wait3A_196, %dma_wait3A_197] : memref<2x10000x128xf32, #tpu.memory_space<hbm>> -> memref<1x10000x128xf32, #tpu.memory_space<hbm>>
      %dma_wait3A_199 = tpu.memref_squeeze %dma_wait3A_198 : memref<1x10000x128xf32, #tpu.memory_space<hbm>> -> memref<10000x128xf32, #tpu.memory_space<hbm>>
      %dma_wait3A_200 = arith.constant 0 : i32
      %dma_wait3A_201 = arith.constant 0 : i32
      %dma_wait3A_202 = tpu.memref_slice %dma_wait3A_199[%dma_wait3A_200, %dma_wait3A_201] : memref<10000x128xf32, #tpu.memory_space<hbm>> -> memref<10000x128xf32, #tpu.memory_space<hbm>>
      tpu.wait_indirect_dma semaphore(%arg12 : memref<!tpu.dma_semaphore, #tpu.memory_space<semaphore_mem>>) src(%dma_wait3A_202 : memref<10000x128xf32, #tpu.memory_space<hbm>>) dst(%arg9 : memref<128x128xf32, #tpu.memory_space<vmem>>)
      %run_scoped3A_203 = arith.constant 6 : i32
      "tpu.region"() ({
        %run_scoped3A_216 = tpu.sem_alloc : memref<!tpu.dma_semaphore, #tpu.memory_space<semaphore_mem>>
        %dma_start3A_217 = arith.constant 0 : i32
        %dma_start3A_218 = tpu.memref_slice %arg8[%run_scoped3A_203, %dma_start3A_217] : memref<8x128xi32, #tpu.memory_space<vmem>> -> memref<1x128xi32, #tpu.memory_space<vmem>>
        %dma_start3A_219 = tpu.memref_squeeze %dma_start3A_218 : memref<1x128xi32, #tpu.memory_space<vmem>> -> memref<128xi32, #tpu.memory_space<vmem>>
        %dma_start3A_220 = arith.constant 0 : i32
        %dma_start3A_221 = arith.constant 0 : i32
        %dma_start3A_222 = tpu.memref_slice %arg11[%dma_start3A_220, %dma_start3A_221] : memref<10240x128xf32, #tpu.memory_space<vmem_shared>> -> memref<10240x128xf32, #tpu.memory_space<vmem_shared>>
        tpu.enqueue_indirect_dma source(%arg9 : memref<128x128xf32, #tpu.memory_space<vmem>>) target(%dma_start3A_222 : memref<10240x128xf32, #tpu.memory_space<vmem_shared>>) offsets(%dma_start3A_219 : memref<128xi32, #tpu.memory_space<vmem>>) semaphore(%run_scoped3A_216 : memref<!tpu.dma_semaphore, #tpu.memory_space<semaphore_mem>>) {add = true}
        %dma_wait3A_223 = arith.constant 0 : i32
        %dma_wait3A_224 = tpu.memref_slice %arg8[%run_scoped3A_203, %dma_wait3A_223] : memref<8x128xi32, #tpu.memory_space<vmem>> -> memref<1x128xi32, #tpu.memory_space<vmem>>
        %dma_wait3A_225 = tpu.memref_squeeze %dma_wait3A_224 : memref<1x128xi32, #tpu.memory_space<vmem>> -> memref<128xi32, #tpu.memory_space<vmem>>
        %dma_wait3A_226 = arith.constant 0 : i32
        %dma_wait3A_227 = arith.constant 0 : i32
        %dma_wait3A_228 = tpu.memref_slice %arg11[%dma_wait3A_226, %dma_wait3A_227] : memref<10240x128xf32, #tpu.memory_space<vmem_shared>> -> memref<10240x128xf32, #tpu.memory_space<vmem_shared>>
        tpu.wait_indirect_dma semaphore(%run_scoped3A_216 : memref<!tpu.dma_semaphore, #tpu.memory_space<semaphore_mem>>) src(%arg9 : memref<128x128xf32, #tpu.memory_space<vmem>>) dst(%dma_wait3A_228 : memref<10240x128xf32, #tpu.memory_space<vmem_shared>>)
        tpu.yield
      }) : () -> ()
      %dma_wait3A_204 = arith.constant 7 : i32
      %dma_wait3A_205 = arith.constant 0 : i32
      %dma_wait3A_206 = tpu.memref_slice %arg7[%dma_wait3A_204, %dma_wait3A_205] : memref<8x128xi32, #tpu.memory_space<vmem>> -> memref<1x128xi32, #tpu.memory_space<vmem>>
      %dma_wait3A_207 = tpu.memref_squeeze %dma_wait3A_206 : memref<1x128xi32, #tpu.memory_space<vmem>> -> memref<128xi32, #tpu.memory_space<vmem>>
      %dma_wait3A_208 = arith.constant 0 : i32
      %dma_wait3A_209 = arith.constant 0 : i32
      %dma_wait3A_210 = tpu.memref_slice %arg2[%arg0, %dma_wait3A_208, %dma_wait3A_209] : memref<2x10000x128xf32, #tpu.memory_space<hbm>> -> memref<1x10000x128xf32, #tpu.memory_space<hbm>>
      %dma_wait3A_211 = tpu.memref_squeeze %dma_wait3A_210 : memref<1x10000x128xf32, #tpu.memory_space<hbm>> -> memref<10000x128xf32, #tpu.memory_space<hbm>>
      %dma_wait3A_212 = arith.constant 0 : i32
      %dma_wait3A_213 = arith.constant 0 : i32
      %dma_wait3A_214 = tpu.memref_slice %dma_wait3A_211[%dma_wait3A_212, %dma_wait3A_213] : memref<10000x128xf32, #tpu.memory_space<hbm>> -> memref<10000x128xf32, #tpu.memory_space<hbm>>
      tpu.wait_indirect_dma semaphore(%arg13 : memref<!tpu.dma_semaphore, #tpu.memory_space<semaphore_mem>>) src(%dma_wait3A_214 : memref<10000x128xf32, #tpu.memory_space<hbm>>) dst(%arg10 : memref<128x128xf32, #tpu.memory_space<vmem>>)
      %run_scoped3A_215 = arith.constant 7 : i32
      "tpu.region"() ({
        %run_scoped3A_216 = tpu.sem_alloc : memref<!tpu.dma_semaphore, #tpu.memory_space<semaphore_mem>>
        %dma_start3A_217 = arith.constant 0 : i32
        %dma_start3A_218 = tpu.memref_slice %arg8[%run_scoped3A_215, %dma_start3A_217] : memref<8x128xi32, #tpu.memory_space<vmem>> -> memref<1x128xi32, #tpu.memory_space<vmem>>
        %dma_start3A_219 = tpu.memref_squeeze %dma_start3A_218 : memref<1x128xi32, #tpu.memory_space<vmem>> -> memref<128xi32, #tpu.memory_space<vmem>>
        %dma_start3A_220 = arith.constant 0 : i32
        %dma_start3A_221 = arith.constant 0 : i32
        %dma_start3A_222 = tpu.memref_slice %arg11[%dma_start3A_220, %dma_start3A_221] : memref<10240x128xf32, #tpu.memory_space<vmem_shared>> -> memref<10240x128xf32, #tpu.memory_space<vmem_shared>>
        tpu.enqueue_indirect_dma source(%arg10 : memref<128x128xf32, #tpu.memory_space<vmem>>) target(%dma_start3A_222 : memref<10240x128xf32, #tpu.memory_space<vmem_shared>>) offsets(%dma_start3A_219 : memref<128xi32, #tpu.memory_space<vmem>>) semaphore(%run_scoped3A_216 : memref<!tpu.dma_semaphore, #tpu.memory_space<semaphore_mem>>) {add = true}
        %dma_wait3A_223 = arith.constant 0 : i32
        %dma_wait3A_224 = tpu.memref_slice %arg8[%run_scoped3A_215, %dma_wait3A_223] : memref<8x128xi32, #tpu.memory_space<vmem>> -> memref<1x128xi32, #tpu.memory_space<vmem>>
        %dma_wait3A_225 = tpu.memref_squeeze %dma_wait3A_224 : memref<1x128xi32, #tpu.memory_space<vmem>> -> memref<128xi32, #tpu.memory_space<vmem>>
        %dma_wait3A_226 = arith.constant 0 : i32
        %dma_wait3A_227 = arith.constant 0 : i32
        %dma_wait3A_228 = tpu.memref_slice %arg11[%dma_wait3A_226, %dma_wait3A_227] : memref<10240x128xf32, #tpu.memory_space<vmem_shared>> -> memref<10240x128xf32, #tpu.memory_space<vmem_shared>>
        tpu.wait_indirect_dma semaphore(%run_scoped3A_216 : memref<!tpu.dma_semaphore, #tpu.memory_space<semaphore_mem>>) src(%arg10 : memref<128x128xf32, #tpu.memory_space<vmem>>) dst(%dma_wait3A_228 : memref<10240x128xf32, #tpu.memory_space<vmem_shared>>)
        tpu.yield
      }) : () -> ()
    }
    %scan3A_16 = arith.constant 10 : i32
    %barrier3A_17 = arith.constant 0 : index
    tpu.barrier barrier_id(%barrier3A_17)
    %add3A_18 = arith.constant 0 : i32
    %add3A_19 = arith.addi %mul3A_2, %add3A_18 : i32
    "tpu.region"() ({
      %run_scoped3A = tpu.sem_alloc : memref<!tpu.dma_semaphore, #tpu.memory_space<semaphore_mem>>
      %dma_start3A = arith.constant 0 : i32
      %dma_start3A_28 = tpu.memref_slice %arg11[%add3A_19, %dma_start3A] : memref<10240x128xf32, #tpu.memory_space<vmem_shared>> -> memref<128x128xf32, #tpu.memory_space<vmem_shared>>
      %dma_start3A_29 = arith.constant 0 : i32
      %dma_start3A_30 = tpu.memref_slice %arg11[%add3A_19, %dma_start3A_29] : memref<10240x128xf32, #tpu.memory_space<vmem_shared>> -> memref<128x128xf32, #tpu.memory_space<vmem_shared>>
      tpu.enqueue_dma source(%dma_start3A_30 : memref<128x128xf32, #tpu.memory_space<vmem_shared>>) target(%arg9 : memref<128x128xf32, #tpu.memory_space<vmem>>) target_semaphore(%run_scoped3A : memref<!tpu.dma_semaphore, #tpu.memory_space<semaphore_mem>>)
      %dma_wait3A = arith.constant 0 : i32
      %dma_wait3A_31 = tpu.memref_slice %arg11[%add3A_19, %dma_wait3A] : memref<10240x128xf32, #tpu.memory_space<vmem_shared>> -> memref<128x128xf32, #tpu.memory_space<vmem_shared>>
      %dma_wait3A_32 = arith.constant 0 : i32
      %dma_wait3A_33 = tpu.memref_slice %arg11[%add3A_19, %dma_wait3A_32] : memref<10240x128xf32, #tpu.memory_space<vmem_shared>> -> memref<128x128xf32, #tpu.memory_space<vmem_shared>>
      tpu.wait_dma2 semaphore(%run_scoped3A : memref<!tpu.dma_semaphore, #tpu.memory_space<semaphore_mem>>) src(%dma_wait3A_33 : memref<128x128xf32, #tpu.memory_space<vmem_shared>>) dst(%arg9 : memref<128x128xf32, #tpu.memory_space<vmem>>)
      tpu.yield
    }) : () -> ()
    "tpu.region"() ({
      %run_scoped3A = tpu.sem_alloc : memref<!tpu.dma_semaphore, #tpu.memory_space<semaphore_mem>>
      %dma_start3A = arith.constant 0 : i32
      %dma_start3A_28 = tpu.memref_slice %arg6[%arg0, %add3A_19, %dma_start3A] : memref<2x10240x128xf32, #tpu.memory_space<hbm>> -> memref<1x128x128xf32, #tpu.memory_space<hbm>>
      %dma_start3A_29 = tpu.memref_squeeze %dma_start3A_28 : memref<1x128x128xf32, #tpu.memory_space<hbm>> -> memref<128x128xf32, #tpu.memory_space<hbm>>
      %dma_start3A_30 = arith.constant 0 : i32
      %dma_start3A_31 = tpu.memref_slice %arg6[%arg0, %add3A_19, %dma_start3A_30] : memref<2x10240x128xf32, #tpu.memory_space<hbm>> -> memref<1x128x128xf32, #tpu.memory_space<hbm>>
      %dma_start3A_32 = tpu.memref_squeeze %dma_start3A_31 : memref<1x128x128xf32, #tpu.memory_space<hbm>> -> memref<128x128xf32, #tpu.memory_space<hbm>>
      tpu.enqueue_dma source(%arg9 : memref<128x128xf32, #tpu.memory_space<vmem>>) target(%dma_start3A_32 : memref<128x128xf32, #tpu.memory_space<hbm>>) target_semaphore(%run_scoped3A : memref<!tpu.dma_semaphore, #tpu.memory_space<semaphore_mem>>)
      %dma_wait3A = arith.constant 0 : i32
      %dma_wait3A_33 = tpu.memref_slice %arg6[%arg0, %add3A_19, %dma_wait3A] : memref<2x10240x128xf32, #tpu.memory_space<hbm>> -> memref<1x128x128xf32, #tpu.memory_space<hbm>>
      %dma_wait3A_34 = tpu.memref_squeeze %dma_wait3A_33 : memref<1x128x128xf32, #tpu.memory_space<hbm>> -> memref<128x128xf32, #tpu.memory_space<hbm>>
      %dma_wait3A_35 = arith.constant 0 : i32
      %dma_wait3A_36 = tpu.memref_slice %arg6[%arg0, %add3A_19, %dma_wait3A_35] : memref<2x10240x128xf32, #tpu.memory_space<hbm>> -> memref<1x128x128xf32, #tpu.memory_space<hbm>>
      %dma_wait3A_37 = tpu.memref_squeeze %dma_wait3A_36 : memref<1x128x128xf32, #tpu.memory_space<hbm>> -> memref<128x128xf32, #tpu.memory_space<hbm>>
      tpu.wait_dma2 semaphore(%run_scoped3A : memref<!tpu.dma_semaphore, #tpu.memory_space<semaphore_mem>>) src(%arg9 : memref<128x128xf32, #tpu.memory_space<vmem>>) dst(%dma_wait3A_37 : memref<128x128xf32, #tpu.memory_space<hbm>>)
      tpu.yield
    }) : () -> ()
    %add3A_20 = arith.constant 128 : i32
    %add3A_21 = arith.addi %mul3A_2, %add3A_20 : i32
    "tpu.region"() ({
      %run_scoped3A = tpu.sem_alloc : memref<!tpu.dma_semaphore, #tpu.memory_space<semaphore_mem>>
      %dma_start3A = arith.constant 0 : i32
      %dma_start3A_28 = tpu.memref_slice %arg11[%add3A_21, %dma_start3A] : memref<10240x128xf32, #tpu.memory_space<vmem_shared>> -> memref<128x128xf32, #tpu.memory_space<vmem_shared>>
      %dma_start3A_29 = arith.constant 0 : i32
      %dma_start3A_30 = tpu.memref_slice %arg11[%add3A_21, %dma_start3A_29] : memref<10240x128xf32, #tpu.memory_space<vmem_shared>> -> memref<128x128xf32, #tpu.memory_space<vmem_shared>>
      tpu.enqueue_dma source(%dma_start3A_30 : memref<128x128xf32, #tpu.memory_space<vmem_shared>>) target(%arg9 : memref<128x128xf32, #tpu.memory_space<vmem>>) target_semaphore(%run_scoped3A : memref<!tpu.dma_semaphore, #tpu.memory_space<semaphore_mem>>)
      %dma_wait3A = arith.constant 0 : i32
      %dma_wait3A_31 = tpu.memref_slice %arg11[%add3A_21, %dma_wait3A] : memref<10240x128xf32, #tpu.memory_space<vmem_shared>> -> memref<128x128xf32, #tpu.memory_space<vmem_shared>>
      %dma_wait3A_32 = arith.constant 0 : i32
      %dma_wait3A_33 = tpu.memref_slice %arg11[%add3A_21, %dma_wait3A_32] : memref<10240x128xf32, #tpu.memory_space<vmem_shared>> -> memref<128x128xf32, #tpu.memory_space<vmem_shared>>
      tpu.wait_dma2 semaphore(%run_scoped3A : memref<!tpu.dma_semaphore, #tpu.memory_space<semaphore_mem>>) src(%dma_wait3A_33 : memref<128x128xf32, #tpu.memory_space<vmem_shared>>) dst(%arg9 : memref<128x128xf32, #tpu.memory_space<vmem>>)
      tpu.yield
    }) : () -> ()
    "tpu.region"() ({
      %run_scoped3A = tpu.sem_alloc : memref<!tpu.dma_semaphore, #tpu.memory_space<semaphore_mem>>
      %dma_start3A = arith.constant 0 : i32
      %dma_start3A_28 = tpu.memref_slice %arg6[%arg0, %add3A_21, %dma_start3A] : memref<2x10240x128xf32, #tpu.memory_space<hbm>> -> memref<1x128x128xf32, #tpu.memory_space<hbm>>
      %dma_start3A_29 = tpu.memref_squeeze %dma_start3A_28 : memref<1x128x128xf32, #tpu.memory_space<hbm>> -> memref<128x128xf32, #tpu.memory_space<hbm>>
      %dma_start3A_30 = arith.constant 0 : i32
      %dma_start3A_31 = tpu.memref_slice %arg6[%arg0, %add3A_21, %dma_start3A_30] : memref<2x10240x128xf32, #tpu.memory_space<hbm>> -> memref<1x128x128xf32, #tpu.memory_space<hbm>>
      %dma_start3A_32 = tpu.memref_squeeze %dma_start3A_31 : memref<1x128x128xf32, #tpu.memory_space<hbm>> -> memref<128x128xf32, #tpu.memory_space<hbm>>
      tpu.enqueue_dma source(%arg9 : memref<128x128xf32, #tpu.memory_space<vmem>>) target(%dma_start3A_32 : memref<128x128xf32, #tpu.memory_space<hbm>>) target_semaphore(%run_scoped3A : memref<!tpu.dma_semaphore, #tpu.memory_space<semaphore_mem>>)
      %dma_wait3A = arith.constant 0 : i32
      %dma_wait3A_33 = tpu.memref_slice %arg6[%arg0, %add3A_21, %dma_wait3A] : memref<2x10240x128xf32, #tpu.memory_space<hbm>> -> memref<1x128x128xf32, #tpu.memory_space<hbm>>
      %dma_wait3A_34 = tpu.memref_squeeze %dma_wait3A_33 : memref<1x128x128xf32, #tpu.memory_space<hbm>> -> memref<128x128xf32, #tpu.memory_space<hbm>>
      %dma_wait3A_35 = arith.constant 0 : i32
      %dma_wait3A_36 = tpu.memref_slice %arg6[%arg0, %add3A_21, %dma_wait3A_35] : memref<2x10240x128xf32, #tpu.memory_space<hbm>> -> memref<1x128x128xf32, #tpu.memory_space<hbm>>
      %dma_wait3A_37 = tpu.memref_squeeze %dma_wait3A_36 : memref<1x128x128xf32, #tpu.memory_space<hbm>> -> memref<128x128xf32, #tpu.memory_space<hbm>>
      tpu.wait_dma2 semaphore(%run_scoped3A : memref<!tpu.dma_semaphore, #tpu.memory_space<semaphore_mem>>) src(%arg9 : memref<128x128xf32, #tpu.memory_space<vmem>>) dst(%dma_wait3A_37 : memref<128x128xf32, #tpu.memory_space<hbm>>)
      tpu.yield
    }) : () -> ()
    %add3A_22 = arith.constant 256 : i32
    %add3A_23 = arith.addi %mul3A_2, %add3A_22 : i32
    "tpu.region"() ({
      %run_scoped3A = tpu.sem_alloc : memref<!tpu.dma_semaphore, #tpu.memory_space<semaphore_mem>>
      %dma_start3A = arith.constant 0 : i32
      %dma_start3A_28 = tpu.memref_slice %arg11[%add3A_23, %dma_start3A] : memref<10240x128xf32, #tpu.memory_space<vmem_shared>> -> memref<128x128xf32, #tpu.memory_space<vmem_shared>>
      %dma_start3A_29 = arith.constant 0 : i32
      %dma_start3A_30 = tpu.memref_slice %arg11[%add3A_23, %dma_start3A_29] : memref<10240x128xf32, #tpu.memory_space<vmem_shared>> -> memref<128x128xf32, #tpu.memory_space<vmem_shared>>
      tpu.enqueue_dma source(%dma_start3A_30 : memref<128x128xf32, #tpu.memory_space<vmem_shared>>) target(%arg9 : memref<128x128xf32, #tpu.memory_space<vmem>>) target_semaphore(%run_scoped3A : memref<!tpu.dma_semaphore, #tpu.memory_space<semaphore_mem>>)
      %dma_wait3A = arith.constant 0 : i32
      %dma_wait3A_31 = tpu.memref_slice %arg11[%add3A_23, %dma_wait3A] : memref<10240x128xf32, #tpu.memory_space<vmem_shared>> -> memref<128x128xf32, #tpu.memory_space<vmem_shared>>
      %dma_wait3A_32 = arith.constant 0 : i32
      %dma_wait3A_33 = tpu.memref_slice %arg11[%add3A_23, %dma_wait3A_32] : memref<10240x128xf32, #tpu.memory_space<vmem_shared>> -> memref<128x128xf32, #tpu.memory_space<vmem_shared>>
      tpu.wait_dma2 semaphore(%run_scoped3A : memref<!tpu.dma_semaphore, #tpu.memory_space<semaphore_mem>>) src(%dma_wait3A_33 : memref<128x128xf32, #tpu.memory_space<vmem_shared>>) dst(%arg9 : memref<128x128xf32, #tpu.memory_space<vmem>>)
      tpu.yield
    }) : () -> ()
    "tpu.region"() ({
      %run_scoped3A = tpu.sem_alloc : memref<!tpu.dma_semaphore, #tpu.memory_space<semaphore_mem>>
      %dma_start3A = arith.constant 0 : i32
      %dma_start3A_28 = tpu.memref_slice %arg6[%arg0, %add3A_23, %dma_start3A] : memref<2x10240x128xf32, #tpu.memory_space<hbm>> -> memref<1x128x128xf32, #tpu.memory_space<hbm>>
      %dma_start3A_29 = tpu.memref_squeeze %dma_start3A_28 : memref<1x128x128xf32, #tpu.memory_space<hbm>> -> memref<128x128xf32, #tpu.memory_space<hbm>>
      %dma_start3A_30 = arith.constant 0 : i32
      %dma_start3A_31 = tpu.memref_slice %arg6[%arg0, %add3A_23, %dma_start3A_30] : memref<2x10240x128xf32, #tpu.memory_space<hbm>> -> memref<1x128x128xf32, #tpu.memory_space<hbm>>
      %dma_start3A_32 = tpu.memref_squeeze %dma_start3A_31 : memref<1x128x128xf32, #tpu.memory_space<hbm>> -> memref<128x128xf32, #tpu.memory_space<hbm>>
      tpu.enqueue_dma source(%arg9 : memref<128x128xf32, #tpu.memory_space<vmem>>) target(%dma_start3A_32 : memref<128x128xf32, #tpu.memory_space<hbm>>) target_semaphore(%run_scoped3A : memref<!tpu.dma_semaphore, #tpu.memory_space<semaphore_mem>>)
      %dma_wait3A = arith.constant 0 : i32
      %dma_wait3A_33 = tpu.memref_slice %arg6[%arg0, %add3A_23, %dma_wait3A] : memref<2x10240x128xf32, #tpu.memory_space<hbm>> -> memref<1x128x128xf32, #tpu.memory_space<hbm>>
      %dma_wait3A_34 = tpu.memref_squeeze %dma_wait3A_33 : memref<1x128x128xf32, #tpu.memory_space<hbm>> -> memref<128x128xf32, #tpu.memory_space<hbm>>
      %dma_wait3A_35 = arith.constant 0 : i32
      %dma_wait3A_36 = tpu.memref_slice %arg6[%arg0, %add3A_23, %dma_wait3A_35] : memref<2x10240x128xf32, #tpu.memory_space<hbm>> -> memref<1x128x128xf32, #tpu.memory_space<hbm>>
      %dma_wait3A_37 = tpu.memref_squeeze %dma_wait3A_36 : memref<1x128x128xf32, #tpu.memory_space<hbm>> -> memref<128x128xf32, #tpu.memory_space<hbm>>
      tpu.wait_dma2 semaphore(%run_scoped3A : memref<!tpu.dma_semaphore, #tpu.memory_space<semaphore_mem>>) src(%arg9 : memref<128x128xf32, #tpu.memory_space<vmem>>) dst(%dma_wait3A_37 : memref<128x128xf32, #tpu.memory_space<hbm>>)
      tpu.yield
    }) : () -> ()
    %add3A_24 = arith.constant 384 : i32
    %add3A_25 = arith.addi %mul3A_2, %add3A_24 : i32
    "tpu.region"() ({
      %run_scoped3A = tpu.sem_alloc : memref<!tpu.dma_semaphore, #tpu.memory_space<semaphore_mem>>
      %dma_start3A = arith.constant 0 : i32
      %dma_start3A_28 = tpu.memref_slice %arg11[%add3A_25, %dma_start3A] : memref<10240x128xf32, #tpu.memory_space<vmem_shared>> -> memref<128x128xf32, #tpu.memory_space<vmem_shared>>
      %dma_start3A_29 = arith.constant 0 : i32
      %dma_start3A_30 = tpu.memref_slice %arg11[%add3A_25, %dma_start3A_29] : memref<10240x128xf32, #tpu.memory_space<vmem_shared>> -> memref<128x128xf32, #tpu.memory_space<vmem_shared>>
      tpu.enqueue_dma source(%dma_start3A_30 : memref<128x128xf32, #tpu.memory_space<vmem_shared>>) target(%arg9 : memref<128x128xf32, #tpu.memory_space<vmem>>) target_semaphore(%run_scoped3A : memref<!tpu.dma_semaphore, #tpu.memory_space<semaphore_mem>>)
      %dma_wait3A = arith.constant 0 : i32
      %dma_wait3A_31 = tpu.memref_slice %arg11[%add3A_25, %dma_wait3A] : memref<10240x128xf32, #tpu.memory_space<vmem_shared>> -> memref<128x128xf32, #tpu.memory_space<vmem_shared>>
      %dma_wait3A_32 = arith.constant 0 : i32
      %dma_wait3A_33 = tpu.memref_slice %arg11[%add3A_25, %dma_wait3A_32] : memref<10240x128xf32, #tpu.memory_space<vmem_shared>> -> memref<128x128xf32, #tpu.memory_space<vmem_shared>>
      tpu.wait_dma2 semaphore(%run_scoped3A : memref<!tpu.dma_semaphore, #tpu.memory_space<semaphore_mem>>) src(%dma_wait3A_33 : memref<128x128xf32, #tpu.memory_space<vmem_shared>>) dst(%arg9 : memref<128x128xf32, #tpu.memory_space<vmem>>)
      tpu.yield
    }) : () -> ()
    "tpu.region"() ({
      %run_scoped3A = tpu.sem_alloc : memref<!tpu.dma_semaphore, #tpu.memory_space<semaphore_mem>>
      %dma_start3A = arith.constant 0 : i32
      %dma_start3A_28 = tpu.memref_slice %arg6[%arg0, %add3A_25, %dma_start3A] : memref<2x10240x128xf32, #tpu.memory_space<hbm>> -> memref<1x128x128xf32, #tpu.memory_space<hbm>>
      %dma_start3A_29 = tpu.memref_squeeze %dma_start3A_28 : memref<1x128x128xf32, #tpu.memory_space<hbm>> -> memref<128x128xf32, #tpu.memory_space<hbm>>
      %dma_start3A_30 = arith.constant 0 : i32
      %dma_start3A_31 = tpu.memref_slice %arg6[%arg0, %add3A_25, %dma_start3A_30] : memref<2x10240x128xf32, #tpu.memory_space<hbm>> -> memref<1x128x128xf32, #tpu.memory_space<hbm>>
      %dma_start3A_32 = tpu.memref_squeeze %dma_start3A_31 : memref<1x128x128xf32, #tpu.memory_space<hbm>> -> memref<128x128xf32, #tpu.memory_space<hbm>>
      tpu.enqueue_dma source(%arg9 : memref<128x128xf32, #tpu.memory_space<vmem>>) target(%dma_start3A_32 : memref<128x128xf32, #tpu.memory_space<hbm>>) target_semaphore(%run_scoped3A : memref<!tpu.dma_semaphore, #tpu.memory_space<semaphore_mem>>)
      %dma_wait3A = arith.constant 0 : i32
      %dma_wait3A_33 = tpu.memref_slice %arg6[%arg0, %add3A_25, %dma_wait3A] : memref<2x10240x128xf32, #tpu.memory_space<hbm>> -> memref<1x128x128xf32, #tpu.memory_space<hbm>>
      %dma_wait3A_34 = tpu.memref_squeeze %dma_wait3A_33 : memref<1x128x128xf32, #tpu.memory_space<hbm>> -> memref<128x128xf32, #tpu.memory_space<hbm>>
      %dma_wait3A_35 = arith.constant 0 : i32
      %dma_wait3A_36 = tpu.memref_slice %arg6[%arg0, %add3A_25, %dma_wait3A_35] : memref<2x10240x128xf32, #tpu.memory_space<hbm>> -> memref<1x128x128xf32, #tpu.memory_space<hbm>>
      %dma_wait3A_37 = tpu.memref_squeeze %dma_wait3A_36 : memref<1x128x128xf32, #tpu.memory_space<hbm>> -> memref<128x128xf32, #tpu.memory_space<hbm>>
      tpu.wait_dma2 semaphore(%run_scoped3A : memref<!tpu.dma_semaphore, #tpu.memory_space<semaphore_mem>>) src(%arg9 : memref<128x128xf32, #tpu.memory_space<vmem>>) dst(%dma_wait3A_37 : memref<128x128xf32, #tpu.memory_space<hbm>>)
      tpu.yield
    }) : () -> ()
    %add3A_26 = arith.constant 512 : i32
    %add3A_27 = arith.addi %mul3A_2, %add3A_26 : i32
    "tpu.region"() ({
      %run_scoped3A = tpu.sem_alloc : memref<!tpu.dma_semaphore, #tpu.memory_space<semaphore_mem>>
      %dma_start3A = arith.constant 0 : i32
      %dma_start3A_28 = tpu.memref_slice %arg11[%add3A_27, %dma_start3A] : memref<10240x128xf32, #tpu.memory_space<vmem_shared>> -> memref<128x128xf32, #tpu.memory_space<vmem_shared>>
      %dma_start3A_29 = arith.constant 0 : i32
      %dma_start3A_30 = tpu.memref_slice %arg11[%add3A_27, %dma_start3A_29] : memref<10240x128xf32, #tpu.memory_space<vmem_shared>> -> memref<128x128xf32, #tpu.memory_space<vmem_shared>>
      tpu.enqueue_dma source(%dma_start3A_30 : memref<128x128xf32, #tpu.memory_space<vmem_shared>>) target(%arg9 : memref<128x128xf32, #tpu.memory_space<vmem>>) target_semaphore(%run_scoped3A : memref<!tpu.dma_semaphore, #tpu.memory_space<semaphore_mem>>)
      %dma_wait3A = arith.constant 0 : i32
      %dma_wait3A_31 = tpu.memref_slice %arg11[%add3A_27, %dma_wait3A] : memref<10240x128xf32, #tpu.memory_space<vmem_shared>> -> memref<128x128xf32, #tpu.memory_space<vmem_shared>>
      %dma_wait3A_32 = arith.constant 0 : i32
      %dma_wait3A_33 = tpu.memref_slice %arg11[%add3A_27, %dma_wait3A_32] : memref<10240x128xf32, #tpu.memory_space<vmem_shared>> -> memref<128x128xf32, #tpu.memory_space<vmem_shared>>
      tpu.wait_dma2 semaphore(%run_scoped3A : memref<!tpu.dma_semaphore, #tpu.memory_space<semaphore_mem>>) src(%dma_wait3A_33 : memref<128x128xf32, #tpu.memory_space<vmem_shared>>) dst(%arg9 : memref<128x128xf32, #tpu.memory_space<vmem>>)
      tpu.yield
    }) : () -> ()
    "tpu.region"() ({
      %run_scoped3A = tpu.sem_alloc : memref<!tpu.dma_semaphore, #tpu.memory_space<semaphore_mem>>
      %dma_start3A = arith.constant 0 : i32
      %dma_start3A_28 = tpu.memref_slice %arg6[%arg0, %add3A_27, %dma_start3A] : memref<2x10240x128xf32, #tpu.memory_space<hbm>> -> memref<1x128x128xf32, #tpu.memory_space<hbm>>
      %dma_start3A_29 = tpu.memref_squeeze %dma_start3A_28 : memref<1x128x128xf32, #tpu.memory_space<hbm>> -> memref<128x128xf32, #tpu.memory_space<hbm>>
      %dma_start3A_30 = arith.constant 0 : i32
      %dma_start3A_31 = tpu.memref_slice %arg6[%arg0, %add3A_27, %dma_start3A_30] : memref<2x10240x128xf32, #tpu.memory_space<hbm>> -> memref<1x128x128xf32, #tpu.memory_space<hbm>>
      %dma_start3A_32 = tpu.memref_squeeze %dma_start3A_31 : memref<1x128x128xf32, #tpu.memory_space<hbm>> -> memref<128x128xf32, #tpu.memory_space<hbm>>
      tpu.enqueue_dma source(%arg9 : memref<128x128xf32, #tpu.memory_space<vmem>>) target(%dma_start3A_32 : memref<128x128xf32, #tpu.memory_space<hbm>>) target_semaphore(%run_scoped3A : memref<!tpu.dma_semaphore, #tpu.memory_space<semaphore_mem>>)
      %dma_wait3A = arith.constant 0 : i32
      %dma_wait3A_33 = tpu.memref_slice %arg6[%arg0, %add3A_27, %dma_wait3A] : memref<2x10240x128xf32, #tpu.memory_space<hbm>> -> memref<1x128x128xf32, #tpu.memory_space<hbm>>
      %dma_wait3A_34 = tpu.memref_squeeze %dma_wait3A_33 : memref<1x128x128xf32, #tpu.memory_space<hbm>> -> memref<128x128xf32, #tpu.memory_space<hbm>>
      %dma_wait3A_35 = arith.constant 0 : i32
      %dma_wait3A_36 = tpu.memref_slice %arg6[%arg0, %add3A_27, %dma_wait3A_35] : memref<2x10240x128xf32, #tpu.memory_space<hbm>> -> memref<1x128x128xf32, #tpu.memory_space<hbm>>
      %dma_wait3A_37 = tpu.memref_squeeze %dma_wait3A_36 : memref<1x128x128xf32, #tpu.memory_space<hbm>> -> memref<128x128xf32, #tpu.memory_space<hbm>>
      tpu.wait_dma2 semaphore(%run_scoped3A : memref<!tpu.dma_semaphore, #tpu.memory_space<semaphore_mem>>) src(%arg9 : memref<128x128xf32, #tpu.memory_space<vmem>>) dst(%dma_wait3A_37 : memref<128x128xf32, #tpu.memory_space<hbm>>)
      tpu.yield
    }) : () -> ()
    return
  }
}

module attributes {stable_mosaic.version = 14 : i64} {
  func.func @kfn(%arg0: i32, %arg1: memref<400x128xf32, #tpu.memory_space<vmem>>, %arg2: memref<2x400x128xf32, #tpu.memory_space<vmem>>, %arg3: memref<2x400x128xf32, #tpu.memory_space<vmem>>, %arg4: memref<128x128xf32, #tpu.memory_space<vmem>>, %arg5: memref<128x128xf32, #tpu.memory_space<vmem>>, %arg6: memref<1x128xf32, #tpu.memory_space<vmem>>, %arg7: memref<400x128xf32, #tpu.memory_space<vmem>>) attributes {dimension_semantics = [#tpu.dimension_semantics<arbitrary>], iteration_bounds = array<i64: 25>, scalar_prefetch = 0 : i64, scratch_operands = 0 : i64, tpu.core_type = #tpu.core_type<tc>, window_params = [{transform_indices = @transform_0, window_bounds = array<i64: 400, 128>}, {transform_indices = @transform_1, window_bounds = array<i64: 2, 400, 128>}, {transform_indices = @transform_2, window_bounds = array<i64: 2, 400, 128>}, {pipeline_mode = #tpu.pipeline_mode<synchronous>, transform_indices = @transform_3, window_bounds = array<i64: 128, 128>}, {pipeline_mode = #tpu.pipeline_mode<synchronous>, transform_indices = @transform_4, window_bounds = array<i64: 128, 128>}, {pipeline_mode = #tpu.pipeline_mode<synchronous>, transform_indices = @transform_5, window_bounds = array<i64: 1, 128>}, {transform_indices = @transform_6, window_bounds = array<i64: 400, 128>}]} {
    %get3A = arith.constant 0 : index
    %get3A_0 = arith.constant 0 : index
    %get3A_1 = arith.constant 0 : index
    %get3A_2 = vector.load %arg2[%get3A, %get3A_0, %get3A_1] : memref<2x400x128xf32, #tpu.memory_space<vmem>>, vector<2x400x128xf32>
    %get3A_3 = arith.constant 0 : index
    %get3A_4 = arith.constant 0 : index
    %get3A_5 = arith.constant 0 : index
    %get3A_6 = vector.load %arg3[%get3A_3, %get3A_4, %get3A_5] : memref<2x400x128xf32, #tpu.memory_space<vmem>>, vector<2x400x128xf32>
    %slice3A = vector.extract_strided_slice %get3A_6 {offsets = [0, 0, 0], sizes = [1, 400, 1], strides = [1, 1, 1]} : vector<2x400x128xf32> to vector<1x400x1xf32>
    %squeeze3A = vector.shape_cast %slice3A : vector<1x400x1xf32> to vector<400x1xf32>
    %slice3A_7 = vector.extract_strided_slice %get3A_6 {offsets = [1, 0, 0], sizes = [1, 400, 1], strides = [1, 1, 1]} : vector<2x400x128xf32> to vector<1x400x1xf32>
    %squeeze3A_8 = vector.shape_cast %slice3A_7 : vector<1x400x1xf32> to vector<400x1xf32>
    %add3A = arith.addf %squeeze3A, %squeeze3A_8 : vector<400x1xf32>
    %max3A = arith.constant 1.000000e+00 : f32
    %max3A_9 = vector.broadcast %max3A : f32 to vector<400x1xf32>
    %max3A_10 = arith.maximumf %add3A, %max3A_9 : vector<400x1xf32>
    %div3A = arith.constant 1.000000e+00 : f32
    %div3A_11 = vector.broadcast %div3A : f32 to vector<400x1xf32>
    %div3A_12 = arith.divf %div3A_11, %max3A_10 : vector<400x1xf32>
    %slice3A_13 = vector.extract_strided_slice %get3A_2 {offsets = [0, 0, 0], sizes = [1, 400, 128], strides = [1, 1, 1]} : vector<2x400x128xf32> to vector<1x400x128xf32>
    %squeeze3A_14 = vector.shape_cast %slice3A_13 : vector<1x400x128xf32> to vector<400x128xf32>
    %slice3A_15 = vector.extract_strided_slice %get3A_2 {offsets = [1, 0, 0], sizes = [1, 400, 128], strides = [1, 1, 1]} : vector<2x400x128xf32> to vector<1x400x128xf32>
    %squeeze3A_16 = vector.shape_cast %slice3A_15 : vector<1x400x128xf32> to vector<400x128xf32>
    %add3A_17 = arith.addf %squeeze3A_14, %squeeze3A_16 : vector<400x128xf32>
    %mul3A = vector.broadcast %div3A_12 : vector<400x1xf32> to vector<400x128xf32>
    %mul3A_18 = arith.mulf %add3A_17, %mul3A : vector<400x128xf32>
    %get3A_19 = arith.constant 0 : index
    %get3A_20 = arith.constant 0 : index
    %get3A_21 = vector.load %arg1[%get3A_19, %get3A_20] : memref<400x128xf32, #tpu.memory_space<vmem>>, vector<400x128xf32>
    %get3A_22 = arith.constant 0 : index
    %get3A_23 = arith.constant 0 : index
    %get3A_24 = vector.load %arg4[%get3A_22, %get3A_23] : memref<128x128xf32, #tpu.memory_space<vmem>>, vector<128x128xf32>
    %dot_general3A = arith.constant dense<0.000000e+00> : vector<400x128xf32>
    %dot_general3A_25 = tpu.matmul %get3A_21, %get3A_24, %dot_general3A {dimension_numbers = #tpu.dot_dimension_numbers<[1], [0], [0], [1], [0, 0, 1, 1], [], []>, transpose_lhs_hint = false} : vector<400x128xf32>, vector<128x128xf32>, vector<400x128xf32> -> vector<400x128xf32>
    %get3A_26 = arith.constant 0 : index
    %get3A_27 = arith.constant 0 : index
    %get3A_28 = vector.load %arg5[%get3A_26, %get3A_27] : memref<128x128xf32, #tpu.memory_space<vmem>>, vector<128x128xf32>
    %dot_general3A_29 = arith.constant dense<0.000000e+00> : vector<400x128xf32>
    %dot_general3A_30 = tpu.matmul %mul3A_18, %get3A_28, %dot_general3A_29 {dimension_numbers = #tpu.dot_dimension_numbers<[1], [0], [0], [1], [0, 0, 1, 1], [], []>, transpose_lhs_hint = false} : vector<400x128xf32>, vector<128x128xf32>, vector<400x128xf32> -> vector<400x128xf32>
    %add3A_31 = arith.addf %dot_general3A_25, %dot_general3A_30 : vector<400x128xf32>
    %get3A_32 = arith.constant 0 : index
    %get3A_33 = arith.constant 0 : index
    %get3A_34 = vector.load %arg6[%get3A_32, %get3A_33] : memref<1x128xf32, #tpu.memory_space<vmem>>, vector<1x128xf32>
    %add3A_35 = vector.broadcast %get3A_34 : vector<1x128xf32> to vector<400x128xf32>
    %add3A_36 = arith.addf %add3A_31, %add3A_35 : vector<400x128xf32>
    %max3A_37 = arith.constant 0.000000e+00 : f32
    %max3A_38 = vector.broadcast %max3A_37 : f32 to vector<400x128xf32>
    %max3A_39 = arith.maximumf %add3A_36, %max3A_38 : vector<400x128xf32>
    %swap3A = arith.constant 0 : index
    %swap3A_40 = arith.constant 0 : index
    %swap3A_41 = vector.load %arg7[%swap3A, %swap3A_40] : memref<400x128xf32, #tpu.memory_space<vmem>>, vector<400x128xf32>
    tpu.vector_store %arg7[%swap3A, %swap3A_40], %max3A_39 {strides = array<i32>} : memref<400x128xf32, #tpu.memory_space<vmem>>, vector<400x128xf32>,
    return
  }
  func.func @transform_0(%arg0: i32) -> (i32, i32) {
    %c0_i32 = arith.constant 0 : i32
    %c0_i32_0 = arith.constant 0 : i32
    return %arg0, %c0_i32 : i32, i32
  }
  func.func @transform_1(%arg0: i32) -> (i32, i32, i32) {
    %c0_i32 = arith.constant 0 : i32
    %c0_i32_0 = arith.constant 0 : i32
    %c0_i32_1 = arith.constant 0 : i32
    return %c0_i32, %arg0, %c0_i32_0 : i32, i32, i32
  }
  func.func @transform_2(%arg0: i32) -> (i32, i32, i32) {
    %c0_i32 = arith.constant 0 : i32
    %c0_i32_0 = arith.constant 0 : i32
    %c0_i32_1 = arith.constant 0 : i32
    return %c0_i32, %arg0, %c0_i32_0 : i32, i32, i32
  }
  func.func @transform_3(%arg0: i32) -> (i32, i32) {
    %c0_i32 = arith.constant 0 : i32
    %c0_i32_0 = arith.constant 0 : i32
    %c0_i32_1 = arith.constant 0 : i32
    return %c0_i32, %c0_i32_0 : i32, i32
  }
  func.func @transform_4(%arg0: i32) -> (i32, i32) {
    %c0_i32 = arith.constant 0 : i32
    %c0_i32_0 = arith.constant 0 : i32
    %c0_i32_1 = arith.constant 0 : i32
    return %c0_i32, %c0_i32_0 : i32, i32
  }
  func.func @transform_5(%arg0: i32) -> (i32, i32) {
    %c0_i32 = arith.constant 0 : i32
    %c0_i32_0 = arith.constant 0 : i32
    %c0_i32_1 = arith.constant 0 : i32
    return %c0_i32, %c0_i32_0 : i32, i32
  }
  func.func @transform_6(%arg0: i32) -> (i32, i32) {
    %c0_i32 = arith.constant 0 : i32
    %c0_i32_0 = arith.constant 0 : i32
    return %arg0, %c0_i32 : i32, i32
  }
}

module attributes {stable_mosaic.version = 14 : i64} {
  func.func @kfn(%arg0: i32, %arg1: memref<400x128xf32, #tpu.memory_space<vmem>>, %arg2: memref<2x400x128xf32, #tpu.memory_space<vmem>>, %arg3: memref<2x400x128xf32, #tpu.memory_space<vmem>>, %arg4: memref<128x16xf32, #tpu.memory_space<vmem>>, %arg5: memref<128x16xf32, #tpu.memory_space<vmem>>, %arg6: memref<1x16xf32, #tpu.memory_space<vmem>>, %arg7: memref<400x16xf32, #tpu.memory_space<vmem>>) attributes {dimension_semantics = [#tpu.dimension_semantics<arbitrary>], iteration_bounds = array<i64: 25>, scalar_prefetch = 0 : i64, scratch_operands = 0 : i64, tpu.core_type = #tpu.core_type<tc>, window_params = [{transform_indices = @transform_0, window_bounds = array<i64: 400, 128>}, {transform_indices = @transform_1, window_bounds = array<i64: 2, 400, 128>}, {transform_indices = @transform_2, window_bounds = array<i64: 2, 400, 128>}, {pipeline_mode = #tpu.pipeline_mode<synchronous>, transform_indices = @transform_3, window_bounds = array<i64: 128, 16>}, {pipeline_mode = #tpu.pipeline_mode<synchronous>, transform_indices = @transform_4, window_bounds = array<i64: 128, 16>}, {pipeline_mode = #tpu.pipeline_mode<synchronous>, transform_indices = @transform_5, window_bounds = array<i64: 1, 16>}, {transform_indices = @transform_6, window_bounds = array<i64: 400, 16>}]} {
    %get3A = arith.constant 0 : index
    %get3A_0 = arith.constant 0 : index
    %get3A_1 = arith.constant 0 : index
    %get3A_2 = vector.load %arg2[%get3A, %get3A_0, %get3A_1] : memref<2x400x128xf32, #tpu.memory_space<vmem>>, vector<2x400x128xf32>
    %get3A_3 = arith.constant 0 : index
    %get3A_4 = arith.constant 0 : index
    %get3A_5 = arith.constant 0 : index
    %get3A_6 = vector.load %arg3[%get3A_3, %get3A_4, %get3A_5] : memref<2x400x128xf32, #tpu.memory_space<vmem>>, vector<2x400x128xf32>
    %slice3A = vector.extract_strided_slice %get3A_6 {offsets = [0, 0, 0], sizes = [1, 400, 1], strides = [1, 1, 1]} : vector<2x400x128xf32> to vector<1x400x1xf32>
    %squeeze3A = vector.shape_cast %slice3A : vector<1x400x1xf32> to vector<400x1xf32>
    %slice3A_7 = vector.extract_strided_slice %get3A_6 {offsets = [1, 0, 0], sizes = [1, 400, 1], strides = [1, 1, 1]} : vector<2x400x128xf32> to vector<1x400x1xf32>
    %squeeze3A_8 = vector.shape_cast %slice3A_7 : vector<1x400x1xf32> to vector<400x1xf32>
    %add3A = arith.addf %squeeze3A, %squeeze3A_8 : vector<400x1xf32>
    %max3A = arith.constant 1.000000e+00 : f32
    %max3A_9 = vector.broadcast %max3A : f32 to vector<400x1xf32>
    %max3A_10 = arith.maximumf %add3A, %max3A_9 : vector<400x1xf32>
    %div3A = arith.constant 1.000000e+00 : f32
    %div3A_11 = vector.broadcast %div3A : f32 to vector<400x1xf32>
    %div3A_12 = arith.divf %div3A_11, %max3A_10 : vector<400x1xf32>
    %slice3A_13 = vector.extract_strided_slice %get3A_2 {offsets = [0, 0, 0], sizes = [1, 400, 128], strides = [1, 1, 1]} : vector<2x400x128xf32> to vector<1x400x128xf32>
    %squeeze3A_14 = vector.shape_cast %slice3A_13 : vector<1x400x128xf32> to vector<400x128xf32>
    %slice3A_15 = vector.extract_strided_slice %get3A_2 {offsets = [1, 0, 0], sizes = [1, 400, 128], strides = [1, 1, 1]} : vector<2x400x128xf32> to vector<1x400x128xf32>
    %squeeze3A_16 = vector.shape_cast %slice3A_15 : vector<1x400x128xf32> to vector<400x128xf32>
    %add3A_17 = arith.addf %squeeze3A_14, %squeeze3A_16 : vector<400x128xf32>
    %mul3A = vector.broadcast %div3A_12 : vector<400x1xf32> to vector<400x128xf32>
    %mul3A_18 = arith.mulf %add3A_17, %mul3A : vector<400x128xf32>
    %get3A_19 = arith.constant 0 : index
    %get3A_20 = arith.constant 0 : index
    %get3A_21 = vector.load %arg1[%get3A_19, %get3A_20] : memref<400x128xf32, #tpu.memory_space<vmem>>, vector<400x128xf32>
    %get3A_22 = arith.constant 0 : index
    %get3A_23 = arith.constant 0 : index
    %get3A_24 = vector.load %arg4[%get3A_22, %get3A_23] : memref<128x16xf32, #tpu.memory_space<vmem>>, vector<128x16xf32>
    %dot_general3A = arith.constant dense<0.000000e+00> : vector<400x16xf32>
    %dot_general3A_25 = tpu.matmul %get3A_21, %get3A_24, %dot_general3A {dimension_numbers = #tpu.dot_dimension_numbers<[1], [0], [0], [1], [0, 0, 1, 1], [], []>, transpose_lhs_hint = false} : vector<400x128xf32>, vector<128x16xf32>, vector<400x16xf32> -> vector<400x16xf32>
    %get3A_26 = arith.constant 0 : index
    %get3A_27 = arith.constant 0 : index
    %get3A_28 = vector.load %arg5[%get3A_26, %get3A_27] : memref<128x16xf32, #tpu.memory_space<vmem>>, vector<128x16xf32>
    %dot_general3A_29 = arith.constant dense<0.000000e+00> : vector<400x16xf32>
    %dot_general3A_30 = tpu.matmul %mul3A_18, %get3A_28, %dot_general3A_29 {dimension_numbers = #tpu.dot_dimension_numbers<[1], [0], [0], [1], [0, 0, 1, 1], [], []>, transpose_lhs_hint = false} : vector<400x128xf32>, vector<128x16xf32>, vector<400x16xf32> -> vector<400x16xf32>
    %add3A_31 = arith.addf %dot_general3A_25, %dot_general3A_30 : vector<400x16xf32>
    %get3A_32 = arith.constant 0 : index
    %get3A_33 = arith.constant 0 : index
    %get3A_34 = vector.load %arg6[%get3A_32, %get3A_33] : memref<1x16xf32, #tpu.memory_space<vmem>>, vector<1x16xf32>
    %add3A_35 = vector.broadcast %get3A_34 : vector<1x16xf32> to vector<400x16xf32>
    %add3A_36 = arith.addf %add3A_31, %add3A_35 : vector<400x16xf32>
    %swap3A = arith.constant 0 : index
    %swap3A_37 = arith.constant 0 : index
    %swap3A_38 = vector.load %arg7[%swap3A, %swap3A_37] : memref<400x16xf32, #tpu.memory_space<vmem>>, vector<400x16xf32>
    tpu.vector_store %arg7[%swap3A, %swap3A_37], %add3A_36 {strides = array<i32>} : memref<400x16xf32, #tpu.memory_space<vmem>>, vector<400x16xf32>,
    return
  }
  func.func @transform_0(%arg0: i32) -> (i32, i32) {
    %c0_i32 = arith.constant 0 : i32
    %c0_i32_0 = arith.constant 0 : i32
    return %arg0, %c0_i32 : i32, i32
  }
  func.func @transform_1(%arg0: i32) -> (i32, i32, i32) {
    %c0_i32 = arith.constant 0 : i32
    %c0_i32_0 = arith.constant 0 : i32
    %c0_i32_1 = arith.constant 0 : i32
    return %c0_i32, %arg0, %c0_i32_0 : i32, i32, i32
  }
  func.func @transform_2(%arg0: i32) -> (i32, i32, i32) {
    %c0_i32 = arith.constant 0 : i32
    %c0_i32_0 = arith.constant 0 : i32
    %c0_i32_1 = arith.constant 0 : i32
    return %c0_i32, %arg0, %c0_i32_0 : i32, i32, i32
  }
  func.func @transform_3(%arg0: i32) -> (i32, i32) {
    %c0_i32 = arith.constant 0 : i32
    %c0_i32_0 = arith.constant 0 : i32
    %c0_i32_1 = arith.constant 0 : i32
    return %c0_i32, %c0_i32_0 : i32, i32
  }
  func.func @transform_4(%arg0: i32) -> (i32, i32) {
    %c0_i32 = arith.constant 0 : i32
    %c0_i32_0 = arith.constant 0 : i32
    %c0_i32_1 = arith.constant 0 : i32
    return %c0_i32, %c0_i32_0 : i32, i32
  }
  func.func @transform_5(%arg0: i32) -> (i32, i32) {
    %c0_i32 = arith.constant 0 : i32
    %c0_i32_0 = arith.constant 0 : i32
    %c0_i32_1 = arith.constant 0 : i32
    return %c0_i32, %c0_i32_0 : i32, i32
  }
  func.func @transform_6(%arg0: i32) -> (i32, i32) {
    %c0_i32 = arith.constant 0 : i32
    %c0_i32_0 = arith.constant 0 : i32
    return %arg0, %c0_i32 : i32, i32
  }
}

</mosaic_0001>

<sc_bundles>
// kernel: kernel.12.cloned.1.call-start
scs
__scs_entry_jumppad:
0x0: {  	(pc) =	sbr.rel $0x88, $3  }
0x1: {  	(tag) =	ssettag $0x0;
	lr =	simm.s32 $0x1  }
0x2: {  	[smem:$0x3F96] =	sst lr;
	_ =	strace $0xD0000000  }
0x3: {  	_ = 	snop  }
0x4: {  	_ = 	snop  }
0x5: {  	_ = 	snop  }
0x6: {  	_ = 	snop  }
0x7: {  	_ = 	snop  }
__scs_overlays_trampoline_lowered:
0x8: {  	[smem:$0x3FA5] =	sst s0  }
0x9: {  	[smem:$0x3FA6] =	sst s1  }
0xa: {  	[smem:$0x3FA7] =	sst s2  }
0xb: {  	[smem:$0x3FA8] =	sst s3  }
0xc: {  	[smem:$0x3FA9] =	sst s4  }
0xd: {  	[smem:$0x3FAA] =	sst s5  }
0xe: {  	[smem:$0x3FAB] =	sst s6  }
0xf: {  	[smem:$0x3FAC] =	sst s7  }
0x10: {  	[smem:$0x3FAD] =	sst s8  }
0x11: {  	[smem:$0x3FAE] =	sst s9;
	s0 =	simm.s32 @!p0 $0x0  }
0x12: {  	s1 =	sld [smem:$0x3F94];
	s0 =	simm.s32 @p0 $0x1  }
0x13: {  	[smem:$0x3FAF] =	sst s0;
	s0 =	simm.s32 @!p1 $0x0  }
0x14: {  	s2 =	sld [smem:$0x3F93];
	s0 =	simm.s32 @p1 $0x1  }
0x15: {  	[smem:$0x3FB0] =	sst s0;
	s0 =	simm.s32 @!p2 $0x0  }
0x16: {  	s3 =	sld [smem:$0x3FDB];
	s0 =	simm.s32 @p2 $0x1  }
0x17: {  	s4 =	simm.s32 $0x1BF5;
	[smem:$0x3FB2] =	sst s0  }
0x18: {  	s0 =	sld [smem:$0x3F95];
	_ =	swait.ge [sflag:s4], $0x0  }
0x19: {  	s7 =	sld [smem:$0x3F96]  }
0x1a: {  	s8 =	sadd.s32 $0xFFFFE003, lr  }
0x1b: {  	s9 =	sadd.s32 $0xFFFFFEF7, lr;
	s5 =	simm.s32 $0xFFFFFFFF;
	p2 =	slt.u32 s8, $0xFFFFF086  }
0x1c: {  	p1 =	slt.u32 s9, $0xF7A;
	s5 =	simm.s32 @!p2 $0x0  }
0x1d: {  	s5 =	simm.s32 @p1 $0x1;
	p0 =	seq.s32 s7, s2  }
0x1e: {  	s7 =	smul.u32 @!p0 $0xF7A, s2;
	p2 =	seq.s32 @!p0 s5, $0x0  }
0x1f: {  	s9 =	smul.u32 $0xF7A, s1;
	s8 =	simm.s32 @!p0 $0x1BF5;
	p2 =	por !p2, p0  }
0x20: {  	[sflag:s8] =	ssyncset.s32 @!p0 $0xFFFFF086;
	s6 =	sadd.s32 @!p0 s3, s7;
	s7 =	simm.s32 @!p0 $0x108  }
0x21: {  	s3 =	sadd.s32 s3, s9;
	s6 =	sadd.s32 @!p0 $0x88, s6;
	s7 =	simm.s32 @p2 $0x1082  }
0x22: {  	[simem:s7], [sflag:s8] =	dma.local @!p0 [hbm:s6], $0xF7A  }
0x23: {  	s9 =	sor.u32 $0xD0000000, s2;
	s6 =	simm.s32 $0x108;
	_ =	swait.ge @!p0 [sflag:s8], $0x0  }
0x24: {  	s3 =	sadd.s32 $0x88, s3;
	s6 =	simm.s32 @!p1 $0x1082;
	[sflag:s4] =	ssyncset.s32 $0xFFFFF086  }
0x25: {  	[simem:s6], [sflag:s4] =	dma.local [hbm:s3], $0xF7A  }
0x26: {  	[smem:$0x3F96] =	sst s1;
	(tag) =	ssettag s2;
	_ =	strace s9  }
0x27: {  	s1 =	sld [smem:$0x3FA6]  }
0x28: {  	s2 =	sld [smem:$0x3FA7]  }
0x29: {  	s4 =	sld [smem:$0x3FA9]  }
0x2a: {  	p0 =	seq.s32 s5, $0x0;
	s5 =	sld [smem:$0x3FAA]  }
0x2b: {  	s6 =	sld [smem:$0x3FAB]  }
0x2c: {  	s7 =	sld [smem:$0x3FAC]  }
0x2d: {  	s3 =	simm.s32 $0x108;
	s8 =	sld [smem:$0x3FAD]  }
0x2e: {  	s3 =	simm.s32 @!p0 $0x1082;
	s9 =	sld [smem:$0x3FAE]  }
0x2f: {  	lr =	sadd.s32 s0, s3;
	s0 =	sld [smem:$0x3FA5]  }
0x30: {  	s3 =	sld [smem:$0x3FA8]  }
0x31: {  	[smem:$0x3FB1] =	sst s10  }
0x32: {  	s10 =	sld [smem:$0x3FAF];
	_ =	sdelay $0x3  }
0x33: {  	p0 =	seq.s32 s10, $0x1;
	s10 =	sld [smem:$0x3FB1];
	_ =	sdelay $0x3  }
0x34: {  	[smem:$0x3FB1] =	sst s10  }
0x35: {  	s10 =	sld [smem:$0x3FB0];
	_ =	sdelay $0x3  }
0x36: {  	p1 =	seq.s32 s10, $0x1;
	s10 =	sld [smem:$0x3FB1];
	_ =	sdelay $0x3  }
0x37: {  	[smem:$0x3FB1] =	sst s10  }
0x38: {  	s10 =	sld [smem:$0x3FB2]  }
0x39: {  	_ = 	snop;
	(pc) =	sbr.ind lr, $3  }
0x3a: {  	_ = 	snop  }
0x3b: {  	_ = 	snop  }
0x3c: {  	p2 =	seq.s32 s10, $0x1;
	s10 =	sld [smem:$0x3FB1]  }
0x3d: {  	_ =	shalt  }
0x3e: {  	_ =	shalt  }
0x3f: {  	_ =	shalt  }
0x40: {  	_ =	shalt  }
0x41: {  	_ =	shalt  }
0x42: {  	_ =	shalt  }
0x43: {  	_ =	shalt  }
0x44: {  	_ =	shalt  }
0x45: {  	_ =	shalt  }
0x46: {  	_ =	shalt  }
0x47: {  	_ =	shalt  }
0x48: {  	_ =	shalt  }
0x49: {  	_ =	shalt  }
0x4a: {  	_ =	shalt  }
0x4b: {  	_ =	shalt  }
0x4c: {  	_ =	shalt  }
0x4d: {  	_ =	shalt  }
0x4e: {  	_ =	shalt  }
0x4f: {  	_ =	shalt  }
0x50: {  	_ =	shalt  }
0x51: {  	_ =	shalt  }
0x52: {  	_ =	shalt  }
0x53: {  	_ =	shalt  }
0x54: {  	_ =	shalt  }
0x55: {  	_ =	shalt  }
0x56: {  	_ =	shalt  }
0x57: {  	_ =	shalt  }
0x58: {  	_ =	shalt  }
0x59: {  	_ =	shalt  }
0x5a: {  	_ =	shalt  }
0x5b: {  	_ =	shalt  }
0x5c: {  	_ =	shalt  }
0x5d: {  	_ =	shalt  }
0x5e: {  	_ =	shalt  }
0x5f: {  	_ =	shalt  }
0x60: {  	_ =	shalt  }
0x61: {  	_ =	shalt  }
0x62: {  	_ =	shalt  }
0x63: {  	_ =	shalt  }
0x64: {  	_ =	shalt  }
0x65: {  	_ =	shalt  }
0x66: {  	_ =	shalt  }
0x67: {  	_ =	shalt  }
0x68: {  	_ =	shalt  }
0x69: {  	_ =	shalt  }
0x6a: {  	_ =	shalt  }
0x6b: {  	_ =	shalt  }
0x6c: {  	_ =	shalt  }
0x6d: {  	_ =	shalt  }
0x6e: {  	_ =	shalt  }
0x6f: {  	_ =	shalt  }
0x70: {  	_ =	shalt  }
0x71: {  	_ =	shalt  }
0x72: {  	_ =	shalt  }
0x73: {  	_ =	shalt  }
0x74: {  	_ =	shalt  }
0x75: {  	_ =	shalt  }
0x76: {  	_ =	shalt  }
0x77: {  	_ =	shalt  }
0x78: {  	_ =	shalt  }
0x79: {  	_ =	shalt  }
0x7a: {  	_ =	shalt  }
0x7b: {  	_ =	shalt  }
0x7c: {  	_ =	shalt  }
0x7d: {  	_ =	shalt  }
0x7e: {  	_ =	shalt  }
0x7f: {  	_ =	shalt  }
0x80: {  	_ =	shalt  }
0x81: {  	_ =	shalt  }
0x82: {  	_ =	shalt  }
0x83: {  	_ =	shalt  }
0x84: {  	_ =	shalt  }
0x85: {  	_ =	shalt  }
0x86: {  	_ =	shalt  }
0x87: {  	_ =	shalt  }
.Lfunc_end0:
.L_simem_size_0:
called_computation.1_lowered:
.L_overlay_start_0:
0x88: {  	s2 =	sld [smem:$0x3FD9]  }
0x89: {  	s3 =	sld [smem:$0x3FFE];
	_ =	sdelay $0x1  }
0x8a: {  	s1 =	srdreg.scid  }
0x8b: {  	s0 =	sand.u32 $0x1, s1  }
0x8c: {  	s16 =	sshll.u32 s0, $0xA;
	s2 =	sadd.s32 s3, s2  }
0x8d: {  	s2 =	sadd.s32 s2, s16  }
0x8e: {  	[smem:$0x3FBD] =	sst s2  }
0x8f: {  	_ = 	snop  }
0x90: {  	(tm) =	ssettm $0x1  }
0x91: {  	s17 =	sld [smem:$0x3FFB];
	_ =	sdelay $0x3  }
0x92: {  	_ =	strace s17  }
0x93: {  	s2 =	sld [smem:$0x3FFC];
	_ =	sdelay $0x3  }
0x94: {  	_ =	strace s2  }
0x95: {  	s2 =	sld [smem:$0x3FFD];
	_ =	sdelay $0x3  }
0x96: {  	_ =	strace s2  }
0x97: {  	_ =	strace $0x8FFFFFFF  }
0x98: {  	s18 =	sld [smem:$0x3FDB];
	_ =	sdelay $0x1  }
0x99: {  	s19 =	simm.s32 $_scs_section_size  }
0x9a: {  	s4 =	simm.s32 $_size__tile_overlayer_lowered;
	s5 =	simm.s32 $_tile_overlayer_lowered  }
0x9b: {  	s22 =	simm.s32 $0x1BFF;
	s21 =	sshll.u32 s5, $0x1;
	s2 =	sadd.s32 s19, s18  }
0x9c: {  	s6 =	simm.s32 $0x0;
	s20 =	sshll.u32 s4, $0x1;
	s4 =	sadd.s32 s21, s2  }
0x9d: {  	[timem:s6], [sflag:s22] =	dma.local [hbm:s4], s20  }
0x9e: {  	_ =	swait.ge [sflag:s22], s20  }
0x9f: {  	s3 =	ssub.s32 $0x0, s20;
	[sflag:s22] =	ssyncset.done $0x0  }
0xa0: {  	[sflag:s22] =	ssyncadd.s32 s3;
	_ =	sdelay $0x1  }
0xa1: {  	s23 =	simm.s32 $0x1B8B  }
0xa2: {  	_ =	swait.ge [sflag:s23], $0x1  }
0xa3: {  	[sflag:s23] =	ssyncset.done $0x0  }
0xa4: {  	s25 =	simm.s32 $0x1B8E;
	s24 =	sld [smem:$0x3FFE];
	[sflag:s23] =	ssyncadd.s32 $0xFFFFFFFF  }
0xa5: {  	s26 =	simm.s32 $execute0_lowered;
	[smem:$0x3FD2] =	sst s25  }
0xa6: {  	s4 =	sshll.u32 s26, $0x1;
	_ =	strace $0x80000046;
	[dreg:$0x1] =	wrdreg $0xFFFFFFFF  }
0xa7: {  	s28 =	simm.s32 $_size_execute0_lowered;
	s2 =	sadd.s32 s2, s4;
	[dreg:$0x0] =	wrdreg $0x0  }
0xa8: {  	s4 =	sshll.u32 s28, $0x1;
	[dreg:$0x2] =	wrdreg s2  }
0xa9: {  	[dreg:$0x3] =	wrdreg s4  }
0xaa: {  	[dreg:$0x4] =	wrdreg $0xC0  }
0xab: {  	_ =	task [dreg:s6], $0x5FFFF  }
0xac: {  	[dreg:$0x1] =	wrdreg $0xFFFFFFFF  }
0xad: {  	[dreg:$0x0] =	wrdreg $0x60  }
0xae: {  	[dreg:$0x2] =	wrdreg s24  }
0xaf: {  	[dreg:$0x3] =	wrdreg $0x88000  }
0xb0: {  	[dreg:$0x4] =	wrdreg $0xA  }
0xb1: {  	_ =	task.clear_ibuf [dreg:s6], $0x5FFFF;
	_ =	strace $0x90000046  }
0xb2: {  	s29 =	simm.s32 $0xA;
	_ =	strace $0x80000048  }
0xb3: {  	_ =	swait.ge [sflag:s29], $0x1  }
0xb4: {  	[sflag:s29] =	ssyncadd.s32 $0xFFFFFFFF  }
0xb5: {  	_ =	strace $0x90000048  }
0xb6: {  	_ =	sfence  }
0xb7: {  	s30 =	sld [smem:$0x0];
	_ =	sdelay $0x2  }
0xb8: {  	s31 =	sshll.u32 s1, $0xD;
	s1 =	sshrl.u32 s1, $0x2  }
0xb9: {  	s3 =	sand.u32 $0x4000, s31;
	s1 =	sadd.s32 s1, s30  }
0xba: {  	s0 =	sor.u32 s3, s0;
	s1 =	sshll.u32 s1, $0x11  }
0xbb: {  	s0 =	sor.u32 s1, s0  }
0xbc: {  	s0 =	sadd.s32 $0x8F2B, s0  }
0xbd: {  	[sflag:s0] =	ssyncadd.remote.s32 $0x1  }
0xbe: {  	_ =	sfence.sel $0xFFFF  }
0xbf: {  	[dreg:$0x0] =	wrdreg $0xFFFFFFFF;
	(pc) =	sbr.abs _section_cstart, $3  }
0xc0: {  	[dreg:$0x1] =	wrdreg $0xFFFFFFFF  }
0xc1: {  	_ =	task.clear_ibuf [dreg:s6], $0x2FFFF;
	_ =	strace $0x9FFFFFFF  }
0xc2: {  	(tm) =	ssettm $0x7FFFFFFF  }
0xc3: {  	_ =	shalt  }
tec
execute0_lowered:
.L_overlay_start_1:
0x0: {  	(tag) =	ssettag $0x1  }
0x1: {  	s0 =	srdreg.scid  }
0x2: {  	s8 =	stileid.u32;
	s1 =	rddreg [dreg:$0x0]  }
0x3: {  	s2 =	rddreg [dreg:$0x1];
	s4 =	smul.u32 $0x5000, s8  }
0x4: {  	s3 =	simm.s32 $0x0;
	s28 =	simm.s32 $0x480;
	s16 =	smul.u32 $0x50000, s8  }
0x5: {  	s29 =	simm.s32 $0x180;
	s0 =	sand.u32 $0x1, s0;
	s9 =	smul.u32 $0x14000, s8  }
0x6: {  	s30 =	simm.s32 $0x500;
	s31 =	simm.s32 $0x200;
	s5 =	smul.u32 $0x2800, s0  }
0x7: {  	[smem:$0x7FF] =	sst s3;
	s7 =	sadd.s32 $0x64400, s1;
	s6 =	smul.u32 $0x27100, s0  }
0x8: {  	_ =	strace $0x80000047;
	[dreg:$0x3] =	wrdreg s7;
	s17 =	ssub.s32 $0x2, s0  }
0x9: {  	s0 =	smul.u32 $0x140000, s0;
	s18 =	sshrl.u32 s17, $0x1;
	s19 =	sadd.s32 $0x4000, s9  }
0xa: {  	s11 =	sadd.s32 $0x8000, s9;
	s12 =	sadd.s32 $0xC000, s9;
	s13 =	sadd.s32 $0x10000, s9  }
0xb: {  	s4 =	sadd.s32 s5, s4;
	s26 =	sadd.s32 s6, s1;
	s6 =	sshrl.u32 s16, $0x2  }
0xc: {  	s7 =	ssub.s32 s17, s18;
	s15 =	sadd.s32 s19, s2;
	s17 =	sadd.s32 s11, s2  }
0xd: {  	s14 =	sadd.s32 s12, s2;
	s10 =	sadd.s32 s9, s0;
	s16 =	sadd.s32 s13, s2  }
0xe: {  	s23 =	sadd.s32 s0, s11;
	s24 =	sadd.s32 s0, s12;
	s11 =	simm.s32 $0x300  }
0xf: {  	s12 =	simm.s32 $0x680;
	s4 =	sshrl.u32 s4, $0x3;
	s8 =	sadd.s32 s6, s2  }
0x10: {  	s9 =	smov.u32 s14;
	s6 =	sadd.s32 s0, s19;
	s20 =	sshrl.u32 s10, $0x3  }
0x11: {  	s10 =	sadd.s32 $0x2200, s26;
	s0 =	sadd.s32 s0, s13;
	s5 =	sshrl.u32 s23, $0x3  }
0x12: {  	s26 =	smax.u32 s7, $0x1;
	s7 =	smov.u32 s17;
	s19 =	simm.s32 $0x800  }
0x13: {  	s23 =	simm.s32 $0x4800;
	s13 =	simm.s32 $0x380;
	[dreg:$0x8] =	wrdreg s16  }
0x14: {  	s14 =	simm.s32 $0x700;
	s4 =	sadd.s32 s4, s1;
	[dreg:$0xe] =	wrdreg s26  }
0x15: {  	s1 =	sadd.s32 $0x8C400, s1;
	s6 =	sshrl.u32 s6, $0x3;
	[dreg:$0x4] =	wrdreg s8  }
0x16: {  	s0 =	sshrl.u32 s0, $0x3;
	s26 =	simm.s32 $0x2;
	[dreg:$0x6] =	wrdreg s7  }
0x17: {  	[dreg:$0x7] =	wrdreg s9;
	s21 =	sadd.s32 s1, s20;
	s22 =	sadd.s32 s1, s6  }
0x18: {  	s6 =	sshrl.u32 s24, $0x3;
	s5 =	sadd.s32 s1, s5;
	s0 =	sadd.s32 s1, s0  }
0x19: {  	s17 =	sadd.s32 $0x50400, s4;
	s18 =	sadd.s32 $0x5A400, s4;
	[dreg:$0x9] =	wrdreg s21  }
0x1a: {  	s20 =	simm.s32 $0x3;
	s24 =	simm.s32 $0x1;
	[dreg:$0xa] =	wrdreg s22  }
0x1b: {  	s4 =	simm.s32 $0x600;
	[dreg:$0xb] =	wrdreg s5;
	s25 =	sadd.s32 s1, s6  }
0x1c: {  	s6 =	smov.u32 s15;
	[dreg:$0xd] =	wrdreg s0;
	s21 =	simm.s32 $0x400  }
0x1d: {  	s22 =	simm.s32 $0x80;
	s5 =	simm.s32 $0x0;
	[dreg:$0xc] =	wrdreg s25  }
0x1e: {  	s1 =	simm.s32 $0x580;
	s0 =	simm.s32 $0x280;
	[dreg:$0xf] =	wrdreg s5  }
0x1f: {  	s15 =	simm.s32 $0x780;
	s25 =	simm.s32 $0x100;
	[dreg:$0x5] =	wrdreg s6  }
.LBB2_1:
0x20: {  	s5 =	rddreg [dreg:$0x3]  }
0x21: {  	[tilespmem:s19], [sflag:$0x3] =	stream.linear.gather [hbm4b:s5+s3], $0x4000, $0x38;
	[tilespmem:$0x1C800] =	vst v63  }
0x22: {  	_ =	swait.ge [sflag:s20], $0x4000  }
0x23: {  	[sflag:s20] =	ssyncset.done $0x0  }
0x24: {  	[sflag:s20] =	ssyncadd.s32 $0xFFFFC000  }
0x25: {  	[spmem:s8] =	stream.linear.scatter [tilespmem:s19], [sflag:$0x3], $0x4000, $0x38;
	[tilespmem:$0x1C800] =	vst v63  }
0x26: {  	_ =	swait.ge [sflag:s20], $0x4000  }
0x27: {  	[sflag:s20] =	ssyncset.done $0x0  }
0x28: {  	[sflag:s20] =	ssyncadd.s32 $0xFFFFC000  }
0x29: {  	[spmem:s6] =	stream.linear.scatter [tilespmem:s19], [sflag:$0x3], $0x4000, $0x38;
	[tilespmem:$0x1C800] =	vst v63  }
0x2a: {  	_ =	swait.ge [sflag:s20], $0x4000  }
0x2b: {  	[sflag:s20] =	ssyncset.done $0x0  }
0x2c: {  	[sflag:s20] =	ssyncadd.s32 $0xFFFFC000  }
0x2d: {  	[spmem:s7] =	stream.linear.scatter [tilespmem:s19], [sflag:$0x3], $0x4000, $0x38;
	[tilespmem:$0x1C800] =	vst v63  }
0x2e: {  	_ =	swait.ge [sflag:s20], $0x4000  }
0x2f: {  	[sflag:s20] =	ssyncset.done $0x0  }
0x30: {  	[sflag:s20] =	ssyncadd.s32 $0xFFFFC000  }
0x31: {  	[spmem:s9] =	stream.linear.scatter [tilespmem:s19], [sflag:$0x3], $0x4000, $0x38;
	[tilespmem:$0x1C800] =	vst v63  }
0x32: {  	_ =	swait.ge [sflag:s20], $0x4000  }
0x33: {  	[sflag:s20] =	ssyncset.done $0x0  }
0x34: {  	[sflag:s20] =	ssyncadd.s32 $0xFFFFC000  }
0x35: {  	[spmem:s16] =	stream.linear.scatter [tilespmem:s19], [sflag:$0x3], $0x4000, $0x38;
	[tilespmem:$0x1C800] =	vst v63  }
0x36: {  	_ =	swait.ge [sflag:s20], $0x4000  }
0x37: {  	[sflag:s20] =	ssyncset.done $0x0  }
0x38: {  	[sflag:s20] =	ssyncadd.s32 $0xFFFFC000  }
0x39: {  	s9 =	sadd.s32 $0x0, s18;
	[bflag:$0x0] =	sbarrier.arrive $0xFFFF  }
0x3a: {  	[tilespmem:s3], [sflag:$0x3] =	stream.linear.gather [hbm4b:s9+s3], $0x400, $0x38;
	[tilespmem:$0x1C800] =	vst v63  }
0x3b: {  	_ =	swait.ge [sflag:s20], $0x400  }
0x3c: {  	[sflag:s20] =	ssyncset.done $0x0  }
0x3d: {  	s16 =	sadd.s32 $0x0, s17;
	[sflag:s20] =	ssyncadd.s32 $0xFFFFFC00  }
0x3e: {  	[tilespmem:s21], [sflag:$0x3] =	stream.linear.gather [hbm4b:s16+s3], $0x400, $0x38;
	[tilespmem:$0x1C800] =	vst v63  }
0x3f: {  	_ =	swait.ge [sflag:s20], $0x400  }
0x40: {  	[sflag:s20] =	ssyncset.done $0x0  }
0x41: {  	[sflag:s20] =	ssyncadd.s32 $0xFFFFFC00  }
0x42: {  	[tilespmem:s19], [sflag:$0x1] =	stream.indirect.gather [hbm4b:s10+s22], $0x80, s3, s22, $0xb8;
	[tilespmem:$0x1C800] =	vst v63  }
0x43: {  	_ = 	snop  }
0x44: {  	[tilespmem:s23], [sflag:$0x2] =	stream.indirect.gather [hbm4b:s10+s22], $0x80, s22, s22, $0xb8;
	[tilespmem:$0x1C800] =	vst v63  }
0x45: {  	_ =	swait.ge [sflag:s24], $0x4000  }
0x46: {  	[sflag:s24] =	ssyncset.done $0x0  }
0x47: {  	[sflag:s24] =	ssyncadd.s32 $0xFFFFC000  }
0x48: {  	[spmem:s2] =	stream.indirect.scatter.add.f32 [tilespmem:s19], [sflag:$0x3], $0x80, s21, s22, $0xb8;
	[tilespmem:$0x1C800] =	vst v63  }
0x49: {  	_ =	swait.ge [sflag:s20], $0x4000  }
0x4a: {  	[sflag:s20] =	ssyncset.done $0x0  }
0x4b: {  	[sflag:s20] =	ssyncadd.s32 $0xFFFFC000  }
0x4c: {  	[tilespmem:s19], [sflag:$0x1] =	stream.indirect.gather [hbm4b:s10+s22], $0x80, s25, s22, $0xb8;
	[tilespmem:$0x1C800] =	vst v63  }
0x4d: {  	_ =	swait.ge [sflag:s26], $0x4000  }
0x4e: {  	[sflag:s26] =	ssyncset.done $0x0  }
0x4f: {  	[sflag:s26] =	ssyncadd.s32 $0xFFFFC000  }
0x50: {  	[spmem:s2] =	stream.indirect.scatter.add.f32 [tilespmem:s23], [sflag:$0x3], $0x80, s28, s22, $0xb8;
	[tilespmem:$0x1C800] =	vst v63  }
0x51: {  	_ =	swait.ge [sflag:s20], $0x4000  }
0x52: {  	[sflag:s20] =	ssyncset.done $0x0  }
0x53: {  	[sflag:s20] =	ssyncadd.s32 $0xFFFFC000  }
0x54: {  	[tilespmem:s23], [sflag:$0x2] =	stream.indirect.gather [hbm4b:s10+s22], $0x80, s29, s22, $0xb8;
	[tilespmem:$0x1C800] =	vst v63  }
0x55: {  	_ =	swait.ge [sflag:s24], $0x4000  }
0x56: {  	[sflag:s24] =	ssyncset.done $0x0  }
0x57: {  	[sflag:s24] =	ssyncadd.s32 $0xFFFFC000  }
0x58: {  	[spmem:s2] =	stream.indirect.scatter.add.f32 [tilespmem:s19], [sflag:$0x3], $0x80, s30, s22, $0xb8;
	[tilespmem:$0x1C800] =	vst v63  }
0x59: {  	_ =	swait.ge [sflag:s20], $0x4000  }
0x5a: {  	[sflag:s20] =	ssyncset.done $0x0  }
0x5b: {  	[sflag:s20] =	ssyncadd.s32 $0xFFFFC000  }
0x5c: {  	[tilespmem:s19], [sflag:$0x1] =	stream.indirect.gather [hbm4b:s10+s22], $0x80, s31, s22, $0xb8;
	[tilespmem:$0x1C800] =	vst v63  }
0x5d: {  	_ =	swait.ge [sflag:s26], $0x4000  }
0x5e: {  	[sflag:s26] =	ssyncset.done $0x0  }
0x5f: {  	[sflag:s26] =	ssyncadd.s32 $0xFFFFC000  }
0x60: {  	[spmem:s2] =	stream.indirect.scatter.add.f32 [tilespmem:s23], [sflag:$0x3], $0x80, s1, s22, $0xb8;
	[tilespmem:$0x1C800] =	vst v63  }
0x61: {  	_ =	swait.ge [sflag:s20], $0x4000  }
0x62: {  	[sflag:s20] =	ssyncset.done $0x0  }
0x63: {  	[sflag:s20] =	ssyncadd.s32 $0xFFFFC000  }
0x64: {  	[tilespmem:s23], [sflag:$0x2] =	stream.indirect.gather [hbm4b:s10+s22], $0x80, s0, s22, $0xb8;
	[tilespmem:$0x1C800] =	vst v63  }
0x65: {  	_ =	swait.ge [sflag:s24], $0x4000  }
0x66: {  	[sflag:s24] =	ssyncset.done $0x0  }
0x67: {  	[sflag:s24] =	ssyncadd.s32 $0xFFFFC000  }
0x68: {  	[spmem:s2] =	stream.indirect.scatter.add.f32 [tilespmem:s19], [sflag:$0x3], $0x80, s4, s22, $0xb8;
	[tilespmem:$0x1C800] =	vst v63  }
0x69: {  	_ =	swait.ge [sflag:s20], $0x4000  }
0x6a: {  	[sflag:s20] =	ssyncset.done $0x0  }
0x6b: {  	[sflag:s20] =	ssyncadd.s32 $0xFFFFC000  }
0x6c: {  	[tilespmem:s19], [sflag:$0x1] =	stream.indirect.gather [hbm4b:s10+s22], $0x80, s11, s22, $0xb8;
	[tilespmem:$0x1C800] =	vst v63  }
0x6d: {  	_ =	swait.ge [sflag:s26], $0x4000  }
0x6e: {  	[sflag:s26] =	ssyncset.done $0x0  }
0x6f: {  	[sflag:s26] =	ssyncadd.s32 $0xFFFFC000  }
0x70: {  	[spmem:s2] =	stream.indirect.scatter.add.f32 [tilespmem:s23], [sflag:$0x3], $0x80, s12, s22, $0xb8;
	[tilespmem:$0x1C800] =	vst v63  }
0x71: {  	_ =	swait.ge [sflag:s20], $0x4000  }
0x72: {  	[sflag:s20] =	ssyncset.done $0x0  }
0x73: {  	[sflag:s20] =	ssyncadd.s32 $0xFFFFC000  }
0x74: {  	[tilespmem:s23], [sflag:$0x2] =	stream.indirect.gather [hbm4b:s10+s22], $0x80, s13, s22, $0xb8;
	[tilespmem:$0x1C800] =	vst v63  }
0x75: {  	_ =	swait.ge [sflag:s24], $0x4000  }
0x76: {  	[sflag:s24] =	ssyncset.done $0x0  }
0x77: {  	[sflag:s24] =	ssyncadd.s32 $0xFFFFC000  }
0x78: {  	[spmem:s2] =	stream.indirect.scatter.add.f32 [tilespmem:s19], [sflag:$0x3], $0x80, s14, s22, $0xb8;
	[tilespmem:$0x1C800] =	vst v63  }
0x79: {  	_ =	swait.ge [sflag:s20], $0x4000  }
0x7a: {  	[sflag:s20] =	ssyncset.done $0x0  }
0x7b: {  	[sflag:s20] =	ssyncadd.s32 $0xFFFFC000  }
0x7c: {  	_ =	swait.ge [sflag:s26], $0x4000  }
0x7d: {  	[sflag:s26] =	ssyncset.done $0x0  }
0x7e: {  	[sflag:s26] =	ssyncadd.s32 $0xFFFFC000  }
0x7f: {  	[spmem:s2] =	stream.indirect.scatter.add.f32 [tilespmem:s23], [sflag:$0x3], $0x80, s15, s22, $0xb8;
	[tilespmem:$0x1C800] =	vst v63  }
0x80: {  	_ =	swait.ge [sflag:s20], $0x4000  }
0x81: {  	s5 =	simm.s32 $0x80;
	s6 =	simm.s32 $0x100;
	[sflag:s20] =	ssyncset.done $0x0  }
.LBB2_2:
0x82: {  	s8 =	sadd.s32 s5, s18  }
0x83: {  	[sflag:s20] =	ssyncadd.s32 $0xFFFFC000;
	s9 =	smov.u32 s6;
	s7 =	sadd.s32 $0x80, s6  }
0x84: {  	[tilespmem:s3], [sflag:$0x3] =	stream.linear.gather [hbm4b:s8+s3], $0x400, $0x38;
	[tilespmem:$0x1C800] =	vst v63  }
0x85: {  	p0 =	sne.s32 s6, $0x480;
	_ =	swait.ge [sflag:s20], $0x400  }
0x86: {  	[sflag:s20] =	ssyncset.done $0x0  }
0x87: {  	s6 =	sadd.s32 s5, s17;
	s5 =	smov.u32 s9;
	[sflag:s20] =	ssyncadd.s32 $0xFFFFFC00  }
0x88: {  	[tilespmem:s21], [sflag:$0x3] =	stream.linear.gather [hbm4b:s6+s3], $0x400, $0x38;
	[tilespmem:$0x1C800] =	vst v63  }
0x89: {  	_ =	swait.ge [sflag:s20], $0x400  }
0x8a: {  	[sflag:s20] =	ssyncset.done $0x0  }
0x8b: {  	[sflag:s20] =	ssyncadd.s32 $0xFFFFFC00  }
0x8c: {  	[tilespmem:s19], [sflag:$0x1] =	stream.indirect.gather [hbm4b:s10+s22], $0x80, s3, s22, $0xb8;
	[tilespmem:$0x1C800] =	vst v63  }
0x8d: {  	_ = 	snop  }
0x8e: {  	[tilespmem:s23], [sflag:$0x2] =	stream.indirect.gather [hbm4b:s10+s22], $0x80, s22, s22, $0xb8;
	[tilespmem:$0x1C800] =	vst v63  }
0x8f: {  	_ =	swait.ge [sflag:s24], $0x4000  }
0x90: {  	[sflag:s24] =	ssyncset.done $0x0  }
0x91: {  	[sflag:s24] =	ssyncadd.s32 $0xFFFFC000  }
0x92: {  	[spmem:s2] =	stream.indirect.scatter.add.f32 [tilespmem:s19], [sflag:$0x3], $0x80, s21, s22, $0xb8;
	[tilespmem:$0x1C800] =	vst v63  }
0x93: {  	_ =	swait.ge [sflag:s20], $0x4000  }
0x94: {  	[sflag:s20] =	ssyncset.done $0x0  }
0x95: {  	[sflag:s20] =	ssyncadd.s32 $0xFFFFC000  }
0x96: {  	[tilespmem:s19], [sflag:$0x1] =	stream.indirect.gather [hbm4b:s10+s22], $0x80, s25, s22, $0xb8;
	[tilespmem:$0x1C800] =	vst v63  }
0x97: {  	_ =	swait.ge [sflag:s26], $0x4000  }
0x98: {  	[sflag:s26] =	ssyncset.done $0x0  }
0x99: {  	[sflag:s26] =	ssyncadd.s32 $0xFFFFC000  }
0x9a: {  	[spmem:s2] =	stream.indirect.scatter.add.f32 [tilespmem:s23], [sflag:$0x3], $0x80, s28, s22, $0xb8;
	[tilespmem:$0x1C800] =	vst v63  }
0x9b: {  	_ =	swait.ge [sflag:s20], $0x4000  }
0x9c: {  	[sflag:s20] =	ssyncset.done $0x0  }
0x9d: {  	[sflag:s20] =	ssyncadd.s32 $0xFFFFC000  }
0x9e: {  	[tilespmem:s23], [sflag:$0x2] =	stream.indirect.gather [hbm4b:s10+s22], $0x80, s29, s22, $0xb8;
	[tilespmem:$0x1C800] =	vst v63  }
0x9f: {  	_ =	swait.ge [sflag:s24], $0x4000  }
0xa0: {  	[sflag:s24] =	ssyncset.done $0x0  }
0xa1: {  	[sflag:s24] =	ssyncadd.s32 $0xFFFFC000  }
0xa2: {  	[spmem:s2] =	stream.indirect.scatter.add.f32 [tilespmem:s19], [sflag:$0x3], $0x80, s30, s22, $0xb8;
	[tilespmem:$0x1C800] =	vst v63  }
0xa3: {  	_ =	swait.ge [sflag:s20], $0x4000  }
0xa4: {  	[sflag:s20] =	ssyncset.done $0x0  }
0xa5: {  	[sflag:s20] =	ssyncadd.s32 $0xFFFFC000  }
0xa6: {  	[tilespmem:s19], [sflag:$0x1] =	stream.indirect.gather [hbm4b:s10+s22], $0x80, s31, s22, $0xb8;
	[tilespmem:$0x1C800] =	vst v63  }
0xa7: {  	_ =	swait.ge [sflag:s26], $0x4000  }
0xa8: {  	[sflag:s26] =	ssyncset.done $0x0  }
0xa9: {  	[sflag:s26] =	ssyncadd.s32 $0xFFFFC000  }
0xaa: {  	[spmem:s2] =	stream.indirect.scatter.add.f32 [tilespmem:s23], [sflag:$0x3], $0x80, s1, s22, $0xb8;
	[tilespmem:$0x1C800] =	vst v63  }
0xab: {  	_ =	swait.ge [sflag:s20], $0x4000  }
0xac: {  	[sflag:s20] =	ssyncset.done $0x0  }
0xad: {  	[sflag:s20] =	ssyncadd.s32 $0xFFFFC000  }
0xae: {  	[tilespmem:s23], [sflag:$0x2] =	stream.indirect.gather [hbm4b:s10+s22], $0x80, s0, s22, $0xb8;
	[tilespmem:$0x1C800] =	vst v63  }
0xaf: {  	_ =	swait.ge [sflag:s24], $0x4000  }
0xb0: {  	[sflag:s24] =	ssyncset.done $0x0  }
0xb1: {  	[sflag:s24] =	ssyncadd.s32 $0xFFFFC000  }
0xb2: {  	[spmem:s2] =	stream.indirect.scatter.add.f32 [tilespmem:s19], [sflag:$0x3], $0x80, s4, s22, $0xb8;
	[tilespmem:$0x1C800] =	vst v63  }
0xb3: {  	_ =	swait.ge [sflag:s20], $0x4000  }
0xb4: {  	[sflag:s20] =	ssyncset.done $0x0  }
0xb5: {  	[sflag:s20] =	ssyncadd.s32 $0xFFFFC000  }
0xb6: {  	[tilespmem:s19], [sflag:$0x1] =	stream.indirect.gather [hbm4b:s10+s22], $0x80, s11, s22, $0xb8;
	[tilespmem:$0x1C800] =	vst v63  }
0xb7: {  	_ =	swait.ge [sflag:s26], $0x4000  }
0xb8: {  	[sflag:s26] =	ssyncset.done $0x0  }
0xb9: {  	[sflag:s26] =	ssyncadd.s32 $0xFFFFC000  }
0xba: {  	[spmem:s2] =	stream.indirect.scatter.add.f32 [tilespmem:s23], [sflag:$0x3], $0x80, s12, s22, $0xb8;
	[tilespmem:$0x1C800] =	vst v63  }
0xbb: {  	_ =	swait.ge [sflag:s20], $0x4000  }
0xbc: {  	[sflag:s20] =	ssyncset.done $0x0  }
0xbd: {  	[sflag:s20] =	ssyncadd.s32 $0xFFFFC000  }
0xbe: {  	[tilespmem:s23], [sflag:$0x2] =	stream.indirect.gather [hbm4b:s10+s22], $0x80, s13, s22, $0xb8;
	[tilespmem:$0x1C800] =	vst v63  }
0xbf: {  	_ =	swait.ge [sflag:s24], $0x4000  }
0xc0: {  	[sflag:s24] =	ssyncset.done $0x0  }
0xc1: {  	[sflag:s24] =	ssyncadd.s32 $0xFFFFC000  }
0xc2: {  	[spmem:s2] =	stream.indirect.scatter.add.f32 [tilespmem:s19], [sflag:$0x3], $0x80, s14, s22, $0xb8;
	[tilespmem:$0x1C800] =	vst v63  }
0xc3: {  	_ =	swait.ge [sflag:s20], $0x4000  }
0xc4: {  	[sflag:s20] =	ssyncset.done $0x0  }
0xc5: {  	[sflag:s20] =	ssyncadd.s32 $0xFFFFC000  }
0xc6: {  	_ =	swait.ge [sflag:s26], $0x4000  }
.Ltmp0:
0xc7: {  	[sflag:s26] =	ssyncset.done $0x0;
	(pc) =	sbr.rel @p0 .LBB2_2-.Ltmp0, $4  }
0xc8: {  	[sflag:s26] =	ssyncadd.s32 $0xFFFFC000  }
0xc9: {  	[spmem:s2] =	stream.indirect.scatter.add.f32 [tilespmem:s23], [sflag:$0x3], $0x80, s15, s22, $0xb8;
	[tilespmem:$0x1C800] =	vst v63  }
0xca: {  	_ =	swait.ge [sflag:s20], $0x4000  }
0xcb: {  	s6 =	smov.u32 s7;
	[sflag:s20] =	ssyncset.done $0x0  }
0xcc: {  	s6 =	sadd.s32 s5, s18;
	[sflag:s20] =	ssyncadd.s32 $0xFFFFC000  }
0xcd: {  	[tilespmem:s3], [sflag:$0x3] =	stream.linear.gather [hbm4b:s6+s3], $0x400, $0x38;
	[tilespmem:$0x1C800] =	vst v63  }
0xce: {  	_ =	swait.ge [sflag:s20], $0x400  }
0xcf: {  	[sflag:s20] =	ssyncset.done $0x0  }
0xd0: {  	s16 =	sadd.s32 s5, s17;
	[sflag:s20] =	ssyncadd.s32 $0xFFFFFC00  }
0xd1: {  	[tilespmem:s21], [sflag:$0x3] =	stream.linear.gather [hbm4b:s16+s3], $0x400, $0x38;
	[tilespmem:$0x1C800] =	vst v63  }
0xd2: {  	_ =	swait.ge [sflag:s20], $0x400  }
0xd3: {  	[sflag:s20] =	ssyncset.done $0x0  }
0xd4: {  	[sflag:s20] =	ssyncadd.s32 $0xFFFFFC00  }
0xd5: {  	[tilespmem:s19], [sflag:$0x1] =	stream.indirect.gather [hbm4b:s10+s22], $0x80, s3, s22, $0xb8;
	[tilespmem:$0x1C800] =	vst v63  }
0xd6: {  	_ = 	snop  }
0xd7: {  	[tilespmem:s23], [sflag:$0x2] =	stream.indirect.gather [hbm4b:s10+s22], $0x80, s22, s22, $0xb8;
	[tilespmem:$0x1C800] =	vst v63  }
0xd8: {  	_ =	swait.ge [sflag:s24], $0x4000  }
0xd9: {  	[sflag:s24] =	ssyncset.done $0x0  }
0xda: {  	[sflag:s24] =	ssyncadd.s32 $0xFFFFC000  }
0xdb: {  	[spmem:s2] =	stream.indirect.scatter.add.f32 [tilespmem:s19], [sflag:$0x3], $0x80, s21, s22, $0xb8;
	[tilespmem:$0x1C800] =	vst v63  }
0xdc: {  	_ =	swait.ge [sflag:s20], $0x4000  }
0xdd: {  	[sflag:s20] =	ssyncset.done $0x0  }
0xde: {  	[sflag:s20] =	ssyncadd.s32 $0xFFFFC000  }
0xdf: {  	[tilespmem:s19], [sflag:$0x1] =	stream.indirect.gather [hbm4b:s10+s22], $0x80, s25, s22, $0xb8;
	[tilespmem:$0x1C800] =	vst v63  }
0xe0: {  	_ =	swait.ge [sflag:s26], $0x4000  }
0xe1: {  	[sflag:s26] =	ssyncset.done $0x0  }
0xe2: {  	[sflag:s26] =	ssyncadd.s32 $0xFFFFC000  }
0xe3: {  	[spmem:s2] =	stream.indirect.scatter.add.f32 [tilespmem:s23], [sflag:$0x3], $0x80, s28, s22, $0xb8;
	[tilespmem:$0x1C800] =	vst v63  }
0xe4: {  	_ =	swait.ge [sflag:s20], $0x4000  }
0xe5: {  	[sflag:s20] =	ssyncset.done $0x0  }
0xe6: {  	[sflag:s20] =	ssyncadd.s32 $0xFFFFC000  }
0xe7: {  	[tilespmem:s23], [sflag:$0x2] =	stream.indirect.gather [hbm4b:s10+s22], $0x80, s29, s22, $0xb8;
	[tilespmem:$0x1C800] =	vst v63  }
0xe8: {  	_ =	swait.ge [sflag:s24], $0x4000  }
0xe9: {  	[sflag:s24] =	ssyncset.done $0x0  }
0xea: {  	[sflag:s24] =	ssyncadd.s32 $0xFFFFC000  }
0xeb: {  	[spmem:s2] =	stream.indirect.scatter.add.f32 [tilespmem:s19], [sflag:$0x3], $0x80, s30, s22, $0xb8;
	[tilespmem:$0x1C800] =	vst v63  }
0xec: {  	_ =	swait.ge [sflag:s20], $0x4000  }
0xed: {  	[sflag:s20] =	ssyncset.done $0x0  }
0xee: {  	[sflag:s20] =	ssyncadd.s32 $0xFFFFC000  }
0xef: {  	[tilespmem:s19], [sflag:$0x1] =	stream.indirect.gather [hbm4b:s10+s22], $0x80, s31, s22, $0xb8;
	[tilespmem:$0x1C800] =	vst v63  }
0xf0: {  	_ =	swait.ge [sflag:s26], $0x4000  }
0xf1: {  	[sflag:s26] =	ssyncset.done $0x0  }
0xf2: {  	[sflag:s26] =	ssyncadd.s32 $0xFFFFC000  }
0xf3: {  	[spmem:s2] =	stream.indirect.scatter.add.f32 [tilespmem:s23], [sflag:$0x3], $0x80, s1, s22, $0xb8;
	[tilespmem:$0x1C800] =	vst v63  }
0xf4: {  	_ =	swait.ge [sflag:s20], $0x4000  }
0xf5: {  	[sflag:s20] =	ssyncset.done $0x0  }
0xf6: {  	[sflag:s20] =	ssyncadd.s32 $0xFFFFC000  }
0xf7: {  	[tilespmem:s23], [sflag:$0x2] =	stream.indirect.gather [hbm4b:s10+s22], $0x80, s0, s22, $0xb8;
	[tilespmem:$0x1C800] =	vst v63  }
0xf8: {  	_ =	swait.ge [sflag:s24], $0x4000  }
0xf9: {  	[sflag:s24] =	ssyncset.done $0x0  }
0xfa: {  	[sflag:s24] =	ssyncadd.s32 $0xFFFFC000  }
0xfb: {  	[spmem:s2] =	stream.indirect.scatter.add.f32 [tilespmem:s19], [sflag:$0x3], $0x80, s4, s22, $0xb8;
	[tilespmem:$0x1C800] =	vst v63  }
0xfc: {  	_ =	swait.ge [sflag:s20], $0x4000  }
0xfd: {  	[sflag:s20] =	ssyncset.done $0x0  }
0xfe: {  	[sflag:s20] =	ssyncadd.s32 $0xFFFFC000  }
0xff: {  	[tilespmem:s19], [sflag:$0x1] =	stream.indirect.gather [hbm4b:s10+s22], $0x80, s11, s22, $0xb8;
	[tilespmem:$0x1C800] =	vst v63  }
0x100: {  	_ =	swait.ge [sflag:s26], $0x4000  }
0x101: {  	[sflag:s26] =	ssyncset.done $0x0  }
0x102: {  	[sflag:s26] =	ssyncadd.s32 $0xFFFFC000  }
0x103: {  	[spmem:s2] =	stream.indirect.scatter.add.f32 [tilespmem:s23], [sflag:$0x3], $0x80, s12, s22, $0xb8;
	[tilespmem:$0x1C800] =	vst v63  }
0x104: {  	_ =	swait.ge [sflag:s20], $0x4000  }
0x105: {  	[sflag:s20] =	ssyncset.done $0x0  }
0x106: {  	[sflag:s20] =	ssyncadd.s32 $0xFFFFC000  }
0x107: {  	[tilespmem:s23], [sflag:$0x2] =	stream.indirect.gather [hbm4b:s10+s22], $0x80, s13, s22, $0xb8;
	[tilespmem:$0x1C800] =	vst v63  }
0x108: {  	_ =	swait.ge [sflag:s24], $0x4000  }
0x109: {  	[sflag:s24] =	ssyncset.done $0x0  }
0x10a: {  	[sflag:s24] =	ssyncadd.s32 $0xFFFFC000  }
0x10b: {  	[spmem:s2] =	stream.indirect.scatter.add.f32 [tilespmem:s19], [sflag:$0x3], $0x80, s14, s22, $0xb8;
	[tilespmem:$0x1C800] =	vst v63  }
0x10c: {  	_ =	swait.ge [sflag:s20], $0x4000  }
0x10d: {  	[sflag:s20] =	ssyncset.done $0x0  }
0x10e: {  	[sflag:s20] =	ssyncadd.s32 $0xFFFFC000  }
0x10f: {  	_ =	swait.ge [sflag:s26], $0x4000  }
0x110: {  	[sflag:s26] =	ssyncset.done $0x0  }
0x111: {  	[sflag:s26] =	ssyncadd.s32 $0xFFFFC000  }
0x112: {  	[spmem:s2] =	stream.indirect.scatter.add.f32 [tilespmem:s23], [sflag:$0x3], $0x80, s15, s22, $0xb8;
	[tilespmem:$0x1C800] =	vst v63  }
0x113: {  	_ =	swait.ge [sflag:s20], $0x4000  }
0x114: {  	[sflag:s20] =	ssyncset.done $0x0  }
0x115: {  	[sflag:s20] =	ssyncadd.s32 $0xFFFFC000  }
0x116: {  	[bflag:$0x0] =	sbarrier.arrive $0xFFFF  }
0x117: {  	s6 =	rddreg [dreg:$0x4]  }
0x118: {  	[tilespmem:s19], [sflag:$0x3] =	stream.linear.gather [spmem:s6], $0x4000, $0x38;
	[tilespmem:$0x1C800] =	vst v63  }
0x119: {  	_ =	swait.ge [sflag:s20], $0x4000  }
0x11a: {  	[sflag:s20] =	ssyncset.done $0x0  }
0x11b: {  	s7 =	rddreg [dreg:$0x9];
	[sflag:s20] =	ssyncadd.s32 $0xFFFFC000  }
0x11c: {  	[hbm4b:s7+s3] =	stream.linear.scatter [tilespmem:s19], [sflag:$0x3], $0x4000, $0x38;
	[tilespmem:$0x1C800] =	vst v63  }
0x11d: {  	_ =	swait.ge [sflag:s20], $0x4000  }
0x11e: {  	[sflag:s20] =	ssyncset.done $0x0  }
0x11f: {  	s6 =	rddreg [dreg:$0x5];
	[sflag:s20] =	ssyncadd.s32 $0xFFFFC000  }
0x120: {  	[tilespmem:s19], [sflag:$0x3] =	stream.linear.gather [spmem:s6], $0x4000, $0x38;
	[tilespmem:$0x1C800] =	vst v63  }
0x121: {  	_ =	swait.ge [sflag:s20], $0x4000  }
0x122: {  	[sflag:s20] =	ssyncset.done $0x0  }
0x123: {  	s8 =	rddreg [dreg:$0xa];
	[sflag:s20] =	ssyncadd.s32 $0xFFFFC000  }
0x124: {  	[hbm4b:s8+s3] =	stream.linear.scatter [tilespmem:s19], [sflag:$0x3], $0x4000, $0x38;
	[tilespmem:$0x1C800] =	vst v63  }
0x125: {  	_ =	swait.ge [sflag:s20], $0x4000  }
0x126: {  	[sflag:s20] =	ssyncset.done $0x0  }
0x127: {  	s7 =	rddreg [dreg:$0x6];
	[sflag:s20] =	ssyncadd.s32 $0xFFFFC000  }
0x128: {  	[tilespmem:s19], [sflag:$0x3] =	stream.linear.gather [spmem:s7], $0x4000, $0x38;
	[tilespmem:$0x1C800] =	vst v63  }
0x129: {  	_ =	swait.ge [sflag:s20], $0x4000  }
0x12a: {  	[sflag:s20] =	ssyncset.done $0x0  }
0x12b: {  	s9 =	rddreg [dreg:$0xb];
	[sflag:s20] =	ssyncadd.s32 $0xFFFFC000  }
0x12c: {  	[hbm4b:s9+s3] =	stream.linear.scatter [tilespmem:s19], [sflag:$0x3], $0x4000, $0x38;
	[tilespmem:$0x1C800] =	vst v63  }
0x12d: {  	_ =	swait.ge [sflag:s20], $0x4000  }
0x12e: {  	[sflag:s20] =	ssyncset.done $0x0  }
0x12f: {  	s9 =	rddreg [dreg:$0x7];
	[sflag:s20] =	ssyncadd.s32 $0xFFFFC000  }
0x130: {  	[tilespmem:s19], [sflag:$0x3] =	stream.linear.gather [spmem:s9], $0x4000, $0x38;
	[tilespmem:$0x1C800] =	vst v63  }
0x131: {  	_ =	swait.ge [sflag:s20], $0x4000  }
0x132: {  	[sflag:s20] =	ssyncset.done $0x0  }
0x133: {  	s16 =	rddreg [dreg:$0xc];
	[sflag:s20] =	ssyncadd.s32 $0xFFFFC000  }
0x134: {  	[hbm4b:s16+s3] =	stream.linear.scatter [tilespmem:s19], [sflag:$0x3], $0x4000, $0x38;
	[tilespmem:$0x1C800] =	vst v63  }
0x135: {  	_ =	swait.ge [sflag:s20], $0x4000  }
0x136: {  	[sflag:s20] =	ssyncset.done $0x0  }
0x137: {  	s16 =	rddreg [dreg:$0x8];
	[sflag:s20] =	ssyncadd.s32 $0xFFFFC000  }
0x138: {  	[tilespmem:s19], [sflag:$0x3] =	stream.linear.gather [spmem:s16], $0x4000, $0x38;
	[tilespmem:$0x1C800] =	vst v63  }
0x139: {  	_ =	swait.ge [sflag:s20], $0x4000  }
0x13a: {  	[sflag:s20] =	ssyncset.done $0x0  }
0x13b: {  	s8 =	rddreg [dreg:$0xd];
	[sflag:s20] =	ssyncadd.s32 $0xFFFFC000  }
0x13c: {  	[hbm4b:s8+s3] =	stream.linear.scatter [tilespmem:s19], [sflag:$0x3], $0x4000, $0x38;
	[tilespmem:$0x1C800] =	vst v63  }
0x13d: {  	_ =	swait.ge [sflag:s20], $0x4000  }
0x13e: {  	s8 =	rddreg [dreg:$0xf]  }
0x13f: {  	s5 =	rddreg [dreg:$0xe];
	s8 =	sadd.s32 $0x1, s8  }
0x140: {  	p0 =	sne.s32 s8, s5  }
.Ltmp1:
0x141: {  	_ = 	snop;
	(pc) =	sbr.rel @p0 .LBB2_1-.Ltmp1, $3  }
0x142: {  	_ =	sdelay $0x1  }
0x143: {  	[sflag:s20] =	ssyncset.done $0x0;
	[dreg:$0xf] =	wrdreg s8  }
0x144: {  	[sflag:s20] =	ssyncadd.s32 $0xFFFFC000;
	s8 =	rddreg [dreg:$0x4]  }
0x145: {  	_ =	sfence.sel $0x180000  }
0x146: {  	[bflag:$0x0] =	sbarrier.arrive $0xFFFF  }
0x147: {  	_ =	strace $0x90000047  }
0x148: {  	s0 =	stileid.u32;
	[bflag:$0x2] =	sbarrier.arrive $0xFFFF  }
0x149: {  	p0 =	sne.s32 s0, $0x0;
	s0 =	rddreg [dreg:$0x2]  }
0x14a: {  	s0 =	sadd.s32 @!p0 $0x100000, s0  }
0x14b: {  	[sflag:s0] =	ssyncadd.tile.s32 @!p0 $0x1;
	_ =	shalt  }
.Lfunc_end2:
_tile_overlayer_lowered:
.L_overlay_start_2:
0x14c: {  	(tag) =	ssettag $0x2  }
0x14d: {  	s0 =	rddreg [dreg:$0x0];
	s2 =	stileid.u32  }
0x14e: {  	s1 =	rddreg [dreg:$0x1];
	p0 =	sne.s32 s2, $0x0  }
0x14f: {  	s3 =	rddreg [dreg:$0x2];
	[bflag:$0x3] =	sbarrier.arrive $0xFFFF;
	s2 =	simm.s32 @!p0 $0x1C03  }
0x150: {  	[timem:s3], [sflag:s2] =	dma.local @!p0 [hbm:s0], s1  }
0x151: {  	s0 =	simm.s32 @!p0 $0x3  }
0x152: {  	_ =	swait.ge @!p0 [sflag:s0], s1  }
0x153: {  	s1 =	ssub.s32 @!p0 $0x0, s1;
	[sflag:s0] =	ssyncset.done @!p0 $0x0  }
0x154: {  	[sflag:s0] =	ssyncadd.s32 @!p0 s1  }
0x155: {  	[bflag:$0x3] =	sbarrier.arrive $0xFFFF  }
0x156: {  	_ =	shalt  }

// kernel: kernel.15.cloned.1.call-start
scs
__scs_entry_jumppad:
0x0: {  	(pc) =	sbr.rel $0x88, $3  }
0x1: {  	(tag) =	ssettag $0x0;
	lr =	simm.s32 $0x1  }
0x2: {  	[smem:$0x3F96] =	sst lr;
	_ =	strace $0xD0000000  }
0x3: {  	_ = 	snop  }
0x4: {  	_ = 	snop  }
0x5: {  	_ = 	snop  }
0x6: {  	_ = 	snop  }
0x7: {  	_ = 	snop  }
__scs_overlays_trampoline_lowered:
0x8: {  	[smem:$0x3FA5] =	sst s0  }
0x9: {  	[smem:$0x3FA6] =	sst s1  }
0xa: {  	[smem:$0x3FA7] =	sst s2  }
0xb: {  	[smem:$0x3FA8] =	sst s3  }
0xc: {  	[smem:$0x3FA9] =	sst s4  }
0xd: {  	[smem:$0x3FAA] =	sst s5  }
0xe: {  	[smem:$0x3FAB] =	sst s6  }
0xf: {  	[smem:$0x3FAC] =	sst s7  }
0x10: {  	[smem:$0x3FAD] =	sst s8  }
0x11: {  	[smem:$0x3FAE] =	sst s9;
	s0 =	simm.s32 @!p0 $0x0  }
0x12: {  	s1 =	sld [smem:$0x3F94];
	s0 =	simm.s32 @p0 $0x1  }
0x13: {  	[smem:$0x3FAF] =	sst s0;
	s0 =	simm.s32 @!p1 $0x0  }
0x14: {  	s2 =	sld [smem:$0x3F93];
	s0 =	simm.s32 @p1 $0x1  }
0x15: {  	[smem:$0x3FB0] =	sst s0;
	s0 =	simm.s32 @!p2 $0x0  }
0x16: {  	s3 =	sld [smem:$0x3FDB];
	s0 =	simm.s32 @p2 $0x1  }
0x17: {  	s4 =	simm.s32 $0x1BF5;
	[smem:$0x3FB2] =	sst s0  }
0x18: {  	s0 =	sld [smem:$0x3F95];
	_ =	swait.ge [sflag:s4], $0x0  }
0x19: {  	s7 =	sld [smem:$0x3F96]  }
0x1a: {  	s8 =	sadd.s32 $0xFFFFE003, lr  }
0x1b: {  	s9 =	sadd.s32 $0xFFFFFEF7, lr;
	s5 =	simm.s32 $0xFFFFFFFF;
	p2 =	slt.u32 s8, $0xFFFFF086  }
0x1c: {  	p1 =	slt.u32 s9, $0xF7A;
	s5 =	simm.s32 @!p2 $0x0  }
0x1d: {  	s5 =	simm.s32 @p1 $0x1;
	p0 =	seq.s32 s7, s2  }
0x1e: {  	s7 =	smul.u32 @!p0 $0xF7A, s2;
	p2 =	seq.s32 @!p0 s5, $0x0  }
0x1f: {  	s9 =	smul.u32 $0xF7A, s1;
	s8 =	simm.s32 @!p0 $0x1BF5;
	p2 =	por !p2, p0  }
0x20: {  	[sflag:s8] =	ssyncset.s32 @!p0 $0xFFFFF086;
	s6 =	sadd.s32 @!p0 s3, s7;
	s7 =	simm.s32 @!p0 $0x108  }
0x21: {  	s3 =	sadd.s32 s3, s9;
	s6 =	sadd.s32 @!p0 $0x88, s6;
	s7 =	simm.s32 @p2 $0x1082  }
0x22: {  	[simem:s7], [sflag:s8] =	dma.local @!p0 [hbm:s6], $0xF7A  }
0x23: {  	s9 =	sor.u32 $0xD0000000, s2;
	s6 =	simm.s32 $0x108;
	_ =	swait.ge @!p0 [sflag:s8], $0x0  }
0x24: {  	s3 =	sadd.s32 $0x88, s3;
	s6 =	simm.s32 @!p1 $0x1082;
	[sflag:s4] =	ssyncset.s32 $0xFFFFF086  }
0x25: {  	[simem:s6], [sflag:s4] =	dma.local [hbm:s3], $0xF7A  }
0x26: {  	[smem:$0x3F96] =	sst s1;
	(tag) =	ssettag s2;
	_ =	strace s9  }
0x27: {  	s1 =	sld [smem:$0x3FA6]  }
0x28: {  	s2 =	sld [smem:$0x3FA7]  }
0x29: {  	s4 =	sld [smem:$0x3FA9]  }
0x2a: {  	p0 =	seq.s32 s5, $0x0;
	s5 =	sld [smem:$0x3FAA]  }
0x2b: {  	s6 =	sld [smem:$0x3FAB]  }
0x2c: {  	s7 =	sld [smem:$0x3FAC]  }
0x2d: {  	s3 =	simm.s32 $0x108;
	s8 =	sld [smem:$0x3FAD]  }
0x2e: {  	s3 =	simm.s32 @!p0 $0x1082;
	s9 =	sld [smem:$0x3FAE]  }
0x2f: {  	lr =	sadd.s32 s0, s3;
	s0 =	sld [smem:$0x3FA5]  }
0x30: {  	s3 =	sld [smem:$0x3FA8]  }
0x31: {  	[smem:$0x3FB1] =	sst s10  }
0x32: {  	s10 =	sld [smem:$0x3FAF];
	_ =	sdelay $0x3  }
0x33: {  	p0 =	seq.s32 s10, $0x1;
	s10 =	sld [smem:$0x3FB1];
	_ =	sdelay $0x3  }
0x34: {  	[smem:$0x3FB1] =	sst s10  }
0x35: {  	s10 =	sld [smem:$0x3FB0];
	_ =	sdelay $0x3  }
0x36: {  	p1 =	seq.s32 s10, $0x1;
	s10 =	sld [smem:$0x3FB1];
	_ =	sdelay $0x3  }
0x37: {  	[smem:$0x3FB1] =	sst s10  }
0x38: {  	s10 =	sld [smem:$0x3FB2]  }
0x39: {  	_ = 	snop;
	(pc) =	sbr.ind lr, $3  }
0x3a: {  	_ = 	snop  }
0x3b: {  	_ = 	snop  }
0x3c: {  	p2 =	seq.s32 s10, $0x1;
	s10 =	sld [smem:$0x3FB1]  }
0x3d: {  	_ =	shalt  }
0x3e: {  	_ =	shalt  }
0x3f: {  	_ =	shalt  }
0x40: {  	_ =	shalt  }
0x41: {  	_ =	shalt  }
0x42: {  	_ =	shalt  }
0x43: {  	_ =	shalt  }
0x44: {  	_ =	shalt  }
0x45: {  	_ =	shalt  }
0x46: {  	_ =	shalt  }
0x47: {  	_ =	shalt  }
0x48: {  	_ =	shalt  }
0x49: {  	_ =	shalt  }
0x4a: {  	_ =	shalt  }
0x4b: {  	_ =	shalt  }
0x4c: {  	_ =	shalt  }
0x4d: {  	_ =	shalt  }
0x4e: {  	_ =	shalt  }
0x4f: {  	_ =	shalt  }
0x50: {  	_ =	shalt  }
0x51: {  	_ =	shalt  }
0x52: {  	_ =	shalt  }
0x53: {  	_ =	shalt  }
0x54: {  	_ =	shalt  }
0x55: {  	_ =	shalt  }
0x56: {  	_ =	shalt  }
0x57: {  	_ =	shalt  }
0x58: {  	_ =	shalt  }
0x59: {  	_ =	shalt  }
0x5a: {  	_ =	shalt  }
0x5b: {  	_ =	shalt  }
0x5c: {  	_ =	shalt  }
0x5d: {  	_ =	shalt  }
0x5e: {  	_ =	shalt  }
0x5f: {  	_ =	shalt  }
0x60: {  	_ =	shalt  }
0x61: {  	_ =	shalt  }
0x62: {  	_ =	shalt  }
0x63: {  	_ =	shalt  }
0x64: {  	_ =	shalt  }
0x65: {  	_ =	shalt  }
0x66: {  	_ =	shalt  }
0x67: {  	_ =	shalt  }
0x68: {  	_ =	shalt  }
0x69: {  	_ =	shalt  }
0x6a: {  	_ =	shalt  }
0x6b: {  	_ =	shalt  }
0x6c: {  	_ =	shalt  }
0x6d: {  	_ =	shalt  }
0x6e: {  	_ =	shalt  }
0x6f: {  	_ =	shalt  }
0x70: {  	_ =	shalt  }
0x71: {  	_ =	shalt  }
0x72: {  	_ =	shalt  }
0x73: {  	_ =	shalt  }
0x74: {  	_ =	shalt  }
0x75: {  	_ =	shalt  }
0x76: {  	_ =	shalt  }
0x77: {  	_ =	shalt  }
0x78: {  	_ =	shalt  }
0x79: {  	_ =	shalt  }
0x7a: {  	_ =	shalt  }
0x7b: {  	_ =	shalt  }
0x7c: {  	_ =	shalt  }
0x7d: {  	_ =	shalt  }
0x7e: {  	_ =	shalt  }
0x7f: {  	_ =	shalt  }
0x80: {  	_ =	shalt  }
0x81: {  	_ =	shalt  }
0x82: {  	_ =	shalt  }
0x83: {  	_ =	shalt  }
0x84: {  	_ =	shalt  }
0x85: {  	_ =	shalt  }
0x86: {  	_ =	shalt  }
0x87: {  	_ =	shalt  }
.Lfunc_end0:
.L_simem_size_0:
called_computation.2_lowered:
.L_overlay_start_0:
0x88: {  	s2 =	sld [smem:$0x3FD9]  }
0x89: {  	s3 =	sld [smem:$0x3FFE];
	_ =	sdelay $0x1  }
0x8a: {  	s1 =	srdreg.scid  }
0x8b: {  	s0 =	sand.u32 $0x1, s1  }
0x8c: {  	s16 =	sshll.u32 s0, $0xA;
	s2 =	sadd.s32 s3, s2  }
0x8d: {  	s2 =	sadd.s32 s2, s16  }
0x8e: {  	[smem:$0x3FBD] =	sst s2  }
0x8f: {  	_ = 	snop  }
0x90: {  	(tm) =	ssettm $0x1  }
0x91: {  	s17 =	sld [smem:$0x3FFB];
	_ =	sdelay $0x3  }
0x92: {  	_ =	strace s17  }
0x93: {  	s2 =	sld [smem:$0x3FFC];
	_ =	sdelay $0x3  }
0x94: {  	_ =	strace s2  }
0x95: {  	s2 =	sld [smem:$0x3FFD];
	_ =	sdelay $0x3  }
0x96: {  	_ =	strace s2  }
0x97: {  	_ =	strace $0x8FFFFFFF  }
0x98: {  	s18 =	sld [smem:$0x3FDB];
	_ =	sdelay $0x1  }
0x99: {  	s19 =	simm.s32 $_scs_section_size  }
0x9a: {  	s4 =	simm.s32 $_size__tile_overlayer_lowered;
	s5 =	simm.s32 $_tile_overlayer_lowered  }
0x9b: {  	s22 =	simm.s32 $0x1BFF;
	s21 =	sshll.u32 s5, $0x1;
	s2 =	sadd.s32 s19, s18  }
0x9c: {  	s6 =	simm.s32 $0x0;
	s20 =	sshll.u32 s4, $0x1;
	s4 =	sadd.s32 s21, s2  }
0x9d: {  	[timem:s6], [sflag:s22] =	dma.local [hbm:s4], s20  }
0x9e: {  	_ =	swait.ge [sflag:s22], s20  }
0x9f: {  	s3 =	ssub.s32 $0x0, s20;
	[sflag:s22] =	ssyncset.done $0x0  }
0xa0: {  	[sflag:s22] =	ssyncadd.s32 s3;
	_ =	sdelay $0x1  }
0xa1: {  	s23 =	simm.s32 $0x1B8B  }
0xa2: {  	_ =	swait.ge [sflag:s23], $0x1  }
0xa3: {  	[sflag:s23] =	ssyncset.done $0x0  }
0xa4: {  	s25 =	simm.s32 $0x1B8E;
	s24 =	sld [smem:$0x3FFE];
	[sflag:s23] =	ssyncadd.s32 $0xFFFFFFFF  }
0xa5: {  	s26 =	simm.s32 $execute0_lowered;
	[smem:$0x3FD2] =	sst s25  }
0xa6: {  	s4 =	sshll.u32 s26, $0x1;
	_ =	strace $0x8000004C;
	[dreg:$0x1] =	wrdreg $0xFFFFFFFF  }
0xa7: {  	s28 =	simm.s32 $_size_execute0_lowered;
	s2 =	sadd.s32 s2, s4;
	[dreg:$0x0] =	wrdreg $0x0  }
0xa8: {  	s4 =	sshll.u32 s28, $0x1;
	[dreg:$0x2] =	wrdreg s2  }
0xa9: {  	[dreg:$0x3] =	wrdreg s4  }
0xaa: {  	[dreg:$0x4] =	wrdreg $0xC0  }
0xab: {  	_ =	task [dreg:s6], $0x5FFFF  }
0xac: {  	[dreg:$0x1] =	wrdreg $0xFFFFFFFF  }
0xad: {  	[dreg:$0x0] =	wrdreg $0x60  }
0xae: {  	[dreg:$0x2] =	wrdreg s24  }
0xaf: {  	[dreg:$0x3] =	wrdreg $0x88000  }
0xb0: {  	[dreg:$0x4] =	wrdreg $0x9  }
0xb1: {  	_ =	task.clear_ibuf [dreg:s6], $0x5FFFF;
	_ =	strace $0x9000004C  }
0xb2: {  	s29 =	simm.s32 $0x9;
	_ =	strace $0x8000004E  }
0xb3: {  	_ =	swait.ge [sflag:s29], $0x1  }
0xb4: {  	[sflag:s29] =	ssyncadd.s32 $0xFFFFFFFF  }
0xb5: {  	_ =	strace $0x9000004E  }
0xb6: {  	_ =	sfence  }
0xb7: {  	s30 =	sld [smem:$0x0];
	_ =	sdelay $0x2  }
0xb8: {  	s31 =	sshll.u32 s1, $0xD;
	s1 =	sshrl.u32 s1, $0x2  }
0xb9: {  	s3 =	sand.u32 $0x4000, s31;
	s1 =	sadd.s32 s1, s30  }
0xba: {  	s0 =	sor.u32 s3, s0;
	s1 =	sshll.u32 s1, $0x11  }
0xbb: {  	s0 =	sor.u32 s1, s0  }
0xbc: {  	s0 =	sadd.s32 $0x8F2B, s0  }
0xbd: {  	[sflag:s0] =	ssyncadd.remote.s32 $0x1  }
0xbe: {  	_ =	sfence.sel $0xFFFF  }
0xbf: {  	[dreg:$0x0] =	wrdreg $0xFFFFFFFF;
	(pc) =	sbr.abs _section_cstart, $3  }
0xc0: {  	[dreg:$0x1] =	wrdreg $0xFFFFFFFF  }
0xc1: {  	_ =	task.clear_ibuf [dreg:s6], $0x2FFFF;
	_ =	strace $0x9FFFFFFF  }
0xc2: {  	(tm) =	ssettm $0x7FFFFFFF  }
0xc3: {  	_ =	shalt  }
tec
execute0_lowered:
.L_overlay_start_1:
0x0: {  	(tag) =	ssettag $0x1  }
0x1: {  	s0 =	srdreg.scid  }
0x2: {  	s8 =	stileid.u32;
	s1 =	rddreg [dreg:$0x0]  }
0x3: {  	s2 =	rddreg [dreg:$0x1];
	s4 =	smul.u32 $0x5000, s8  }
0x4: {  	s3 =	simm.s32 $0x0;
	s28 =	simm.s32 $0x480;
	s16 =	smul.u32 $0x50000, s8  }
0x5: {  	s29 =	simm.s32 $0x180;
	s0 =	sand.u32 $0x1, s0;
	s9 =	smul.u32 $0x14000, s8  }
0x6: {  	s30 =	simm.s32 $0x500;
	s31 =	simm.s32 $0x200;
	s5 =	smul.u32 $0x2800, s0  }
0x7: {  	[smem:$0x7FF] =	sst s3;
	s7 =	sadd.s32 $0x64400, s1;
	s6 =	smul.u32 $0x27100, s0  }
0x8: {  	_ =	strace $0x8000004D;
	[dreg:$0x3] =	wrdreg s7;
	s17 =	ssub.s32 $0x2, s0  }
0x9: {  	s0 =	smul.u32 $0x140000, s0;
	s18 =	sshrl.u32 s17, $0x1;
	s19 =	sadd.s32 $0x4000, s9  }
0xa: {  	s11 =	sadd.s32 $0x8000, s9;
	s12 =	sadd.s32 $0xC000, s9;
	s13 =	sadd.s32 $0x10000, s9  }
0xb: {  	s4 =	sadd.s32 s5, s4;
	s26 =	sadd.s32 s6, s1;
	s6 =	sshrl.u32 s16, $0x2  }
0xc: {  	s7 =	ssub.s32 s17, s18;
	s15 =	sadd.s32 s19, s2;
	s17 =	sadd.s32 s11, s2  }
0xd: {  	s14 =	sadd.s32 s12, s2;
	s10 =	sadd.s32 s9, s0;
	s16 =	sadd.s32 s13, s2  }
0xe: {  	s23 =	sadd.s32 s0, s11;
	s24 =	sadd.s32 s0, s12;
	s11 =	simm.s32 $0x300  }
0xf: {  	s12 =	simm.s32 $0x680;
	s4 =	sshrl.u32 s4, $0x3;
	s8 =	sadd.s32 s6, s2  }
0x10: {  	s9 =	smov.u32 s14;
	s6 =	sadd.s32 s0, s19;
	s20 =	sshrl.u32 s10, $0x3  }
0x11: {  	s10 =	sadd.s32 $0x2200, s26;
	s0 =	sadd.s32 s0, s13;
	s5 =	sshrl.u32 s23, $0x3  }
0x12: {  	s26 =	smax.u32 s7, $0x1;
	s7 =	smov.u32 s17;
	s19 =	simm.s32 $0x800  }
0x13: {  	s23 =	simm.s32 $0x4800;
	s13 =	simm.s32 $0x380;
	[dreg:$0x8] =	wrdreg s16  }
0x14: {  	s14 =	simm.s32 $0x700;
	s4 =	sadd.s32 s4, s1;
	[dreg:$0xe] =	wrdreg s26  }
0x15: {  	s1 =	sadd.s32 $0x8C400, s1;
	s6 =	sshrl.u32 s6, $0x3;
	[dreg:$0x4] =	wrdreg s8  }
0x16: {  	s0 =	sshrl.u32 s0, $0x3;
	s26 =	simm.s32 $0x2;
	[dreg:$0x6] =	wrdreg s7  }
0x17: {  	[dreg:$0x7] =	wrdreg s9;
	s21 =	sadd.s32 s1, s20;
	s22 =	sadd.s32 s1, s6  }
0x18: {  	s6 =	sshrl.u32 s24, $0x3;
	s5 =	sadd.s32 s1, s5;
	s0 =	sadd.s32 s1, s0  }
0x19: {  	s17 =	sadd.s32 $0x50400, s4;
	s18 =	sadd.s32 $0x5A400, s4;
	[dreg:$0x9] =	wrdreg s21  }
0x1a: {  	s20 =	simm.s32 $0x3;
	s24 =	simm.s32 $0x1;
	[dreg:$0xa] =	wrdreg s22  }
0x1b: {  	s4 =	simm.s32 $0x600;
	[dreg:$0xb] =	wrdreg s5;
	s25 =	sadd.s32 s1, s6  }
0x1c: {  	s6 =	smov.u32 s15;
	[dreg:$0xd] =	wrdreg s0;
	s21 =	simm.s32 $0x400  }
0x1d: {  	s22 =	simm.s32 $0x80;
	s5 =	simm.s32 $0x0;
	[dreg:$0xc] =	wrdreg s25  }
0x1e: {  	s1 =	simm.s32 $0x580;
	s0 =	simm.s32 $0x280;
	[dreg:$0xf] =	wrdreg s5  }
0x1f: {  	s15 =	simm.s32 $0x780;
	s25 =	simm.s32 $0x100;
	[dreg:$0x5] =	wrdreg s6  }
.LBB2_1:
0x20: {  	s5 =	rddreg [dreg:$0x3]  }
0x21: {  	[tilespmem:s19], [sflag:$0x3] =	stream.linear.gather [hbm4b:s5+s3], $0x4000, $0x38;
	[tilespmem:$0x1C800] =	vst v63  }
0x22: {  	_ =	swait.ge [sflag:s20], $0x4000  }
0x23: {  	[sflag:s20] =	ssyncset.done $0x0  }
0x24: {  	[sflag:s20] =	ssyncadd.s32 $0xFFFFC000  }
0x25: {  	[spmem:s8] =	stream.linear.scatter [tilespmem:s19], [sflag:$0x3], $0x4000, $0x38;
	[tilespmem:$0x1C800] =	vst v63  }
0x26: {  	_ =	swait.ge [sflag:s20], $0x4000  }
0x27: {  	[sflag:s20] =	ssyncset.done $0x0  }
0x28: {  	[sflag:s20] =	ssyncadd.s32 $0xFFFFC000  }
0x29: {  	[spmem:s6] =	stream.linear.scatter [tilespmem:s19], [sflag:$0x3], $0x4000, $0x38;
	[tilespmem:$0x1C800] =	vst v63  }
0x2a: {  	_ =	swait.ge [sflag:s20], $0x4000  }
0x2b: {  	[sflag:s20] =	ssyncset.done $0x0  }
0x2c: {  	[sflag:s20] =	ssyncadd.s32 $0xFFFFC000  }
0x2d: {  	[spmem:s7] =	stream.linear.scatter [tilespmem:s19], [sflag:$0x3], $0x4000, $0x38;
	[tilespmem:$0x1C800] =	vst v63  }
0x2e: {  	_ =	swait.ge [sflag:s20], $0x4000  }
0x2f: {  	[sflag:s20] =	ssyncset.done $0x0  }
0x30: {  	[sflag:s20] =	ssyncadd.s32 $0xFFFFC000  }
0x31: {  	[spmem:s9] =	stream.linear.scatter [tilespmem:s19], [sflag:$0x3], $0x4000, $0x38;
	[tilespmem:$0x1C800] =	vst v63  }
0x32: {  	_ =	swait.ge [sflag:s20], $0x4000  }
0x33: {  	[sflag:s20] =	ssyncset.done $0x0  }
0x34: {  	[sflag:s20] =	ssyncadd.s32 $0xFFFFC000  }
0x35: {  	[spmem:s16] =	stream.linear.scatter [tilespmem:s19], [sflag:$0x3], $0x4000, $0x38;
	[tilespmem:$0x1C800] =	vst v63  }
0x36: {  	_ =	swait.ge [sflag:s20], $0x4000  }
0x37: {  	[sflag:s20] =	ssyncset.done $0x0  }
0x38: {  	[sflag:s20] =	ssyncadd.s32 $0xFFFFC000  }
0x39: {  	s9 =	sadd.s32 $0x0, s18;
	[bflag:$0x0] =	sbarrier.arrive $0xFFFF  }
0x3a: {  	[tilespmem:s3], [sflag:$0x3] =	stream.linear.gather [hbm4b:s9+s3], $0x400, $0x38;
	[tilespmem:$0x1C800] =	vst v63  }
0x3b: {  	_ =	swait.ge [sflag:s20], $0x400  }
0x3c: {  	[sflag:s20] =	ssyncset.done $0x0  }
0x3d: {  	s16 =	sadd.s32 $0x0, s17;
	[sflag:s20] =	ssyncadd.s32 $0xFFFFFC00  }
0x3e: {  	[tilespmem:s21], [sflag:$0x3] =	stream.linear.gather [hbm4b:s16+s3], $0x400, $0x38;
	[tilespmem:$0x1C800] =	vst v63  }
0x3f: {  	_ =	swait.ge [sflag:s20], $0x400  }
0x40: {  	[sflag:s20] =	ssyncset.done $0x0  }
0x41: {  	[sflag:s20] =	ssyncadd.s32 $0xFFFFFC00  }
0x42: {  	[tilespmem:s19], [sflag:$0x1] =	stream.indirect.gather [hbm4b:s10+s22], $0x80, s3, s22, $0xb8;
	[tilespmem:$0x1C800] =	vst v63  }
0x43: {  	_ = 	snop  }
0x44: {  	[tilespmem:s23], [sflag:$0x2] =	stream.indirect.gather [hbm4b:s10+s22], $0x80, s22, s22, $0xb8;
	[tilespmem:$0x1C800] =	vst v63  }
0x45: {  	_ =	swait.ge [sflag:s24], $0x4000  }
0x46: {  	[sflag:s24] =	ssyncset.done $0x0  }
0x47: {  	[sflag:s24] =	ssyncadd.s32 $0xFFFFC000  }
0x48: {  	[spmem:s2] =	stream.indirect.scatter.add.f32 [tilespmem:s19], [sflag:$0x3], $0x80, s21, s22, $0xb8;
	[tilespmem:$0x1C800] =	vst v63  }
0x49: {  	_ =	swait.ge [sflag:s20], $0x4000  }
0x4a: {  	[sflag:s20] =	ssyncset.done $0x0  }
0x4b: {  	[sflag:s20] =	ssyncadd.s32 $0xFFFFC000  }
0x4c: {  	[tilespmem:s19], [sflag:$0x1] =	stream.indirect.gather [hbm4b:s10+s22], $0x80, s25, s22, $0xb8;
	[tilespmem:$0x1C800] =	vst v63  }
0x4d: {  	_ =	swait.ge [sflag:s26], $0x4000  }
0x4e: {  	[sflag:s26] =	ssyncset.done $0x0  }
0x4f: {  	[sflag:s26] =	ssyncadd.s32 $0xFFFFC000  }
0x50: {  	[spmem:s2] =	stream.indirect.scatter.add.f32 [tilespmem:s23], [sflag:$0x3], $0x80, s28, s22, $0xb8;
	[tilespmem:$0x1C800] =	vst v63  }
0x51: {  	_ =	swait.ge [sflag:s20], $0x4000  }
0x52: {  	[sflag:s20] =	ssyncset.done $0x0  }
0x53: {  	[sflag:s20] =	ssyncadd.s32 $0xFFFFC000  }
0x54: {  	[tilespmem:s23], [sflag:$0x2] =	stream.indirect.gather [hbm4b:s10+s22], $0x80, s29, s22, $0xb8;
	[tilespmem:$0x1C800] =	vst v63  }
0x55: {  	_ =	swait.ge [sflag:s24], $0x4000  }
0x56: {  	[sflag:s24] =	ssyncset.done $0x0  }
0x57: {  	[sflag:s24] =	ssyncadd.s32 $0xFFFFC000  }
0x58: {  	[spmem:s2] =	stream.indirect.scatter.add.f32 [tilespmem:s19], [sflag:$0x3], $0x80, s30, s22, $0xb8;
	[tilespmem:$0x1C800] =	vst v63  }
0x59: {  	_ =	swait.ge [sflag:s20], $0x4000  }
0x5a: {  	[sflag:s20] =	ssyncset.done $0x0  }
0x5b: {  	[sflag:s20] =	ssyncadd.s32 $0xFFFFC000  }
0x5c: {  	[tilespmem:s19], [sflag:$0x1] =	stream.indirect.gather [hbm4b:s10+s22], $0x80, s31, s22, $0xb8;
	[tilespmem:$0x1C800] =	vst v63  }
0x5d: {  	_ =	swait.ge [sflag:s26], $0x4000  }
0x5e: {  	[sflag:s26] =	ssyncset.done $0x0  }
0x5f: {  	[sflag:s26] =	ssyncadd.s32 $0xFFFFC000  }
0x60: {  	[spmem:s2] =	stream.indirect.scatter.add.f32 [tilespmem:s23], [sflag:$0x3], $0x80, s1, s22, $0xb8;
	[tilespmem:$0x1C800] =	vst v63  }
0x61: {  	_ =	swait.ge [sflag:s20], $0x4000  }
0x62: {  	[sflag:s20] =	ssyncset.done $0x0  }
0x63: {  	[sflag:s20] =	ssyncadd.s32 $0xFFFFC000  }
0x64: {  	[tilespmem:s23], [sflag:$0x2] =	stream.indirect.gather [hbm4b:s10+s22], $0x80, s0, s22, $0xb8;
	[tilespmem:$0x1C800] =	vst v63  }
0x65: {  	_ =	swait.ge [sflag:s24], $0x4000  }
0x66: {  	[sflag:s24] =	ssyncset.done $0x0  }
0x67: {  	[sflag:s24] =	ssyncadd.s32 $0xFFFFC000  }
0x68: {  	[spmem:s2] =	stream.indirect.scatter.add.f32 [tilespmem:s19], [sflag:$0x3], $0x80, s4, s22, $0xb8;
	[tilespmem:$0x1C800] =	vst v63  }
0x69: {  	_ =	swait.ge [sflag:s20], $0x4000  }
0x6a: {  	[sflag:s20] =	ssyncset.done $0x0  }
0x6b: {  	[sflag:s20] =	ssyncadd.s32 $0xFFFFC000  }
0x6c: {  	[tilespmem:s19], [sflag:$0x1] =	stream.indirect.gather [hbm4b:s10+s22], $0x80, s11, s22, $0xb8;
	[tilespmem:$0x1C800] =	vst v63  }
0x6d: {  	_ =	swait.ge [sflag:s26], $0x4000  }
0x6e: {  	[sflag:s26] =	ssyncset.done $0x0  }
0x6f: {  	[sflag:s26] =	ssyncadd.s32 $0xFFFFC000  }
0x70: {  	[spmem:s2] =	stream.indirect.scatter.add.f32 [tilespmem:s23], [sflag:$0x3], $0x80, s12, s22, $0xb8;
	[tilespmem:$0x1C800] =	vst v63  }
0x71: {  	_ =	swait.ge [sflag:s20], $0x4000  }
0x72: {  	[sflag:s20] =	ssyncset.done $0x0  }
0x73: {  	[sflag:s20] =	ssyncadd.s32 $0xFFFFC000  }
0x74: {  	[tilespmem:s23], [sflag:$0x2] =	stream.indirect.gather [hbm4b:s10+s22], $0x80, s13, s22, $0xb8;
	[tilespmem:$0x1C800] =	vst v63  }
0x75: {  	_ =	swait.ge [sflag:s24], $0x4000  }
0x76: {  	[sflag:s24] =	ssyncset.done $0x0  }
0x77: {  	[sflag:s24] =	ssyncadd.s32 $0xFFFFC000  }
0x78: {  	[spmem:s2] =	stream.indirect.scatter.add.f32 [tilespmem:s19], [sflag:$0x3], $0x80, s14, s22, $0xb8;
	[tilespmem:$0x1C800] =	vst v63  }
0x79: {  	_ =	swait.ge [sflag:s20], $0x4000  }
0x7a: {  	[sflag:s20] =	ssyncset.done $0x0  }
0x7b: {  	[sflag:s20] =	ssyncadd.s32 $0xFFFFC000  }
0x7c: {  	_ =	swait.ge [sflag:s26], $0x4000  }
0x7d: {  	[sflag:s26] =	ssyncset.done $0x0  }
0x7e: {  	[sflag:s26] =	ssyncadd.s32 $0xFFFFC000  }
0x7f: {  	[spmem:s2] =	stream.indirect.scatter.add.f32 [tilespmem:s23], [sflag:$0x3], $0x80, s15, s22, $0xb8;
	[tilespmem:$0x1C800] =	vst v63  }
0x80: {  	_ =	swait.ge [sflag:s20], $0x4000  }
0x81: {  	s5 =	simm.s32 $0x80;
	s6 =	simm.s32 $0x100;
	[sflag:s20] =	ssyncset.done $0x0  }
.LBB2_2:
0x82: {  	s8 =	sadd.s32 s5, s18  }
0x83: {  	[sflag:s20] =	ssyncadd.s32 $0xFFFFC000;
	s9 =	smov.u32 s6;
	s7 =	sadd.s32 $0x80, s6  }
0x84: {  	[tilespmem:s3], [sflag:$0x3] =	stream.linear.gather [hbm4b:s8+s3], $0x400, $0x38;
	[tilespmem:$0x1C800] =	vst v63  }
0x85: {  	p0 =	sne.s32 s6, $0x480;
	_ =	swait.ge [sflag:s20], $0x400  }
0x86: {  	[sflag:s20] =	ssyncset.done $0x0  }
0x87: {  	s6 =	sadd.s32 s5, s17;
	s5 =	smov.u32 s9;
	[sflag:s20] =	ssyncadd.s32 $0xFFFFFC00  }
0x88: {  	[tilespmem:s21], [sflag:$0x3] =	stream.linear.gather [hbm4b:s6+s3], $0x400, $0x38;
	[tilespmem:$0x1C800] =	vst v63  }
0x89: {  	_ =	swait.ge [sflag:s20], $0x400  }
0x8a: {  	[sflag:s20] =	ssyncset.done $0x0  }
0x8b: {  	[sflag:s20] =	ssyncadd.s32 $0xFFFFFC00  }
0x8c: {  	[tilespmem:s19], [sflag:$0x1] =	stream.indirect.gather [hbm4b:s10+s22], $0x80, s3, s22, $0xb8;
	[tilespmem:$0x1C800] =	vst v63  }
0x8d: {  	_ = 	snop  }
0x8e: {  	[tilespmem:s23], [sflag:$0x2] =	stream.indirect.gather [hbm4b:s10+s22], $0x80, s22, s22, $0xb8;
	[tilespmem:$0x1C800] =	vst v63  }
0x8f: {  	_ =	swait.ge [sflag:s24], $0x4000  }
0x90: {  	[sflag:s24] =	ssyncset.done $0x0  }
0x91: {  	[sflag:s24] =	ssyncadd.s32 $0xFFFFC000  }
0x92: {  	[spmem:s2] =	stream.indirect.scatter.add.f32 [tilespmem:s19], [sflag:$0x3], $0x80, s21, s22, $0xb8;
	[tilespmem:$0x1C800] =	vst v63  }
0x93: {  	_ =	swait.ge [sflag:s20], $0x4000  }
0x94: {  	[sflag:s20] =	ssyncset.done $0x0  }
0x95: {  	[sflag:s20] =	ssyncadd.s32 $0xFFFFC000  }
0x96: {  	[tilespmem:s19], [sflag:$0x1] =	stream.indirect.gather [hbm4b:s10+s22], $0x80, s25, s22, $0xb8;
	[tilespmem:$0x1C800] =	vst v63  }
0x97: {  	_ =	swait.ge [sflag:s26], $0x4000  }
0x98: {  	[sflag:s26] =	ssyncset.done $0x0  }
0x99: {  	[sflag:s26] =	ssyncadd.s32 $0xFFFFC000  }
0x9a: {  	[spmem:s2] =	stream.indirect.scatter.add.f32 [tilespmem:s23], [sflag:$0x3], $0x80, s28, s22, $0xb8;
	[tilespmem:$0x1C800] =	vst v63  }
0x9b: {  	_ =	swait.ge [sflag:s20], $0x4000  }
0x9c: {  	[sflag:s20] =	ssyncset.done $0x0  }
0x9d: {  	[sflag:s20] =	ssyncadd.s32 $0xFFFFC000  }
0x9e: {  	[tilespmem:s23], [sflag:$0x2] =	stream.indirect.gather [hbm4b:s10+s22], $0x80, s29, s22, $0xb8;
	[tilespmem:$0x1C800] =	vst v63  }
0x9f: {  	_ =	swait.ge [sflag:s24], $0x4000  }
0xa0: {  	[sflag:s24] =	ssyncset.done $0x0  }
0xa1: {  	[sflag:s24] =	ssyncadd.s32 $0xFFFFC000  }
0xa2: {  	[spmem:s2] =	stream.indirect.scatter.add.f32 [tilespmem:s19], [sflag:$0x3], $0x80, s30, s22, $0xb8;
	[tilespmem:$0x1C800] =	vst v63  }
0xa3: {  	_ =	swait.ge [sflag:s20], $0x4000  }
0xa4: {  	[sflag:s20] =	ssyncset.done $0x0  }
0xa5: {  	[sflag:s20] =	ssyncadd.s32 $0xFFFFC000  }
0xa6: {  	[tilespmem:s19], [sflag:$0x1] =	stream.indirect.gather [hbm4b:s10+s22], $0x80, s31, s22, $0xb8;
	[tilespmem:$0x1C800] =	vst v63  }
0xa7: {  	_ =	swait.ge [sflag:s26], $0x4000  }
0xa8: {  	[sflag:s26] =	ssyncset.done $0x0  }
0xa9: {  	[sflag:s26] =	ssyncadd.s32 $0xFFFFC000  }
0xaa: {  	[spmem:s2] =	stream.indirect.scatter.add.f32 [tilespmem:s23], [sflag:$0x3], $0x80, s1, s22, $0xb8;
	[tilespmem:$0x1C800] =	vst v63  }
0xab: {  	_ =	swait.ge [sflag:s20], $0x4000  }
0xac: {  	[sflag:s20] =	ssyncset.done $0x0  }
0xad: {  	[sflag:s20] =	ssyncadd.s32 $0xFFFFC000  }
0xae: {  	[tilespmem:s23], [sflag:$0x2] =	stream.indirect.gather [hbm4b:s10+s22], $0x80, s0, s22, $0xb8;
	[tilespmem:$0x1C800] =	vst v63  }
0xaf: {  	_ =	swait.ge [sflag:s24], $0x4000  }
0xb0: {  	[sflag:s24] =	ssyncset.done $0x0  }
0xb1: {  	[sflag:s24] =	ssyncadd.s32 $0xFFFFC000  }
0xb2: {  	[spmem:s2] =	stream.indirect.scatter.add.f32 [tilespmem:s19], [sflag:$0x3], $0x80, s4, s22, $0xb8;
	[tilespmem:$0x1C800] =	vst v63  }
0xb3: {  	_ =	swait.ge [sflag:s20], $0x4000  }
0xb4: {  	[sflag:s20] =	ssyncset.done $0x0  }
0xb5: {  	[sflag:s20] =	ssyncadd.s32 $0xFFFFC000  }
0xb6: {  	[tilespmem:s19], [sflag:$0x1] =	stream.indirect.gather [hbm4b:s10+s22], $0x80, s11, s22, $0xb8;
	[tilespmem:$0x1C800] =	vst v63  }
0xb7: {  	_ =	swait.ge [sflag:s26], $0x4000  }
0xb8: {  	[sflag:s26] =	ssyncset.done $0x0  }
0xb9: {  	[sflag:s26] =	ssyncadd.s32 $0xFFFFC000  }
0xba: {  	[spmem:s2] =	stream.indirect.scatter.add.f32 [tilespmem:s23], [sflag:$0x3], $0x80, s12, s22, $0xb8;
	[tilespmem:$0x1C800] =	vst v63  }
0xbb: {  	_ =	swait.ge [sflag:s20], $0x4000  }
0xbc: {  	[sflag:s20] =	ssyncset.done $0x0  }
0xbd: {  	[sflag:s20] =	ssyncadd.s32 $0xFFFFC000  }
0xbe: {  	[tilespmem:s23], [sflag:$0x2] =	stream.indirect.gather [hbm4b:s10+s22], $0x80, s13, s22, $0xb8;
	[tilespmem:$0x1C800] =	vst v63  }
0xbf: {  	_ =	swait.ge [sflag:s24], $0x4000  }
0xc0: {  	[sflag:s24] =	ssyncset.done $0x0  }
0xc1: {  	[sflag:s24] =	ssyncadd.s32 $0xFFFFC000  }
0xc2: {  	[spmem:s2] =	stream.indirect.scatter.add.f32 [tilespmem:s19], [sflag:$0x3], $0x80, s14, s22, $0xb8;
	[tilespmem:$0x1C800] =	vst v63  }
0xc3: {  	_ =	swait.ge [sflag:s20], $0x4000  }
0xc4: {  	[sflag:s20] =	ssyncset.done $0x0  }
0xc5: {  	[sflag:s20] =	ssyncadd.s32 $0xFFFFC000  }
0xc6: {  	_ =	swait.ge [sflag:s26], $0x4000  }
.Ltmp0:
0xc7: {  	[sflag:s26] =	ssyncset.done $0x0;
	(pc) =	sbr.rel @p0 .LBB2_2-.Ltmp0, $4  }
0xc8: {  	[sflag:s26] =	ssyncadd.s32 $0xFFFFC000  }
0xc9: {  	[spmem:s2] =	stream.indirect.scatter.add.f32 [tilespmem:s23], [sflag:$0x3], $0x80, s15, s22, $0xb8;
	[tilespmem:$0x1C800] =	vst v63  }
0xca: {  	_ =	swait.ge [sflag:s20], $0x4000  }
0xcb: {  	s6 =	smov.u32 s7;
	[sflag:s20] =	ssyncset.done $0x0  }
0xcc: {  	s6 =	sadd.s32 s5, s18;
	[sflag:s20] =	ssyncadd.s32 $0xFFFFC000  }
0xcd: {  	[tilespmem:s3], [sflag:$0x3] =	stream.linear.gather [hbm4b:s6+s3], $0x400, $0x38;
	[tilespmem:$0x1C800] =	vst v63  }
0xce: {  	_ =	swait.ge [sflag:s20], $0x400  }
0xcf: {  	[sflag:s20] =	ssyncset.done $0x0  }
0xd0: {  	s16 =	sadd.s32 s5, s17;
	[sflag:s20] =	ssyncadd.s32 $0xFFFFFC00  }
0xd1: {  	[tilespmem:s21], [sflag:$0x3] =	stream.linear.gather [hbm4b:s16+s3], $0x400, $0x38;
	[tilespmem:$0x1C800] =	vst v63  }
0xd2: {  	_ =	swait.ge [sflag:s20], $0x400  }
0xd3: {  	[sflag:s20] =	ssyncset.done $0x0  }
0xd4: {  	[sflag:s20] =	ssyncadd.s32 $0xFFFFFC00  }
0xd5: {  	[tilespmem:s19], [sflag:$0x1] =	stream.indirect.gather [hbm4b:s10+s22], $0x80, s3, s22, $0xb8;
	[tilespmem:$0x1C800] =	vst v63  }
0xd6: {  	_ = 	snop  }
0xd7: {  	[tilespmem:s23], [sflag:$0x2] =	stream.indirect.gather [hbm4b:s10+s22], $0x80, s22, s22, $0xb8;
	[tilespmem:$0x1C800] =	vst v63  }
0xd8: {  	_ =	swait.ge [sflag:s24], $0x4000  }
0xd9: {  	[sflag:s24] =	ssyncset.done $0x0  }
0xda: {  	[sflag:s24] =	ssyncadd.s32 $0xFFFFC000  }
0xdb: {  	[spmem:s2] =	stream.indirect.scatter.add.f32 [tilespmem:s19], [sflag:$0x3], $0x80, s21, s22, $0xb8;
	[tilespmem:$0x1C800] =	vst v63  }
0xdc: {  	_ =	swait.ge [sflag:s20], $0x4000  }
0xdd: {  	[sflag:s20] =	ssyncset.done $0x0  }
0xde: {  	[sflag:s20] =	ssyncadd.s32 $0xFFFFC000  }
0xdf: {  	[tilespmem:s19], [sflag:$0x1] =	stream.indirect.gather [hbm4b:s10+s22], $0x80, s25, s22, $0xb8;
	[tilespmem:$0x1C800] =	vst v63  }
0xe0: {  	_ =	swait.ge [sflag:s26], $0x4000  }
0xe1: {  	[sflag:s26] =	ssyncset.done $0x0  }
0xe2: {  	[sflag:s26] =	ssyncadd.s32 $0xFFFFC000  }
0xe3: {  	[spmem:s2] =	stream.indirect.scatter.add.f32 [tilespmem:s23], [sflag:$0x3], $0x80, s28, s22, $0xb8;
	[tilespmem:$0x1C800] =	vst v63  }
0xe4: {  	_ =	swait.ge [sflag:s20], $0x4000  }
0xe5: {  	[sflag:s20] =	ssyncset.done $0x0  }
0xe6: {  	[sflag:s20] =	ssyncadd.s32 $0xFFFFC000  }
0xe7: {  	[tilespmem:s23], [sflag:$0x2] =	stream.indirect.gather [hbm4b:s10+s22], $0x80, s29, s22, $0xb8;
	[tilespmem:$0x1C800] =	vst v63  }
0xe8: {  	_ =	swait.ge [sflag:s24], $0x4000  }
0xe9: {  	[sflag:s24] =	ssyncset.done $0x0  }
0xea: {  	[sflag:s24] =	ssyncadd.s32 $0xFFFFC000  }
0xeb: {  	[spmem:s2] =	stream.indirect.scatter.add.f32 [tilespmem:s19], [sflag:$0x3], $0x80, s30, s22, $0xb8;
	[tilespmem:$0x1C800] =	vst v63  }
0xec: {  	_ =	swait.ge [sflag:s20], $0x4000  }
0xed: {  	[sflag:s20] =	ssyncset.done $0x0  }
0xee: {  	[sflag:s20] =	ssyncadd.s32 $0xFFFFC000  }
0xef: {  	[tilespmem:s19], [sflag:$0x1] =	stream.indirect.gather [hbm4b:s10+s22], $0x80, s31, s22, $0xb8;
	[tilespmem:$0x1C800] =	vst v63  }
0xf0: {  	_ =	swait.ge [sflag:s26], $0x4000  }
0xf1: {  	[sflag:s26] =	ssyncset.done $0x0  }
0xf2: {  	[sflag:s26] =	ssyncadd.s32 $0xFFFFC000  }
0xf3: {  	[spmem:s2] =	stream.indirect.scatter.add.f32 [tilespmem:s23], [sflag:$0x3], $0x80, s1, s22, $0xb8;
	[tilespmem:$0x1C800] =	vst v63  }
0xf4: {  	_ =	swait.ge [sflag:s20], $0x4000  }
0xf5: {  	[sflag:s20] =	ssyncset.done $0x0  }
0xf6: {  	[sflag:s20] =	ssyncadd.s32 $0xFFFFC000  }
0xf7: {  	[tilespmem:s23], [sflag:$0x2] =	stream.indirect.gather [hbm4b:s10+s22], $0x80, s0, s22, $0xb8;
	[tilespmem:$0x1C800] =	vst v63  }
0xf8: {  	_ =	swait.ge [sflag:s24], $0x4000  }
0xf9: {  	[sflag:s24] =	ssyncset.done $0x0  }
0xfa: {  	[sflag:s24] =	ssyncadd.s32 $0xFFFFC000  }
0xfb: {  	[spmem:s2] =	stream.indirect.scatter.add.f32 [tilespmem:s19], [sflag:$0x3], $0x80, s4, s22, $0xb8;
	[tilespmem:$0x1C800] =	vst v63  }
0xfc: {  	_ =	swait.ge [sflag:s20], $0x4000  }
0xfd: {  	[sflag:s20] =	ssyncset.done $0x0  }
0xfe: {  	[sflag:s20] =	ssyncadd.s32 $0xFFFFC000  }
0xff: {  	[tilespmem:s19], [sflag:$0x1] =	stream.indirect.gather [hbm4b:s10+s22], $0x80, s11, s22, $0xb8;
	[tilespmem:$0x1C800] =	vst v63  }
0x100: {  	_ =	swait.ge [sflag:s26], $0x4000  }
0x101: {  	[sflag:s26] =	ssyncset.done $0x0  }
0x102: {  	[sflag:s26] =	ssyncadd.s32 $0xFFFFC000  }
0x103: {  	[spmem:s2] =	stream.indirect.scatter.add.f32 [tilespmem:s23], [sflag:$0x3], $0x80, s12, s22, $0xb8;
	[tilespmem:$0x1C800] =	vst v63  }
0x104: {  	_ =	swait.ge [sflag:s20], $0x4000  }
0x105: {  	[sflag:s20] =	ssyncset.done $0x0  }
0x106: {  	[sflag:s20] =	ssyncadd.s32 $0xFFFFC000  }
0x107: {  	[tilespmem:s23], [sflag:$0x2] =	stream.indirect.gather [hbm4b:s10+s22], $0x80, s13, s22, $0xb8;
	[tilespmem:$0x1C800] =	vst v63  }
0x108: {  	_ =	swait.ge [sflag:s24], $0x4000  }
0x109: {  	[sflag:s24] =	ssyncset.done $0x0  }
0x10a: {  	[sflag:s24] =	ssyncadd.s32 $0xFFFFC000  }
0x10b: {  	[spmem:s2] =	stream.indirect.scatter.add.f32 [tilespmem:s19], [sflag:$0x3], $0x80, s14, s22, $0xb8;
	[tilespmem:$0x1C800] =	vst v63  }
0x10c: {  	_ =	swait.ge [sflag:s20], $0x4000  }
0x10d: {  	[sflag:s20] =	ssyncset.done $0x0  }
0x10e: {  	[sflag:s20] =	ssyncadd.s32 $0xFFFFC000  }
0x10f: {  	_ =	swait.ge [sflag:s26], $0x4000  }
0x110: {  	[sflag:s26] =	ssyncset.done $0x0  }
0x111: {  	[sflag:s26] =	ssyncadd.s32 $0xFFFFC000  }
0x112: {  	[spmem:s2] =	stream.indirect.scatter.add.f32 [tilespmem:s23], [sflag:$0x3], $0x80, s15, s22, $0xb8;
	[tilespmem:$0x1C800] =	vst v63  }
0x113: {  	_ =	swait.ge [sflag:s20], $0x4000  }
0x114: {  	[sflag:s20] =	ssyncset.done $0x0  }
0x115: {  	[sflag:s20] =	ssyncadd.s32 $0xFFFFC000  }
0x116: {  	[bflag:$0x0] =	sbarrier.arrive $0xFFFF  }
0x117: {  	s6 =	rddreg [dreg:$0x4]  }
0x118: {  	[tilespmem:s19], [sflag:$0x3] =	stream.linear.gather [spmem:s6], $0x4000, $0x38;
	[tilespmem:$0x1C800] =	vst v63  }
0x119: {  	_ =	swait.ge [sflag:s20], $0x4000  }
0x11a: {  	[sflag:s20] =	ssyncset.done $0x0  }
0x11b: {  	s7 =	rddreg [dreg:$0x9];
	[sflag:s20] =	ssyncadd.s32 $0xFFFFC000  }
0x11c: {  	[hbm4b:s7+s3] =	stream.linear.scatter [tilespmem:s19], [sflag:$0x3], $0x4000, $0x38;
	[tilespmem:$0x1C800] =	vst v63  }
0x11d: {  	_ =	swait.ge [sflag:s20], $0x4000  }
0x11e: {  	[sflag:s20] =	ssyncset.done $0x0  }
0x11f: {  	s6 =	rddreg [dreg:$0x5];
	[sflag:s20] =	ssyncadd.s32 $0xFFFFC000  }
0x120: {  	[tilespmem:s19], [sflag:$0x3] =	stream.linear.gather [spmem:s6], $0x4000, $0x38;
	[tilespmem:$0x1C800] =	vst v63  }
0x121: {  	_ =	swait.ge [sflag:s20], $0x4000  }
0x122: {  	[sflag:s20] =	ssyncset.done $0x0  }
0x123: {  	s8 =	rddreg [dreg:$0xa];
	[sflag:s20] =	ssyncadd.s32 $0xFFFFC000  }
0x124: {  	[hbm4b:s8+s3] =	stream.linear.scatter [tilespmem:s19], [sflag:$0x3], $0x4000, $0x38;
	[tilespmem:$0x1C800] =	vst v63  }
0x125: {  	_ =	swait.ge [sflag:s20], $0x4000  }
0x126: {  	[sflag:s20] =	ssyncset.done $0x0  }
0x127: {  	s7 =	rddreg [dreg:$0x6];
	[sflag:s20] =	ssyncadd.s32 $0xFFFFC000  }
0x128: {  	[tilespmem:s19], [sflag:$0x3] =	stream.linear.gather [spmem:s7], $0x4000, $0x38;
	[tilespmem:$0x1C800] =	vst v63  }
0x129: {  	_ =	swait.ge [sflag:s20], $0x4000  }
0x12a: {  	[sflag:s20] =	ssyncset.done $0x0  }
0x12b: {  	s9 =	rddreg [dreg:$0xb];
	[sflag:s20] =	ssyncadd.s32 $0xFFFFC000  }
0x12c: {  	[hbm4b:s9+s3] =	stream.linear.scatter [tilespmem:s19], [sflag:$0x3], $0x4000, $0x38;
	[tilespmem:$0x1C800] =	vst v63  }
0x12d: {  	_ =	swait.ge [sflag:s20], $0x4000  }
0x12e: {  	[sflag:s20] =	ssyncset.done $0x0  }
0x12f: {  	s9 =	rddreg [dreg:$0x7];
	[sflag:s20] =	ssyncadd.s32 $0xFFFFC000  }
0x130: {  	[tilespmem:s19], [sflag:$0x3] =	stream.linear.gather [spmem:s9], $0x4000, $0x38;
	[tilespmem:$0x1C800] =	vst v63  }
0x131: {  	_ =	swait.ge [sflag:s20], $0x4000  }
0x132: {  	[sflag:s20] =	ssyncset.done $0x0  }
0x133: {  	s16 =	rddreg [dreg:$0xc];
	[sflag:s20] =	ssyncadd.s32 $0xFFFFC000  }
0x134: {  	[hbm4b:s16+s3] =	stream.linear.scatter [tilespmem:s19], [sflag:$0x3], $0x4000, $0x38;
	[tilespmem:$0x1C800] =	vst v63  }
0x135: {  	_ =	swait.ge [sflag:s20], $0x4000  }
0x136: {  	[sflag:s20] =	ssyncset.done $0x0  }
0x137: {  	s16 =	rddreg [dreg:$0x8];
	[sflag:s20] =	ssyncadd.s32 $0xFFFFC000  }
0x138: {  	[tilespmem:s19], [sflag:$0x3] =	stream.linear.gather [spmem:s16], $0x4000, $0x38;
	[tilespmem:$0x1C800] =	vst v63  }
0x139: {  	_ =	swait.ge [sflag:s20], $0x4000  }
0x13a: {  	[sflag:s20] =	ssyncset.done $0x0  }
0x13b: {  	s8 =	rddreg [dreg:$0xd];
	[sflag:s20] =	ssyncadd.s32 $0xFFFFC000  }
0x13c: {  	[hbm4b:s8+s3] =	stream.linear.scatter [tilespmem:s19], [sflag:$0x3], $0x4000, $0x38;
	[tilespmem:$0x1C800] =	vst v63  }
0x13d: {  	_ =	swait.ge [sflag:s20], $0x4000  }
0x13e: {  	s8 =	rddreg [dreg:$0xf]  }
0x13f: {  	s5 =	rddreg [dreg:$0xe];
	s8 =	sadd.s32 $0x1, s8  }
0x140: {  	p0 =	sne.s32 s8, s5  }
.Ltmp1:
0x141: {  	_ = 	snop;
	(pc) =	sbr.rel @p0 .LBB2_1-.Ltmp1, $3  }
0x142: {  	_ =	sdelay $0x1  }
0x143: {  	[sflag:s20] =	ssyncset.done $0x0;
	[dreg:$0xf] =	wrdreg s8  }
0x144: {  	[sflag:s20] =	ssyncadd.s32 $0xFFFFC000;
	s8 =	rddreg [dreg:$0x4]  }
0x145: {  	_ =	sfence.sel $0x180000  }
0x146: {  	[bflag:$0x0] =	sbarrier.arrive $0xFFFF  }
0x147: {  	_ =	strace $0x9000004D  }
0x148: {  	s0 =	stileid.u32;
	[bflag:$0x2] =	sbarrier.arrive $0xFFFF  }
0x149: {  	p0 =	sne.s32 s0, $0x0;
	s0 =	rddreg [dreg:$0x2]  }
0x14a: {  	s0 =	sadd.s32 @!p0 $0x100000, s0  }
0x14b: {  	[sflag:s0] =	ssyncadd.tile.s32 @!p0 $0x1;
	_ =	shalt  }
.Lfunc_end2:
_tile_overlayer_lowered:
.L_overlay_start_2:
0x14c: {  	(tag) =	ssettag $0x2  }
0x14d: {  	s0 =	rddreg [dreg:$0x0];
	s2 =	stileid.u32  }
0x14e: {  	s1 =	rddreg [dreg:$0x1];
	p0 =	sne.s32 s2, $0x0  }
0x14f: {  	s3 =	rddreg [dreg:$0x2];
	[bflag:$0x3] =	sbarrier.arrive $0xFFFF;
	s2 =	simm.s32 @!p0 $0x1C03  }
0x150: {  	[timem:s3], [sflag:s2] =	dma.local @!p0 [hbm:s0], s1  }
0x151: {  	s0 =	simm.s32 @!p0 $0x3  }
0x152: {  	_ =	swait.ge @!p0 [sflag:s0], s1  }
0x153: {  	s1 =	ssub.s32 @!p0 $0x0, s1;
	[sflag:s0] =	ssyncset.done @!p0 $0x0  }
0x154: {  	[sflag:s0] =	ssyncadd.s32 @!p0 s1  }
0x155: {  	[bflag:$0x3] =	sbarrier.arrive $0xFFFF  }
0x156: {  	_ =	shalt  }

// kernel: kernel.18.cloned.1.call-start
scs
__scs_entry_jumppad:
0x0: {  	(pc) =	sbr.rel $0x88, $3  }
0x1: {  	(tag) =	ssettag $0x0;
	lr =	simm.s32 $0x1  }
0x2: {  	[smem:$0x3F96] =	sst lr;
	_ =	strace $0xD0000000  }
0x3: {  	_ = 	snop  }
0x4: {  	_ = 	snop  }
0x5: {  	_ = 	snop  }
0x6: {  	_ = 	snop  }
0x7: {  	_ = 	snop  }
__scs_overlays_trampoline_lowered:
0x8: {  	[smem:$0x3FA5] =	sst s0  }
0x9: {  	[smem:$0x3FA6] =	sst s1  }
0xa: {  	[smem:$0x3FA7] =	sst s2  }
0xb: {  	[smem:$0x3FA8] =	sst s3  }
0xc: {  	[smem:$0x3FA9] =	sst s4  }
0xd: {  	[smem:$0x3FAA] =	sst s5  }
0xe: {  	[smem:$0x3FAB] =	sst s6  }
0xf: {  	[smem:$0x3FAC] =	sst s7  }
0x10: {  	[smem:$0x3FAD] =	sst s8  }
0x11: {  	[smem:$0x3FAE] =	sst s9;
	s0 =	simm.s32 @!p0 $0x0  }
0x12: {  	s1 =	sld [smem:$0x3F94];
	s0 =	simm.s32 @p0 $0x1  }
0x13: {  	[smem:$0x3FAF] =	sst s0;
	s0 =	simm.s32 @!p1 $0x0  }
0x14: {  	s2 =	sld [smem:$0x3F93];
	s0 =	simm.s32 @p1 $0x1  }
0x15: {  	[smem:$0x3FB0] =	sst s0;
	s0 =	simm.s32 @!p2 $0x0  }
0x16: {  	s3 =	sld [smem:$0x3FDB];
	s0 =	simm.s32 @p2 $0x1  }
0x17: {  	s4 =	simm.s32 $0x1BF5;
	[smem:$0x3FB2] =	sst s0  }
0x18: {  	s0 =	sld [smem:$0x3F95];
	_ =	swait.ge [sflag:s4], $0x0  }
0x19: {  	s7 =	sld [smem:$0x3F96]  }
0x1a: {  	s8 =	sadd.s32 $0xFFFFE003, lr  }
0x1b: {  	s9 =	sadd.s32 $0xFFFFFEF7, lr;
	s5 =	simm.s32 $0xFFFFFFFF;
	p2 =	slt.u32 s8, $0xFFFFF086  }
0x1c: {  	p1 =	slt.u32 s9, $0xF7A;
	s5 =	simm.s32 @!p2 $0x0  }
0x1d: {  	s5 =	simm.s32 @p1 $0x1;
	p0 =	seq.s32 s7, s2  }
0x1e: {  	s7 =	smul.u32 @!p0 $0xF7A, s2;
	p2 =	seq.s32 @!p0 s5, $0x0  }
0x1f: {  	s9 =	smul.u32 $0xF7A, s1;
	s8 =	simm.s32 @!p0 $0x1BF5;
	p2 =	por !p2, p0  }
0x20: {  	[sflag:s8] =	ssyncset.s32 @!p0 $0xFFFFF086;
	s6 =	sadd.s32 @!p0 s3, s7;
	s7 =	simm.s32 @!p0 $0x108  }
0x21: {  	s3 =	sadd.s32 s3, s9;
	s6 =	sadd.s32 @!p0 $0x88, s6;
	s7 =	simm.s32 @p2 $0x1082  }
0x22: {  	[simem:s7], [sflag:s8] =	dma.local @!p0 [hbm:s6], $0xF7A  }
0x23: {  	s9 =	sor.u32 $0xD0000000, s2;
	s6 =	simm.s32 $0x108;
	_ =	swait.ge @!p0 [sflag:s8], $0x0  }
0x24: {  	s3 =	sadd.s32 $0x88, s3;
	s6 =	simm.s32 @!p1 $0x1082;
	[sflag:s4] =	ssyncset.s32 $0xFFFFF086  }
0x25: {  	[simem:s6], [sflag:s4] =	dma.local [hbm:s3], $0xF7A  }
0x26: {  	[smem:$0x3F96] =	sst s1;
	(tag) =	ssettag s2;
	_ =	strace s9  }
0x27: {  	s1 =	sld [smem:$0x3FA6]  }
0x28: {  	s2 =	sld [smem:$0x3FA7]  }
0x29: {  	s4 =	sld [smem:$0x3FA9]  }
0x2a: {  	p0 =	seq.s32 s5, $0x0;
	s5 =	sld [smem:$0x3FAA]  }
0x2b: {  	s6 =	sld [smem:$0x3FAB]  }
0x2c: {  	s7 =	sld [smem:$0x3FAC]  }
0x2d: {  	s3 =	simm.s32 $0x108;
	s8 =	sld [smem:$0x3FAD]  }
0x2e: {  	s3 =	simm.s32 @!p0 $0x1082;
	s9 =	sld [smem:$0x3FAE]  }
0x2f: {  	lr =	sadd.s32 s0, s3;
	s0 =	sld [smem:$0x3FA5]  }
0x30: {  	s3 =	sld [smem:$0x3FA8]  }
0x31: {  	[smem:$0x3FB1] =	sst s10  }
0x32: {  	s10 =	sld [smem:$0x3FAF];
	_ =	sdelay $0x3  }
0x33: {  	p0 =	seq.s32 s10, $0x1;
	s10 =	sld [smem:$0x3FB1];
	_ =	sdelay $0x3  }
0x34: {  	[smem:$0x3FB1] =	sst s10  }
0x35: {  	s10 =	sld [smem:$0x3FB0];
	_ =	sdelay $0x3  }
0x36: {  	p1 =	seq.s32 s10, $0x1;
	s10 =	sld [smem:$0x3FB1];
	_ =	sdelay $0x3  }
0x37: {  	[smem:$0x3FB1] =	sst s10  }
0x38: {  	s10 =	sld [smem:$0x3FB2]  }
0x39: {  	_ = 	snop;
	(pc) =	sbr.ind lr, $3  }
0x3a: {  	_ = 	snop  }
0x3b: {  	_ = 	snop  }
0x3c: {  	p2 =	seq.s32 s10, $0x1;
	s10 =	sld [smem:$0x3FB1]  }
0x3d: {  	_ =	shalt  }
0x3e: {  	_ =	shalt  }
0x3f: {  	_ =	shalt  }
0x40: {  	_ =	shalt  }
0x41: {  	_ =	shalt  }
0x42: {  	_ =	shalt  }
0x43: {  	_ =	shalt  }
0x44: {  	_ =	shalt  }
0x45: {  	_ =	shalt  }
0x46: {  	_ =	shalt  }
0x47: {  	_ =	shalt  }
0x48: {  	_ =	shalt  }
0x49: {  	_ =	shalt  }
0x4a: {  	_ =	shalt  }
0x4b: {  	_ =	shalt  }
0x4c: {  	_ =	shalt  }
0x4d: {  	_ =	shalt  }
0x4e: {  	_ =	shalt  }
0x4f: {  	_ =	shalt  }
0x50: {  	_ =	shalt  }
0x51: {  	_ =	shalt  }
0x52: {  	_ =	shalt  }
0x53: {  	_ =	shalt  }
0x54: {  	_ =	shalt  }
0x55: {  	_ =	shalt  }
0x56: {  	_ =	shalt  }
0x57: {  	_ =	shalt  }
0x58: {  	_ =	shalt  }
0x59: {  	_ =	shalt  }
0x5a: {  	_ =	shalt  }
0x5b: {  	_ =	shalt  }
0x5c: {  	_ =	shalt  }
0x5d: {  	_ =	shalt  }
0x5e: {  	_ =	shalt  }
0x5f: {  	_ =	shalt  }
0x60: {  	_ =	shalt  }
0x61: {  	_ =	shalt  }
0x62: {  	_ =	shalt  }
0x63: {  	_ =	shalt  }
0x64: {  	_ =	shalt  }
0x65: {  	_ =	shalt  }
0x66: {  	_ =	shalt  }
0x67: {  	_ =	shalt  }
0x68: {  	_ =	shalt  }
0x69: {  	_ =	shalt  }
0x6a: {  	_ =	shalt  }
0x6b: {  	_ =	shalt  }
0x6c: {  	_ =	shalt  }
0x6d: {  	_ =	shalt  }
0x6e: {  	_ =	shalt  }
0x6f: {  	_ =	shalt  }
0x70: {  	_ =	shalt  }
0x71: {  	_ =	shalt  }
0x72: {  	_ =	shalt  }
0x73: {  	_ =	shalt  }
0x74: {  	_ =	shalt  }
0x75: {  	_ =	shalt  }
0x76: {  	_ =	shalt  }
0x77: {  	_ =	shalt  }
0x78: {  	_ =	shalt  }
0x79: {  	_ =	shalt  }
0x7a: {  	_ =	shalt  }
0x7b: {  	_ =	shalt  }
0x7c: {  	_ =	shalt  }
0x7d: {  	_ =	shalt  }
0x7e: {  	_ =	shalt  }
0x7f: {  	_ =	shalt  }
0x80: {  	_ =	shalt  }
0x81: {  	_ =	shalt  }
0x82: {  	_ =	shalt  }
0x83: {  	_ =	shalt  }
0x84: {  	_ =	shalt  }
0x85: {  	_ =	shalt  }
0x86: {  	_ =	shalt  }
0x87: {  	_ =	shalt  }
.Lfunc_end0:
.L_simem_size_0:
called_computation.3_lowered:
.L_overlay_start_0:
0x88: {  	s2 =	sld [smem:$0x3FD9]  }
0x89: {  	s3 =	sld [smem:$0x3FFE];
	_ =	sdelay $0x1  }
0x8a: {  	s1 =	srdreg.scid  }
0x8b: {  	s0 =	sand.u32 $0x1, s1  }
0x8c: {  	s16 =	sshll.u32 s0, $0xA;
	s2 =	sadd.s32 s3, s2  }
0x8d: {  	s2 =	sadd.s32 s2, s16  }
0x8e: {  	[smem:$0x3FBD] =	sst s2  }
0x8f: {  	_ = 	snop  }
0x90: {  	(tm) =	ssettm $0x1  }
0x91: {  	s17 =	sld [smem:$0x3FFB];
	_ =	sdelay $0x3  }
0x92: {  	_ =	strace s17  }
0x93: {  	s2 =	sld [smem:$0x3FFC];
	_ =	sdelay $0x3  }
0x94: {  	_ =	strace s2  }
0x95: {  	s2 =	sld [smem:$0x3FFD];
	_ =	sdelay $0x3  }
0x96: {  	_ =	strace s2  }
0x97: {  	_ =	strace $0x8FFFFFFF  }
0x98: {  	s18 =	sld [smem:$0x3FDB];
	_ =	sdelay $0x1  }
0x99: {  	s19 =	simm.s32 $_scs_section_size  }
0x9a: {  	s4 =	simm.s32 $_size__tile_overlayer_lowered;
	s5 =	simm.s32 $_tile_overlayer_lowered  }
0x9b: {  	s22 =	simm.s32 $0x1BFF;
	s21 =	sshll.u32 s5, $0x1;
	s2 =	sadd.s32 s19, s18  }
0x9c: {  	s6 =	simm.s32 $0x0;
	s20 =	sshll.u32 s4, $0x1;
	s4 =	sadd.s32 s21, s2  }
0x9d: {  	[timem:s6], [sflag:s22] =	dma.local [hbm:s4], s20  }
0x9e: {  	_ =	swait.ge [sflag:s22], s20  }
0x9f: {  	s3 =	ssub.s32 $0x0, s20;
	[sflag:s22] =	ssyncset.done $0x0  }
0xa0: {  	[sflag:s22] =	ssyncadd.s32 s3;
	_ =	sdelay $0x1  }
0xa1: {  	s23 =	simm.s32 $0x1B8B  }
0xa2: {  	_ =	swait.ge [sflag:s23], $0x1  }
0xa3: {  	[sflag:s23] =	ssyncset.done $0x0  }
0xa4: {  	s25 =	simm.s32 $0x1B8E;
	s24 =	sld [smem:$0x3FFE];
	[sflag:s23] =	ssyncadd.s32 $0xFFFFFFFF  }
0xa5: {  	s26 =	simm.s32 $execute0_lowered;
	[smem:$0x3FD2] =	sst s25  }
0xa6: {  	s4 =	sshll.u32 s26, $0x1;
	_ =	strace $0x8000004F;
	[dreg:$0x1] =	wrdreg $0xFFFFFFFF  }
0xa7: {  	s28 =	simm.s32 $_size_execute0_lowered;
	s2 =	sadd.s32 s2, s4;
	[dreg:$0x0] =	wrdreg $0x0  }
0xa8: {  	s4 =	sshll.u32 s28, $0x1;
	[dreg:$0x2] =	wrdreg s2  }
0xa9: {  	[dreg:$0x3] =	wrdreg s4  }
0xaa: {  	[dreg:$0x4] =	wrdreg $0xC0  }
0xab: {  	_ =	task [dreg:s6], $0x5FFFF  }
0xac: {  	[dreg:$0x1] =	wrdreg $0xFFFFFFFF  }
0xad: {  	[dreg:$0x0] =	wrdreg $0x60  }
0xae: {  	[dreg:$0x2] =	wrdreg s24  }
0xaf: {  	[dreg:$0x3] =	wrdreg $0x88000  }
0xb0: {  	[dreg:$0x4] =	wrdreg $0x9  }
0xb1: {  	_ =	task.clear_ibuf [dreg:s6], $0x5FFFF;
	_ =	strace $0x9000004F  }
0xb2: {  	s29 =	simm.s32 $0x9;
	_ =	strace $0x80000051  }
0xb3: {  	_ =	swait.ge [sflag:s29], $0x1  }
0xb4: {  	[sflag:s29] =	ssyncadd.s32 $0xFFFFFFFF  }
0xb5: {  	_ =	strace $0x90000051  }
0xb6: {  	_ =	sfence  }
0xb7: {  	s30 =	sld [smem:$0x0];
	_ =	sdelay $0x2  }
0xb8: {  	s31 =	sshll.u32 s1, $0xD;
	s1 =	sshrl.u32 s1, $0x2  }
0xb9: {  	s3 =	sand.u32 $0x4000, s31;
	s1 =	sadd.s32 s1, s30  }
0xba: {  	s0 =	sor.u32 s3, s0;
	s1 =	sshll.u32 s1, $0x11  }
0xbb: {  	s0 =	sor.u32 s1, s0  }
0xbc: {  	s0 =	sadd.s32 $0x8F2B, s0  }
0xbd: {  	[sflag:s0] =	ssyncadd.remote.s32 $0x1  }
0xbe: {  	_ =	sfence.sel $0xFFFF  }
0xbf: {  	[dreg:$0x0] =	wrdreg $0xFFFFFFFF;
	(pc) =	sbr.abs _section_cstart, $3  }
0xc0: {  	[dreg:$0x1] =	wrdreg $0xFFFFFFFF  }
0xc1: {  	_ =	task.clear_ibuf [dreg:s6], $0x2FFFF;
	_ =	strace $0x9FFFFFFF  }
0xc2: {  	(tm) =	ssettm $0x7FFFFFFF  }
0xc3: {  	_ =	shalt  }
tec
execute0_lowered:
.L_overlay_start_1:
0x0: {  	(tag) =	ssettag $0x1  }
0x1: {  	s0 =	srdreg.scid  }
0x2: {  	s8 =	stileid.u32;
	s1 =	rddreg [dreg:$0x0]  }
0x3: {  	s2 =	rddreg [dreg:$0x1];
	s4 =	smul.u32 $0x5000, s8  }
0x4: {  	s3 =	simm.s32 $0x0;
	s28 =	simm.s32 $0x480;
	s16 =	smul.u32 $0x50000, s8  }
0x5: {  	s29 =	simm.s32 $0x180;
	s0 =	sand.u32 $0x1, s0;
	s9 =	smul.u32 $0x14000, s8  }
0x6: {  	s30 =	simm.s32 $0x500;
	s31 =	simm.s32 $0x200;
	s5 =	smul.u32 $0x2800, s0  }
0x7: {  	[smem:$0x7FF] =	sst s3;
	s7 =	sadd.s32 $0x64400, s1;
	s6 =	smul.u32 $0x27100, s0  }
0x8: {  	_ =	strace $0x80000050;
	[dreg:$0x3] =	wrdreg s7;
	s17 =	ssub.s32 $0x2, s0  }
0x9: {  	s0 =	smul.u32 $0x140000, s0;
	s18 =	sshrl.u32 s17, $0x1;
	s19 =	sadd.s32 $0x4000, s9  }
0xa: {  	s11 =	sadd.s32 $0x8000, s9;
	s12 =	sadd.s32 $0xC000, s9;
	s13 =	sadd.s32 $0x10000, s9  }
0xb: {  	s4 =	sadd.s32 s5, s4;
	s26 =	sadd.s32 s6, s1;
	s6 =	sshrl.u32 s16, $0x2  }
0xc: {  	s7 =	ssub.s32 s17, s18;
	s15 =	sadd.s32 s19, s2;
	s17 =	sadd.s32 s11, s2  }
0xd: {  	s14 =	sadd.s32 s12, s2;
	s10 =	sadd.s32 s9, s0;
	s16 =	sadd.s32 s13, s2  }
0xe: {  	s23 =	sadd.s32 s0, s11;
	s24 =	sadd.s32 s0, s12;
	s11 =	simm.s32 $0x300  }
0xf: {  	s12 =	simm.s32 $0x680;
	s4 =	sshrl.u32 s4, $0x3;
	s8 =	sadd.s32 s6, s2  }
0x10: {  	s9 =	smov.u32 s14;
	s6 =	sadd.s32 s0, s19;
	s20 =	sshrl.u32 s10, $0x3  }
0x11: {  	s10 =	sadd.s32 $0x2200, s26;
	s0 =	sadd.s32 s0, s13;
	s5 =	sshrl.u32 s23, $0x3  }
0x12: {  	s26 =	smax.u32 s7, $0x1;
	s7 =	smov.u32 s17;
	s19 =	simm.s32 $0x800  }
0x13: {  	s23 =	simm.s32 $0x4800;
	s13 =	simm.s32 $0x380;
	[dreg:$0x8] =	wrdreg s16  }
0x14: {  	s14 =	simm.s32 $0x700;
	s4 =	sadd.s32 s4, s1;
	[dreg:$0xe] =	wrdreg s26  }
0x15: {  	s1 =	sadd.s32 $0x8C400, s1;
	s6 =	sshrl.u32 s6, $0x3;
	[dreg:$0x4] =	wrdreg s8  }
0x16: {  	s0 =	sshrl.u32 s0, $0x3;
	s26 =	simm.s32 $0x2;
	[dreg:$0x6] =	wrdreg s7  }
0x17: {  	[dreg:$0x7] =	wrdreg s9;
	s21 =	sadd.s32 s1, s20;
	s22 =	sadd.s32 s1, s6  }
0x18: {  	s6 =	sshrl.u32 s24, $0x3;
	s5 =	sadd.s32 s1, s5;
	s0 =	sadd.s32 s1, s0  }
0x19: {  	s17 =	sadd.s32 $0x50400, s4;
	s18 =	sadd.s32 $0x5A400, s4;
	[dreg:$0x9] =	wrdreg s21  }
0x1a: {  	s20 =	simm.s32 $0x3;
	s24 =	simm.s32 $0x1;
	[dreg:$0xa] =	wrdreg s22  }
0x1b: {  	s4 =	simm.s32 $0x600;
	[dreg:$0xb] =	wrdreg s5;
	s25 =	sadd.s32 s1, s6  }
0x1c: {  	s6 =	smov.u32 s15;
	[dreg:$0xd] =	wrdreg s0;
	s21 =	simm.s32 $0x400  }
0x1d: {  	s22 =	simm.s32 $0x80;
	s5 =	simm.s32 $0x0;
	[dreg:$0xc] =	wrdreg s25  }
0x1e: {  	s1 =	simm.s32 $0x580;
	s0 =	simm.s32 $0x280;
	[dreg:$0xf] =	wrdreg s5  }
0x1f: {  	s15 =	simm.s32 $0x780;
	s25 =	simm.s32 $0x100;
	[dreg:$0x5] =	wrdreg s6  }
.LBB2_1:
0x20: {  	s5 =	rddreg [dreg:$0x3]  }
0x21: {  	[tilespmem:s19], [sflag:$0x3] =	stream.linear.gather [hbm4b:s5+s3], $0x4000, $0x38;
	[tilespmem:$0x1C800] =	vst v63  }
0x22: {  	_ =	swait.ge [sflag:s20], $0x4000  }
0x23: {  	[sflag:s20] =	ssyncset.done $0x0  }
0x24: {  	[sflag:s20] =	ssyncadd.s32 $0xFFFFC000  }
0x25: {  	[spmem:s8] =	stream.linear.scatter [tilespmem:s19], [sflag:$0x3], $0x4000, $0x38;
	[tilespmem:$0x1C800] =	vst v63  }
0x26: {  	_ =	swait.ge [sflag:s20], $0x4000  }
0x27: {  	[sflag:s20] =	ssyncset.done $0x0  }
0x28: {  	[sflag:s20] =	ssyncadd.s32 $0xFFFFC000  }
0x29: {  	[spmem:s6] =	stream.linear.scatter [tilespmem:s19], [sflag:$0x3], $0x4000, $0x38;
	[tilespmem:$0x1C800] =	vst v63  }
0x2a: {  	_ =	swait.ge [sflag:s20], $0x4000  }
0x2b: {  	[sflag:s20] =	ssyncset.done $0x0  }
0x2c: {  	[sflag:s20] =	ssyncadd.s32 $0xFFFFC000  }
0x2d: {  	[spmem:s7] =	stream.linear.scatter [tilespmem:s19], [sflag:$0x3], $0x4000, $0x38;
	[tilespmem:$0x1C800] =	vst v63  }
0x2e: {  	_ =	swait.ge [sflag:s20], $0x4000  }
0x2f: {  	[sflag:s20] =	ssyncset.done $0x0  }
0x30: {  	[sflag:s20] =	ssyncadd.s32 $0xFFFFC000  }
0x31: {  	[spmem:s9] =	stream.linear.scatter [tilespmem:s19], [sflag:$0x3], $0x4000, $0x38;
	[tilespmem:$0x1C800] =	vst v63  }
0x32: {  	_ =	swait.ge [sflag:s20], $0x4000  }
0x33: {  	[sflag:s20] =	ssyncset.done $0x0  }
0x34: {  	[sflag:s20] =	ssyncadd.s32 $0xFFFFC000  }
0x35: {  	[spmem:s16] =	stream.linear.scatter [tilespmem:s19], [sflag:$0x3], $0x4000, $0x38;
	[tilespmem:$0x1C800] =	vst v63  }
0x36: {  	_ =	swait.ge [sflag:s20], $0x4000  }
0x37: {  	[sflag:s20] =	ssyncset.done $0x0  }
0x38: {  	[sflag:s20] =	ssyncadd.s32 $0xFFFFC000  }
0x39: {  	s9 =	sadd.s32 $0x0, s18;
	[bflag:$0x0] =	sbarrier.arrive $0xFFFF  }
0x3a: {  	[tilespmem:s3], [sflag:$0x3] =	stream.linear.gather [hbm4b:s9+s3], $0x400, $0x38;
	[tilespmem:$0x1C800] =	vst v63  }
0x3b: {  	_ =	swait.ge [sflag:s20], $0x400  }
0x3c: {  	[sflag:s20] =	ssyncset.done $0x0  }
0x3d: {  	s16 =	sadd.s32 $0x0, s17;
	[sflag:s20] =	ssyncadd.s32 $0xFFFFFC00  }
0x3e: {  	[tilespmem:s21], [sflag:$0x3] =	stream.linear.gather [hbm4b:s16+s3], $0x400, $0x38;
	[tilespmem:$0x1C800] =	vst v63  }
0x3f: {  	_ =	swait.ge [sflag:s20], $0x400  }
0x40: {  	[sflag:s20] =	ssyncset.done $0x0  }
0x41: {  	[sflag:s20] =	ssyncadd.s32 $0xFFFFFC00  }
0x42: {  	[tilespmem:s19], [sflag:$0x1] =	stream.indirect.gather [hbm4b:s10+s22], $0x80, s3, s22, $0xb8;
	[tilespmem:$0x1C800] =	vst v63  }
0x43: {  	_ = 	snop  }
0x44: {  	[tilespmem:s23], [sflag:$0x2] =	stream.indirect.gather [hbm4b:s10+s22], $0x80, s22, s22, $0xb8;
	[tilespmem:$0x1C800] =	vst v63  }
0x45: {  	_ =	swait.ge [sflag:s24], $0x4000  }
0x46: {  	[sflag:s24] =	ssyncset.done $0x0  }
0x47: {  	[sflag:s24] =	ssyncadd.s32 $0xFFFFC000  }
0x48: {  	[spmem:s2] =	stream.indirect.scatter.add.f32 [tilespmem:s19], [sflag:$0x3], $0x80, s21, s22, $0xb8;
	[tilespmem:$0x1C800] =	vst v63  }
0x49: {  	_ =	swait.ge [sflag:s20], $0x4000  }
0x4a: {  	[sflag:s20] =	ssyncset.done $0x0  }
0x4b: {  	[sflag:s20] =	ssyncadd.s32 $0xFFFFC000  }
0x4c: {  	[tilespmem:s19], [sflag:$0x1] =	stream.indirect.gather [hbm4b:s10+s22], $0x80, s25, s22, $0xb8;
	[tilespmem:$0x1C800] =	vst v63  }
0x4d: {  	_ =	swait.ge [sflag:s26], $0x4000  }
0x4e: {  	[sflag:s26] =	ssyncset.done $0x0  }
0x4f: {  	[sflag:s26] =	ssyncadd.s32 $0xFFFFC000  }
0x50: {  	[spmem:s2] =	stream.indirect.scatter.add.f32 [tilespmem:s23], [sflag:$0x3], $0x80, s28, s22, $0xb8;
	[tilespmem:$0x1C800] =	vst v63  }
0x51: {  	_ =	swait.ge [sflag:s20], $0x4000  }
0x52: {  	[sflag:s20] =	ssyncset.done $0x0  }
0x53: {  	[sflag:s20] =	ssyncadd.s32 $0xFFFFC000  }
0x54: {  	[tilespmem:s23], [sflag:$0x2] =	stream.indirect.gather [hbm4b:s10+s22], $0x80, s29, s22, $0xb8;
	[tilespmem:$0x1C800] =	vst v63  }
0x55: {  	_ =	swait.ge [sflag:s24], $0x4000  }
0x56: {  	[sflag:s24] =	ssyncset.done $0x0  }
0x57: {  	[sflag:s24] =	ssyncadd.s32 $0xFFFFC000  }
0x58: {  	[spmem:s2] =	stream.indirect.scatter.add.f32 [tilespmem:s19], [sflag:$0x3], $0x80, s30, s22, $0xb8;
	[tilespmem:$0x1C800] =	vst v63  }
0x59: {  	_ =	swait.ge [sflag:s20], $0x4000  }
0x5a: {  	[sflag:s20] =	ssyncset.done $0x0  }
0x5b: {  	[sflag:s20] =	ssyncadd.s32 $0xFFFFC000  }
0x5c: {  	[tilespmem:s19], [sflag:$0x1] =	stream.indirect.gather [hbm4b:s10+s22], $0x80, s31, s22, $0xb8;
	[tilespmem:$0x1C800] =	vst v63  }
0x5d: {  	_ =	swait.ge [sflag:s26], $0x4000  }
0x5e: {  	[sflag:s26] =	ssyncset.done $0x0  }
0x5f: {  	[sflag:s26] =	ssyncadd.s32 $0xFFFFC000  }
0x60: {  	[spmem:s2] =	stream.indirect.scatter.add.f32 [tilespmem:s23], [sflag:$0x3], $0x80, s1, s22, $0xb8;
	[tilespmem:$0x1C800] =	vst v63  }
0x61: {  	_ =	swait.ge [sflag:s20], $0x4000  }
0x62: {  	[sflag:s20] =	ssyncset.done $0x0  }
0x63: {  	[sflag:s20] =	ssyncadd.s32 $0xFFFFC000  }
0x64: {  	[tilespmem:s23], [sflag:$0x2] =	stream.indirect.gather [hbm4b:s10+s22], $0x80, s0, s22, $0xb8;
	[tilespmem:$0x1C800] =	vst v63  }
0x65: {  	_ =	swait.ge [sflag:s24], $0x4000  }
0x66: {  	[sflag:s24] =	ssyncset.done $0x0  }
0x67: {  	[sflag:s24] =	ssyncadd.s32 $0xFFFFC000  }
0x68: {  	[spmem:s2] =	stream.indirect.scatter.add.f32 [tilespmem:s19], [sflag:$0x3], $0x80, s4, s22, $0xb8;
	[tilespmem:$0x1C800] =	vst v63  }
0x69: {  	_ =	swait.ge [sflag:s20], $0x4000  }
0x6a: {  	[sflag:s20] =	ssyncset.done $0x0  }
0x6b: {  	[sflag:s20] =	ssyncadd.s32 $0xFFFFC000  }
0x6c: {  	[tilespmem:s19], [sflag:$0x1] =	stream.indirect.gather [hbm4b:s10+s22], $0x80, s11, s22, $0xb8;
	[tilespmem:$0x1C800] =	vst v63  }
0x6d: {  	_ =	swait.ge [sflag:s26], $0x4000  }
0x6e: {  	[sflag:s26] =	ssyncset.done $0x0  }
0x6f: {  	[sflag:s26] =	ssyncadd.s32 $0xFFFFC000  }
0x70: {  	[spmem:s2] =	stream.indirect.scatter.add.f32 [tilespmem:s23], [sflag:$0x3], $0x80, s12, s22, $0xb8;
	[tilespmem:$0x1C800] =	vst v63  }
0x71: {  	_ =	swait.ge [sflag:s20], $0x4000  }
0x72: {  	[sflag:s20] =	ssyncset.done $0x0  }
0x73: {  	[sflag:s20] =	ssyncadd.s32 $0xFFFFC000  }
0x74: {  	[tilespmem:s23], [sflag:$0x2] =	stream.indirect.gather [hbm4b:s10+s22], $0x80, s13, s22, $0xb8;
	[tilespmem:$0x1C800] =	vst v63  }
0x75: {  	_ =	swait.ge [sflag:s24], $0x4000  }
0x76: {  	[sflag:s24] =	ssyncset.done $0x0  }
0x77: {  	[sflag:s24] =	ssyncadd.s32 $0xFFFFC000  }
0x78: {  	[spmem:s2] =	stream.indirect.scatter.add.f32 [tilespmem:s19], [sflag:$0x3], $0x80, s14, s22, $0xb8;
	[tilespmem:$0x1C800] =	vst v63  }
0x79: {  	_ =	swait.ge [sflag:s20], $0x4000  }
0x7a: {  	[sflag:s20] =	ssyncset.done $0x0  }
0x7b: {  	[sflag:s20] =	ssyncadd.s32 $0xFFFFC000  }
0x7c: {  	_ =	swait.ge [sflag:s26], $0x4000  }
0x7d: {  	[sflag:s26] =	ssyncset.done $0x0  }
0x7e: {  	[sflag:s26] =	ssyncadd.s32 $0xFFFFC000  }
0x7f: {  	[spmem:s2] =	stream.indirect.scatter.add.f32 [tilespmem:s23], [sflag:$0x3], $0x80, s15, s22, $0xb8;
	[tilespmem:$0x1C800] =	vst v63  }
0x80: {  	_ =	swait.ge [sflag:s20], $0x4000  }
0x81: {  	s5 =	simm.s32 $0x80;
	s6 =	simm.s32 $0x100;
	[sflag:s20] =	ssyncset.done $0x0  }
.LBB2_2:
0x82: {  	s8 =	sadd.s32 s5, s18  }
0x83: {  	[sflag:s20] =	ssyncadd.s32 $0xFFFFC000;
	s9 =	smov.u32 s6;
	s7 =	sadd.s32 $0x80, s6  }
0x84: {  	[tilespmem:s3], [sflag:$0x3] =	stream.linear.gather [hbm4b:s8+s3], $0x400, $0x38;
	[tilespmem:$0x1C800] =	vst v63  }
0x85: {  	p0 =	sne.s32 s6, $0x480;
	_ =	swait.ge [sflag:s20], $0x400  }
0x86: {  	[sflag:s20] =	ssyncset.done $0x0  }
0x87: {  	s6 =	sadd.s32 s5, s17;
	s5 =	smov.u32 s9;
	[sflag:s20] =	ssyncadd.s32 $0xFFFFFC00  }
0x88: {  	[tilespmem:s21], [sflag:$0x3] =	stream.linear.gather [hbm4b:s6+s3], $0x400, $0x38;
	[tilespmem:$0x1C800] =	vst v63  }
0x89: {  	_ =	swait.ge [sflag:s20], $0x400  }
0x8a: {  	[sflag:s20] =	ssyncset.done $0x0  }
0x8b: {  	[sflag:s20] =	ssyncadd.s32 $0xFFFFFC00  }
0x8c: {  	[tilespmem:s19], [sflag:$0x1] =	stream.indirect.gather [hbm4b:s10+s22], $0x80, s3, s22, $0xb8;
	[tilespmem:$0x1C800] =	vst v63  }
0x8d: {  	_ = 	snop  }
0x8e: {  	[tilespmem:s23], [sflag:$0x2] =	stream.indirect.gather [hbm4b:s10+s22], $0x80, s22, s22, $0xb8;
	[tilespmem:$0x1C800] =	vst v63  }
0x8f: {  	_ =	swait.ge [sflag:s24], $0x4000  }
0x90: {  	[sflag:s24] =	ssyncset.done $0x0  }
0x91: {  	[sflag:s24] =	ssyncadd.s32 $0xFFFFC000  }
0x92: {  	[spmem:s2] =	stream.indirect.scatter.add.f32 [tilespmem:s19], [sflag:$0x3], $0x80, s21, s22, $0xb8;
	[tilespmem:$0x1C800] =	vst v63  }
0x93: {  	_ =	swait.ge [sflag:s20], $0x4000  }
0x94: {  	[sflag:s20] =	ssyncset.done $0x0  }
0x95: {  	[sflag:s20] =	ssyncadd.s32 $0xFFFFC000  }
0x96: {  	[tilespmem:s19], [sflag:$0x1] =	stream.indirect.gather [hbm4b:s10+s22], $0x80, s25, s22, $0xb8;
	[tilespmem:$0x1C800] =	vst v63  }
0x97: {  	_ =	swait.ge [sflag:s26], $0x4000  }
0x98: {  	[sflag:s26] =	ssyncset.done $0x0  }
0x99: {  	[sflag:s26] =	ssyncadd.s32 $0xFFFFC000  }
0x9a: {  	[spmem:s2] =	stream.indirect.scatter.add.f32 [tilespmem:s23], [sflag:$0x3], $0x80, s28, s22, $0xb8;
	[tilespmem:$0x1C800] =	vst v63  }
0x9b: {  	_ =	swait.ge [sflag:s20], $0x4000  }
0x9c: {  	[sflag:s20] =	ssyncset.done $0x0  }
0x9d: {  	[sflag:s20] =	ssyncadd.s32 $0xFFFFC000  }
0x9e: {  	[tilespmem:s23], [sflag:$0x2] =	stream.indirect.gather [hbm4b:s10+s22], $0x80, s29, s22, $0xb8;
	[tilespmem:$0x1C800] =	vst v63  }
0x9f: {  	_ =	swait.ge [sflag:s24], $0x4000  }
0xa0: {  	[sflag:s24] =	ssyncset.done $0x0  }
0xa1: {  	[sflag:s24] =	ssyncadd.s32 $0xFFFFC000  }
0xa2: {  	[spmem:s2] =	stream.indirect.scatter.add.f32 [tilespmem:s19], [sflag:$0x3], $0x80, s30, s22, $0xb8;
	[tilespmem:$0x1C800] =	vst v63  }
0xa3: {  	_ =	swait.ge [sflag:s20], $0x4000  }
0xa4: {  	[sflag:s20] =	ssyncset.done $0x0  }
0xa5: {  	[sflag:s20] =	ssyncadd.s32 $0xFFFFC000  }
0xa6: {  	[tilespmem:s19], [sflag:$0x1] =	stream.indirect.gather [hbm4b:s10+s22], $0x80, s31, s22, $0xb8;
	[tilespmem:$0x1C800] =	vst v63  }
0xa7: {  	_ =	swait.ge [sflag:s26], $0x4000  }
0xa8: {  	[sflag:s26] =	ssyncset.done $0x0  }
0xa9: {  	[sflag:s26] =	ssyncadd.s32 $0xFFFFC000  }
0xaa: {  	[spmem:s2] =	stream.indirect.scatter.add.f32 [tilespmem:s23], [sflag:$0x3], $0x80, s1, s22, $0xb8;
	[tilespmem:$0x1C800] =	vst v63  }
0xab: {  	_ =	swait.ge [sflag:s20], $0x4000  }
0xac: {  	[sflag:s20] =	ssyncset.done $0x0  }
0xad: {  	[sflag:s20] =	ssyncadd.s32 $0xFFFFC000  }
0xae: {  	[tilespmem:s23], [sflag:$0x2] =	stream.indirect.gather [hbm4b:s10+s22], $0x80, s0, s22, $0xb8;
	[tilespmem:$0x1C800] =	vst v63  }
0xaf: {  	_ =	swait.ge [sflag:s24], $0x4000  }
0xb0: {  	[sflag:s24] =	ssyncset.done $0x0  }
0xb1: {  	[sflag:s24] =	ssyncadd.s32 $0xFFFFC000  }
0xb2: {  	[spmem:s2] =	stream.indirect.scatter.add.f32 [tilespmem:s19], [sflag:$0x3], $0x80, s4, s22, $0xb8;
	[tilespmem:$0x1C800] =	vst v63  }
0xb3: {  	_ =	swait.ge [sflag:s20], $0x4000  }
0xb4: {  	[sflag:s20] =	ssyncset.done $0x0  }
0xb5: {  	[sflag:s20] =	ssyncadd.s32 $0xFFFFC000  }
0xb6: {  	[tilespmem:s19], [sflag:$0x1] =	stream.indirect.gather [hbm4b:s10+s22], $0x80, s11, s22, $0xb8;
	[tilespmem:$0x1C800] =	vst v63  }
0xb7: {  	_ =	swait.ge [sflag:s26], $0x4000  }
0xb8: {  	[sflag:s26] =	ssyncset.done $0x0  }
0xb9: {  	[sflag:s26] =	ssyncadd.s32 $0xFFFFC000  }
0xba: {  	[spmem:s2] =	stream.indirect.scatter.add.f32 [tilespmem:s23], [sflag:$0x3], $0x80, s12, s22, $0xb8;
	[tilespmem:$0x1C800] =	vst v63  }
0xbb: {  	_ =	swait.ge [sflag:s20], $0x4000  }
0xbc: {  	[sflag:s20] =	ssyncset.done $0x0  }
0xbd: {  	[sflag:s20] =	ssyncadd.s32 $0xFFFFC000  }
0xbe: {  	[tilespmem:s23], [sflag:$0x2] =	stream.indirect.gather [hbm4b:s10+s22], $0x80, s13, s22, $0xb8;
	[tilespmem:$0x1C800] =	vst v63  }
0xbf: {  	_ =	swait.ge [sflag:s24], $0x4000  }
0xc0: {  	[sflag:s24] =	ssyncset.done $0x0  }
0xc1: {  	[sflag:s24] =	ssyncadd.s32 $0xFFFFC000  }
0xc2: {  	[spmem:s2] =	stream.indirect.scatter.add.f32 [tilespmem:s19], [sflag:$0x3], $0x80, s14, s22, $0xb8;
	[tilespmem:$0x1C800] =	vst v63  }
0xc3: {  	_ =	swait.ge [sflag:s20], $0x4000  }
0xc4: {  	[sflag:s20] =	ssyncset.done $0x0  }
0xc5: {  	[sflag:s20] =	ssyncadd.s32 $0xFFFFC000  }
0xc6: {  	_ =	swait.ge [sflag:s26], $0x4000  }
.Ltmp0:
0xc7: {  	[sflag:s26] =	ssyncset.done $0x0;
	(pc) =	sbr.rel @p0 .LBB2_2-.Ltmp0, $4  }
0xc8: {  	[sflag:s26] =	ssyncadd.s32 $0xFFFFC000  }
0xc9: {  	[spmem:s2] =	stream.indirect.scatter.add.f32 [tilespmem:s23], [sflag:$0x3], $0x80, s15, s22, $0xb8;
	[tilespmem:$0x1C800] =	vst v63  }
0xca: {  	_ =	swait.ge [sflag:s20], $0x4000  }
0xcb: {  	s6 =	smov.u32 s7;
	[sflag:s20] =	ssyncset.done $0x0  }
0xcc: {  	s6 =	sadd.s32 s5, s18;
	[sflag:s20] =	ssyncadd.s32 $0xFFFFC000  }
0xcd: {  	[tilespmem:s3], [sflag:$0x3] =	stream.linear.gather [hbm4b:s6+s3], $0x400, $0x38;
	[tilespmem:$0x1C800] =	vst v63  }
0xce: {  	_ =	swait.ge [sflag:s20], $0x400  }
0xcf: {  	[sflag:s20] =	ssyncset.done $0x0  }
0xd0: {  	s16 =	sadd.s32 s5, s17;
	[sflag:s20] =	ssyncadd.s32 $0xFFFFFC00  }
0xd1: {  	[tilespmem:s21], [sflag:$0x3] =	stream.linear.gather [hbm4b:s16+s3], $0x400, $0x38;
	[tilespmem:$0x1C800] =	vst v63  }
0xd2: {  	_ =	swait.ge [sflag:s20], $0x400  }
0xd3: {  	[sflag:s20] =	ssyncset.done $0x0  }
0xd4: {  	[sflag:s20] =	ssyncadd.s32 $0xFFFFFC00  }
0xd5: {  	[tilespmem:s19], [sflag:$0x1] =	stream.indirect.gather [hbm4b:s10+s22], $0x80, s3, s22, $0xb8;
	[tilespmem:$0x1C800] =	vst v63  }
0xd6: {  	_ = 	snop  }
0xd7: {  	[tilespmem:s23], [sflag:$0x2] =	stream.indirect.gather [hbm4b:s10+s22], $0x80, s22, s22, $0xb8;
	[tilespmem:$0x1C800] =	vst v63  }
0xd8: {  	_ =	swait.ge [sflag:s24], $0x4000  }
0xd9: {  	[sflag:s24] =	ssyncset.done $0x0  }
0xda: {  	[sflag:s24] =	ssyncadd.s32 $0xFFFFC000  }
0xdb: {  	[spmem:s2] =	stream.indirect.scatter.add.f32 [tilespmem:s19], [sflag:$0x3], $0x80, s21, s22, $0xb8;
	[tilespmem:$0x1C800] =	vst v63  }
0xdc: {  	_ =	swait.ge [sflag:s20], $0x4000  }
0xdd: {  	[sflag:s20] =	ssyncset.done $0x0  }
0xde: {  	[sflag:s20] =	ssyncadd.s32 $0xFFFFC000  }
0xdf: {  	[tilespmem:s19], [sflag:$0x1] =	stream.indirect.gather [hbm4b:s10+s22], $0x80, s25, s22, $0xb8;
	[tilespmem:$0x1C800] =	vst v63  }
0xe0: {  	_ =	swait.ge [sflag:s26], $0x4000  }
0xe1: {  	[sflag:s26] =	ssyncset.done $0x0  }
0xe2: {  	[sflag:s26] =	ssyncadd.s32 $0xFFFFC000  }
0xe3: {  	[spmem:s2] =	stream.indirect.scatter.add.f32 [tilespmem:s23], [sflag:$0x3], $0x80, s28, s22, $0xb8;
	[tilespmem:$0x1C800] =	vst v63  }
0xe4: {  	_ =	swait.ge [sflag:s20], $0x4000  }
0xe5: {  	[sflag:s20] =	ssyncset.done $0x0  }
0xe6: {  	[sflag:s20] =	ssyncadd.s32 $0xFFFFC000  }
0xe7: {  	[tilespmem:s23], [sflag:$0x2] =	stream.indirect.gather [hbm4b:s10+s22], $0x80, s29, s22, $0xb8;
	[tilespmem:$0x1C800] =	vst v63  }
0xe8: {  	_ =	swait.ge [sflag:s24], $0x4000  }
0xe9: {  	[sflag:s24] =	ssyncset.done $0x0  }
0xea: {  	[sflag:s24] =	ssyncadd.s32 $0xFFFFC000  }
0xeb: {  	[spmem:s2] =	stream.indirect.scatter.add.f32 [tilespmem:s19], [sflag:$0x3], $0x80, s30, s22, $0xb8;
	[tilespmem:$0x1C800] =	vst v63  }
0xec: {  	_ =	swait.ge [sflag:s20], $0x4000  }
0xed: {  	[sflag:s20] =	ssyncset.done $0x0  }
0xee: {  	[sflag:s20] =	ssyncadd.s32 $0xFFFFC000  }
0xef: {  	[tilespmem:s19], [sflag:$0x1] =	stream.indirect.gather [hbm4b:s10+s22], $0x80, s31, s22, $0xb8;
	[tilespmem:$0x1C800] =	vst v63  }
0xf0: {  	_ =	swait.ge [sflag:s26], $0x4000  }
0xf1: {  	[sflag:s26] =	ssyncset.done $0x0  }
0xf2: {  	[sflag:s26] =	ssyncadd.s32 $0xFFFFC000  }
0xf3: {  	[spmem:s2] =	stream.indirect.scatter.add.f32 [tilespmem:s23], [sflag:$0x3], $0x80, s1, s22, $0xb8;
	[tilespmem:$0x1C800] =	vst v63  }
0xf4: {  	_ =	swait.ge [sflag:s20], $0x4000  }
0xf5: {  	[sflag:s20] =	ssyncset.done $0x0  }
0xf6: {  	[sflag:s20] =	ssyncadd.s32 $0xFFFFC000  }
0xf7: {  	[tilespmem:s23], [sflag:$0x2] =	stream.indirect.gather [hbm4b:s10+s22], $0x80, s0, s22, $0xb8;
	[tilespmem:$0x1C800] =	vst v63  }
0xf8: {  	_ =	swait.ge [sflag:s24], $0x4000  }
0xf9: {  	[sflag:s24] =	ssyncset.done $0x0  }
0xfa: {  	[sflag:s24] =	ssyncadd.s32 $0xFFFFC000  }
0xfb: {  	[spmem:s2] =	stream.indirect.scatter.add.f32 [tilespmem:s19], [sflag:$0x3], $0x80, s4, s22, $0xb8;
	[tilespmem:$0x1C800] =	vst v63  }
0xfc: {  	_ =	swait.ge [sflag:s20], $0x4000  }
0xfd: {  	[sflag:s20] =	ssyncset.done $0x0  }
0xfe: {  	[sflag:s20] =	ssyncadd.s32 $0xFFFFC000  }
0xff: {  	[tilespmem:s19], [sflag:$0x1] =	stream.indirect.gather [hbm4b:s10+s22], $0x80, s11, s22, $0xb8;
	[tilespmem:$0x1C800] =	vst v63  }
0x100: {  	_ =	swait.ge [sflag:s26], $0x4000  }
0x101: {  	[sflag:s26] =	ssyncset.done $0x0  }
0x102: {  	[sflag:s26] =	ssyncadd.s32 $0xFFFFC000  }
0x103: {  	[spmem:s2] =	stream.indirect.scatter.add.f32 [tilespmem:s23], [sflag:$0x3], $0x80, s12, s22, $0xb8;
	[tilespmem:$0x1C800] =	vst v63  }
0x104: {  	_ =	swait.ge [sflag:s20], $0x4000  }
0x105: {  	[sflag:s20] =	ssyncset.done $0x0  }
0x106: {  	[sflag:s20] =	ssyncadd.s32 $0xFFFFC000  }
0x107: {  	[tilespmem:s23], [sflag:$0x2] =	stream.indirect.gather [hbm4b:s10+s22], $0x80, s13, s22, $0xb8;
	[tilespmem:$0x1C800] =	vst v63  }
0x108: {  	_ =	swait.ge [sflag:s24], $0x4000  }
0x109: {  	[sflag:s24] =	ssyncset.done $0x0  }
0x10a: {  	[sflag:s24] =	ssyncadd.s32 $0xFFFFC000  }
0x10b: {  	[spmem:s2] =	stream.indirect.scatter.add.f32 [tilespmem:s19], [sflag:$0x3], $0x80, s14, s22, $0xb8;
	[tilespmem:$0x1C800] =	vst v63  }
0x10c: {  	_ =	swait.ge [sflag:s20], $0x4000  }
0x10d: {  	[sflag:s20] =	ssyncset.done $0x0  }
0x10e: {  	[sflag:s20] =	ssyncadd.s32 $0xFFFFC000  }
0x10f: {  	_ =	swait.ge [sflag:s26], $0x4000  }
0x110: {  	[sflag:s26] =	ssyncset.done $0x0  }
0x111: {  	[sflag:s26] =	ssyncadd.s32 $0xFFFFC000  }
0x112: {  	[spmem:s2] =	stream.indirect.scatter.add.f32 [tilespmem:s23], [sflag:$0x3], $0x80, s15, s22, $0xb8;
	[tilespmem:$0x1C800] =	vst v63  }
0x113: {  	_ =	swait.ge [sflag:s20], $0x4000  }
0x114: {  	[sflag:s20] =	ssyncset.done $0x0  }
0x115: {  	[sflag:s20] =	ssyncadd.s32 $0xFFFFC000  }
0x116: {  	[bflag:$0x0] =	sbarrier.arrive $0xFFFF  }
0x117: {  	s6 =	rddreg [dreg:$0x4]  }
0x118: {  	[tilespmem:s19], [sflag:$0x3] =	stream.linear.gather [spmem:s6], $0x4000, $0x38;
	[tilespmem:$0x1C800] =	vst v63  }
0x119: {  	_ =	swait.ge [sflag:s20], $0x4000  }
0x11a: {  	[sflag:s20] =	ssyncset.done $0x0  }
0x11b: {  	s7 =	rddreg [dreg:$0x9];
	[sflag:s20] =	ssyncadd.s32 $0xFFFFC000  }
0x11c: {  	[hbm4b:s7+s3] =	stream.linear.scatter [tilespmem:s19], [sflag:$0x3], $0x4000, $0x38;
	[tilespmem:$0x1C800] =	vst v63  }
0x11d: {  	_ =	swait.ge [sflag:s20], $0x4000  }
0x11e: {  	[sflag:s20] =	ssyncset.done $0x0  }
0x11f: {  	s6 =	rddreg [dreg:$0x5];
	[sflag:s20] =	ssyncadd.s32 $0xFFFFC000  }
0x120: {  	[tilespmem:s19], [sflag:$0x3] =	stream.linear.gather [spmem:s6], $0x4000, $0x38;
	[tilespmem:$0x1C800] =	vst v63  }
0x121: {  	_ =	swait.ge [sflag:s20], $0x4000  }
0x122: {  	[sflag:s20] =	ssyncset.done $0x0  }
0x123: {  	s8 =	rddreg [dreg:$0xa];
	[sflag:s20] =	ssyncadd.s32 $0xFFFFC000  }
0x124: {  	[hbm4b:s8+s3] =	stream.linear.scatter [tilespmem:s19], [sflag:$0x3], $0x4000, $0x38;
	[tilespmem:$0x1C800] =	vst v63  }
0x125: {  	_ =	swait.ge [sflag:s20], $0x4000  }
0x126: {  	[sflag:s20] =	ssyncset.done $0x0  }
0x127: {  	s7 =	rddreg [dreg:$0x6];
	[sflag:s20] =	ssyncadd.s32 $0xFFFFC000  }
0x128: {  	[tilespmem:s19], [sflag:$0x3] =	stream.linear.gather [spmem:s7], $0x4000, $0x38;
	[tilespmem:$0x1C800] =	vst v63  }
0x129: {  	_ =	swait.ge [sflag:s20], $0x4000  }
0x12a: {  	[sflag:s20] =	ssyncset.done $0x0  }
0x12b: {  	s9 =	rddreg [dreg:$0xb];
	[sflag:s20] =	ssyncadd.s32 $0xFFFFC000  }
0x12c: {  	[hbm4b:s9+s3] =	stream.linear.scatter [tilespmem:s19], [sflag:$0x3], $0x4000, $0x38;
	[tilespmem:$0x1C800] =	vst v63  }
0x12d: {  	_ =	swait.ge [sflag:s20], $0x4000  }
0x12e: {  	[sflag:s20] =	ssyncset.done $0x0  }
0x12f: {  	s9 =	rddreg [dreg:$0x7];
	[sflag:s20] =	ssyncadd.s32 $0xFFFFC000  }
0x130: {  	[tilespmem:s19], [sflag:$0x3] =	stream.linear.gather [spmem:s9], $0x4000, $0x38;
	[tilespmem:$0x1C800] =	vst v63  }
0x131: {  	_ =	swait.ge [sflag:s20], $0x4000  }
0x132: {  	[sflag:s20] =	ssyncset.done $0x0  }
0x133: {  	s16 =	rddreg [dreg:$0xc];
	[sflag:s20] =	ssyncadd.s32 $0xFFFFC000  }
0x134: {  	[hbm4b:s16+s3] =	stream.linear.scatter [tilespmem:s19], [sflag:$0x3], $0x4000, $0x38;
	[tilespmem:$0x1C800] =	vst v63  }
0x135: {  	_ =	swait.ge [sflag:s20], $0x4000  }
0x136: {  	[sflag:s20] =	ssyncset.done $0x0  }
0x137: {  	s16 =	rddreg [dreg:$0x8];
	[sflag:s20] =	ssyncadd.s32 $0xFFFFC000  }
0x138: {  	[tilespmem:s19], [sflag:$0x3] =	stream.linear.gather [spmem:s16], $0x4000, $0x38;
	[tilespmem:$0x1C800] =	vst v63  }
0x139: {  	_ =	swait.ge [sflag:s20], $0x4000  }
0x13a: {  	[sflag:s20] =	ssyncset.done $0x0  }
0x13b: {  	s8 =	rddreg [dreg:$0xd];
	[sflag:s20] =	ssyncadd.s32 $0xFFFFC000  }
0x13c: {  	[hbm4b:s8+s3] =	stream.linear.scatter [tilespmem:s19], [sflag:$0x3], $0x4000, $0x38;
	[tilespmem:$0x1C800] =	vst v63  }
0x13d: {  	_ =	swait.ge [sflag:s20], $0x4000  }
0x13e: {  	s8 =	rddreg [dreg:$0xf]  }
0x13f: {  	s5 =	rddreg [dreg:$0xe];
	s8 =	sadd.s32 $0x1, s8  }
0x140: {  	p0 =	sne.s32 s8, s5  }
.Ltmp1:
0x141: {  	_ = 	snop;
	(pc) =	sbr.rel @p0 .LBB2_1-.Ltmp1, $3  }
0x142: {  	_ =	sdelay $0x1  }
0x143: {  	[sflag:s20] =	ssyncset.done $0x0;
	[dreg:$0xf] =	wrdreg s8  }
0x144: {  	[sflag:s20] =	ssyncadd.s32 $0xFFFFC000;
	s8 =	rddreg [dreg:$0x4]  }
0x145: {  	_ =	sfence.sel $0x180000  }
0x146: {  	[bflag:$0x0] =	sbarrier.arrive $0xFFFF  }
0x147: {  	_ =	strace $0x90000050  }
0x148: {  	s0 =	stileid.u32;
	[bflag:$0x2] =	sbarrier.arrive $0xFFFF  }
0x149: {  	p0 =	sne.s32 s0, $0x0;
	s0 =	rddreg [dreg:$0x2]  }
0x14a: {  	s0 =	sadd.s32 @!p0 $0x100000, s0  }
0x14b: {  	[sflag:s0] =	ssyncadd.tile.s32 @!p0 $0x1;
	_ =	shalt  }
.Lfunc_end2:
_tile_overlayer_lowered:
.L_overlay_start_2:
0x14c: {  	(tag) =	ssettag $0x2  }
0x14d: {  	s0 =	rddreg [dreg:$0x0];
	s2 =	stileid.u32  }
0x14e: {  	s1 =	rddreg [dreg:$0x1];
	p0 =	sne.s32 s2, $0x0  }
0x14f: {  	s3 =	rddreg [dreg:$0x2];
	[bflag:$0x3] =	sbarrier.arrive $0xFFFF;
	s2 =	simm.s32 @!p0 $0x1C03  }
0x150: {  	[timem:s3], [sflag:s2] =	dma.local @!p0 [hbm:s0], s1  }
0x151: {  	s0 =	simm.s32 @!p0 $0x3  }
0x152: {  	_ =	swait.ge @!p0 [sflag:s0], s1  }
0x153: {  	s1 =	ssub.s32 @!p0 $0x0, s1;
	[sflag:s0] =	ssyncset.done @!p0 $0x0  }
0x154: {  	[sflag:s0] =	ssyncadd.s32 @!p0 s1  }
0x155: {  	[bflag:$0x3] =	sbarrier.arrive $0xFFFF  }
0x156: {  	_ =	shalt  }

// kernel: kernel.9.cloned.1.call-start
scs
__scs_entry_jumppad:
0x0: {  	(pc) =	sbr.rel $0x88, $3  }
0x1: {  	(tag) =	ssettag $0x0;
	lr =	simm.s32 $0x1  }
0x2: {  	[smem:$0x3F96] =	sst lr;
	_ =	strace $0xD0000000  }
0x3: {  	_ = 	snop  }
0x4: {  	_ = 	snop  }
0x5: {  	_ = 	snop  }
0x6: {  	_ = 	snop  }
0x7: {  	_ = 	snop  }
__scs_overlays_trampoline_lowered:
0x8: {  	[smem:$0x3FA5] =	sst s0  }
0x9: {  	[smem:$0x3FA6] =	sst s1  }
0xa: {  	[smem:$0x3FA7] =	sst s2  }
0xb: {  	[smem:$0x3FA8] =	sst s3  }
0xc: {  	[smem:$0x3FA9] =	sst s4  }
0xd: {  	[smem:$0x3FAA] =	sst s5  }
0xe: {  	[smem:$0x3FAB] =	sst s6  }
0xf: {  	[smem:$0x3FAC] =	sst s7  }
0x10: {  	[smem:$0x3FAD] =	sst s8  }
0x11: {  	[smem:$0x3FAE] =	sst s9;
	s0 =	simm.s32 @!p0 $0x0  }
0x12: {  	s1 =	sld [smem:$0x3F94];
	s0 =	simm.s32 @p0 $0x1  }
0x13: {  	[smem:$0x3FAF] =	sst s0;
	s0 =	simm.s32 @!p1 $0x0  }
0x14: {  	s2 =	sld [smem:$0x3F93];
	s0 =	simm.s32 @p1 $0x1  }
0x15: {  	[smem:$0x3FB0] =	sst s0;
	s0 =	simm.s32 @!p2 $0x0  }
0x16: {  	s3 =	sld [smem:$0x3FDB];
	s0 =	simm.s32 @p2 $0x1  }
0x17: {  	s4 =	simm.s32 $0x1BF5;
	[smem:$0x3FB2] =	sst s0  }
0x18: {  	s0 =	sld [smem:$0x3F95];
	_ =	swait.ge [sflag:s4], $0x0  }
0x19: {  	s7 =	sld [smem:$0x3F96]  }
0x1a: {  	s8 =	sadd.s32 $0xFFFFE003, lr  }
0x1b: {  	s9 =	sadd.s32 $0xFFFFFEF7, lr;
	s5 =	simm.s32 $0xFFFFFFFF;
	p2 =	slt.u32 s8, $0xFFFFF086  }
0x1c: {  	p1 =	slt.u32 s9, $0xF7A;
	s5 =	simm.s32 @!p2 $0x0  }
0x1d: {  	s5 =	simm.s32 @p1 $0x1;
	p0 =	seq.s32 s7, s2  }
0x1e: {  	s7 =	smul.u32 @!p0 $0xF7A, s2;
	p2 =	seq.s32 @!p0 s5, $0x0  }
0x1f: {  	s9 =	smul.u32 $0xF7A, s1;
	s8 =	simm.s32 @!p0 $0x1BF5;
	p2 =	por !p2, p0  }
0x20: {  	[sflag:s8] =	ssyncset.s32 @!p0 $0xFFFFF086;
	s6 =	sadd.s32 @!p0 s3, s7;
	s7 =	simm.s32 @!p0 $0x108  }
0x21: {  	s3 =	sadd.s32 s3, s9;
	s6 =	sadd.s32 @!p0 $0x88, s6;
	s7 =	simm.s32 @p2 $0x1082  }
0x22: {  	[simem:s7], [sflag:s8] =	dma.local @!p0 [hbm:s6], $0xF7A  }
0x23: {  	s9 =	sor.u32 $0xD0000000, s2;
	s6 =	simm.s32 $0x108;
	_ =	swait.ge @!p0 [sflag:s8], $0x0  }
0x24: {  	s3 =	sadd.s32 $0x88, s3;
	s6 =	simm.s32 @!p1 $0x1082;
	[sflag:s4] =	ssyncset.s32 $0xFFFFF086  }
0x25: {  	[simem:s6], [sflag:s4] =	dma.local [hbm:s3], $0xF7A  }
0x26: {  	[smem:$0x3F96] =	sst s1;
	(tag) =	ssettag s2;
	_ =	strace s9  }
0x27: {  	s1 =	sld [smem:$0x3FA6]  }
0x28: {  	s2 =	sld [smem:$0x3FA7]  }
0x29: {  	s4 =	sld [smem:$0x3FA9]  }
0x2a: {  	p0 =	seq.s32 s5, $0x0;
	s5 =	sld [smem:$0x3FAA]  }
0x2b: {  	s6 =	sld [smem:$0x3FAB]  }
0x2c: {  	s7 =	sld [smem:$0x3FAC]  }
0x2d: {  	s3 =	simm.s32 $0x108;
	s8 =	sld [smem:$0x3FAD]  }
0x2e: {  	s3 =	simm.s32 @!p0 $0x1082;
	s9 =	sld [smem:$0x3FAE]  }
0x2f: {  	lr =	sadd.s32 s0, s3;
	s0 =	sld [smem:$0x3FA5]  }
0x30: {  	s3 =	sld [smem:$0x3FA8]  }
0x31: {  	[smem:$0x3FB1] =	sst s10  }
0x32: {  	s10 =	sld [smem:$0x3FAF];
	_ =	sdelay $0x3  }
0x33: {  	p0 =	seq.s32 s10, $0x1;
	s10 =	sld [smem:$0x3FB1];
	_ =	sdelay $0x3  }
0x34: {  	[smem:$0x3FB1] =	sst s10  }
0x35: {  	s10 =	sld [smem:$0x3FB0];
	_ =	sdelay $0x3  }
0x36: {  	p1 =	seq.s32 s10, $0x1;
	s10 =	sld [smem:$0x3FB1];
	_ =	sdelay $0x3  }
0x37: {  	[smem:$0x3FB1] =	sst s10  }
0x38: {  	s10 =	sld [smem:$0x3FB2]  }
0x39: {  	_ = 	snop;
	(pc) =	sbr.ind lr, $3  }
0x3a: {  	_ = 	snop  }
0x3b: {  	_ = 	snop  }
0x3c: {  	p2 =	seq.s32 s10, $0x1;
	s10 =	sld [smem:$0x3FB1]  }
0x3d: {  	_ =	shalt  }
0x3e: {  	_ =	shalt  }
0x3f: {  	_ =	shalt  }
0x40: {  	_ =	shalt  }
0x41: {  	_ =	shalt  }
0x42: {  	_ =	shalt  }
0x43: {  	_ =	shalt  }
0x44: {  	_ =	shalt  }
0x45: {  	_ =	shalt  }
0x46: {  	_ =	shalt  }
0x47: {  	_ =	shalt  }
0x48: {  	_ =	shalt  }
0x49: {  	_ =	shalt  }
0x4a: {  	_ =	shalt  }
0x4b: {  	_ =	shalt  }
0x4c: {  	_ =	shalt  }
0x4d: {  	_ =	shalt  }
0x4e: {  	_ =	shalt  }
0x4f: {  	_ =	shalt  }
0x50: {  	_ =	shalt  }
0x51: {  	_ =	shalt  }
0x52: {  	_ =	shalt  }
0x53: {  	_ =	shalt  }
0x54: {  	_ =	shalt  }
0x55: {  	_ =	shalt  }
0x56: {  	_ =	shalt  }
0x57: {  	_ =	shalt  }
0x58: {  	_ =	shalt  }
0x59: {  	_ =	shalt  }
0x5a: {  	_ =	shalt  }
0x5b: {  	_ =	shalt  }
0x5c: {  	_ =	shalt  }
0x5d: {  	_ =	shalt  }
0x5e: {  	_ =	shalt  }
0x5f: {  	_ =	shalt  }
0x60: {  	_ =	shalt  }
0x61: {  	_ =	shalt  }
0x62: {  	_ =	shalt  }
0x63: {  	_ =	shalt  }
0x64: {  	_ =	shalt  }
0x65: {  	_ =	shalt  }
0x66: {  	_ =	shalt  }
0x67: {  	_ =	shalt  }
0x68: {  	_ =	shalt  }
0x69: {  	_ =	shalt  }
0x6a: {  	_ =	shalt  }
0x6b: {  	_ =	shalt  }
0x6c: {  	_ =	shalt  }
0x6d: {  	_ =	shalt  }
0x6e: {  	_ =	shalt  }
0x6f: {  	_ =	shalt  }
0x70: {  	_ =	shalt  }
0x71: {  	_ =	shalt  }
0x72: {  	_ =	shalt  }
0x73: {  	_ =	shalt  }
0x74: {  	_ =	shalt  }
0x75: {  	_ =	shalt  }
0x76: {  	_ =	shalt  }
0x77: {  	_ =	shalt  }
0x78: {  	_ =	shalt  }
0x79: {  	_ =	shalt  }
0x7a: {  	_ =	shalt  }
0x7b: {  	_ =	shalt  }
0x7c: {  	_ =	shalt  }
0x7d: {  	_ =	shalt  }
0x7e: {  	_ =	shalt  }
0x7f: {  	_ =	shalt  }
0x80: {  	_ =	shalt  }
0x81: {  	_ =	shalt  }
0x82: {  	_ =	shalt  }
0x83: {  	_ =	shalt  }
0x84: {  	_ =	shalt  }
0x85: {  	_ =	shalt  }
0x86: {  	_ =	shalt  }
0x87: {  	_ =	shalt  }
.Lfunc_end0:
.L_simem_size_0:
called_computation_lowered:
.L_overlay_start_0:
0x88: {  	s2 =	sld [smem:$0x3FD9]  }
0x89: {  	s3 =	sld [smem:$0x3FFE];
	_ =	sdelay $0x1  }
0x8a: {  	s1 =	srdreg.scid  }
0x8b: {  	s0 =	sand.u32 $0x1, s1  }
0x8c: {  	s17 =	sshll.u32 s0, $0xA;
	s2 =	sadd.s32 s3, s2  }
0x8d: {  	s2 =	sadd.s32 s2, s17  }
0x8e: {  	[smem:$0x3FBD] =	sst s2  }
0x8f: {  	_ = 	snop  }
0x90: {  	s18 =	sld [smem:$0x3FD0];
	(tm) =	ssettm $0x1  }
0x91: {  	s19 =	sld [smem:$0x3FFB];
	_ =	sdelay $0x3  }
0x92: {  	_ =	strace s19  }
0x93: {  	s2 =	sld [smem:$0x3FFC];
	_ =	sdelay $0x3  }
0x94: {  	_ =	strace s2  }
0x95: {  	s2 =	sld [smem:$0x3FFD];
	_ =	sdelay $0x3  }
0x96: {  	_ =	strace s2  }
0x97: {  	_ =	strace $0x8FFFFFFF  }
0x98: {  	s20 =	sld [smem:$0x3FDB];
	_ =	sdelay $0x1  }
0x99: {  	s4 =	simm.s32 $_scs_section_size  }
0x9a: {  	s5 =	simm.s32 $_size__tile_overlayer_lowered;
	s6 =	simm.s32 $_tile_overlayer_lowered  }
0x9b: {  	s7 =	simm.s32 $0x1BFF;
	s21 =	sshll.u32 s6, $0x1;
	s4 =	sadd.s32 s4, s20  }
0x9c: {  	s22 =	simm.s32 $0x0;
	s5 =	sshll.u32 s5, $0x1;
	s6 =	sadd.s32 s21, s4  }
0x9d: {  	[timem:s22], [sflag:s7] =	dma.local [hbm:s6], s5  }
0x9e: {  	_ =	swait.ge [sflag:s7], s5  }
0x9f: {  	s5 =	ssub.s32 $0x0, s5;
	[sflag:s7] =	ssyncset.done $0x0  }
0xa0: {  	[sflag:s7] =	ssyncadd.s32 s5;
	_ =	sdelay $0x1  }
0xa1: {  	s23 =	simm.s32 $0x1B8B  }
0xa2: {  	_ =	swait.ge [sflag:s23], $0x1  }
0xa3: {  	[sflag:s23] =	ssyncset.done $0x0  }
0xa4: {  	[sflag:s23] =	ssyncadd.s32 $0xFFFFFFFF  }
0xa5: {  	s5 =	sld [smem:$0x0]  }
0xa6: {  	s6 =	sand.u32 $0xFFFFFFFE, s1  }
0xa7: {  	p0 =	sne.s32 s1, s6  }
0xa8: {  	s6 =	sshll.u32 @p0 s6, $0xE  }
0xa9: {  	s6 =	sadd.s32 @p0 $0x11B8D, s6;
	s7 =	sshll.u32 @p0 s5, $0x11  }
0xaa: {  	s6 =	sor.u32 @p0 s7, s6  }
0xab: {  	[sflag:s6] =	ssyncadd.remote.s32 @p0 $0x1;
	_ =	sdelay $0x1  }
0xac: {  	s6 =	simm.s32 @p0 $0x1B8D  }
0xad: {  	_ =	swait.eq @p0 [sflag:s6], $0x1  }
0xae: {  	[sflag:s6] =	ssyncadd.s32 @p0 $0xFFFFFFFF  }
0xaf: {  	s7 =	sshll.u32 @!p0 s1, $0xE  }
0xb0: {  	s7 =	sor.u32 @!p0 $0x4000, s7;
	s6 =	simm.s32 @!p0 $0x1B8D  }
0xb1: {  	s5 =	sshll.u32 @!p0 s5, $0x11;
	s7 =	sadd.s32 @!p0 $0x11B8D, s7;
	_ =	swait.eq @!p0 [sflag:s6], $0x1  }
0xb2: {  	s5 =	sor.u32 @!p0 s5, s7;
	[sflag:s6] =	ssyncadd.s32 @!p0 $0xFFFFFFFF  }
0xb3: {  	s25 =	simm.s32 $0x1B8E;
	s24 =	sld [smem:$0x3FFE];
	[sflag:s5] =	ssyncadd.remote.s32 @!p0 $0x1  }
0xb4: {  	s26 =	simm.s32 $execute0_lowered;
	[smem:$0x3FD2] =	sst s25  }
0xb5: {  	s6 =	sshll.u32 s26, $0x1;
	_ =	strace $0x80000049;
	[dreg:$0x1] =	wrdreg $0xFFFFFFFF  }
0xb6: {  	s28 =	simm.s32 $_size_execute0_lowered;
	s4 =	sadd.s32 s4, s6;
	[dreg:$0x0] =	wrdreg $0x0  }
0xb7: {  	s6 =	sshll.u32 s28, $0x1;
	[dreg:$0x2] =	wrdreg s4  }
0xb8: {  	[dreg:$0x3] =	wrdreg s6  }
0xb9: {  	[dreg:$0x4] =	wrdreg $0xC0  }
0xba: {  	_ =	task [dreg:s22], $0x5FFFF  }
0xbb: {  	[dreg:$0x1] =	wrdreg $0xFFFFFFFF  }
0xbc: {  	[dreg:$0x0] =	wrdreg $0x60  }
0xbd: {  	[dreg:$0x2] =	wrdreg s24  }
0xbe: {  	[dreg:$0x3] =	wrdreg s18  }
0xbf: {  	[dreg:$0x4] =	wrdreg $0x84000  }
0xc0: {  	[dreg:$0x5] =	wrdreg $0x9  }
0xc1: {  	_ =	task.clear_ibuf [dreg:s22], $0x6FFFF;
	_ =	strace $0x90000049  }
0xc2: {  	s29 =	simm.s32 $0x9;
	_ =	strace $0x8000004B  }
0xc3: {  	_ =	swait.ge [sflag:s29], $0x1  }
0xc4: {  	[sflag:s29] =	ssyncadd.s32 $0xFFFFFFFF  }
0xc5: {  	_ =	strace $0x9000004B  }
0xc6: {  	_ =	sfence  }
0xc7: {  	s30 =	sld [smem:$0x0];
	_ =	sdelay $0x2  }
0xc8: {  	s31 =	sshll.u32 s1, $0xD;
	s1 =	sshrl.u32 s1, $0x2  }
0xc9: {  	s4 =	sand.u32 $0x4000, s31;
	s1 =	sadd.s32 s1, s30  }
0xca: {  	s0 =	sor.u32 s4, s0;
	s1 =	sshll.u32 s1, $0x11  }
0xcb: {  	s0 =	sor.u32 s1, s0  }
0xcc: {  	s0 =	sadd.s32 $0x8F2B, s0  }
0xcd: {  	[sflag:s0] =	ssyncadd.remote.s32 $0x1  }
0xce: {  	_ =	sfence.sel $0xFFFF  }
0xcf: {  	[dreg:$0x0] =	wrdreg $0xFFFFFFFF;
	(pc) =	sbr.abs _section_cstart, $3  }
0xd0: {  	[dreg:$0x1] =	wrdreg $0xFFFFFFFF  }
0xd1: {  	_ =	task.clear_ibuf [dreg:s22], $0x2FFFF;
	_ =	strace $0x9FFFFFFF  }
0xd2: {  	(tm) =	ssettm $0x7FFFFFFF  }
0xd3: {  	_ =	shalt  }
tec
execute0_lowered:
.L_overlay_start_1:
0x0: {  	(tag) =	ssettag $0x1  }
0x1: {  	s4 =	rddreg [dreg:$0x0]  }
0x2: {  	s0 =	srdreg.scid;
	s2 =	rddreg [dreg:$0x1]  }
0x3: {  	s1 =	stileid.u32;
	[dreg:$0x5] =	wrdreg s2  }
0x4: {  	s3 =	simm.s32 $0x0;
	s31 =	sand.u32 $0x1, s0;
	s2 =	rddreg [dreg:$0x2]  }
0x5: {  	s17 =	sshll.u32 s1, $0x1;
	[smem:$0x7FF] =	sst s3;
	s18 =	sadd.s32 $0x64400, s4  }
0x6: {  	s0 =	sor.u32 s31, s17;
	_ =	strace $0x8000004A;
	[dreg:$0x4] =	wrdreg s18  }
0x7: {  	s5 =	simm.s32 $0x400;
	s0 =	smul.u32 $0x2800, s0;
	s6 =	rddreg [dreg:$0x4]  }
0x8: {  	[tilespmem:s5], [sflag:$0x1] =	stream.linear.gather [hbm4b:s6+s3], $0x4000, $0x38;
	[tilespmem:$0x1C400] =	vst v63  }
0x9: {  	s0 =	sshrl.u32 s0, $0x3  }
0xa: {  	s25 =	sadd.s32 s0, s4  }
0xb: {  	s19 =	sadd.s32 $0x50400, s25  }
0xc: {  	s20 =	sadd.s32 $0x50480, s25;
	[dreg:$0x6] =	wrdreg s19  }
0xd: {  	s21 =	sadd.s32 $0x50500, s25;
	[dreg:$0x7] =	wrdreg s20  }
0xe: {  	s7 =	smul.u32 $0x50000, s1;
	s4 =	simm.s32 $0x1;
	[dreg:$0x8] =	wrdreg s21  }
0xf: {  	_ =	swait.ge [sflag:s4], $0x4000  }
0x10: {  	s22 =	sshrl.u32 s7, $0x2;
	[sflag:s4] =	ssyncset.done $0x0  }
0x11: {  	s1 =	smul.u32 $0x14000, s1;
	s6 =	sadd.s32 s22, s2;
	[sflag:s4] =	ssyncadd.s32 $0xFFFFC000  }
0x12: {  	[spmem:s6] =	stream.linear.scatter [tilespmem:s5], [sflag:$0x1], $0x4000, $0x38;
	[tilespmem:$0x1C400] =	vst v63  }
0x13: {  	_ =	swait.ge [sflag:s4], $0x4000  }
0x14: {  	s28 =	sadd.s32 $0x4000, s1;
	[sflag:s4] =	ssyncset.done $0x0  }
0x15: {  	s7 =	sadd.s32 s28, s2;
	[sflag:s4] =	ssyncadd.s32 $0xFFFFC000  }
0x16: {  	[spmem:s7] =	stream.linear.scatter [tilespmem:s5], [sflag:$0x1], $0x4000, $0x38;
	[tilespmem:$0x1C400] =	vst v63  }
0x17: {  	_ =	swait.ge [sflag:s4], $0x4000  }
0x18: {  	s29 =	sadd.s32 $0x8000, s1;
	[sflag:s4] =	ssyncset.done $0x0  }
0x19: {  	s8 =	sadd.s32 s29, s2;
	[sflag:s4] =	ssyncadd.s32 $0xFFFFC000  }
0x1a: {  	[spmem:s8] =	stream.linear.scatter [tilespmem:s5], [sflag:$0x1], $0x4000, $0x38;
	[tilespmem:$0x1C400] =	vst v63  }
0x1b: {  	_ =	swait.ge [sflag:s4], $0x4000  }
0x1c: {  	s30 =	sadd.s32 $0xC000, s1;
	[sflag:s4] =	ssyncset.done $0x0  }
0x1d: {  	s9 =	sadd.s32 s30, s2;
	[sflag:s4] =	ssyncadd.s32 $0xFFFFC000  }
0x1e: {  	[spmem:s9] =	stream.linear.scatter [tilespmem:s5], [sflag:$0x1], $0x4000, $0x38;
	[tilespmem:$0x1C400] =	vst v63  }
0x1f: {  	_ =	swait.ge [sflag:s4], $0x4000  }
0x20: {  	s23 =	sadd.s32 $0x10000, s1;
	[sflag:s4] =	ssyncset.done $0x0  }
0x21: {  	s10 =	sadd.s32 s23, s2;
	[dreg:$0x9] =	wrdreg s23;
	[sflag:s4] =	ssyncadd.s32 $0xFFFFC000  }
0x22: {  	[spmem:s10] =	stream.linear.scatter [tilespmem:s5], [sflag:$0x1], $0x4000, $0x38;
	[tilespmem:$0x1C400] =	vst v63  }
0x23: {  	_ =	swait.ge [sflag:s4], $0x4000  }
0x24: {  	[sflag:s4] =	ssyncset.done $0x0  }
0x25: {  	s11 =	simm.s32 $0x4400;
	s12 =	rddreg [dreg:$0x5];
	[sflag:s4] =	ssyncadd.s32 $0xFFFFC000  }
0x26: {  	[tilespmem:s11], [sflag:$0x1] =	stream.linear.gather [hbm4b:s12+s3], $0x4000, $0x38;
	[tilespmem:$0x1C400] =	vst v63  }
0x27: {  	_ =	swait.ge [sflag:s4], $0x4000  }
0x28: {  	[sflag:s4] =	ssyncset.done $0x0  }
0x29: {  	[sflag:s4] =	ssyncadd.s32 $0xFFFFC000  }
0x2a: {  	[bflag:$0x0] =	sbarrier.arrive $0xFFFF  }
0x2b: {  	s24 =	rddreg [dreg:$0x6]  }
0x2c: {  	[tilespmem:s3], [sflag:$0x1] =	stream.linear.gather [hbm4b:s24+s3], $0x400, $0x38;
	[tilespmem:$0x1C400] =	vst v63  }
0x2d: {  	_ =	swait.ge [sflag:s4], $0x400  }
0x2e: {  	[sflag:s4] =	ssyncset.done $0x0  }
0x2f: {  	s12 =	simm.s32 $0x80;
	[sflag:s4] =	ssyncadd.s32 $0xFFFFFC00  }
0x30: {  	[spmem:s2] =	stream.indirect.scatter.add.f32 [tilespmem:s11], [sflag:$0x1], $0x80, s3, s12, $0xb8;
	[tilespmem:$0x1C400] =	vst v63  }
0x31: {  	_ =	swait.ge [sflag:s4], $0x4000  }
0x32: {  	[sflag:s4] =	ssyncset.done $0x0  }
0x33: {  	[sflag:s4] =	ssyncadd.s32 $0xFFFFC000  }
0x34: {  	[spmem:s2] =	stream.indirect.scatter.add.f32 [tilespmem:s11], [sflag:$0x1], $0x80, s12, s12, $0xb8;
	[tilespmem:$0x1C400] =	vst v63  }
0x35: {  	_ =	swait.ge [sflag:s4], $0x4000  }
0x36: {  	[sflag:s4] =	ssyncset.done $0x0  }
0x37: {  	s13 =	simm.s32 $0x100;
	[sflag:s4] =	ssyncadd.s32 $0xFFFFC000  }
0x38: {  	[spmem:s2] =	stream.indirect.scatter.add.f32 [tilespmem:s11], [sflag:$0x1], $0x80, s13, s12, $0xb8;
	[tilespmem:$0x1C400] =	vst v63  }
0x39: {  	_ =	swait.ge [sflag:s4], $0x4000  }
0x3a: {  	[sflag:s4] =	ssyncset.done $0x0  }
0x3b: {  	s14 =	simm.s32 $0x180;
	[sflag:s4] =	ssyncadd.s32 $0xFFFFC000  }
0x3c: {  	[spmem:s2] =	stream.indirect.scatter.add.f32 [tilespmem:s11], [sflag:$0x1], $0x80, s14, s12, $0xb8;
	[tilespmem:$0x1C400] =	vst v63  }
0x3d: {  	_ =	swait.ge [sflag:s4], $0x4000  }
0x3e: {  	[sflag:s4] =	ssyncset.done $0x0  }
0x3f: {  	s15 =	simm.s32 $0x200;
	[sflag:s4] =	ssyncadd.s32 $0xFFFFC000  }
0x40: {  	[spmem:s2] =	stream.indirect.scatter.add.f32 [tilespmem:s11], [sflag:$0x1], $0x80, s15, s12, $0xb8;
	[tilespmem:$0x1C400] =	vst v63  }
0x41: {  	_ =	swait.ge [sflag:s4], $0x4000  }
0x42: {  	[sflag:s4] =	ssyncset.done $0x0  }
0x43: {  	s16 =	simm.s32 $0x280;
	[sflag:s4] =	ssyncadd.s32 $0xFFFFC000  }
0x44: {  	[spmem:s2] =	stream.indirect.scatter.add.f32 [tilespmem:s11], [sflag:$0x1], $0x80, s16, s12, $0xb8;
	[tilespmem:$0x1C400] =	vst v63  }
0x45: {  	_ =	swait.ge [sflag:s4], $0x4000  }
0x46: {  	[sflag:s4] =	ssyncset.done $0x0  }
0x47: {  	s17 =	simm.s32 $0x300;
	[sflag:s4] =	ssyncadd.s32 $0xFFFFC000  }
0x48: {  	[spmem:s2] =	stream.indirect.scatter.add.f32 [tilespmem:s11], [sflag:$0x1], $0x80, s17, s12, $0xb8;
	[tilespmem:$0x1C400] =	vst v63  }
0x49: {  	_ =	swait.ge [sflag:s4], $0x4000  }
0x4a: {  	[sflag:s4] =	ssyncset.done $0x0  }
0x4b: {  	s18 =	simm.s32 $0x380;
	[sflag:s4] =	ssyncadd.s32 $0xFFFFC000  }
0x4c: {  	[spmem:s2] =	stream.indirect.scatter.add.f32 [tilespmem:s11], [sflag:$0x1], $0x80, s18, s12, $0xb8;
	[tilespmem:$0x1C400] =	vst v63  }
0x4d: {  	_ =	swait.ge [sflag:s4], $0x4000  }
0x4e: {  	[sflag:s4] =	ssyncset.done $0x0  }
0x4f: {  	s19 =	rddreg [dreg:$0x7];
	[sflag:s4] =	ssyncadd.s32 $0xFFFFC000  }
0x50: {  	[tilespmem:s3], [sflag:$0x1] =	stream.linear.gather [hbm4b:s19+s3], $0x400, $0x38;
	[tilespmem:$0x1C400] =	vst v63  }
0x51: {  	_ =	swait.ge [sflag:s4], $0x400  }
0x52: {  	[sflag:s4] =	ssyncset.done $0x0  }
0x53: {  	[sflag:s4] =	ssyncadd.s32 $0xFFFFFC00  }
0x54: {  	[spmem:s2] =	stream.indirect.scatter.add.f32 [tilespmem:s11], [sflag:$0x1], $0x80, s3, s12, $0xb8;
	[tilespmem:$0x1C400] =	vst v63  }
0x55: {  	_ =	swait.ge [sflag:s4], $0x4000  }
0x56: {  	[sflag:s4] =	ssyncset.done $0x0  }
0x57: {  	[sflag:s4] =	ssyncadd.s32 $0xFFFFC000  }
0x58: {  	[spmem:s2] =	stream.indirect.scatter.add.f32 [tilespmem:s11], [sflag:$0x1], $0x80, s12, s12, $0xb8;
	[tilespmem:$0x1C400] =	vst v63  }
0x59: {  	_ =	swait.ge [sflag:s4], $0x4000  }
0x5a: {  	[sflag:s4] =	ssyncset.done $0x0  }
0x5b: {  	[sflag:s4] =	ssyncadd.s32 $0xFFFFC000  }
0x5c: {  	[spmem:s2] =	stream.indirect.scatter.add.f32 [tilespmem:s11], [sflag:$0x1], $0x80, s13, s12, $0xb8;
	[tilespmem:$0x1C400] =	vst v63  }
0x5d: {  	_ =	swait.ge [sflag:s4], $0x4000  }
0x5e: {  	[sflag:s4] =	ssyncset.done $0x0  }
0x5f: {  	[sflag:s4] =	ssyncadd.s32 $0xFFFFC000  }
0x60: {  	[spmem:s2] =	stream.indirect.scatter.add.f32 [tilespmem:s11], [sflag:$0x1], $0x80, s14, s12, $0xb8;
	[tilespmem:$0x1C400] =	vst v63  }
0x61: {  	_ =	swait.ge [sflag:s4], $0x4000  }
0x62: {  	[sflag:s4] =	ssyncset.done $0x0  }
0x63: {  	[sflag:s4] =	ssyncadd.s32 $0xFFFFC000  }
0x64: {  	[spmem:s2] =	stream.indirect.scatter.add.f32 [tilespmem:s11], [sflag:$0x1], $0x80, s15, s12, $0xb8;
	[tilespmem:$0x1C400] =	vst v63  }
0x65: {  	_ =	swait.ge [sflag:s4], $0x4000  }
0x66: {  	[sflag:s4] =	ssyncset.done $0x0  }
0x67: {  	[sflag:s4] =	ssyncadd.s32 $0xFFFFC000  }
0x68: {  	[spmem:s2] =	stream.indirect.scatter.add.f32 [tilespmem:s11], [sflag:$0x1], $0x80, s16, s12, $0xb8;
	[tilespmem:$0x1C400] =	vst v63  }
0x69: {  	_ =	swait.ge [sflag:s4], $0x4000  }
0x6a: {  	[sflag:s4] =	ssyncset.done $0x0  }
0x6b: {  	[sflag:s4] =	ssyncadd.s32 $0xFFFFC000  }
0x6c: {  	[spmem:s2] =	stream.indirect.scatter.add.f32 [tilespmem:s11], [sflag:$0x1], $0x80, s17, s12, $0xb8;
	[tilespmem:$0x1C400] =	vst v63  }
0x6d: {  	_ =	swait.ge [sflag:s4], $0x4000  }
0x6e: {  	[sflag:s4] =	ssyncset.done $0x0  }
0x6f: {  	[sflag:s4] =	ssyncadd.s32 $0xFFFFC000  }
0x70: {  	[spmem:s2] =	stream.indirect.scatter.add.f32 [tilespmem:s11], [sflag:$0x1], $0x80, s18, s12, $0xb8;
	[tilespmem:$0x1C400] =	vst v63  }
0x71: {  	_ =	swait.ge [sflag:s4], $0x4000  }
0x72: {  	[sflag:s4] =	ssyncset.done $0x0  }
0x73: {  	s26 =	rddreg [dreg:$0x8];
	[sflag:s4] =	ssyncadd.s32 $0xFFFFC000  }
0x74: {  	[tilespmem:s3], [sflag:$0x1] =	stream.linear.gather [hbm4b:s26+s3], $0x400, $0x38;
	[tilespmem:$0x1C400] =	vst v63  }
0x75: {  	_ =	swait.ge [sflag:s4], $0x400  }
0x76: {  	[sflag:s4] =	ssyncset.done $0x0  }
0x77: {  	[sflag:s4] =	ssyncadd.s32 $0xFFFFFC00  }
0x78: {  	[spmem:s2] =	stream.indirect.scatter.add.f32 [tilespmem:s11], [sflag:$0x1], $0x80, s3, s12, $0xb8;
	[tilespmem:$0x1C400] =	vst v63  }
0x79: {  	_ =	swait.ge [sflag:s4], $0x4000  }
0x7a: {  	[sflag:s4] =	ssyncset.done $0x0  }
0x7b: {  	[sflag:s4] =	ssyncadd.s32 $0xFFFFC000  }
0x7c: {  	[spmem:s2] =	stream.indirect.scatter.add.f32 [tilespmem:s11], [sflag:$0x1], $0x80, s12, s12, $0xb8;
	[tilespmem:$0x1C400] =	vst v63  }
0x7d: {  	_ =	swait.ge [sflag:s4], $0x4000  }
0x7e: {  	[sflag:s4] =	ssyncset.done $0x0  }
0x7f: {  	[sflag:s4] =	ssyncadd.s32 $0xFFFFC000  }
0x80: {  	[spmem:s2] =	stream.indirect.scatter.add.f32 [tilespmem:s11], [sflag:$0x1], $0x80, s13, s12, $0xb8;
	[tilespmem:$0x1C400] =	vst v63  }
0x81: {  	_ =	swait.ge [sflag:s4], $0x4000  }
0x82: {  	[sflag:s4] =	ssyncset.done $0x0  }
0x83: {  	[sflag:s4] =	ssyncadd.s32 $0xFFFFC000  }
0x84: {  	[spmem:s2] =	stream.indirect.scatter.add.f32 [tilespmem:s11], [sflag:$0x1], $0x80, s14, s12, $0xb8;
	[tilespmem:$0x1C400] =	vst v63  }
0x85: {  	_ =	swait.ge [sflag:s4], $0x4000  }
0x86: {  	[sflag:s4] =	ssyncset.done $0x0  }
0x87: {  	[sflag:s4] =	ssyncadd.s32 $0xFFFFC000  }
0x88: {  	[spmem:s2] =	stream.indirect.scatter.add.f32 [tilespmem:s11], [sflag:$0x1], $0x80, s15, s12, $0xb8;
	[tilespmem:$0x1C400] =	vst v63  }
0x89: {  	_ =	swait.ge [sflag:s4], $0x4000  }
0x8a: {  	[sflag:s4] =	ssyncset.done $0x0  }
0x8b: {  	[sflag:s4] =	ssyncadd.s32 $0xFFFFC000  }
0x8c: {  	[spmem:s2] =	stream.indirect.scatter.add.f32 [tilespmem:s11], [sflag:$0x1], $0x80, s16, s12, $0xb8;
	[tilespmem:$0x1C400] =	vst v63  }
0x8d: {  	_ =	swait.ge [sflag:s4], $0x4000  }
0x8e: {  	[sflag:s4] =	ssyncset.done $0x0  }
0x8f: {  	[sflag:s4] =	ssyncadd.s32 $0xFFFFC000  }
0x90: {  	[spmem:s2] =	stream.indirect.scatter.add.f32 [tilespmem:s11], [sflag:$0x1], $0x80, s17, s12, $0xb8;
	[tilespmem:$0x1C400] =	vst v63  }
0x91: {  	_ =	swait.ge [sflag:s4], $0x4000  }
0x92: {  	[sflag:s4] =	ssyncset.done $0x0  }
0x93: {  	[sflag:s4] =	ssyncadd.s32 $0xFFFFC000  }
0x94: {  	[spmem:s2] =	stream.indirect.scatter.add.f32 [tilespmem:s11], [sflag:$0x1], $0x80, s18, s12, $0xb8;
	[tilespmem:$0x1C400] =	vst v63  }
0x95: {  	_ =	swait.ge [sflag:s4], $0x4000  }
0x96: {  	[sflag:s4] =	ssyncset.done $0x0  }
0x97: {  	s19 =	sadd.s32 $0x50580, s25;
	[sflag:s4] =	ssyncadd.s32 $0xFFFFC000  }
0x98: {  	[tilespmem:s3], [sflag:$0x1] =	stream.linear.gather [hbm4b:s19+s3], $0x400, $0x38;
	[tilespmem:$0x1C400] =	vst v63  }
0x99: {  	_ =	swait.ge [sflag:s4], $0x400  }
0x9a: {  	[sflag:s4] =	ssyncset.done $0x0  }
0x9b: {  	[sflag:s4] =	ssyncadd.s32 $0xFFFFFC00  }
0x9c: {  	[spmem:s2] =	stream.indirect.scatter.add.f32 [tilespmem:s11], [sflag:$0x1], $0x80, s3, s12, $0xb8;
	[tilespmem:$0x1C400] =	vst v63  }
0x9d: {  	_ =	swait.ge [sflag:s4], $0x4000  }
0x9e: {  	[sflag:s4] =	ssyncset.done $0x0  }
0x9f: {  	[sflag:s4] =	ssyncadd.s32 $0xFFFFC000  }
0xa0: {  	[spmem:s2] =	stream.indirect.scatter.add.f32 [tilespmem:s11], [sflag:$0x1], $0x80, s12, s12, $0xb8;
	[tilespmem:$0x1C400] =	vst v63  }
0xa1: {  	_ =	swait.ge [sflag:s4], $0x4000  }
0xa2: {  	[sflag:s4] =	ssyncset.done $0x0  }
0xa3: {  	[sflag:s4] =	ssyncadd.s32 $0xFFFFC000  }
0xa4: {  	[spmem:s2] =	stream.indirect.scatter.add.f32 [tilespmem:s11], [sflag:$0x1], $0x80, s13, s12, $0xb8;
	[tilespmem:$0x1C400] =	vst v63  }
0xa5: {  	_ =	swait.ge [sflag:s4], $0x4000  }
0xa6: {  	[sflag:s4] =	ssyncset.done $0x0  }
0xa7: {  	[sflag:s4] =	ssyncadd.s32 $0xFFFFC000  }
0xa8: {  	[spmem:s2] =	stream.indirect.scatter.add.f32 [tilespmem:s11], [sflag:$0x1], $0x80, s14, s12, $0xb8;
	[tilespmem:$0x1C400] =	vst v63  }
0xa9: {  	_ =	swait.ge [sflag:s4], $0x4000  }
0xaa: {  	[sflag:s4] =	ssyncset.done $0x0  }
0xab: {  	[sflag:s4] =	ssyncadd.s32 $0xFFFFC000  }
0xac: {  	[spmem:s2] =	stream.indirect.scatter.add.f32 [tilespmem:s11], [sflag:$0x1], $0x80, s15, s12, $0xb8;
	[tilespmem:$0x1C400] =	vst v63  }
0xad: {  	_ =	swait.ge [sflag:s4], $0x4000  }
0xae: {  	[sflag:s4] =	ssyncset.done $0x0  }
0xaf: {  	[sflag:s4] =	ssyncadd.s32 $0xFFFFC000  }
0xb0: {  	[spmem:s2] =	stream.indirect.scatter.add.f32 [tilespmem:s11], [sflag:$0x1], $0x80, s16, s12, $0xb8;
	[tilespmem:$0x1C400] =	vst v63  }
0xb1: {  	_ =	swait.ge [sflag:s4], $0x4000  }
0xb2: {  	[sflag:s4] =	ssyncset.done $0x0  }
0xb3: {  	[sflag:s4] =	ssyncadd.s32 $0xFFFFC000  }
0xb4: {  	[spmem:s2] =	stream.indirect.scatter.add.f32 [tilespmem:s11], [sflag:$0x1], $0x80, s17, s12, $0xb8;
	[tilespmem:$0x1C400] =	vst v63  }
0xb5: {  	_ =	swait.ge [sflag:s4], $0x4000  }
0xb6: {  	[sflag:s4] =	ssyncset.done $0x0  }
0xb7: {  	[sflag:s4] =	ssyncadd.s32 $0xFFFFC000  }
0xb8: {  	[spmem:s2] =	stream.indirect.scatter.add.f32 [tilespmem:s11], [sflag:$0x1], $0x80, s18, s12, $0xb8;
	[tilespmem:$0x1C400] =	vst v63  }
0xb9: {  	_ =	swait.ge [sflag:s4], $0x4000  }
0xba: {  	[sflag:s4] =	ssyncset.done $0x0  }
0xbb: {  	s20 =	sadd.s32 $0x50600, s25;
	[sflag:s4] =	ssyncadd.s32 $0xFFFFC000  }
0xbc: {  	[tilespmem:s3], [sflag:$0x1] =	stream.linear.gather [hbm4b:s20+s3], $0x400, $0x38;
	[tilespmem:$0x1C400] =	vst v63  }
0xbd: {  	_ =	swait.ge [sflag:s4], $0x400  }
0xbe: {  	[sflag:s4] =	ssyncset.done $0x0  }
0xbf: {  	[sflag:s4] =	ssyncadd.s32 $0xFFFFFC00  }
0xc0: {  	[spmem:s2] =	stream.indirect.scatter.add.f32 [tilespmem:s11], [sflag:$0x1], $0x80, s3, s12, $0xb8;
	[tilespmem:$0x1C400] =	vst v63  }
0xc1: {  	_ =	swait.ge [sflag:s4], $0x4000  }
0xc2: {  	[sflag:s4] =	ssyncset.done $0x0  }
0xc3: {  	[sflag:s4] =	ssyncadd.s32 $0xFFFFC000  }
0xc4: {  	[spmem:s2] =	stream.indirect.scatter.add.f32 [tilespmem:s11], [sflag:$0x1], $0x80, s12, s12, $0xb8;
	[tilespmem:$0x1C400] =	vst v63  }
0xc5: {  	_ =	swait.ge [sflag:s4], $0x4000  }
0xc6: {  	[sflag:s4] =	ssyncset.done $0x0  }
0xc7: {  	[sflag:s4] =	ssyncadd.s32 $0xFFFFC000  }
0xc8: {  	[spmem:s2] =	stream.indirect.scatter.add.f32 [tilespmem:s11], [sflag:$0x1], $0x80, s13, s12, $0xb8;
	[tilespmem:$0x1C400] =	vst v63  }
0xc9: {  	_ =	swait.ge [sflag:s4], $0x4000  }
0xca: {  	[sflag:s4] =	ssyncset.done $0x0  }
0xcb: {  	[sflag:s4] =	ssyncadd.s32 $0xFFFFC000  }
0xcc: {  	[spmem:s2] =	stream.indirect.scatter.add.f32 [tilespmem:s11], [sflag:$0x1], $0x80, s14, s12, $0xb8;
	[tilespmem:$0x1C400] =	vst v63  }
0xcd: {  	_ =	swait.ge [sflag:s4], $0x4000  }
0xce: {  	[sflag:s4] =	ssyncset.done $0x0  }
0xcf: {  	[sflag:s4] =	ssyncadd.s32 $0xFFFFC000  }
0xd0: {  	[spmem:s2] =	stream.indirect.scatter.add.f32 [tilespmem:s11], [sflag:$0x1], $0x80, s15, s12, $0xb8;
	[tilespmem:$0x1C400] =	vst v63  }
0xd1: {  	_ =	swait.ge [sflag:s4], $0x4000  }
0xd2: {  	[sflag:s4] =	ssyncset.done $0x0  }
0xd3: {  	[sflag:s4] =	ssyncadd.s32 $0xFFFFC000  }
0xd4: {  	[spmem:s2] =	stream.indirect.scatter.add.f32 [tilespmem:s11], [sflag:$0x1], $0x80, s16, s12, $0xb8;
	[tilespmem:$0x1C400] =	vst v63  }
0xd5: {  	_ =	swait.ge [sflag:s4], $0x4000  }
0xd6: {  	[sflag:s4] =	ssyncset.done $0x0  }
0xd7: {  	[sflag:s4] =	ssyncadd.s32 $0xFFFFC000  }
0xd8: {  	[spmem:s2] =	stream.indirect.scatter.add.f32 [tilespmem:s11], [sflag:$0x1], $0x80, s17, s12, $0xb8;
	[tilespmem:$0x1C400] =	vst v63  }
0xd9: {  	_ =	swait.ge [sflag:s4], $0x4000  }
0xda: {  	[sflag:s4] =	ssyncset.done $0x0  }
0xdb: {  	[sflag:s4] =	ssyncadd.s32 $0xFFFFC000  }
0xdc: {  	[spmem:s2] =	stream.indirect.scatter.add.f32 [tilespmem:s11], [sflag:$0x1], $0x80, s18, s12, $0xb8;
	[tilespmem:$0x1C400] =	vst v63  }
0xdd: {  	_ =	swait.ge [sflag:s4], $0x4000  }
0xde: {  	[sflag:s4] =	ssyncset.done $0x0  }
0xdf: {  	s21 =	sadd.s32 $0x50680, s25;
	[sflag:s4] =	ssyncadd.s32 $0xFFFFC000  }
0xe0: {  	[tilespmem:s3], [sflag:$0x1] =	stream.linear.gather [hbm4b:s21+s3], $0x400, $0x38;
	[tilespmem:$0x1C400] =	vst v63  }
0xe1: {  	_ =	swait.ge [sflag:s4], $0x400  }
0xe2: {  	[sflag:s4] =	ssyncset.done $0x0  }
0xe3: {  	[sflag:s4] =	ssyncadd.s32 $0xFFFFFC00  }
0xe4: {  	[spmem:s2] =	stream.indirect.scatter.add.f32 [tilespmem:s11], [sflag:$0x1], $0x80, s3, s12, $0xb8;
	[tilespmem:$0x1C400] =	vst v63  }
0xe5: {  	_ =	swait.ge [sflag:s4], $0x4000  }
0xe6: {  	[sflag:s4] =	ssyncset.done $0x0  }
0xe7: {  	[sflag:s4] =	ssyncadd.s32 $0xFFFFC000  }
0xe8: {  	[spmem:s2] =	stream.indirect.scatter.add.f32 [tilespmem:s11], [sflag:$0x1], $0x80, s12, s12, $0xb8;
	[tilespmem:$0x1C400] =	vst v63  }
0xe9: {  	_ =	swait.ge [sflag:s4], $0x4000  }
0xea: {  	[sflag:s4] =	ssyncset.done $0x0  }
0xeb: {  	[sflag:s4] =	ssyncadd.s32 $0xFFFFC000  }
0xec: {  	[spmem:s2] =	stream.indirect.scatter.add.f32 [tilespmem:s11], [sflag:$0x1], $0x80, s13, s12, $0xb8;
	[tilespmem:$0x1C400] =	vst v63  }
0xed: {  	_ =	swait.ge [sflag:s4], $0x4000  }
0xee: {  	[sflag:s4] =	ssyncset.done $0x0  }
0xef: {  	[sflag:s4] =	ssyncadd.s32 $0xFFFFC000  }
0xf0: {  	[spmem:s2] =	stream.indirect.scatter.add.f32 [tilespmem:s11], [sflag:$0x1], $0x80, s14, s12, $0xb8;
	[tilespmem:$0x1C400] =	vst v63  }
0xf1: {  	_ =	swait.ge [sflag:s4], $0x4000  }
0xf2: {  	[sflag:s4] =	ssyncset.done $0x0  }
0xf3: {  	[sflag:s4] =	ssyncadd.s32 $0xFFFFC000  }
0xf4: {  	[spmem:s2] =	stream.indirect.scatter.add.f32 [tilespmem:s11], [sflag:$0x1], $0x80, s15, s12, $0xb8;
	[tilespmem:$0x1C400] =	vst v63  }
0xf5: {  	_ =	swait.ge [sflag:s4], $0x4000  }
0xf6: {  	[sflag:s4] =	ssyncset.done $0x0  }
0xf7: {  	[sflag:s4] =	ssyncadd.s32 $0xFFFFC000  }
0xf8: {  	[spmem:s2] =	stream.indirect.scatter.add.f32 [tilespmem:s11], [sflag:$0x1], $0x80, s16, s12, $0xb8;
	[tilespmem:$0x1C400] =	vst v63  }
0xf9: {  	_ =	swait.ge [sflag:s4], $0x4000  }
0xfa: {  	[sflag:s4] =	ssyncset.done $0x0  }
0xfb: {  	[sflag:s4] =	ssyncadd.s32 $0xFFFFC000  }
0xfc: {  	[spmem:s2] =	stream.indirect.scatter.add.f32 [tilespmem:s11], [sflag:$0x1], $0x80, s17, s12, $0xb8;
	[tilespmem:$0x1C400] =	vst v63  }
0xfd: {  	_ =	swait.ge [sflag:s4], $0x4000  }
0xfe: {  	[sflag:s4] =	ssyncset.done $0x0  }
0xff: {  	[sflag:s4] =	ssyncadd.s32 $0xFFFFC000  }
0x100: {  	[spmem:s2] =	stream.indirect.scatter.add.f32 [tilespmem:s11], [sflag:$0x1], $0x80, s18, s12, $0xb8;
	[tilespmem:$0x1C400] =	vst v63  }
0x101: {  	_ =	swait.ge [sflag:s4], $0x4000  }
0x102: {  	[sflag:s4] =	ssyncset.done $0x0  }
0x103: {  	s22 =	sadd.s32 $0x50700, s25;
	[sflag:s4] =	ssyncadd.s32 $0xFFFFC000  }
0x104: {  	[tilespmem:s3], [sflag:$0x1] =	stream.linear.gather [hbm4b:s22+s3], $0x400, $0x38;
	[tilespmem:$0x1C400] =	vst v63  }
0x105: {  	_ =	swait.ge [sflag:s4], $0x400  }
0x106: {  	[sflag:s4] =	ssyncset.done $0x0  }
0x107: {  	[sflag:s4] =	ssyncadd.s32 $0xFFFFFC00  }
0x108: {  	[spmem:s2] =	stream.indirect.scatter.add.f32 [tilespmem:s11], [sflag:$0x1], $0x80, s3, s12, $0xb8;
	[tilespmem:$0x1C400] =	vst v63  }
0x109: {  	_ =	swait.ge [sflag:s4], $0x4000  }
0x10a: {  	[sflag:s4] =	ssyncset.done $0x0  }
0x10b: {  	[sflag:s4] =	ssyncadd.s32 $0xFFFFC000  }
0x10c: {  	[spmem:s2] =	stream.indirect.scatter.add.f32 [tilespmem:s11], [sflag:$0x1], $0x80, s12, s12, $0xb8;
	[tilespmem:$0x1C400] =	vst v63  }
0x10d: {  	_ =	swait.ge [sflag:s4], $0x4000  }
0x10e: {  	[sflag:s4] =	ssyncset.done $0x0  }
0x10f: {  	[sflag:s4] =	ssyncadd.s32 $0xFFFFC000  }
0x110: {  	[spmem:s2] =	stream.indirect.scatter.add.f32 [tilespmem:s11], [sflag:$0x1], $0x80, s13, s12, $0xb8;
	[tilespmem:$0x1C400] =	vst v63  }
0x111: {  	_ =	swait.ge [sflag:s4], $0x4000  }
0x112: {  	[sflag:s4] =	ssyncset.done $0x0  }
0x113: {  	[sflag:s4] =	ssyncadd.s32 $0xFFFFC000  }
0x114: {  	[spmem:s2] =	stream.indirect.scatter.add.f32 [tilespmem:s11], [sflag:$0x1], $0x80, s14, s12, $0xb8;
	[tilespmem:$0x1C400] =	vst v63  }
0x115: {  	_ =	swait.ge [sflag:s4], $0x4000  }
0x116: {  	[sflag:s4] =	ssyncset.done $0x0  }
0x117: {  	[sflag:s4] =	ssyncadd.s32 $0xFFFFC000  }
0x118: {  	[spmem:s2] =	stream.indirect.scatter.add.f32 [tilespmem:s11], [sflag:$0x1], $0x80, s15, s12, $0xb8;
	[tilespmem:$0x1C400] =	vst v63  }
0x119: {  	_ =	swait.ge [sflag:s4], $0x4000  }
0x11a: {  	[sflag:s4] =	ssyncset.done $0x0  }
0x11b: {  	[sflag:s4] =	ssyncadd.s32 $0xFFFFC000  }
0x11c: {  	[spmem:s2] =	stream.indirect.scatter.add.f32 [tilespmem:s11], [sflag:$0x1], $0x80, s16, s12, $0xb8;
	[tilespmem:$0x1C400] =	vst v63  }
0x11d: {  	_ =	swait.ge [sflag:s4], $0x4000  }
0x11e: {  	[sflag:s4] =	ssyncset.done $0x0  }
0x11f: {  	[sflag:s4] =	ssyncadd.s32 $0xFFFFC000  }
0x120: {  	[spmem:s2] =	stream.indirect.scatter.add.f32 [tilespmem:s11], [sflag:$0x1], $0x80, s17, s12, $0xb8;
	[tilespmem:$0x1C400] =	vst v63  }
0x121: {  	_ =	swait.ge [sflag:s4], $0x4000  }
0x122: {  	[sflag:s4] =	ssyncset.done $0x0  }
0x123: {  	[sflag:s4] =	ssyncadd.s32 $0xFFFFC000  }
0x124: {  	[spmem:s2] =	stream.indirect.scatter.add.f32 [tilespmem:s11], [sflag:$0x1], $0x80, s18, s12, $0xb8;
	[tilespmem:$0x1C400] =	vst v63  }
0x125: {  	_ =	swait.ge [sflag:s4], $0x4000  }
0x126: {  	[sflag:s4] =	ssyncset.done $0x0  }
0x127: {  	s23 =	sadd.s32 $0x50780, s25;
	[sflag:s4] =	ssyncadd.s32 $0xFFFFC000  }
0x128: {  	[tilespmem:s3], [sflag:$0x1] =	stream.linear.gather [hbm4b:s23+s3], $0x400, $0x38;
	[tilespmem:$0x1C400] =	vst v63  }
0x129: {  	_ =	swait.ge [sflag:s4], $0x400  }
0x12a: {  	[sflag:s4] =	ssyncset.done $0x0  }
0x12b: {  	[sflag:s4] =	ssyncadd.s32 $0xFFFFFC00  }
0x12c: {  	[spmem:s2] =	stream.indirect.scatter.add.f32 [tilespmem:s11], [sflag:$0x1], $0x80, s3, s12, $0xb8;
	[tilespmem:$0x1C400] =	vst v63  }
0x12d: {  	_ =	swait.ge [sflag:s4], $0x4000  }
0x12e: {  	[sflag:s4] =	ssyncset.done $0x0  }
0x12f: {  	[sflag:s4] =	ssyncadd.s32 $0xFFFFC000  }
0x130: {  	[spmem:s2] =	stream.indirect.scatter.add.f32 [tilespmem:s11], [sflag:$0x1], $0x80, s12, s12, $0xb8;
	[tilespmem:$0x1C400] =	vst v63  }
0x131: {  	_ =	swait.ge [sflag:s4], $0x4000  }
0x132: {  	[sflag:s4] =	ssyncset.done $0x0  }
0x133: {  	[sflag:s4] =	ssyncadd.s32 $0xFFFFC000  }
0x134: {  	[spmem:s2] =	stream.indirect.scatter.add.f32 [tilespmem:s11], [sflag:$0x1], $0x80, s13, s12, $0xb8;
	[tilespmem:$0x1C400] =	vst v63  }
0x135: {  	_ =	swait.ge [sflag:s4], $0x4000  }
0x136: {  	[sflag:s4] =	ssyncset.done $0x0  }
0x137: {  	[sflag:s4] =	ssyncadd.s32 $0xFFFFC000  }
0x138: {  	[spmem:s2] =	stream.indirect.scatter.add.f32 [tilespmem:s11], [sflag:$0x1], $0x80, s14, s12, $0xb8;
	[tilespmem:$0x1C400] =	vst v63  }
0x139: {  	_ =	swait.ge [sflag:s4], $0x4000  }
0x13a: {  	[sflag:s4] =	ssyncset.done $0x0  }
0x13b: {  	[sflag:s4] =	ssyncadd.s32 $0xFFFFC000  }
0x13c: {  	[spmem:s2] =	stream.indirect.scatter.add.f32 [tilespmem:s11], [sflag:$0x1], $0x80, s15, s12, $0xb8;
	[tilespmem:$0x1C400] =	vst v63  }
0x13d: {  	_ =	swait.ge [sflag:s4], $0x4000  }
0x13e: {  	[sflag:s4] =	ssyncset.done $0x0  }
0x13f: {  	[sflag:s4] =	ssyncadd.s32 $0xFFFFC000  }
0x140: {  	[spmem:s2] =	stream.indirect.scatter.add.f32 [tilespmem:s11], [sflag:$0x1], $0x80, s16, s12, $0xb8;
	[tilespmem:$0x1C400] =	vst v63  }
0x141: {  	_ =	swait.ge [sflag:s4], $0x4000  }
0x142: {  	[sflag:s4] =	ssyncset.done $0x0  }
0x143: {  	[sflag:s4] =	ssyncadd.s32 $0xFFFFC000  }
0x144: {  	[spmem:s2] =	stream.indirect.scatter.add.f32 [tilespmem:s11], [sflag:$0x1], $0x80, s17, s12, $0xb8;
	[tilespmem:$0x1C400] =	vst v63  }
0x145: {  	_ =	swait.ge [sflag:s4], $0x4000  }
0x146: {  	[sflag:s4] =	ssyncset.done $0x0  }
0x147: {  	[sflag:s4] =	ssyncadd.s32 $0xFFFFC000  }
0x148: {  	[spmem:s2] =	stream.indirect.scatter.add.f32 [tilespmem:s11], [sflag:$0x1], $0x80, s18, s12, $0xb8;
	[tilespmem:$0x1C400] =	vst v63  }
0x149: {  	_ =	swait.ge [sflag:s4], $0x4000  }
0x14a: {  	[sflag:s4] =	ssyncset.done $0x0  }
0x14b: {  	s24 =	sadd.s32 $0x50800, s25;
	[sflag:s4] =	ssyncadd.s32 $0xFFFFC000  }
0x14c: {  	[tilespmem:s3], [sflag:$0x1] =	stream.linear.gather [hbm4b:s24+s3], $0x400, $0x38;
	[tilespmem:$0x1C400] =	vst v63  }
0x14d: {  	_ =	swait.ge [sflag:s4], $0x400  }
0x14e: {  	[sflag:s4] =	ssyncset.done $0x0  }
0x14f: {  	[sflag:s4] =	ssyncadd.s32 $0xFFFFFC00  }
0x150: {  	[spmem:s2] =	stream.indirect.scatter.add.f32 [tilespmem:s11], [sflag:$0x1], $0x80, s3, s12, $0xb8;
	[tilespmem:$0x1C400] =	vst v63  }
0x151: {  	_ =	swait.ge [sflag:s4], $0x4000  }
0x152: {  	[sflag:s4] =	ssyncset.done $0x0  }
0x153: {  	[sflag:s4] =	ssyncadd.s32 $0xFFFFC000  }
0x154: {  	[spmem:s2] =	stream.indirect.scatter.add.f32 [tilespmem:s11], [sflag:$0x1], $0x80, s12, s12, $0xb8;
	[tilespmem:$0x1C400] =	vst v63  }
0x155: {  	_ =	swait.ge [sflag:s4], $0x4000  }
0x156: {  	[sflag:s4] =	ssyncset.done $0x0  }
0x157: {  	[sflag:s4] =	ssyncadd.s32 $0xFFFFC000  }
0x158: {  	[spmem:s2] =	stream.indirect.scatter.add.f32 [tilespmem:s11], [sflag:$0x1], $0x80, s13, s12, $0xb8;
	[tilespmem:$0x1C400] =	vst v63  }
0x159: {  	_ =	swait.ge [sflag:s4], $0x4000  }
0x15a: {  	[sflag:s4] =	ssyncset.done $0x0  }
0x15b: {  	[sflag:s4] =	ssyncadd.s32 $0xFFFFC000  }
0x15c: {  	[spmem:s2] =	stream.indirect.scatter.add.f32 [tilespmem:s11], [sflag:$0x1], $0x80, s14, s12, $0xb8;
	[tilespmem:$0x1C400] =	vst v63  }
0x15d: {  	_ =	swait.ge [sflag:s4], $0x4000  }
0x15e: {  	[sflag:s4] =	ssyncset.done $0x0  }
0x15f: {  	[sflag:s4] =	ssyncadd.s32 $0xFFFFC000  }
0x160: {  	[spmem:s2] =	stream.indirect.scatter.add.f32 [tilespmem:s11], [sflag:$0x1], $0x80, s15, s12, $0xb8;
	[tilespmem:$0x1C400] =	vst v63  }
0x161: {  	_ =	swait.ge [sflag:s4], $0x4000  }
0x162: {  	[sflag:s4] =	ssyncset.done $0x0  }
0x163: {  	[sflag:s4] =	ssyncadd.s32 $0xFFFFC000  }
0x164: {  	[spmem:s2] =	stream.indirect.scatter.add.f32 [tilespmem:s11], [sflag:$0x1], $0x80, s16, s12, $0xb8;
	[tilespmem:$0x1C400] =	vst v63  }
0x165: {  	_ =	swait.ge [sflag:s4], $0x4000  }
0x166: {  	[sflag:s4] =	ssyncset.done $0x0  }
0x167: {  	[sflag:s4] =	ssyncadd.s32 $0xFFFFC000  }
0x168: {  	[spmem:s2] =	stream.indirect.scatter.add.f32 [tilespmem:s11], [sflag:$0x1], $0x80, s17, s12, $0xb8;
	[tilespmem:$0x1C400] =	vst v63  }
0x169: {  	_ =	swait.ge [sflag:s4], $0x4000  }
0x16a: {  	[sflag:s4] =	ssyncset.done $0x0  }
0x16b: {  	[sflag:s4] =	ssyncadd.s32 $0xFFFFC000  }
0x16c: {  	[spmem:s2] =	stream.indirect.scatter.add.f32 [tilespmem:s11], [sflag:$0x1], $0x80, s18, s12, $0xb8;
	[tilespmem:$0x1C400] =	vst v63  }
0x16d: {  	_ =	swait.ge [sflag:s4], $0x4000  }
0x16e: {  	[sflag:s4] =	ssyncset.done $0x0  }
0x16f: {  	s25 =	sadd.s32 $0x50880, s25;
	[sflag:s4] =	ssyncadd.s32 $0xFFFFC000  }
0x170: {  	[tilespmem:s3], [sflag:$0x1] =	stream.linear.gather [hbm4b:s25+s3], $0x400, $0x38;
	[tilespmem:$0x1C400] =	vst v63  }
0x171: {  	_ =	swait.ge [sflag:s4], $0x400  }
0x172: {  	[sflag:s4] =	ssyncset.done $0x0  }
0x173: {  	[sflag:s4] =	ssyncadd.s32 $0xFFFFFC00  }
0x174: {  	[spmem:s2] =	stream.indirect.scatter.add.f32 [tilespmem:s11], [sflag:$0x1], $0x80, s3, s12, $0xb8;
	[tilespmem:$0x1C400] =	vst v63  }
0x175: {  	_ =	swait.ge [sflag:s4], $0x4000  }
0x176: {  	[sflag:s4] =	ssyncset.done $0x0  }
0x177: {  	[sflag:s4] =	ssyncadd.s32 $0xFFFFC000  }
0x178: {  	[spmem:s2] =	stream.indirect.scatter.add.f32 [tilespmem:s11], [sflag:$0x1], $0x80, s12, s12, $0xb8;
	[tilespmem:$0x1C400] =	vst v63  }
0x179: {  	_ =	swait.ge [sflag:s4], $0x4000  }
0x17a: {  	[sflag:s4] =	ssyncset.done $0x0  }
0x17b: {  	[sflag:s4] =	ssyncadd.s32 $0xFFFFC000  }
0x17c: {  	[spmem:s2] =	stream.indirect.scatter.add.f32 [tilespmem:s11], [sflag:$0x1], $0x80, s13, s12, $0xb8;
	[tilespmem:$0x1C400] =	vst v63  }
0x17d: {  	_ =	swait.ge [sflag:s4], $0x4000  }
0x17e: {  	[sflag:s4] =	ssyncset.done $0x0  }
0x17f: {  	[sflag:s4] =	ssyncadd.s32 $0xFFFFC000  }
0x180: {  	[spmem:s2] =	stream.indirect.scatter.add.f32 [tilespmem:s11], [sflag:$0x1], $0x80, s14, s12, $0xb8;
	[tilespmem:$0x1C400] =	vst v63  }
0x181: {  	_ =	swait.ge [sflag:s4], $0x4000  }
0x182: {  	[sflag:s4] =	ssyncset.done $0x0  }
0x183: {  	[sflag:s4] =	ssyncadd.s32 $0xFFFFC000  }
0x184: {  	[spmem:s2] =	stream.indirect.scatter.add.f32 [tilespmem:s11], [sflag:$0x1], $0x80, s15, s12, $0xb8;
	[tilespmem:$0x1C400] =	vst v63  }
0x185: {  	_ =	swait.ge [sflag:s4], $0x4000  }
0x186: {  	[sflag:s4] =	ssyncset.done $0x0  }
0x187: {  	[sflag:s4] =	ssyncadd.s32 $0xFFFFC000  }
0x188: {  	[spmem:s2] =	stream.indirect.scatter.add.f32 [tilespmem:s11], [sflag:$0x1], $0x80, s16, s12, $0xb8;
	[tilespmem:$0x1C400] =	vst v63  }
0x189: {  	_ =	swait.ge [sflag:s4], $0x4000  }
0x18a: {  	[sflag:s4] =	ssyncset.done $0x0  }
0x18b: {  	[sflag:s4] =	ssyncadd.s32 $0xFFFFC000  }
0x18c: {  	[spmem:s2] =	stream.indirect.scatter.add.f32 [tilespmem:s11], [sflag:$0x1], $0x80, s17, s12, $0xb8;
	[tilespmem:$0x1C400] =	vst v63  }
0x18d: {  	_ =	swait.ge [sflag:s4], $0x4000  }
0x18e: {  	[sflag:s4] =	ssyncset.done $0x0  }
0x18f: {  	[sflag:s4] =	ssyncadd.s32 $0xFFFFC000  }
0x190: {  	[spmem:s2] =	stream.indirect.scatter.add.f32 [tilespmem:s11], [sflag:$0x1], $0x80, s18, s12, $0xb8;
	[tilespmem:$0x1C400] =	vst v63  }
0x191: {  	_ =	swait.ge [sflag:s4], $0x4000  }
0x192: {  	[sflag:s4] =	ssyncset.done $0x0  }
0x193: {  	[sflag:s4] =	ssyncadd.s32 $0xFFFFC000  }
0x194: {  	s0 =	smul.u32 $0x140000, s31;
	[bflag:$0x0] =	sbarrier.arrive $0xFFFF  }
0x195: {  	[tilespmem:s5], [sflag:$0x1] =	stream.linear.gather [spmem:s6], $0x4000, $0x38;
	[tilespmem:$0x1C400] =	vst v63  }
0x196: {  	_ =	swait.ge [sflag:s4], $0x4000  }
0x197: {  	s26 =	sadd.s32 s1, s0;
	s1 =	rddreg [dreg:$0x0]  }
0x198: {  	s26 =	sshrl.u32 s26, $0x3;
	[sflag:s4] =	ssyncset.done $0x0;
	s1 =	sadd.s32 $0xDC400, s1  }
0x199: {  	[sflag:s4] =	ssyncadd.s32 $0xFFFFC000;
	s26 =	sadd.s32 s1, s26;
	[dreg:$0xa] =	wrdreg s1  }
0x19a: {  	[hbm4b:s26+s3] =	stream.linear.scatter [tilespmem:s5], [sflag:$0x1], $0x4000, $0x38;
	[tilespmem:$0x1C400] =	vst v63  }
0x19b: {  	_ =	swait.ge [sflag:s4], $0x4000  }
0x19c: {  	[sflag:s4] =	ssyncset.done $0x0  }
0x19d: {  	[sflag:s4] =	ssyncadd.s32 $0xFFFFC000  }
0x19e: {  	[tilespmem:s5], [sflag:$0x1] =	stream.linear.gather [spmem:s7], $0x4000, $0x38;
	[tilespmem:$0x1C400] =	vst v63  }
0x19f: {  	s28 =	sadd.s32 s0, s28;
	_ =	swait.ge [sflag:s4], $0x4000  }
0x1a0: {  	s28 =	sshrl.u32 s28, $0x3;
	[sflag:s4] =	ssyncset.done $0x0  }
0x1a1: {  	s28 =	sadd.s32 s1, s28;
	[sflag:s4] =	ssyncadd.s32 $0xFFFFC000  }
0x1a2: {  	[hbm4b:s28+s3] =	stream.linear.scatter [tilespmem:s5], [sflag:$0x1], $0x4000, $0x38;
	[tilespmem:$0x1C400] =	vst v63  }
0x1a3: {  	_ =	swait.ge [sflag:s4], $0x4000  }
0x1a4: {  	[sflag:s4] =	ssyncset.done $0x0  }
0x1a5: {  	[sflag:s4] =	ssyncadd.s32 $0xFFFFC000  }
0x1a6: {  	[tilespmem:s5], [sflag:$0x1] =	stream.linear.gather [spmem:s8], $0x4000, $0x38;
	[tilespmem:$0x1C400] =	vst v63  }
0x1a7: {  	s29 =	sadd.s32 s0, s29;
	_ =	swait.ge [sflag:s4], $0x4000  }
0x1a8: {  	s29 =	sshrl.u32 s29, $0x3;
	[sflag:s4] =	ssyncset.done $0x0  }
0x1a9: {  	s29 =	sadd.s32 s1, s29;
	[sflag:s4] =	ssyncadd.s32 $0xFFFFC000  }
0x1aa: {  	[hbm4b:s29+s3] =	stream.linear.scatter [tilespmem:s5], [sflag:$0x1], $0x4000, $0x38;
	[tilespmem:$0x1C400] =	vst v63  }
0x1ab: {  	_ =	swait.ge [sflag:s4], $0x4000  }
0x1ac: {  	[sflag:s4] =	ssyncset.done $0x0  }
0x1ad: {  	[sflag:s4] =	ssyncadd.s32 $0xFFFFC000  }
0x1ae: {  	[tilespmem:s5], [sflag:$0x1] =	stream.linear.gather [spmem:s9], $0x4000, $0x38;
	[tilespmem:$0x1C400] =	vst v63  }
0x1af: {  	s30 =	sadd.s32 s0, s30;
	_ =	swait.ge [sflag:s4], $0x4000  }
0x1b0: {  	s30 =	sshrl.u32 s30, $0x3;
	[sflag:s4] =	ssyncset.done $0x0  }
0x1b1: {  	s30 =	sadd.s32 s1, s30;
	[sflag:s4] =	ssyncadd.s32 $0xFFFFC000  }
0x1b2: {  	[hbm4b:s30+s3] =	stream.linear.scatter [tilespmem:s5], [sflag:$0x1], $0x4000, $0x38;
	[tilespmem:$0x1C400] =	vst v63  }
0x1b3: {  	_ =	swait.ge [sflag:s4], $0x4000  }
0x1b4: {  	s31 =	ssub.s32 $0x2, s31;
	[sflag:s4] =	ssyncset.done $0x0;
	s1 =	rddreg [dreg:$0x9]  }
0x1b5: {  	[sflag:s4] =	ssyncadd.s32 $0xFFFFC000;
	s1 =	sadd.s32 s0, s1;
	s0 =	sshrl.u32 s31, $0x1  }
0x1b6: {  	[tilespmem:s5], [sflag:$0x1] =	stream.linear.gather [spmem:s10], $0x4000, $0x38;
	[tilespmem:$0x1C400] =	vst v63  }
0x1b7: {  	s0 =	ssub.s32 s31, s0  }
0x1b8: {  	s0 =	smax.u32 s0, $0x1  }
0x1b9: {  	p0 =	sne.s32 s0, $0x1  }
.Ltmp0:
0x1ba: {  	_ =	swait.ge [sflag:s4], $0x4000;
	(pc) =	sbr.rel @!p0 .LBB2_2-.Ltmp0, $4  }
0x1bb: {  	s31 =	sshrl.u32 s1, $0x3;
	[sflag:s4] =	ssyncset.done $0x0;
	s1 =	rddreg [dreg:$0xa]  }
0x1bc: {  	s31 =	sadd.s32 s1, s31;
	[sflag:s4] =	ssyncadd.s32 $0xFFFFC000  }
0x1bd: {  	[hbm4b:s31+s3] =	stream.linear.scatter [tilespmem:s5], [sflag:$0x1], $0x4000, $0x38;
	[tilespmem:$0x1C400] =	vst v63  }
0x1be: {  	s1 =	sadd.s32 $0xFFFFFFFF, s0;
	_ =	swait.ge [sflag:s4], $0x4000  }
.LBB2_1:
0x1bf: {  	[sflag:s4] =	ssyncset.done $0x0  }
0x1c0: {  	s0 =	rddreg [dreg:$0x4];
	[sflag:s4] =	ssyncadd.s32 $0xFFFFC000  }
0x1c1: {  	[tilespmem:s5], [sflag:$0x1] =	stream.linear.gather [hbm4b:s0+s3], $0x4000, $0x38;
	[tilespmem:$0x1C400] =	vst v63  }
0x1c2: {  	_ =	swait.ge [sflag:s4], $0x4000  }
0x1c3: {  	[sflag:s4] =	ssyncset.done $0x0  }
0x1c4: {  	[sflag:s4] =	ssyncadd.s32 $0xFFFFC000  }
0x1c5: {  	[spmem:s6] =	stream.linear.scatter [tilespmem:s5], [sflag:$0x1], $0x4000, $0x38;
	[tilespmem:$0x1C400] =	vst v63  }
0x1c6: {  	_ =	swait.ge [sflag:s4], $0x4000  }
0x1c7: {  	[sflag:s4] =	ssyncset.done $0x0  }
0x1c8: {  	[sflag:s4] =	ssyncadd.s32 $0xFFFFC000  }
0x1c9: {  	[spmem:s7] =	stream.linear.scatter [tilespmem:s5], [sflag:$0x1], $0x4000, $0x38;
	[tilespmem:$0x1C400] =	vst v63  }
0x1ca: {  	_ =	swait.ge [sflag:s4], $0x4000  }
0x1cb: {  	[sflag:s4] =	ssyncset.done $0x0  }
0x1cc: {  	[sflag:s4] =	ssyncadd.s32 $0xFFFFC000  }
0x1cd: {  	[spmem:s8] =	stream.linear.scatter [tilespmem:s5], [sflag:$0x1], $0x4000, $0x38;
	[tilespmem:$0x1C400] =	vst v63  }
0x1ce: {  	_ =	swait.ge [sflag:s4], $0x4000  }
0x1cf: {  	[sflag:s4] =	ssyncset.done $0x0  }
0x1d0: {  	[sflag:s4] =	ssyncadd.s32 $0xFFFFC000  }
0x1d1: {  	[spmem:s9] =	stream.linear.scatter [tilespmem:s5], [sflag:$0x1], $0x4000, $0x38;
	[tilespmem:$0x1C400] =	vst v63  }
0x1d2: {  	_ =	swait.ge [sflag:s4], $0x4000  }
0x1d3: {  	[sflag:s4] =	ssyncset.done $0x0  }
0x1d4: {  	[sflag:s4] =	ssyncadd.s32 $0xFFFFC000  }
0x1d5: {  	[spmem:s10] =	stream.linear.scatter [tilespmem:s5], [sflag:$0x1], $0x4000, $0x38;
	[tilespmem:$0x1C400] =	vst v63  }
0x1d6: {  	_ =	swait.ge [sflag:s4], $0x4000  }
0x1d7: {  	[sflag:s4] =	ssyncset.done $0x0  }
0x1d8: {  	s0 =	rddreg [dreg:$0x5];
	[sflag:s4] =	ssyncadd.s32 $0xFFFFC000  }
0x1d9: {  	[tilespmem:s11], [sflag:$0x1] =	stream.linear.gather [hbm4b:s0+s3], $0x4000, $0x38;
	[tilespmem:$0x1C400] =	vst v63  }
0x1da: {  	_ =	swait.ge [sflag:s4], $0x4000  }
0x1db: {  	[sflag:s4] =	ssyncset.done $0x0  }
0x1dc: {  	[sflag:s4] =	ssyncadd.s32 $0xFFFFC000  }
0x1dd: {  	[bflag:$0x0] =	sbarrier.arrive $0xFFFF  }
0x1de: {  	s0 =	rddreg [dreg:$0x6]  }
0x1df: {  	[tilespmem:s3], [sflag:$0x1] =	stream.linear.gather [hbm4b:s0+s3], $0x400, $0x38;
	[tilespmem:$0x1C400] =	vst v63  }
0x1e0: {  	_ =	swait.ge [sflag:s4], $0x400  }
0x1e1: {  	[sflag:s4] =	ssyncset.done $0x0  }
0x1e2: {  	[sflag:s4] =	ssyncadd.s32 $0xFFFFFC00  }
0x1e3: {  	[spmem:s2] =	stream.indirect.scatter.add.f32 [tilespmem:s11], [sflag:$0x1], $0x80, s3, s12, $0xb8;
	[tilespmem:$0x1C400] =	vst v63  }
0x1e4: {  	_ =	swait.ge [sflag:s4], $0x4000  }
0x1e5: {  	[sflag:s4] =	ssyncset.done $0x0  }
0x1e6: {  	[sflag:s4] =	ssyncadd.s32 $0xFFFFC000  }
0x1e7: {  	[spmem:s2] =	stream.indirect.scatter.add.f32 [tilespmem:s11], [sflag:$0x1], $0x80, s12, s12, $0xb8;
	[tilespmem:$0x1C400] =	vst v63  }
0x1e8: {  	_ =	swait.ge [sflag:s4], $0x4000  }
0x1e9: {  	[sflag:s4] =	ssyncset.done $0x0  }
0x1ea: {  	[sflag:s4] =	ssyncadd.s32 $0xFFFFC000  }
0x1eb: {  	[spmem:s2] =	stream.indirect.scatter.add.f32 [tilespmem:s11], [sflag:$0x1], $0x80, s13, s12, $0xb8;
	[tilespmem:$0x1C400] =	vst v63  }
0x1ec: {  	_ =	swait.ge [sflag:s4], $0x4000  }
0x1ed: {  	[sflag:s4] =	ssyncset.done $0x0  }
0x1ee: {  	[sflag:s4] =	ssyncadd.s32 $0xFFFFC000  }
0x1ef: {  	[spmem:s2] =	stream.indirect.scatter.add.f32 [tilespmem:s11], [sflag:$0x1], $0x80, s14, s12, $0xb8;
	[tilespmem:$0x1C400] =	vst v63  }
0x1f0: {  	_ =	swait.ge [sflag:s4], $0x4000  }
0x1f1: {  	[sflag:s4] =	ssyncset.done $0x0  }
0x1f2: {  	[sflag:s4] =	ssyncadd.s32 $0xFFFFC000  }
0x1f3: {  	[spmem:s2] =	stream.indirect.scatter.add.f32 [tilespmem:s11], [sflag:$0x1], $0x80, s15, s12, $0xb8;
	[tilespmem:$0x1C400] =	vst v63  }
0x1f4: {  	_ =	swait.ge [sflag:s4], $0x4000  }
0x1f5: {  	[sflag:s4] =	ssyncset.done $0x0  }
0x1f6: {  	[sflag:s4] =	ssyncadd.s32 $0xFFFFC000  }
0x1f7: {  	[spmem:s2] =	stream.indirect.scatter.add.f32 [tilespmem:s11], [sflag:$0x1], $0x80, s16, s12, $0xb8;
	[tilespmem:$0x1C400] =	vst v63  }
0x1f8: {  	_ =	swait.ge [sflag:s4], $0x4000  }
0x1f9: {  	[sflag:s4] =	ssyncset.done $0x0  }
0x1fa: {  	[sflag:s4] =	ssyncadd.s32 $0xFFFFC000  }
0x1fb: {  	[spmem:s2] =	stream.indirect.scatter.add.f32 [tilespmem:s11], [sflag:$0x1], $0x80, s17, s12, $0xb8;
	[tilespmem:$0x1C400] =	vst v63  }
0x1fc: {  	_ =	swait.ge [sflag:s4], $0x4000  }
0x1fd: {  	[sflag:s4] =	ssyncset.done $0x0  }
0x1fe: {  	[sflag:s4] =	ssyncadd.s32 $0xFFFFC000  }
0x1ff: {  	[spmem:s2] =	stream.indirect.scatter.add.f32 [tilespmem:s11], [sflag:$0x1], $0x80, s18, s12, $0xb8;
	[tilespmem:$0x1C400] =	vst v63  }
0x200: {  	_ =	swait.ge [sflag:s4], $0x4000  }
0x201: {  	[sflag:s4] =	ssyncset.done $0x0  }
0x202: {  	s0 =	rddreg [dreg:$0x7];
	[sflag:s4] =	ssyncadd.s32 $0xFFFFC000  }
0x203: {  	[tilespmem:s3], [sflag:$0x1] =	stream.linear.gather [hbm4b:s0+s3], $0x400, $0x38;
	[tilespmem:$0x1C400] =	vst v63  }
0x204: {  	_ =	swait.ge [sflag:s4], $0x400  }
0x205: {  	[sflag:s4] =	ssyncset.done $0x0  }
0x206: {  	[sflag:s4] =	ssyncadd.s32 $0xFFFFFC00  }
0x207: {  	[spmem:s2] =	stream.indirect.scatter.add.f32 [tilespmem:s11], [sflag:$0x1], $0x80, s3, s12, $0xb8;
	[tilespmem:$0x1C400] =	vst v63  }
0x208: {  	_ =	swait.ge [sflag:s4], $0x4000  }
0x209: {  	[sflag:s4] =	ssyncset.done $0x0  }
0x20a: {  	[sflag:s4] =	ssyncadd.s32 $0xFFFFC000  }
0x20b: {  	[spmem:s2] =	stream.indirect.scatter.add.f32 [tilespmem:s11], [sflag:$0x1], $0x80, s12, s12, $0xb8;
	[tilespmem:$0x1C400] =	vst v63  }
0x20c: {  	_ =	swait.ge [sflag:s4], $0x4000  }
0x20d: {  	[sflag:s4] =	ssyncset.done $0x0  }
0x20e: {  	[sflag:s4] =	ssyncadd.s32 $0xFFFFC000  }
0x20f: {  	[spmem:s2] =	stream.indirect.scatter.add.f32 [tilespmem:s11], [sflag:$0x1], $0x80, s13, s12, $0xb8;
	[tilespmem:$0x1C400] =	vst v63  }
0x210: {  	_ =	swait.ge [sflag:s4], $0x4000  }
0x211: {  	[sflag:s4] =	ssyncset.done $0x0  }
0x212: {  	[sflag:s4] =	ssyncadd.s32 $0xFFFFC000  }
0x213: {  	[spmem:s2] =	stream.indirect.scatter.add.f32 [tilespmem:s11], [sflag:$0x1], $0x80, s14, s12, $0xb8;
	[tilespmem:$0x1C400] =	vst v63  }
0x214: {  	_ =	swait.ge [sflag:s4], $0x4000  }
0x215: {  	[sflag:s4] =	ssyncset.done $0x0  }
0x216: {  	[sflag:s4] =	ssyncadd.s32 $0xFFFFC000  }
0x217: {  	[spmem:s2] =	stream.indirect.scatter.add.f32 [tilespmem:s11], [sflag:$0x1], $0x80, s15, s12, $0xb8;
	[tilespmem:$0x1C400] =	vst v63  }
0x218: {  	_ =	swait.ge [sflag:s4], $0x4000  }
0x219: {  	[sflag:s4] =	ssyncset.done $0x0  }
0x21a: {  	[sflag:s4] =	ssyncadd.s32 $0xFFFFC000  }
0x21b: {  	[spmem:s2] =	stream.indirect.scatter.add.f32 [tilespmem:s11], [sflag:$0x1], $0x80, s16, s12, $0xb8;
	[tilespmem:$0x1C400] =	vst v63  }
0x21c: {  	_ =	swait.ge [sflag:s4], $0x4000  }
0x21d: {  	[sflag:s4] =	ssyncset.done $0x0  }
0x21e: {  	[sflag:s4] =	ssyncadd.s32 $0xFFFFC000  }
0x21f: {  	[spmem:s2] =	stream.indirect.scatter.add.f32 [tilespmem:s11], [sflag:$0x1], $0x80, s17, s12, $0xb8;
	[tilespmem:$0x1C400] =	vst v63  }
0x220: {  	_ =	swait.ge [sflag:s4], $0x4000  }
0x221: {  	[sflag:s4] =	ssyncset.done $0x0  }
0x222: {  	[sflag:s4] =	ssyncadd.s32 $0xFFFFC000  }
0x223: {  	[spmem:s2] =	stream.indirect.scatter.add.f32 [tilespmem:s11], [sflag:$0x1], $0x80, s18, s12, $0xb8;
	[tilespmem:$0x1C400] =	vst v63  }
0x224: {  	_ =	swait.ge [sflag:s4], $0x4000  }
0x225: {  	[sflag:s4] =	ssyncset.done $0x0  }
0x226: {  	s0 =	rddreg [dreg:$0x8];
	[sflag:s4] =	ssyncadd.s32 $0xFFFFC000  }
0x227: {  	[tilespmem:s3], [sflag:$0x1] =	stream.linear.gather [hbm4b:s0+s3], $0x400, $0x38;
	[tilespmem:$0x1C400] =	vst v63  }
0x228: {  	_ =	swait.ge [sflag:s4], $0x400  }
0x229: {  	[sflag:s4] =	ssyncset.done $0x0  }
0x22a: {  	[sflag:s4] =	ssyncadd.s32 $0xFFFFFC00  }
0x22b: {  	[spmem:s2] =	stream.indirect.scatter.add.f32 [tilespmem:s11], [sflag:$0x1], $0x80, s3, s12, $0xb8;
	[tilespmem:$0x1C400] =	vst v63  }
0x22c: {  	_ =	swait.ge [sflag:s4], $0x4000  }
0x22d: {  	[sflag:s4] =	ssyncset.done $0x0  }
0x22e: {  	[sflag:s4] =	ssyncadd.s32 $0xFFFFC000  }
0x22f: {  	[spmem:s2] =	stream.indirect.scatter.add.f32 [tilespmem:s11], [sflag:$0x1], $0x80, s12, s12, $0xb8;
	[tilespmem:$0x1C400] =	vst v63  }
0x230: {  	_ =	swait.ge [sflag:s4], $0x4000  }
0x231: {  	[sflag:s4] =	ssyncset.done $0x0  }
0x232: {  	[sflag:s4] =	ssyncadd.s32 $0xFFFFC000  }
0x233: {  	[spmem:s2] =	stream.indirect.scatter.add.f32 [tilespmem:s11], [sflag:$0x1], $0x80, s13, s12, $0xb8;
	[tilespmem:$0x1C400] =	vst v63  }
0x234: {  	_ =	swait.ge [sflag:s4], $0x4000  }
0x235: {  	[sflag:s4] =	ssyncset.done $0x0  }
0x236: {  	[sflag:s4] =	ssyncadd.s32 $0xFFFFC000  }
0x237: {  	[spmem:s2] =	stream.indirect.scatter.add.f32 [tilespmem:s11], [sflag:$0x1], $0x80, s14, s12, $0xb8;
	[tilespmem:$0x1C400] =	vst v63  }
0x238: {  	_ =	swait.ge [sflag:s4], $0x4000  }
0x239: {  	[sflag:s4] =	ssyncset.done $0x0  }
0x23a: {  	[sflag:s4] =	ssyncadd.s32 $0xFFFFC000  }
0x23b: {  	[spmem:s2] =	stream.indirect.scatter.add.f32 [tilespmem:s11], [sflag:$0x1], $0x80, s15, s12, $0xb8;
	[tilespmem:$0x1C400] =	vst v63  }
0x23c: {  	_ =	swait.ge [sflag:s4], $0x4000  }
0x23d: {  	[sflag:s4] =	ssyncset.done $0x0  }
0x23e: {  	[sflag:s4] =	ssyncadd.s32 $0xFFFFC000  }
0x23f: {  	[spmem:s2] =	stream.indirect.scatter.add.f32 [tilespmem:s11], [sflag:$0x1], $0x80, s16, s12, $0xb8;
	[tilespmem:$0x1C400] =	vst v63  }
0x240: {  	_ =	swait.ge [sflag:s4], $0x4000  }
0x241: {  	[sflag:s4] =	ssyncset.done $0x0  }
0x242: {  	[sflag:s4] =	ssyncadd.s32 $0xFFFFC000  }
0x243: {  	[spmem:s2] =	stream.indirect.scatter.add.f32 [tilespmem:s11], [sflag:$0x1], $0x80, s17, s12, $0xb8;
	[tilespmem:$0x1C400] =	vst v63  }
0x244: {  	_ =	swait.ge [sflag:s4], $0x4000  }
0x245: {  	[sflag:s4] =	ssyncset.done $0x0  }
0x246: {  	[sflag:s4] =	ssyncadd.s32 $0xFFFFC000  }
0x247: {  	[spmem:s2] =	stream.indirect.scatter.add.f32 [tilespmem:s11], [sflag:$0x1], $0x80, s18, s12, $0xb8;
	[tilespmem:$0x1C400] =	vst v63  }
0x248: {  	_ =	swait.ge [sflag:s4], $0x4000  }
0x249: {  	[sflag:s4] =	ssyncset.done $0x0  }
0x24a: {  	[sflag:s4] =	ssyncadd.s32 $0xFFFFC000  }
0x24b: {  	[tilespmem:s3], [sflag:$0x1] =	stream.linear.gather [hbm4b:s19+s3], $0x400, $0x38;
	[tilespmem:$0x1C400] =	vst v63  }
0x24c: {  	_ =	swait.ge [sflag:s4], $0x400  }
0x24d: {  	[sflag:s4] =	ssyncset.done $0x0  }
0x24e: {  	[sflag:s4] =	ssyncadd.s32 $0xFFFFFC00  }
0x24f: {  	[spmem:s2] =	stream.indirect.scatter.add.f32 [tilespmem:s11], [sflag:$0x1], $0x80, s3, s12, $0xb8;
	[tilespmem:$0x1C400] =	vst v63  }
0x250: {  	_ =	swait.ge [sflag:s4], $0x4000  }
0x251: {  	[sflag:s4] =	ssyncset.done $0x0  }
0x252: {  	[sflag:s4] =	ssyncadd.s32 $0xFFFFC000  }
0x253: {  	[spmem:s2] =	stream.indirect.scatter.add.f32 [tilespmem:s11], [sflag:$0x1], $0x80, s12, s12, $0xb8;
	[tilespmem:$0x1C400] =	vst v63  }
0x254: {  	_ =	swait.ge [sflag:s4], $0x4000  }
0x255: {  	[sflag:s4] =	ssyncset.done $0x0  }
0x256: {  	[sflag:s4] =	ssyncadd.s32 $0xFFFFC000  }
0x257: {  	[spmem:s2] =	stream.indirect.scatter.add.f32 [tilespmem:s11], [sflag:$0x1], $0x80, s13, s12, $0xb8;
	[tilespmem:$0x1C400] =	vst v63  }
0x258: {  	_ =	swait.ge [sflag:s4], $0x4000  }
0x259: {  	[sflag:s4] =	ssyncset.done $0x0  }
0x25a: {  	[sflag:s4] =	ssyncadd.s32 $0xFFFFC000  }
0x25b: {  	[spmem:s2] =	stream.indirect.scatter.add.f32 [tilespmem:s11], [sflag:$0x1], $0x80, s14, s12, $0xb8;
	[tilespmem:$0x1C400] =	vst v63  }
0x25c: {  	_ =	swait.ge [sflag:s4], $0x4000  }
0x25d: {  	[sflag:s4] =	ssyncset.done $0x0  }
0x25e: {  	[sflag:s4] =	ssyncadd.s32 $0xFFFFC000  }
0x25f: {  	[spmem:s2] =	stream.indirect.scatter.add.f32 [tilespmem:s11], [sflag:$0x1], $0x80, s15, s12, $0xb8;
	[tilespmem:$0x1C400] =	vst v63  }
0x260: {  	_ =	swait.ge [sflag:s4], $0x4000  }
0x261: {  	[sflag:s4] =	ssyncset.done $0x0  }
0x262: {  	[sflag:s4] =	ssyncadd.s32 $0xFFFFC000  }
0x263: {  	[spmem:s2] =	stream.indirect.scatter.add.f32 [tilespmem:s11], [sflag:$0x1], $0x80, s16, s12, $0xb8;
	[tilespmem:$0x1C400] =	vst v63  }
0x264: {  	_ =	swait.ge [sflag:s4], $0x4000  }
0x265: {  	[sflag:s4] =	ssyncset.done $0x0  }
0x266: {  	[sflag:s4] =	ssyncadd.s32 $0xFFFFC000  }
0x267: {  	[spmem:s2] =	stream.indirect.scatter.add.f32 [tilespmem:s11], [sflag:$0x1], $0x80, s17, s12, $0xb8;
	[tilespmem:$0x1C400] =	vst v63  }
0x268: {  	_ =	swait.ge [sflag:s4], $0x4000  }
0x269: {  	[sflag:s4] =	ssyncset.done $0x0  }
0x26a: {  	[sflag:s4] =	ssyncadd.s32 $0xFFFFC000  }
0x26b: {  	[spmem:s2] =	stream.indirect.scatter.add.f32 [tilespmem:s11], [sflag:$0x1], $0x80, s18, s12, $0xb8;
	[tilespmem:$0x1C400] =	vst v63  }
0x26c: {  	_ =	swait.ge [sflag:s4], $0x4000  }
0x26d: {  	[sflag:s4] =	ssyncset.done $0x0  }
0x26e: {  	[sflag:s4] =	ssyncadd.s32 $0xFFFFC000  }
0x26f: {  	[tilespmem:s3], [sflag:$0x1] =	stream.linear.gather [hbm4b:s20+s3], $0x400, $0x38;
	[tilespmem:$0x1C400] =	vst v63  }
0x270: {  	_ =	swait.ge [sflag:s4], $0x400  }
0x271: {  	[sflag:s4] =	ssyncset.done $0x0  }
0x272: {  	[sflag:s4] =	ssyncadd.s32 $0xFFFFFC00  }
0x273: {  	[spmem:s2] =	stream.indirect.scatter.add.f32 [tilespmem:s11], [sflag:$0x1], $0x80, s3, s12, $0xb8;
	[tilespmem:$0x1C400] =	vst v63  }
0x274: {  	_ =	swait.ge [sflag:s4], $0x4000  }
0x275: {  	[sflag:s4] =	ssyncset.done $0x0  }
0x276: {  	[sflag:s4] =	ssyncadd.s32 $0xFFFFC000  }
0x277: {  	[spmem:s2] =	stream.indirect.scatter.add.f32 [tilespmem:s11], [sflag:$0x1], $0x80, s12, s12, $0xb8;
	[tilespmem:$0x1C400] =	vst v63  }
0x278: {  	_ =	swait.ge [sflag:s4], $0x4000  }
0x279: {  	[sflag:s4] =	ssyncset.done $0x0  }
0x27a: {  	[sflag:s4] =	ssyncadd.s32 $0xFFFFC000  }
0x27b: {  	[spmem:s2] =	stream.indirect.scatter.add.f32 [tilespmem:s11], [sflag:$0x1], $0x80, s13, s12, $0xb8;
	[tilespmem:$0x1C400] =	vst v63  }
0x27c: {  	_ =	swait.ge [sflag:s4], $0x4000  }
0x27d: {  	[sflag:s4] =	ssyncset.done $0x0  }
0x27e: {  	[sflag:s4] =	ssyncadd.s32 $0xFFFFC000  }
0x27f: {  	[spmem:s2] =	stream.indirect.scatter.add.f32 [tilespmem:s11], [sflag:$0x1], $0x80, s14, s12, $0xb8;
	[tilespmem:$0x1C400] =	vst v63  }
0x280: {  	_ =	swait.ge [sflag:s4], $0x4000  }
0x281: {  	[sflag:s4] =	ssyncset.done $0x0  }
0x282: {  	[sflag:s4] =	ssyncadd.s32 $0xFFFFC000  }
0x283: {  	[spmem:s2] =	stream.indirect.scatter.add.f32 [tilespmem:s11], [sflag:$0x1], $0x80, s15, s12, $0xb8;
	[tilespmem:$0x1C400] =	vst v63  }
0x284: {  	_ =	swait.ge [sflag:s4], $0x4000  }
0x285: {  	[sflag:s4] =	ssyncset.done $0x0  }
0x286: {  	[sflag:s4] =	ssyncadd.s32 $0xFFFFC000  }
0x287: {  	[spmem:s2] =	stream.indirect.scatter.add.f32 [tilespmem:s11], [sflag:$0x1], $0x80, s16, s12, $0xb8;
	[tilespmem:$0x1C400] =	vst v63  }
0x288: {  	_ =	swait.ge [sflag:s4], $0x4000  }
0x289: {  	[sflag:s4] =	ssyncset.done $0x0  }
0x28a: {  	[sflag:s4] =	ssyncadd.s32 $0xFFFFC000  }
0x28b: {  	[spmem:s2] =	stream.indirect.scatter.add.f32 [tilespmem:s11], [sflag:$0x1], $0x80, s17, s12, $0xb8;
	[tilespmem:$0x1C400] =	vst v63  }
0x28c: {  	_ =	swait.ge [sflag:s4], $0x4000  }
0x28d: {  	[sflag:s4] =	ssyncset.done $0x0  }
0x28e: {  	[sflag:s4] =	ssyncadd.s32 $0xFFFFC000  }
0x28f: {  	[spmem:s2] =	stream.indirect.scatter.add.f32 [tilespmem:s11], [sflag:$0x1], $0x80, s18, s12, $0xb8;
	[tilespmem:$0x1C400] =	vst v63  }
0x290: {  	_ =	swait.ge [sflag:s4], $0x4000  }
0x291: {  	[sflag:s4] =	ssyncset.done $0x0  }
0x292: {  	[sflag:s4] =	ssyncadd.s32 $0xFFFFC000  }
0x293: {  	[tilespmem:s3], [sflag:$0x1] =	stream.linear.gather [hbm4b:s21+s3], $0x400, $0x38;
	[tilespmem:$0x1C400] =	vst v63  }
0x294: {  	_ =	swait.ge [sflag:s4], $0x400  }
0x295: {  	[sflag:s4] =	ssyncset.done $0x0  }
0x296: {  	[sflag:s4] =	ssyncadd.s32 $0xFFFFFC00  }
0x297: {  	[spmem:s2] =	stream.indirect.scatter.add.f32 [tilespmem:s11], [sflag:$0x1], $0x80, s3, s12, $0xb8;
	[tilespmem:$0x1C400] =	vst v63  }
0x298: {  	_ =	swait.ge [sflag:s4], $0x4000  }
0x299: {  	[sflag:s4] =	ssyncset.done $0x0  }
0x29a: {  	[sflag:s4] =	ssyncadd.s32 $0xFFFFC000  }
0x29b: {  	[spmem:s2] =	stream.indirect.scatter.add.f32 [tilespmem:s11], [sflag:$0x1], $0x80, s12, s12, $0xb8;
	[tilespmem:$0x1C400] =	vst v63  }
0x29c: {  	_ =	swait.ge [sflag:s4], $0x4000  }
0x29d: {  	[sflag:s4] =	ssyncset.done $0x0  }
0x29e: {  	[sflag:s4] =	ssyncadd.s32 $0xFFFFC000  }
0x29f: {  	[spmem:s2] =	stream.indirect.scatter.add.f32 [tilespmem:s11], [sflag:$0x1], $0x80, s13, s12, $0xb8;
	[tilespmem:$0x1C400] =	vst v63  }
0x2a0: {  	_ =	swait.ge [sflag:s4], $0x4000  }
0x2a1: {  	[sflag:s4] =	ssyncset.done $0x0  }
0x2a2: {  	[sflag:s4] =	ssyncadd.s32 $0xFFFFC000  }
0x2a3: {  	[spmem:s2] =	stream.indirect.scatter.add.f32 [tilespmem:s11], [sflag:$0x1], $0x80, s14, s12, $0xb8;
	[tilespmem:$0x1C400] =	vst v63  }
0x2a4: {  	_ =	swait.ge [sflag:s4], $0x4000  }
0x2a5: {  	[sflag:s4] =	ssyncset.done $0x0  }
0x2a6: {  	[sflag:s4] =	ssyncadd.s32 $0xFFFFC000  }
0x2a7: {  	[spmem:s2] =	stream.indirect.scatter.add.f32 [tilespmem:s11], [sflag:$0x1], $0x80, s15, s12, $0xb8;
	[tilespmem:$0x1C400] =	vst v63  }
0x2a8: {  	_ =	swait.ge [sflag:s4], $0x4000  }
0x2a9: {  	[sflag:s4] =	ssyncset.done $0x0  }
0x2aa: {  	[sflag:s4] =	ssyncadd.s32 $0xFFFFC000  }
0x2ab: {  	[spmem:s2] =	stream.indirect.scatter.add.f32 [tilespmem:s11], [sflag:$0x1], $0x80, s16, s12, $0xb8;
	[tilespmem:$0x1C400] =	vst v63  }
0x2ac: {  	_ =	swait.ge [sflag:s4], $0x4000  }
0x2ad: {  	[sflag:s4] =	ssyncset.done $0x0  }
0x2ae: {  	[sflag:s4] =	ssyncadd.s32 $0xFFFFC000  }
0x2af: {  	[spmem:s2] =	stream.indirect.scatter.add.f32 [tilespmem:s11], [sflag:$0x1], $0x80, s17, s12, $0xb8;
	[tilespmem:$0x1C400] =	vst v63  }
0x2b0: {  	_ =	swait.ge [sflag:s4], $0x4000  }
0x2b1: {  	[sflag:s4] =	ssyncset.done $0x0  }
0x2b2: {  	[sflag:s4] =	ssyncadd.s32 $0xFFFFC000  }
0x2b3: {  	[spmem:s2] =	stream.indirect.scatter.add.f32 [tilespmem:s11], [sflag:$0x1], $0x80, s18, s12, $0xb8;
	[tilespmem:$0x1C400] =	vst v63  }
0x2b4: {  	_ =	swait.ge [sflag:s4], $0x4000  }
0x2b5: {  	[sflag:s4] =	ssyncset.done $0x0  }
0x2b6: {  	[sflag:s4] =	ssyncadd.s32 $0xFFFFC000  }
0x2b7: {  	[tilespmem:s3], [sflag:$0x1] =	stream.linear.gather [hbm4b:s22+s3], $0x400, $0x38;
	[tilespmem:$0x1C400] =	vst v63  }
0x2b8: {  	_ =	swait.ge [sflag:s4], $0x400  }
0x2b9: {  	[sflag:s4] =	ssyncset.done $0x0  }
0x2ba: {  	[sflag:s4] =	ssyncadd.s32 $0xFFFFFC00  }
0x2bb: {  	[spmem:s2] =	stream.indirect.scatter.add.f32 [tilespmem:s11], [sflag:$0x1], $0x80, s3, s12, $0xb8;
	[tilespmem:$0x1C400] =	vst v63  }
0x2bc: {  	_ =	swait.ge [sflag:s4], $0x4000  }
0x2bd: {  	[sflag:s4] =	ssyncset.done $0x0  }
0x2be: {  	[sflag:s4] =	ssyncadd.s32 $0xFFFFC000  }
0x2bf: {  	[spmem:s2] =	stream.indirect.scatter.add.f32 [tilespmem:s11], [sflag:$0x1], $0x80, s12, s12, $0xb8;
	[tilespmem:$0x1C400] =	vst v63  }
0x2c0: {  	_ =	swait.ge [sflag:s4], $0x4000  }
0x2c1: {  	[sflag:s4] =	ssyncset.done $0x0  }
0x2c2: {  	[sflag:s4] =	ssyncadd.s32 $0xFFFFC000  }
0x2c3: {  	[spmem:s2] =	stream.indirect.scatter.add.f32 [tilespmem:s11], [sflag:$0x1], $0x80, s13, s12, $0xb8;
	[tilespmem:$0x1C400] =	vst v63  }
0x2c4: {  	_ =	swait.ge [sflag:s4], $0x4000  }
0x2c5: {  	[sflag:s4] =	ssyncset.done $0x0  }
0x2c6: {  	[sflag:s4] =	ssyncadd.s32 $0xFFFFC000  }
0x2c7: {  	[spmem:s2] =	stream.indirect.scatter.add.f32 [tilespmem:s11], [sflag:$0x1], $0x80, s14, s12, $0xb8;
	[tilespmem:$0x1C400] =	vst v63  }
0x2c8: {  	_ =	swait.ge [sflag:s4], $0x4000  }
0x2c9: {  	[sflag:s4] =	ssyncset.done $0x0  }
0x2ca: {  	[sflag:s4] =	ssyncadd.s32 $0xFFFFC000  }
0x2cb: {  	[spmem:s2] =	stream.indirect.scatter.add.f32 [tilespmem:s11], [sflag:$0x1], $0x80, s15, s12, $0xb8;
	[tilespmem:$0x1C400] =	vst v63  }
0x2cc: {  	_ =	swait.ge [sflag:s4], $0x4000  }
0x2cd: {  	[sflag:s4] =	ssyncset.done $0x0  }
0x2ce: {  	[sflag:s4] =	ssyncadd.s32 $0xFFFFC000  }
0x2cf: {  	[spmem:s2] =	stream.indirect.scatter.add.f32 [tilespmem:s11], [sflag:$0x1], $0x80, s16, s12, $0xb8;
	[tilespmem:$0x1C400] =	vst v63  }
0x2d0: {  	_ =	swait.ge [sflag:s4], $0x4000  }
0x2d1: {  	[sflag:s4] =	ssyncset.done $0x0  }
0x2d2: {  	[sflag:s4] =	ssyncadd.s32 $0xFFFFC000  }
0x2d3: {  	[spmem:s2] =	stream.indirect.scatter.add.f32 [tilespmem:s11], [sflag:$0x1], $0x80, s17, s12, $0xb8;
	[tilespmem:$0x1C400] =	vst v63  }
0x2d4: {  	_ =	swait.ge [sflag:s4], $0x4000  }
0x2d5: {  	[sflag:s4] =	ssyncset.done $0x0  }
0x2d6: {  	[sflag:s4] =	ssyncadd.s32 $0xFFFFC000  }
0x2d7: {  	[spmem:s2] =	stream.indirect.scatter.add.f32 [tilespmem:s11], [sflag:$0x1], $0x80, s18, s12, $0xb8;
	[tilespmem:$0x1C400] =	vst v63  }
0x2d8: {  	_ =	swait.ge [sflag:s4], $0x4000  }
0x2d9: {  	[sflag:s4] =	ssyncset.done $0x0  }
0x2da: {  	[sflag:s4] =	ssyncadd.s32 $0xFFFFC000  }
0x2db: {  	[tilespmem:s3], [sflag:$0x1] =	stream.linear.gather [hbm4b:s23+s3], $0x400, $0x38;
	[tilespmem:$0x1C400] =	vst v63  }
0x2dc: {  	_ =	swait.ge [sflag:s4], $0x400  }
0x2dd: {  	[sflag:s4] =	ssyncset.done $0x0  }
0x2de: {  	[sflag:s4] =	ssyncadd.s32 $0xFFFFFC00  }
0x2df: {  	[spmem:s2] =	stream.indirect.scatter.add.f32 [tilespmem:s11], [sflag:$0x1], $0x80, s3, s12, $0xb8;
	[tilespmem:$0x1C400] =	vst v63  }
0x2e0: {  	_ =	swait.ge [sflag:s4], $0x4000  }
0x2e1: {  	[sflag:s4] =	ssyncset.done $0x0  }
0x2e2: {  	[sflag:s4] =	ssyncadd.s32 $0xFFFFC000  }
0x2e3: {  	[spmem:s2] =	stream.indirect.scatter.add.f32 [tilespmem:s11], [sflag:$0x1], $0x80, s12, s12, $0xb8;
	[tilespmem:$0x1C400] =	vst v63  }
0x2e4: {  	_ =	swait.ge [sflag:s4], $0x4000  }
0x2e5: {  	[sflag:s4] =	ssyncset.done $0x0  }
0x2e6: {  	[sflag:s4] =	ssyncadd.s32 $0xFFFFC000  }
0x2e7: {  	[spmem:s2] =	stream.indirect.scatter.add.f32 [tilespmem:s11], [sflag:$0x1], $0x80, s13, s12, $0xb8;
	[tilespmem:$0x1C400] =	vst v63  }
0x2e8: {  	_ =	swait.ge [sflag:s4], $0x4000  }
0x2e9: {  	[sflag:s4] =	ssyncset.done $0x0  }
0x2ea: {  	[sflag:s4] =	ssyncadd.s32 $0xFFFFC000  }
0x2eb: {  	[spmem:s2] =	stream.indirect.scatter.add.f32 [tilespmem:s11], [sflag:$0x1], $0x80, s14, s12, $0xb8;
	[tilespmem:$0x1C400] =	vst v63  }
0x2ec: {  	_ =	swait.ge [sflag:s4], $0x4000  }
0x2ed: {  	[sflag:s4] =	ssyncset.done $0x0  }
0x2ee: {  	[sflag:s4] =	ssyncadd.s32 $0xFFFFC000  }
0x2ef: {  	[spmem:s2] =	stream.indirect.scatter.add.f32 [tilespmem:s11], [sflag:$0x1], $0x80, s15, s12, $0xb8;
	[tilespmem:$0x1C400] =	vst v63  }
0x2f0: {  	_ =	swait.ge [sflag:s4], $0x4000  }
0x2f1: {  	[sflag:s4] =	ssyncset.done $0x0  }
0x2f2: {  	[sflag:s4] =	ssyncadd.s32 $0xFFFFC000  }
0x2f3: {  	[spmem:s2] =	stream.indirect.scatter.add.f32 [tilespmem:s11], [sflag:$0x1], $0x80, s16, s12, $0xb8;
	[tilespmem:$0x1C400] =	vst v63  }
0x2f4: {  	_ =	swait.ge [sflag:s4], $0x4000  }
0x2f5: {  	[sflag:s4] =	ssyncset.done $0x0  }
0x2f6: {  	[sflag:s4] =	ssyncadd.s32 $0xFFFFC000  }
0x2f7: {  	[spmem:s2] =	stream.indirect.scatter.add.f32 [tilespmem:s11], [sflag:$0x1], $0x80, s17, s12, $0xb8;
	[tilespmem:$0x1C400] =	vst v63  }
0x2f8: {  	_ =	swait.ge [sflag:s4], $0x4000  }
0x2f9: {  	[sflag:s4] =	ssyncset.done $0x0  }
0x2fa: {  	[sflag:s4] =	ssyncadd.s32 $0xFFFFC000  }
0x2fb: {  	[spmem:s2] =	stream.indirect.scatter.add.f32 [tilespmem:s11], [sflag:$0x1], $0x80, s18, s12, $0xb8;
	[tilespmem:$0x1C400] =	vst v63  }
0x2fc: {  	_ =	swait.ge [sflag:s4], $0x4000  }
0x2fd: {  	[sflag:s4] =	ssyncset.done $0x0  }
0x2fe: {  	[sflag:s4] =	ssyncadd.s32 $0xFFFFC000  }
0x2ff: {  	[tilespmem:s3], [sflag:$0x1] =	stream.linear.gather [hbm4b:s24+s3], $0x400, $0x38;
	[tilespmem:$0x1C400] =	vst v63  }
0x300: {  	_ =	swait.ge [sflag:s4], $0x400  }
0x301: {  	[sflag:s4] =	ssyncset.done $0x0  }
0x302: {  	[sflag:s4] =	ssyncadd.s32 $0xFFFFFC00  }
0x303: {  	[spmem:s2] =	stream.indirect.scatter.add.f32 [tilespmem:s11], [sflag:$0x1], $0x80, s3, s12, $0xb8;
	[tilespmem:$0x1C400] =	vst v63  }
0x304: {  	_ =	swait.ge [sflag:s4], $0x4000  }
0x305: {  	[sflag:s4] =	ssyncset.done $0x0  }
0x306: {  	[sflag:s4] =	ssyncadd.s32 $0xFFFFC000  }
0x307: {  	[spmem:s2] =	stream.indirect.scatter.add.f32 [tilespmem:s11], [sflag:$0x1], $0x80, s12, s12, $0xb8;
	[tilespmem:$0x1C400] =	vst v63  }
0x308: {  	_ =	swait.ge [sflag:s4], $0x4000  }
0x309: {  	[sflag:s4] =	ssyncset.done $0x0  }
0x30a: {  	[sflag:s4] =	ssyncadd.s32 $0xFFFFC000  }
0x30b: {  	[spmem:s2] =	stream.indirect.scatter.add.f32 [tilespmem:s11], [sflag:$0x1], $0x80, s13, s12, $0xb8;
	[tilespmem:$0x1C400] =	vst v63  }
0x30c: {  	_ =	swait.ge [sflag:s4], $0x4000  }
0x30d: {  	[sflag:s4] =	ssyncset.done $0x0  }
0x30e: {  	[sflag:s4] =	ssyncadd.s32 $0xFFFFC000  }
0x30f: {  	[spmem:s2] =	stream.indirect.scatter.add.f32 [tilespmem:s11], [sflag:$0x1], $0x80, s14, s12, $0xb8;
	[tilespmem:$0x1C400] =	vst v63  }
0x310: {  	_ =	swait.ge [sflag:s4], $0x4000  }
0x311: {  	[sflag:s4] =	ssyncset.done $0x0  }
0x312: {  	[sflag:s4] =	ssyncadd.s32 $0xFFFFC000  }
0x313: {  	[spmem:s2] =	stream.indirect.scatter.add.f32 [tilespmem:s11], [sflag:$0x1], $0x80, s15, s12, $0xb8;
	[tilespmem:$0x1C400] =	vst v63  }
0x314: {  	_ =	swait.ge [sflag:s4], $0x4000  }
0x315: {  	[sflag:s4] =	ssyncset.done $0x0  }
0x316: {  	[sflag:s4] =	ssyncadd.s32 $0xFFFFC000  }
0x317: {  	[spmem:s2] =	stream.indirect.scatter.add.f32 [tilespmem:s11], [sflag:$0x1], $0x80, s16, s12, $0xb8;
	[tilespmem:$0x1C400] =	vst v63  }
0x318: {  	_ =	swait.ge [sflag:s4], $0x4000  }
0x319: {  	[sflag:s4] =	ssyncset.done $0x0  }
0x31a: {  	[sflag:s4] =	ssyncadd.s32 $0xFFFFC000  }
0x31b: {  	[spmem:s2] =	stream.indirect.scatter.add.f32 [tilespmem:s11], [sflag:$0x1], $0x80, s17, s12, $0xb8;
	[tilespmem:$0x1C400] =	vst v63  }
0x31c: {  	_ =	swait.ge [sflag:s4], $0x4000  }
0x31d: {  	[sflag:s4] =	ssyncset.done $0x0  }
0x31e: {  	[sflag:s4] =	ssyncadd.s32 $0xFFFFC000  }
0x31f: {  	[spmem:s2] =	stream.indirect.scatter.add.f32 [tilespmem:s11], [sflag:$0x1], $0x80, s18, s12, $0xb8;
	[tilespmem:$0x1C400] =	vst v63  }
0x320: {  	_ =	swait.ge [sflag:s4], $0x4000  }
0x321: {  	[sflag:s4] =	ssyncset.done $0x0  }
0x322: {  	[sflag:s4] =	ssyncadd.s32 $0xFFFFC000  }
0x323: {  	[tilespmem:s3], [sflag:$0x1] =	stream.linear.gather [hbm4b:s25+s3], $0x400, $0x38;
	[tilespmem:$0x1C400] =	vst v63  }
0x324: {  	_ =	swait.ge [sflag:s4], $0x400  }
0x325: {  	[sflag:s4] =	ssyncset.done $0x0  }
0x326: {  	[sflag:s4] =	ssyncadd.s32 $0xFFFFFC00  }
0x327: {  	[spmem:s2] =	stream.indirect.scatter.add.f32 [tilespmem:s11], [sflag:$0x1], $0x80, s3, s12, $0xb8;
	[tilespmem:$0x1C400] =	vst v63  }
0x328: {  	_ =	swait.ge [sflag:s4], $0x4000  }
0x329: {  	[sflag:s4] =	ssyncset.done $0x0  }
0x32a: {  	[sflag:s4] =	ssyncadd.s32 $0xFFFFC000  }
0x32b: {  	[spmem:s2] =	stream.indirect.scatter.add.f32 [tilespmem:s11], [sflag:$0x1], $0x80, s12, s12, $0xb8;
	[tilespmem:$0x1C400] =	vst v63  }
0x32c: {  	_ =	swait.ge [sflag:s4], $0x4000  }
0x32d: {  	[sflag:s4] =	ssyncset.done $0x0  }
0x32e: {  	[sflag:s4] =	ssyncadd.s32 $0xFFFFC000  }
0x32f: {  	[spmem:s2] =	stream.indirect.scatter.add.f32 [tilespmem:s11], [sflag:$0x1], $0x80, s13, s12, $0xb8;
	[tilespmem:$0x1C400] =	vst v63  }
0x330: {  	_ =	swait.ge [sflag:s4], $0x4000  }
0x331: {  	[sflag:s4] =	ssyncset.done $0x0  }
0x332: {  	[sflag:s4] =	ssyncadd.s32 $0xFFFFC000  }
0x333: {  	[spmem:s2] =	stream.indirect.scatter.add.f32 [tilespmem:s11], [sflag:$0x1], $0x80, s14, s12, $0xb8;
	[tilespmem:$0x1C400] =	vst v63  }
0x334: {  	_ =	swait.ge [sflag:s4], $0x4000  }
0x335: {  	[sflag:s4] =	ssyncset.done $0x0  }
0x336: {  	[sflag:s4] =	ssyncadd.s32 $0xFFFFC000  }
0x337: {  	[spmem:s2] =	stream.indirect.scatter.add.f32 [tilespmem:s11], [sflag:$0x1], $0x80, s15, s12, $0xb8;
	[tilespmem:$0x1C400] =	vst v63  }
0x338: {  	_ =	swait.ge [sflag:s4], $0x4000  }
0x339: {  	[sflag:s4] =	ssyncset.done $0x0  }
0x33a: {  	[sflag:s4] =	ssyncadd.s32 $0xFFFFC000  }
0x33b: {  	[spmem:s2] =	stream.indirect.scatter.add.f32 [tilespmem:s11], [sflag:$0x1], $0x80, s16, s12, $0xb8;
	[tilespmem:$0x1C400] =	vst v63  }
0x33c: {  	_ =	swait.ge [sflag:s4], $0x4000  }
0x33d: {  	[sflag:s4] =	ssyncset.done $0x0  }
0x33e: {  	[sflag:s4] =	ssyncadd.s32 $0xFFFFC000  }
0x33f: {  	[spmem:s2] =	stream.indirect.scatter.add.f32 [tilespmem:s11], [sflag:$0x1], $0x80, s17, s12, $0xb8;
	[tilespmem:$0x1C400] =	vst v63  }
0x340: {  	_ =	swait.ge [sflag:s4], $0x4000  }
0x341: {  	[sflag:s4] =	ssyncset.done $0x0  }
0x342: {  	[sflag:s4] =	ssyncadd.s32 $0xFFFFC000  }
0x343: {  	[spmem:s2] =	stream.indirect.scatter.add.f32 [tilespmem:s11], [sflag:$0x1], $0x80, s18, s12, $0xb8;
	[tilespmem:$0x1C400] =	vst v63  }
0x344: {  	_ =	swait.ge [sflag:s4], $0x4000  }
0x345: {  	[sflag:s4] =	ssyncset.done $0x0  }
0x346: {  	[sflag:s4] =	ssyncadd.s32 $0xFFFFC000  }
0x347: {  	[bflag:$0x0] =	sbarrier.arrive $0xFFFF  }
0x348: {  	[tilespmem:s5], [sflag:$0x1] =	stream.linear.gather [spmem:s6], $0x4000, $0x38;
	[tilespmem:$0x1C400] =	vst v63  }
0x349: {  	_ =	swait.ge [sflag:s4], $0x4000  }
0x34a: {  	[sflag:s4] =	ssyncset.done $0x0  }
0x34b: {  	[sflag:s4] =	ssyncadd.s32 $0xFFFFC000  }
0x34c: {  	[hbm4b:s26+s3] =	stream.linear.scatter [tilespmem:s5], [sflag:$0x1], $0x4000, $0x38;
	[tilespmem:$0x1C400] =	vst v63  }
0x34d: {  	_ =	swait.ge [sflag:s4], $0x4000  }
0x34e: {  	[sflag:s4] =	ssyncset.done $0x0  }
0x34f: {  	[sflag:s4] =	ssyncadd.s32 $0xFFFFC000  }
0x350: {  	[tilespmem:s5], [sflag:$0x1] =	stream.linear.gather [spmem:s7], $0x4000, $0x38;
	[tilespmem:$0x1C400] =	vst v63  }
0x351: {  	_ =	swait.ge [sflag:s4], $0x4000  }
0x352: {  	[sflag:s4] =	ssyncset.done $0x0  }
0x353: {  	[sflag:s4] =	ssyncadd.s32 $0xFFFFC000  }
0x354: {  	[hbm4b:s28+s3] =	stream.linear.scatter [tilespmem:s5], [sflag:$0x1], $0x4000, $0x38;
	[tilespmem:$0x1C400] =	vst v63  }
0x355: {  	_ =	swait.ge [sflag:s4], $0x4000  }
0x356: {  	[sflag:s4] =	ssyncset.done $0x0  }
0x357: {  	[sflag:s4] =	ssyncadd.s32 $0xFFFFC000  }
0x358: {  	[tilespmem:s5], [sflag:$0x1] =	stream.linear.gather [spmem:s8], $0x4000, $0x38;
	[tilespmem:$0x1C400] =	vst v63  }
0x359: {  	_ =	swait.ge [sflag:s4], $0x4000  }
0x35a: {  	[sflag:s4] =	ssyncset.done $0x0  }
0x35b: {  	[sflag:s4] =	ssyncadd.s32 $0xFFFFC000  }
0x35c: {  	[hbm4b:s29+s3] =	stream.linear.scatter [tilespmem:s5], [sflag:$0x1], $0x4000, $0x38;
	[tilespmem:$0x1C400] =	vst v63  }
0x35d: {  	_ =	swait.ge [sflag:s4], $0x4000  }
0x35e: {  	[sflag:s4] =	ssyncset.done $0x0  }
0x35f: {  	[sflag:s4] =	ssyncadd.s32 $0xFFFFC000  }
0x360: {  	[tilespmem:s5], [sflag:$0x1] =	stream.linear.gather [spmem:s9], $0x4000, $0x38;
	[tilespmem:$0x1C400] =	vst v63  }
0x361: {  	_ =	swait.ge [sflag:s4], $0x4000  }
0x362: {  	[sflag:s4] =	ssyncset.done $0x0  }
0x363: {  	[sflag:s4] =	ssyncadd.s32 $0xFFFFC000  }
0x364: {  	[hbm4b:s30+s3] =	stream.linear.scatter [tilespmem:s5], [sflag:$0x1], $0x4000, $0x38;
	[tilespmem:$0x1C400] =	vst v63  }
0x365: {  	_ =	swait.ge [sflag:s4], $0x4000  }
0x366: {  	[sflag:s4] =	ssyncset.done $0x0  }
0x367: {  	p0 =	sne.s32 s1, $0x1;
	[sflag:s4] =	ssyncadd.s32 $0xFFFFC000  }
0x368: {  	[tilespmem:s5], [sflag:$0x1] =	stream.linear.gather [spmem:s10], $0x4000, $0x38;
	[tilespmem:$0x1C400] =	vst v63  }
.Ltmp1:
0x369: {  	_ =	swait.ge [sflag:s4], $0x4000;
	(pc) =	sbr.rel @p0 .LBB2_1-.Ltmp1, $4  }
0x36a: {  	[sflag:s4] =	ssyncset.done $0x0  }
0x36b: {  	[sflag:s4] =	ssyncadd.s32 $0xFFFFC000  }
0x36c: {  	[hbm4b:s31+s3] =	stream.linear.scatter [tilespmem:s5], [sflag:$0x1], $0x4000, $0x38;
	[tilespmem:$0x1C400] =	vst v63  }
0x36d: {  	s1 =	sadd.s32 $0xFFFFFFFF, s1;
	_ =	swait.ge [sflag:s4], $0x4000  }
.LBB2_2:
0x36e: {  	[sflag:s4] =	ssyncset.done $0x0  }
0x36f: {  	[sflag:s4] =	ssyncadd.s32 $0xFFFFC000  }
0x370: {  	_ =	sfence.sel $0x180000  }
0x371: {  	[bflag:$0x0] =	sbarrier.arrive $0xFFFF  }
0x372: {  	_ =	strace $0x9000004A  }
0x373: {  	s0 =	stileid.u32;
	[bflag:$0x2] =	sbarrier.arrive $0xFFFF  }
0x374: {  	p0 =	sne.s32 s0, $0x0;
	s0 =	rddreg [dreg:$0x3]  }
0x375: {  	s0 =	sadd.s32 @!p0 $0x100000, s0  }
0x376: {  	[sflag:s0] =	ssyncadd.tile.s32 @!p0 $0x1;
	_ =	shalt  }
.Lfunc_end2:
_tile_overlayer_lowered:
.L_overlay_start_2:
0x377: {  	(tag) =	ssettag $0x2  }
0x378: {  	s0 =	rddreg [dreg:$0x0];
	s2 =	stileid.u32  }
0x379: {  	s1 =	rddreg [dreg:$0x1];
	p0 =	sne.s32 s2, $0x0  }
0x37a: {  	s3 =	rddreg [dreg:$0x2];
	[bflag:$0x3] =	sbarrier.arrive $0xFFFF;
	s2 =	simm.s32 @!p0 $0x1C01  }
0x37b: {  	[timem:s3], [sflag:s2] =	dma.local @!p0 [hbm:s0], s1  }
0x37c: {  	s0 =	simm.s32 @!p0 $0x1  }
0x37d: {  	_ =	swait.ge @!p0 [sflag:s0], s1  }
0x37e: {  	s1 =	ssub.s32 @!p0 $0x0, s1;
	[sflag:s0] =	ssyncset.done @!p0 $0x0  }
0x37f: {  	[sflag:s0] =	ssyncadd.s32 @!p0 s1  }
0x380: {  	[bflag:$0x3] =	sbarrier.arrive $0xFFFF  }
0x381: {  	_ =	shalt  }

</sc_bundles>
